<compile_context>
chip_gen: v7x
topology: tpu7x:2x2x1
jax: 0.10.2.dev20260603
libtpu: 0.0.44.dev20260713+nightly
codegen_flags: <defaults>
</compile_context>

<pallas_src>
import jax
import jax.numpy as jnp
from jax import lax
from jax.experimental import pallas as pl
from jax.experimental.pallas import tpu as pltpu
from jax.experimental.pallas import tpu_sc as plsc

BATCH = 16384
HIST = 50
DIM = 64
NTB = BATCH // 128
NW = 32
TB_PER_W = NTB // NW
NBUF = 2


TPAD = 133


def _transpose_block(rows_ref, trans_ref):
  iota = lax.iota(jnp.int32, 16)
  tdv = [(16 * j + iota) >> 3 for j in range(4)]
  dinv = [(16 * j + iota) & 7 for j in range(4)]

  @pl.loop(0, 128, unroll=8)
  def _b(b):
    bv = jnp.full((16,), b, jnp.int32)
    for j in range(4):
      val = rows_ref[b, pl.ds(16 * j, 16)]
      plsc.store_scatter(trans_ref, [tdv[j], dinv[j], bv], val)


def _embed_kernel(table_hbm, xt_hbm, out_hbm, idx_v, rows, trans, gsem, wsem):
  wid = lax.axis_index("s") * 2 + lax.axis_index("c")

  for t in range(TB_PER_W):
    tb = wid * TB_PER_W + t
    pltpu.sync_copy(xt_hbm.at[:, pl.ds(tb * 128, 128)], idx_v)

    for b in range(NBUF):
      pltpu.async_copy(table_hbm.at[idx_v.at[b]], rows[b], gsem[b])

    @pl.loop(0, HIST // NBUF)
    def _ring(r):
      for b in range(NBUF):
        h = r * NBUF + b
        hg = t * HIST + h
        pltpu.make_async_copy(table_hbm.at[idx_v.at[h]], rows[b],
                              gsem[b]).wait()

        @pl.when(hg >= NBUF)
        def _():
          pltpu.make_async_copy(trans[b].at[:, :, pl.ds(0, 128)], out_hbm.at[0, :, 0], wsem[b]).wait()

        _transpose_block(rows[b], trans[b])
        pltpu.async_copy(trans[b].at[:, :, pl.ds(0, 128)], out_hbm.at[h, :, tb], wsem[b])
        hn = h + NBUF

        @pl.when(hn < HIST)
        def _():
          pltpu.async_copy(table_hbm.at[idx_v.at[hn]], rows[b], gsem[b])

  for b in range(NBUF):
    pltpu.make_async_copy(trans[b].at[:, :, pl.ds(0, 128)], out_hbm.at[0, :, 0], wsem[b]).wait()


@jax.jit
def _embed(table, xt):
  mesh = plsc.VectorSubcoreMesh(core_axis_name="c", subcore_axis_name="s")
  return pl.kernel(
      _embed_kernel,
      out_type=jax.ShapeDtypeStruct((HIST, 8, NTB, 8, 128), jnp.float32),
      mesh=mesh,
      scratch_types=dict(
          idx_v=pltpu.VMEM((HIST, 128), jnp.int32),
          rows=[pltpu.VMEM((128, DIM), jnp.float32) for _ in range(NBUF)],
          trans=[pltpu.VMEM((8, 8, TPAD), jnp.float32) for _ in range(NBUF)],
          gsem=[pltpu.SemaphoreType.DMA for _ in range(NBUF)],
          wsem=[pltpu.SemaphoreType.DMA for _ in range(NBUF)],
      ),
      compiler_params=pltpu.CompilerParams(use_tc_tiling_on_sc=False,
                                           needs_layout_passes=False),
  )(table, xt)


def kernel(x, table):
  padded = jnp.pad(table, ((0, 0), (0, 64)))
  out5 = _embed(padded.reshape(2000000, 64), (x << 1).T)
  return out5.transpose(2, 4, 0, 1, 3).reshape(BATCH, HIST, DIM)

# --- scband reference (transcript-rebuilt; emitter-appended) ---
"""Pipeline reference for scband-standard-embedding-69191923138935 (READ-ONLY COPY).

The authoritative reference and input builder live on the scoring server;
editing this copy changes nothing except your own understanding.
"""

import jax, jax.numpy as jnp
import numpy as np

ENT_VOCAB_SIZE = 1000000
EMBEDDING_DIM = 64
BATCH = 16384
HIST = 50

def setup_inputs(seed: int = 0) -> dict:
    key = jax.random.key(seed)
    k1, k2 = jax.random.split(key)
    x = jax.random.randint(k1, (BATCH, HIST), 0, ENT_VOCAB_SIZE, dtype=jnp.int64 if jax.config.read('jax_enable_x64') else jnp.int32).astype(jnp.int32)
    # xavier_normal init for the embedding table: std = sqrt(2 / (fan_in + fan_out))
    std = float(np.sqrt(2.0 / (ENT_VOCAB_SIZE + EMBEDDING_DIM)))
    table = jax.random.normal(k2, (ENT_VOCAB_SIZE, EMBEDDING_DIM), dtype=jnp.float32) * std
    return {"x": x, "table": table}

def reference(x, table):
    # StandardEmbedding.forward -> lookup -> nn.Embedding(indices)
    batch_embed = jnp.take(table, x, axis=0)
    return batch_embed

if __name__ == "__main__":
    import jax
    _d = setup_inputs()
    print(jax.jit(kernel)(*tuple(_d.values())))

</pallas_src>

<mosaic_0001>
#map = affine_map<(d0, d1) -> (0, 0)>
#map1 = affine_map<(d0, d1) -> (0, 0, 0, 0, 0)>
module attributes {stable_mosaic.version = 14 : i64} {
  func.func @_embed_kernel(%arg0: i32, %arg1: i32, %arg2: memref<2000000x64xf32, #tpu.memory_space<hbm>>, %arg3: memref<50x16384xi32, #tpu.memory_space<hbm>>, %arg4: memref<50x8x128x8x128xf32, #tpu.memory_space<hbm>>, %arg5: memref<!tpu.dma_semaphore, #tpu.memory_space<semaphore_mem>>, %arg6: memref<!tpu.dma_semaphore, #tpu.memory_space<semaphore_mem>>, %arg7: memref<50x128xi32, #tpu.memory_space<vmem>>, %arg8: memref<128x64xf32, #tpu.memory_space<vmem>>, %arg9: memref<128x64xf32, #tpu.memory_space<vmem>>, %arg10: memref<8x8x133xf32, #tpu.memory_space<vmem>>, %arg11: memref<8x8x133xf32, #tpu.memory_space<vmem>>, %arg12: memref<!tpu.dma_semaphore, #tpu.memory_space<semaphore_mem>>, %arg13: memref<!tpu.dma_semaphore, #tpu.memory_space<semaphore_mem>>) attributes {dimension_semantics = [#tpu.dimension_semantics<core_parallel>, #tpu.dimension_semantics<subcore_parallel>], iteration_bounds = array<i64: 2, 16>, scalar_prefetch = 0 : i64, scratch_operands = 9 : i64, tpu.core_type = #tpu.core_type<sc_vector_subcore>, window_params = [{transform_indices = #map}, {transform_indices = #map}, {transform_indices = #map1}]} {
    %mul3A = arith.constant 2 : i32
    %mul3A_0 = arith.muli %arg1, %mul3A : i32
    %add3A = arith.addi %mul3A_0, %arg0 : i32
    %mul3A_1 = arith.constant 4 : i32
    %mul3A_2 = arith.muli %add3A, %mul3A_1 : i32
    %add3A_3 = arith.constant 0 : i32
    %add3A_4 = arith.addi %mul3A_2, %add3A_3 : i32
    %mul3A_5 = arith.constant 128 : i32
    %mul3A_6 = arith.muli %add3A_4, %mul3A_5 : i32
    "tpu.region"() ({
      %run_scoped3A = tpu.sem_alloc : memref<!tpu.dma_semaphore, #tpu.memory_space<semaphore_mem>>
      %dma_start3A_138 = arith.constant 0 : i32
      %dma_start3A_139 = tpu.memref_slice %arg3[%dma_start3A_138, %mul3A_6] : memref<50x16384xi32, #tpu.memory_space<hbm>> -> memref<50x128xi32, #tpu.memory_space<hbm>>
      %dma_start3A_140 = arith.constant 0 : i32
      %dma_start3A_141 = tpu.memref_slice %arg3[%dma_start3A_140, %mul3A_6] : memref<50x16384xi32, #tpu.memory_space<hbm>> -> memref<50x128xi32, #tpu.memory_space<hbm>>
      tpu.enqueue_dma source(%dma_start3A_141 : memref<50x128xi32, #tpu.memory_space<hbm>>) target(%arg7 : memref<50x128xi32, #tpu.memory_space<vmem>>) target_semaphore(%run_scoped3A : memref<!tpu.dma_semaphore, #tpu.memory_space<semaphore_mem>>)
      %dma_wait3A_142 = arith.constant 0 : i32
      %dma_wait3A_143 = tpu.memref_slice %arg3[%dma_wait3A_142, %mul3A_6] : memref<50x16384xi32, #tpu.memory_space<hbm>> -> memref<50x128xi32, #tpu.memory_space<hbm>>
      %dma_wait3A_144 = arith.constant 0 : i32
      %dma_wait3A_145 = tpu.memref_slice %arg3[%dma_wait3A_144, %mul3A_6] : memref<50x16384xi32, #tpu.memory_space<hbm>> -> memref<50x128xi32, #tpu.memory_space<hbm>>
      tpu.wait_dma2 semaphore(%run_scoped3A : memref<!tpu.dma_semaphore, #tpu.memory_space<semaphore_mem>>) src(%dma_wait3A_145 : memref<50x128xi32, #tpu.memory_space<hbm>>) dst(%arg7 : memref<50x128xi32, #tpu.memory_space<vmem>>)
      tpu.yield
    }) : () -> ()
    %dma_start3A = arith.constant 0 : i32
    %dma_start3A_7 = arith.constant 0 : i32
    %dma_start3A_8 = tpu.memref_slice %arg7[%dma_start3A, %dma_start3A_7] : memref<50x128xi32, #tpu.memory_space<vmem>> -> memref<1x128xi32, #tpu.memory_space<vmem>>
    %dma_start3A_9 = tpu.memref_squeeze %dma_start3A_8 : memref<1x128xi32, #tpu.memory_space<vmem>> -> memref<128xi32, #tpu.memory_space<vmem>>
    %dma_start3A_10 = arith.constant 0 : i32
    %dma_start3A_11 = arith.constant 0 : i32
    %dma_start3A_12 = tpu.memref_slice %arg2[%dma_start3A_10, %dma_start3A_11] : memref<2000000x64xf32, #tpu.memory_space<hbm>> -> memref<2000000x64xf32, #tpu.memory_space<hbm>>
    tpu.enqueue_indirect_dma source(%dma_start3A_12 : memref<2000000x64xf32, #tpu.memory_space<hbm>>) target(%arg8 : memref<128x64xf32, #tpu.memory_space<vmem>>) offsets(%dma_start3A_9 : memref<128xi32, #tpu.memory_space<vmem>>) semaphore(%arg5 : memref<!tpu.dma_semaphore, #tpu.memory_space<semaphore_mem>>)
    %dma_start3A_13 = arith.constant 1 : i32
    %dma_start3A_14 = arith.constant 0 : i32
    %dma_start3A_15 = tpu.memref_slice %arg7[%dma_start3A_13, %dma_start3A_14] : memref<50x128xi32, #tpu.memory_space<vmem>> -> memref<1x128xi32, #tpu.memory_space<vmem>>
    %dma_start3A_16 = tpu.memref_squeeze %dma_start3A_15 : memref<1x128xi32, #tpu.memory_space<vmem>> -> memref<128xi32, #tpu.memory_space<vmem>>
    %dma_start3A_17 = arith.constant 0 : i32
    %dma_start3A_18 = arith.constant 0 : i32
    %dma_start3A_19 = tpu.memref_slice %arg2[%dma_start3A_17, %dma_start3A_18] : memref<2000000x64xf32, #tpu.memory_space<hbm>> -> memref<2000000x64xf32, #tpu.memory_space<hbm>>
    tpu.enqueue_indirect_dma source(%dma_start3A_19 : memref<2000000x64xf32, #tpu.memory_space<hbm>>) target(%arg9 : memref<128x64xf32, #tpu.memory_space<vmem>>) offsets(%dma_start3A_16 : memref<128xi32, #tpu.memory_space<vmem>>) semaphore(%arg6 : memref<!tpu.dma_semaphore, #tpu.memory_space<semaphore_mem>>)
    %scan3A = arith.constant 0 : i32
    %scan3A_20 = arith.constant 25 : i32
    %scan3A_21 = arith.addi %scan3A, %scan3A_20 : i32
    %scan3A_22 = arith.constant 1 : i32
    scf.for %scan3A_138 = %scan3A to %scan3A_21 step %scan3A_22  : i32 {
      %mul3A_139 = arith.constant 1 : i32
      %mul3A_140 = arith.muli %scan3A_138, %mul3A_139 : i32
      %add3A_141 = arith.constant 0 : i32
      %add3A_142 = arith.addi %add3A_141, %mul3A_140 : i32
      %mul3A_143 = arith.constant 2 : i32
      %mul3A_144 = arith.muli %add3A_142, %mul3A_143 : i32
      %add3A_145 = arith.constant 0 : i32
      %add3A_146 = arith.addi %mul3A_144, %add3A_145 : i32
      %add3A_147 = arith.constant 0 : i32
      %add3A_148 = arith.addi %add3A_147, %add3A_146 : i32
      %dma_wait3A_149 = arith.constant 0 : i32
      %dma_wait3A_150 = tpu.memref_slice %arg7[%add3A_146, %dma_wait3A_149] : memref<50x128xi32, #tpu.memory_space<vmem>> -> memref<1x128xi32, #tpu.memory_space<vmem>>
      %dma_wait3A_151 = tpu.memref_squeeze %dma_wait3A_150 : memref<1x128xi32, #tpu.memory_space<vmem>> -> memref<128xi32, #tpu.memory_space<vmem>>
      %dma_wait3A_152 = arith.constant 0 : i32
      %dma_wait3A_153 = arith.constant 0 : i32
      %dma_wait3A_154 = tpu.memref_slice %arg2[%dma_wait3A_152, %dma_wait3A_153] : memref<2000000x64xf32, #tpu.memory_space<hbm>> -> memref<2000000x64xf32, #tpu.memory_space<hbm>>
      tpu.wait_indirect_dma semaphore(%arg5 : memref<!tpu.dma_semaphore, #tpu.memory_space<semaphore_mem>>) src(%dma_wait3A_154 : memref<2000000x64xf32, #tpu.memory_space<hbm>>) dst(%arg8 : memref<128x64xf32, #tpu.memory_space<vmem>>)
      %ge3A = arith.constant 2 : i32
      %ge3A_155 = arith.cmpi sge, %add3A_148, %ge3A : i32
      %convert_element_type3A = arith.extui %ge3A_155 : i1 to i32
      %cond3A = arith.constant 0 : i32
      %cond3A_156 = arith.cmpi ne, %convert_element_type3A, %cond3A : i32
      scf.if %cond3A_156 {
        %dma_wait3A_328 = arith.constant 0 : i32
        %dma_wait3A_329 = arith.constant 0 : i32
        %dma_wait3A_330 = arith.constant 0 : i32
        %dma_wait3A_331 = arith.constant 0 : i32
        %dma_wait3A_332 = arith.constant 0 : i32
        %dma_wait3A_333 = tpu.memref_slice %arg10[%dma_wait3A_330, %dma_wait3A_331, %dma_wait3A_332] : memref<8x8x133xf32, #tpu.memory_space<vmem>> -> memref<8x8x128xf32, #tpu.memory_space<vmem>>
        %dma_wait3A_334 = arith.constant 0 : i32
        %dma_wait3A_335 = arith.constant 0 : i32
        %dma_wait3A_336 = arith.constant 0 : i32
        %dma_wait3A_337 = tpu.memref_slice %arg4[%dma_wait3A_328, %dma_wait3A_334, %dma_wait3A_329, %dma_wait3A_335, %dma_wait3A_336] : memref<50x8x128x8x128xf32, #tpu.memory_space<hbm>> -> memref<1x8x1x8x128xf32, #tpu.memory_space<hbm>>
        %dma_wait3A_338 = tpu.memref_squeeze %dma_wait3A_337 : memref<1x8x1x8x128xf32, #tpu.memory_space<hbm>> -> memref<8x8x128xf32, #tpu.memory_space<hbm>>
        %dma_wait3A_339 = arith.constant 0 : i32
        %dma_wait3A_340 = arith.constant 0 : i32
        %dma_wait3A_341 = arith.constant 0 : i32
        %dma_wait3A_342 = tpu.memref_slice %arg4[%dma_wait3A_328, %dma_wait3A_339, %dma_wait3A_329, %dma_wait3A_340, %dma_wait3A_341] : memref<50x8x128x8x128xf32, #tpu.memory_space<hbm>> -> memref<1x8x1x8x128xf32, #tpu.memory_space<hbm>>
        %dma_wait3A_343 = tpu.memref_squeeze %dma_wait3A_342 : memref<1x8x1x8x128xf32, #tpu.memory_space<hbm>> -> memref<8x8x128xf32, #tpu.memory_space<hbm>>
        %dma_wait3A_344 = arith.constant 0 : i32
        %dma_wait3A_345 = arith.constant 0 : i32
        %dma_wait3A_346 = arith.constant 0 : i32
        %dma_wait3A_347 = tpu.memref_slice %arg10[%dma_wait3A_344, %dma_wait3A_345, %dma_wait3A_346] : memref<8x8x133xf32, #tpu.memory_space<vmem>> -> memref<8x8x128xf32, #tpu.memory_space<vmem>>
        tpu.wait_dma2 semaphore(%arg12 : memref<!tpu.dma_semaphore, #tpu.memory_space<semaphore_mem>>) src(%dma_wait3A_347 : memref<8x8x128xf32, #tpu.memory_space<vmem>>) dst(%dma_wait3A_343 : memref<8x8x128xf32, #tpu.memory_space<hbm>>)
      } else {
      }
      %iota3A = tpu.iota {dimensions = array<i32: 0>} : vector<16xi32>
      %add3A_157 = arith.constant 0 : i32
      %add3A_158 = vector.broadcast %add3A_157 : i32 to vector<16xi32>
      %add3A_159 = arith.addi %add3A_158, %iota3A : vector<16xi32>
      %shift_right_arithmetic3A = arith.constant 3 : i32
      %shift_right_arithmetic3A_160 = vector.broadcast %shift_right_arithmetic3A : i32 to vector<16xi32>
      %shift_right_arithmetic3A_161 = arith.shrsi %add3A_159, %shift_right_arithmetic3A_160 : vector<16xi32>
      %add3A_162 = arith.constant 16 : i32
      %add3A_163 = vector.broadcast %add3A_162 : i32 to vector<16xi32>
      %add3A_164 = arith.addi %add3A_163, %iota3A : vector<16xi32>
      %shift_right_arithmetic3A_165 = arith.constant 3 : i32
      %shift_right_arithmetic3A_166 = vector.broadcast %shift_right_arithmetic3A_165 : i32 to vector<16xi32>
      %shift_right_arithmetic3A_167 = arith.shrsi %add3A_164, %shift_right_arithmetic3A_166 : vector<16xi32>
      %add3A_168 = arith.constant 32 : i32
      %add3A_169 = vector.broadcast %add3A_168 : i32 to vector<16xi32>
      %add3A_170 = arith.addi %add3A_169, %iota3A : vector<16xi32>
      %shift_right_arithmetic3A_171 = arith.constant 3 : i32
      %shift_right_arithmetic3A_172 = vector.broadcast %shift_right_arithmetic3A_171 : i32 to vector<16xi32>
      %shift_right_arithmetic3A_173 = arith.shrsi %add3A_170, %shift_right_arithmetic3A_172 : vector<16xi32>
      %add3A_174 = arith.constant 48 : i32
      %add3A_175 = vector.broadcast %add3A_174 : i32 to vector<16xi32>
      %add3A_176 = arith.addi %add3A_175, %iota3A : vector<16xi32>
      %shift_right_arithmetic3A_177 = arith.constant 3 : i32
      %shift_right_arithmetic3A_178 = vector.broadcast %shift_right_arithmetic3A_177 : i32 to vector<16xi32>
      %shift_right_arithmetic3A_179 = arith.shrsi %add3A_176, %shift_right_arithmetic3A_178 : vector<16xi32>
      %add3A_180 = arith.constant 0 : i32
      %add3A_181 = vector.broadcast %add3A_180 : i32 to vector<16xi32>
      %add3A_182 = arith.addi %add3A_181, %iota3A : vector<16xi32>
      %and3A = arith.constant 7 : i32
      %and3A_183 = vector.broadcast %and3A : i32 to vector<16xi32>
      %and3A_184 = arith.andi %add3A_182, %and3A_183 : vector<16xi32>
      %add3A_185 = arith.constant 16 : i32
      %add3A_186 = vector.broadcast %add3A_185 : i32 to vector<16xi32>
      %add3A_187 = arith.addi %add3A_186, %iota3A : vector<16xi32>
      %and3A_188 = arith.constant 7 : i32
      %and3A_189 = vector.broadcast %and3A_188 : i32 to vector<16xi32>
      %and3A_190 = arith.andi %add3A_187, %and3A_189 : vector<16xi32>
      %add3A_191 = arith.constant 32 : i32
      %add3A_192 = vector.broadcast %add3A_191 : i32 to vector<16xi32>
      %add3A_193 = arith.addi %add3A_192, %iota3A : vector<16xi32>
      %and3A_194 = arith.constant 7 : i32
      %and3A_195 = vector.broadcast %and3A_194 : i32 to vector<16xi32>
      %and3A_196 = arith.andi %add3A_193, %and3A_195 : vector<16xi32>
      %add3A_197 = arith.constant 48 : i32
      %add3A_198 = vector.broadcast %add3A_197 : i32 to vector<16xi32>
      %add3A_199 = arith.addi %add3A_198, %iota3A : vector<16xi32>
      %and3A_200 = arith.constant 7 : i32
      %and3A_201 = vector.broadcast %and3A_200 : i32 to vector<16xi32>
      %and3A_202 = arith.andi %add3A_199, %and3A_201 : vector<16xi32>
      %scan3A_203 = arith.constant 0 : i32
      %scan3A_204 = arith.constant 128 : i32
      %scan3A_205 = arith.addi %scan3A_203, %scan3A_204 : i32
      %scan3A_206 = arith.constant 8 : i32
      scf.for %scan3A_328 = %scan3A_203 to %scan3A_205 step %scan3A_206  : i32 {
        %mul3A_329 = arith.constant 1 : i32
        %mul3A_330 = arith.muli %scan3A_328, %mul3A_329 : i32
        %add3A_331 = arith.constant 0 : i32
        %add3A_332 = arith.addi %add3A_331, %mul3A_330 : i32
        %broadcast_in_dim3A = vector.broadcast %add3A_332 : i32 to vector<16xi32>
        %get3A = arith.index_cast %add3A_332 : i32 to index
        %get3A_333 = arith.constant 0 : index
        %get3A_334 = tpu.vector_load %arg8[%get3A, %get3A_333] {strides = array<i32>} : memref<128x64xf32, #tpu.memory_space<vmem>>, vector<16xf32>,
        tpu.vector_store_idx %arg10[%shift_right_arithmetic3A_161, %and3A_184, %broadcast_in_dim3A], %get3A_334 : memref<8x8x133xf32, #tpu.memory_space<vmem>>[vector<16xi32>, vector<16xi32>, vector<16xi32>], vector<16xf32>,
        %get3A_335 = arith.index_cast %add3A_332 : i32 to index
        %get3A_336 = arith.constant 16 : index
        %get3A_337 = tpu.vector_load %arg8[%get3A_335, %get3A_336] {strides = array<i32>} : memref<128x64xf32, #tpu.memory_space<vmem>>, vector<16xf32>,
        tpu.vector_store_idx %arg10[%shift_right_arithmetic3A_167, %and3A_190, %broadcast_in_dim3A], %get3A_337 : memref<8x8x133xf32, #tpu.memory_space<vmem>>[vector<16xi32>, vector<16xi32>, vector<16xi32>], vector<16xf32>,
        %get3A_338 = arith.index_cast %add3A_332 : i32 to index
        %get3A_339 = arith.constant 32 : index
        %get3A_340 = tpu.vector_load %arg8[%get3A_338, %get3A_339] {strides = array<i32>} : memref<128x64xf32, #tpu.memory_space<vmem>>, vector<16xf32>,
        tpu.vector_store_idx %arg10[%shift_right_arithmetic3A_173, %and3A_196, %broadcast_in_dim3A], %get3A_340 : memref<8x8x133xf32, #tpu.memory_space<vmem>>[vector<16xi32>, vector<16xi32>, vector<16xi32>], vector<16xf32>,
        %get3A_341 = arith.index_cast %add3A_332 : i32 to index
        %get3A_342 = arith.constant 48 : index
        %get3A_343 = tpu.vector_load %arg8[%get3A_341, %get3A_342] {strides = array<i32>} : memref<128x64xf32, #tpu.memory_space<vmem>>, vector<16xf32>,
        tpu.vector_store_idx %arg10[%shift_right_arithmetic3A_179, %and3A_202, %broadcast_in_dim3A], %get3A_343 : memref<8x8x133xf32, #tpu.memory_space<vmem>>[vector<16xi32>, vector<16xi32>, vector<16xi32>], vector<16xf32>,
        %scan3A_344 = arith.constant 1 : i32
        %scan3A_345 = arith.addi %scan3A_328, %scan3A_344 : i32
        %mul3A_346 = arith.constant 1 : i32
        %mul3A_347 = arith.muli %scan3A_345, %mul3A_346 : i32
        %add3A_348 = arith.constant 0 : i32
        %add3A_349 = arith.addi %add3A_348, %mul3A_347 : i32
        %broadcast_in_dim3A_350 = vector.broadcast %add3A_349 : i32 to vector<16xi32>
        %get3A_351 = arith.index_cast %add3A_349 : i32 to index
        %get3A_352 = arith.constant 0 : index
        %get3A_353 = tpu.vector_load %arg8[%get3A_351, %get3A_352] {strides = array<i32>} : memref<128x64xf32, #tpu.memory_space<vmem>>, vector<16xf32>,
        tpu.vector_store_idx %arg10[%shift_right_arithmetic3A_161, %and3A_184, %broadcast_in_dim3A_350], %get3A_353 : memref<8x8x133xf32, #tpu.memory_space<vmem>>[vector<16xi32>, vector<16xi32>, vector<16xi32>], vector<16xf32>,
        %get3A_354 = arith.index_cast %add3A_349 : i32 to index
        %get3A_355 = arith.constant 16 : index
        %get3A_356 = tpu.vector_load %arg8[%get3A_354, %get3A_355] {strides = array<i32>} : memref<128x64xf32, #tpu.memory_space<vmem>>, vector<16xf32>,
        tpu.vector_store_idx %arg10[%shift_right_arithmetic3A_167, %and3A_190, %broadcast_in_dim3A_350], %get3A_356 : memref<8x8x133xf32, #tpu.memory_space<vmem>>[vector<16xi32>, vector<16xi32>, vector<16xi32>], vector<16xf32>,
        %get3A_357 = arith.index_cast %add3A_349 : i32 to index
        %get3A_358 = arith.constant 32 : index
        %get3A_359 = tpu.vector_load %arg8[%get3A_357, %get3A_358] {strides = array<i32>} : memref<128x64xf32, #tpu.memory_space<vmem>>, vector<16xf32>,
        tpu.vector_store_idx %arg10[%shift_right_arithmetic3A_173, %and3A_196, %broadcast_in_dim3A_350], %get3A_359 : memref<8x8x133xf32, #tpu.memory_space<vmem>>[vector<16xi32>, vector<16xi32>, vector<16xi32>], vector<16xf32>,
        %get3A_360 = arith.index_cast %add3A_349 : i32 to index
        %get3A_361 = arith.constant 48 : index
        %get3A_362 = tpu.vector_load %arg8[%get3A_360, %get3A_361] {strides = array<i32>} : memref<128x64xf32, #tpu.memory_space<vmem>>, vector<16xf32>,
        tpu.vector_store_idx %arg10[%shift_right_arithmetic3A_179, %and3A_202, %broadcast_in_dim3A_350], %get3A_362 : memref<8x8x133xf32, #tpu.memory_space<vmem>>[vector<16xi32>, vector<16xi32>, vector<16xi32>], vector<16xf32>,
        %scan3A_363 = arith.constant 2 : i32
        %scan3A_364 = arith.addi %scan3A_328, %scan3A_363 : i32
        %mul3A_365 = arith.constant 1 : i32
        %mul3A_366 = arith.muli %scan3A_364, %mul3A_365 : i32
        %add3A_367 = arith.constant 0 : i32
        %add3A_368 = arith.addi %add3A_367, %mul3A_366 : i32
        %broadcast_in_dim3A_369 = vector.broadcast %add3A_368 : i32 to vector<16xi32>
        %get3A_370 = arith.index_cast %add3A_368 : i32 to index
        %get3A_371 = arith.constant 0 : index
        %get3A_372 = tpu.vector_load %arg8[%get3A_370, %get3A_371] {strides = array<i32>} : memref<128x64xf32, #tpu.memory_space<vmem>>, vector<16xf32>,
        tpu.vector_store_idx %arg10[%shift_right_arithmetic3A_161, %and3A_184, %broadcast_in_dim3A_369], %get3A_372 : memref<8x8x133xf32, #tpu.memory_space<vmem>>[vector<16xi32>, vector<16xi32>, vector<16xi32>], vector<16xf32>,
        %get3A_373 = arith.index_cast %add3A_368 : i32 to index
        %get3A_374 = arith.constant 16 : index
        %get3A_375 = tpu.vector_load %arg8[%get3A_373, %get3A_374] {strides = array<i32>} : memref<128x64xf32, #tpu.memory_space<vmem>>, vector<16xf32>,
        tpu.vector_store_idx %arg10[%shift_right_arithmetic3A_167, %and3A_190, %broadcast_in_dim3A_369], %get3A_375 : memref<8x8x133xf32, #tpu.memory_space<vmem>>[vector<16xi32>, vector<16xi32>, vector<16xi32>], vector<16xf32>,
        %get3A_376 = arith.index_cast %add3A_368 : i32 to index
        %get3A_377 = arith.constant 32 : index
        %get3A_378 = tpu.vector_load %arg8[%get3A_376, %get3A_377] {strides = array<i32>} : memref<128x64xf32, #tpu.memory_space<vmem>>, vector<16xf32>,
        tpu.vector_store_idx %arg10[%shift_right_arithmetic3A_173, %and3A_196, %broadcast_in_dim3A_369], %get3A_378 : memref<8x8x133xf32, #tpu.memory_space<vmem>>[vector<16xi32>, vector<16xi32>, vector<16xi32>], vector<16xf32>,
        %get3A_379 = arith.index_cast %add3A_368 : i32 to index
        %get3A_380 = arith.constant 48 : index
        %get3A_381 = tpu.vector_load %arg8[%get3A_379, %get3A_380] {strides = array<i32>} : memref<128x64xf32, #tpu.memory_space<vmem>>, vector<16xf32>,
        tpu.vector_store_idx %arg10[%shift_right_arithmetic3A_179, %and3A_202, %broadcast_in_dim3A_369], %get3A_381 : memref<8x8x133xf32, #tpu.memory_space<vmem>>[vector<16xi32>, vector<16xi32>, vector<16xi32>], vector<16xf32>,
        %scan3A_382 = arith.constant 3 : i32
        %scan3A_383 = arith.addi %scan3A_328, %scan3A_382 : i32
        %mul3A_384 = arith.constant 1 : i32
        %mul3A_385 = arith.muli %scan3A_383, %mul3A_384 : i32
        %add3A_386 = arith.constant 0 : i32
        %add3A_387 = arith.addi %add3A_386, %mul3A_385 : i32
        %broadcast_in_dim3A_388 = vector.broadcast %add3A_387 : i32 to vector<16xi32>
        %get3A_389 = arith.index_cast %add3A_387 : i32 to index
        %get3A_390 = arith.constant 0 : index
        %get3A_391 = tpu.vector_load %arg8[%get3A_389, %get3A_390] {strides = array<i32>} : memref<128x64xf32, #tpu.memory_space<vmem>>, vector<16xf32>,
        tpu.vector_store_idx %arg10[%shift_right_arithmetic3A_161, %and3A_184, %broadcast_in_dim3A_388], %get3A_391 : memref<8x8x133xf32, #tpu.memory_space<vmem>>[vector<16xi32>, vector<16xi32>, vector<16xi32>], vector<16xf32>,
        %get3A_392 = arith.index_cast %add3A_387 : i32 to index
        %get3A_393 = arith.constant 16 : index
        %get3A_394 = tpu.vector_load %arg8[%get3A_392, %get3A_393] {strides = array<i32>} : memref<128x64xf32, #tpu.memory_space<vmem>>, vector<16xf32>,
        tpu.vector_store_idx %arg10[%shift_right_arithmetic3A_167, %and3A_190, %broadcast_in_dim3A_388], %get3A_394 : memref<8x8x133xf32, #tpu.memory_space<vmem>>[vector<16xi32>, vector<16xi32>, vector<16xi32>], vector<16xf32>,
        %get3A_395 = arith.index_cast %add3A_387 : i32 to index
        %get3A_396 = arith.constant 32 : index
        %get3A_397 = tpu.vector_load %arg8[%get3A_395, %get3A_396] {strides = array<i32>} : memref<128x64xf32, #tpu.memory_space<vmem>>, vector<16xf32>,
        tpu.vector_store_idx %arg10[%shift_right_arithmetic3A_173, %and3A_196, %broadcast_in_dim3A_388], %get3A_397 : memref<8x8x133xf32, #tpu.memory_space<vmem>>[vector<16xi32>, vector<16xi32>, vector<16xi32>], vector<16xf32>,
        %get3A_398 = arith.index_cast %add3A_387 : i32 to index
        %get3A_399 = arith.constant 48 : index
        %get3A_400 = tpu.vector_load %arg8[%get3A_398, %get3A_399] {strides = array<i32>} : memref<128x64xf32, #tpu.memory_space<vmem>>, vector<16xf32>,
        tpu.vector_store_idx %arg10[%shift_right_arithmetic3A_179, %and3A_202, %broadcast_in_dim3A_388], %get3A_400 : memref<8x8x133xf32, #tpu.memory_space<vmem>>[vector<16xi32>, vector<16xi32>, vector<16xi32>], vector<16xf32>,
        %scan3A_401 = arith.constant 4 : i32
        %scan3A_402 = arith.addi %scan3A_328, %scan3A_401 : i32
        %mul3A_403 = arith.constant 1 : i32
        %mul3A_404 = arith.muli %scan3A_402, %mul3A_403 : i32
        %add3A_405 = arith.constant 0 : i32
        %add3A_406 = arith.addi %add3A_405, %mul3A_404 : i32
        %broadcast_in_dim3A_407 = vector.broadcast %add3A_406 : i32 to vector<16xi32>
        %get3A_408 = arith.index_cast %add3A_406 : i32 to index
        %get3A_409 = arith.constant 0 : index
        %get3A_410 = tpu.vector_load %arg8[%get3A_408, %get3A_409] {strides = array<i32>} : memref<128x64xf32, #tpu.memory_space<vmem>>, vector<16xf32>,
        tpu.vector_store_idx %arg10[%shift_right_arithmetic3A_161, %and3A_184, %broadcast_in_dim3A_407], %get3A_410 : memref<8x8x133xf32, #tpu.memory_space<vmem>>[vector<16xi32>, vector<16xi32>, vector<16xi32>], vector<16xf32>,
        %get3A_411 = arith.index_cast %add3A_406 : i32 to index
        %get3A_412 = arith.constant 16 : index
        %get3A_413 = tpu.vector_load %arg8[%get3A_411, %get3A_412] {strides = array<i32>} : memref<128x64xf32, #tpu.memory_space<vmem>>, vector<16xf32>,
        tpu.vector_store_idx %arg10[%shift_right_arithmetic3A_167, %and3A_190, %broadcast_in_dim3A_407], %get3A_413 : memref<8x8x133xf32, #tpu.memory_space<vmem>>[vector<16xi32>, vector<16xi32>, vector<16xi32>], vector<16xf32>,
        %get3A_414 = arith.index_cast %add3A_406 : i32 to index
        %get3A_415 = arith.constant 32 : index
        %get3A_416 = tpu.vector_load %arg8[%get3A_414, %get3A_415] {strides = array<i32>} : memref<128x64xf32, #tpu.memory_space<vmem>>, vector<16xf32>,
        tpu.vector_store_idx %arg10[%shift_right_arithmetic3A_173, %and3A_196, %broadcast_in_dim3A_407], %get3A_416 : memref<8x8x133xf32, #tpu.memory_space<vmem>>[vector<16xi32>, vector<16xi32>, vector<16xi32>], vector<16xf32>,
        %get3A_417 = arith.index_cast %add3A_406 : i32 to index
        %get3A_418 = arith.constant 48 : index
        %get3A_419 = tpu.vector_load %arg8[%get3A_417, %get3A_418] {strides = array<i32>} : memref<128x64xf32, #tpu.memory_space<vmem>>, vector<16xf32>,
        tpu.vector_store_idx %arg10[%shift_right_arithmetic3A_179, %and3A_202, %broadcast_in_dim3A_407], %get3A_419 : memref<8x8x133xf32, #tpu.memory_space<vmem>>[vector<16xi32>, vector<16xi32>, vector<16xi32>], vector<16xf32>,
        %scan3A_420 = arith.constant 5 : i32
        %scan3A_421 = arith.addi %scan3A_328, %scan3A_420 : i32
        %mul3A_422 = arith.constant 1 : i32
        %mul3A_423 = arith.muli %scan3A_421, %mul3A_422 : i32
        %add3A_424 = arith.constant 0 : i32
        %add3A_425 = arith.addi %add3A_424, %mul3A_423 : i32
        %broadcast_in_dim3A_426 = vector.broadcast %add3A_425 : i32 to vector<16xi32>
        %get3A_427 = arith.index_cast %add3A_425 : i32 to index
        %get3A_428 = arith.constant 0 : index
        %get3A_429 = tpu.vector_load %arg8[%get3A_427, %get3A_428] {strides = array<i32>} : memref<128x64xf32, #tpu.memory_space<vmem>>, vector<16xf32>,
        tpu.vector_store_idx %arg10[%shift_right_arithmetic3A_161, %and3A_184, %broadcast_in_dim3A_426], %get3A_429 : memref<8x8x133xf32, #tpu.memory_space<vmem>>[vector<16xi32>, vector<16xi32>, vector<16xi32>], vector<16xf32>,
        %get3A_430 = arith.index_cast %add3A_425 : i32 to index
        %get3A_431 = arith.constant 16 : index
        %get3A_432 = tpu.vector_load %arg8[%get3A_430, %get3A_431] {strides = array<i32>} : memref<128x64xf32, #tpu.memory_space<vmem>>, vector<16xf32>,
        tpu.vector_store_idx %arg10[%shift_right_arithmetic3A_167, %and3A_190, %broadcast_in_dim3A_426], %get3A_432 : memref<8x8x133xf32, #tpu.memory_space<vmem>>[vector<16xi32>, vector<16xi32>, vector<16xi32>], vector<16xf32>,
        %get3A_433 = arith.index_cast %add3A_425 : i32 to index
        %get3A_434 = arith.constant 32 : index
        %get3A_435 = tpu.vector_load %arg8[%get3A_433, %get3A_434] {strides = array<i32>} : memref<128x64xf32, #tpu.memory_space<vmem>>, vector<16xf32>,
        tpu.vector_store_idx %arg10[%shift_right_arithmetic3A_173, %and3A_196, %broadcast_in_dim3A_426], %get3A_435 : memref<8x8x133xf32, #tpu.memory_space<vmem>>[vector<16xi32>, vector<16xi32>, vector<16xi32>], vector<16xf32>,
        %get3A_436 = arith.index_cast %add3A_425 : i32 to index
        %get3A_437 = arith.constant 48 : index
        %get3A_438 = tpu.vector_load %arg8[%get3A_436, %get3A_437] {strides = array<i32>} : memref<128x64xf32, #tpu.memory_space<vmem>>, vector<16xf32>,
        tpu.vector_store_idx %arg10[%shift_right_arithmetic3A_179, %and3A_202, %broadcast_in_dim3A_426], %get3A_438 : memref<8x8x133xf32, #tpu.memory_space<vmem>>[vector<16xi32>, vector<16xi32>, vector<16xi32>], vector<16xf32>,
        %scan3A_439 = arith.constant 6 : i32
        %scan3A_440 = arith.addi %scan3A_328, %scan3A_439 : i32
        %mul3A_441 = arith.constant 1 : i32
        %mul3A_442 = arith.muli %scan3A_440, %mul3A_441 : i32
        %add3A_443 = arith.constant 0 : i32
        %add3A_444 = arith.addi %add3A_443, %mul3A_442 : i32
        %broadcast_in_dim3A_445 = vector.broadcast %add3A_444 : i32 to vector<16xi32>
        %get3A_446 = arith.index_cast %add3A_444 : i32 to index
        %get3A_447 = arith.constant 0 : index
        %get3A_448 = tpu.vector_load %arg8[%get3A_446, %get3A_447] {strides = array<i32>} : memref<128x64xf32, #tpu.memory_space<vmem>>, vector<16xf32>,
        tpu.vector_store_idx %arg10[%shift_right_arithmetic3A_161, %and3A_184, %broadcast_in_dim3A_445], %get3A_448 : memref<8x8x133xf32, #tpu.memory_space<vmem>>[vector<16xi32>, vector<16xi32>, vector<16xi32>], vector<16xf32>,
        %get3A_449 = arith.index_cast %add3A_444 : i32 to index
        %get3A_450 = arith.constant 16 : index
        %get3A_451 = tpu.vector_load %arg8[%get3A_449, %get3A_450] {strides = array<i32>} : memref<128x64xf32, #tpu.memory_space<vmem>>, vector<16xf32>,
        tpu.vector_store_idx %arg10[%shift_right_arithmetic3A_167, %and3A_190, %broadcast_in_dim3A_445], %get3A_451 : memref<8x8x133xf32, #tpu.memory_space<vmem>>[vector<16xi32>, vector<16xi32>, vector<16xi32>], vector<16xf32>,
        %get3A_452 = arith.index_cast %add3A_444 : i32 to index
        %get3A_453 = arith.constant 32 : index
        %get3A_454 = tpu.vector_load %arg8[%get3A_452, %get3A_453] {strides = array<i32>} : memref<128x64xf32, #tpu.memory_space<vmem>>, vector<16xf32>,
        tpu.vector_store_idx %arg10[%shift_right_arithmetic3A_173, %and3A_196, %broadcast_in_dim3A_445], %get3A_454 : memref<8x8x133xf32, #tpu.memory_space<vmem>>[vector<16xi32>, vector<16xi32>, vector<16xi32>], vector<16xf32>,
        %get3A_455 = arith.index_cast %add3A_444 : i32 to index
        %get3A_456 = arith.constant 48 : index
        %get3A_457 = tpu.vector_load %arg8[%get3A_455, %get3A_456] {strides = array<i32>} : memref<128x64xf32, #tpu.memory_space<vmem>>, vector<16xf32>,
        tpu.vector_store_idx %arg10[%shift_right_arithmetic3A_179, %and3A_202, %broadcast_in_dim3A_445], %get3A_457 : memref<8x8x133xf32, #tpu.memory_space<vmem>>[vector<16xi32>, vector<16xi32>, vector<16xi32>], vector<16xf32>,
        %scan3A_458 = arith.constant 7 : i32
        %scan3A_459 = arith.addi %scan3A_328, %scan3A_458 : i32
        %mul3A_460 = arith.constant 1 : i32
        %mul3A_461 = arith.muli %scan3A_459, %mul3A_460 : i32
        %add3A_462 = arith.constant 0 : i32
        %add3A_463 = arith.addi %add3A_462, %mul3A_461 : i32
        %broadcast_in_dim3A_464 = vector.broadcast %add3A_463 : i32 to vector<16xi32>
        %get3A_465 = arith.index_cast %add3A_463 : i32 to index
        %get3A_466 = arith.constant 0 : index
        %get3A_467 = tpu.vector_load %arg8[%get3A_465, %get3A_466] {strides = array<i32>} : memref<128x64xf32, #tpu.memory_space<vmem>>, vector<16xf32>,
        tpu.vector_store_idx %arg10[%shift_right_arithmetic3A_161, %and3A_184, %broadcast_in_dim3A_464], %get3A_467 : memref<8x8x133xf32, #tpu.memory_space<vmem>>[vector<16xi32>, vector<16xi32>, vector<16xi32>], vector<16xf32>,
        %get3A_468 = arith.index_cast %add3A_463 : i32 to index
        %get3A_469 = arith.constant 16 : index
        %get3A_470 = tpu.vector_load %arg8[%get3A_468, %get3A_469] {strides = array<i32>} : memref<128x64xf32, #tpu.memory_space<vmem>>, vector<16xf32>,
        tpu.vector_store_idx %arg10[%shift_right_arithmetic3A_167, %and3A_190, %broadcast_in_dim3A_464], %get3A_470 : memref<8x8x133xf32, #tpu.memory_space<vmem>>[vector<16xi32>, vector<16xi32>, vector<16xi32>], vector<16xf32>,
        %get3A_471 = arith.index_cast %add3A_463 : i32 to index
        %get3A_472 = arith.constant 32 : index
        %get3A_473 = tpu.vector_load %arg8[%get3A_471, %get3A_472] {strides = array<i32>} : memref<128x64xf32, #tpu.memory_space<vmem>>, vector<16xf32>,
        tpu.vector_store_idx %arg10[%shift_right_arithmetic3A_173, %and3A_196, %broadcast_in_dim3A_464], %get3A_473 : memref<8x8x133xf32, #tpu.memory_space<vmem>>[vector<16xi32>, vector<16xi32>, vector<16xi32>], vector<16xf32>,
        %get3A_474 = arith.index_cast %add3A_463 : i32 to index
        %get3A_475 = arith.constant 48 : index
        %get3A_476 = tpu.vector_load %arg8[%get3A_474, %get3A_475] {strides = array<i32>} : memref<128x64xf32, #tpu.memory_space<vmem>>, vector<16xf32>,
        tpu.vector_store_idx %arg10[%shift_right_arithmetic3A_179, %and3A_202, %broadcast_in_dim3A_464], %get3A_476 : memref<8x8x133xf32, #tpu.memory_space<vmem>>[vector<16xi32>, vector<16xi32>, vector<16xi32>], vector<16xf32>,
      }
      %scan3A_207 = arith.constant 128 : i32
      %dma_start3A_208 = arith.constant 0 : i32
      %dma_start3A_209 = arith.constant 0 : i32
      %dma_start3A_210 = arith.constant 0 : i32
      %dma_start3A_211 = tpu.memref_slice %arg10[%dma_start3A_208, %dma_start3A_209, %dma_start3A_210] : memref<8x8x133xf32, #tpu.memory_space<vmem>> -> memref<8x8x128xf32, #tpu.memory_space<vmem>>
      %dma_start3A_212 = arith.constant 0 : i32
      %dma_start3A_213 = arith.constant 0 : i32
      %dma_start3A_214 = arith.constant 0 : i32
      %dma_start3A_215 = tpu.memref_slice %arg4[%add3A_146, %dma_start3A_212, %add3A_4, %dma_start3A_213, %dma_start3A_214] : memref<50x8x128x8x128xf32, #tpu.memory_space<hbm>> -> memref<1x8x1x8x128xf32, #tpu.memory_space<hbm>>
      %dma_start3A_216 = tpu.memref_squeeze %dma_start3A_215 : memref<1x8x1x8x128xf32, #tpu.memory_space<hbm>> -> memref<8x8x128xf32, #tpu.memory_space<hbm>>
      %dma_start3A_217 = arith.constant 0 : i32
      %dma_start3A_218 = arith.constant 0 : i32
      %dma_start3A_219 = arith.constant 0 : i32
      %dma_start3A_220 = tpu.memref_slice %arg4[%add3A_146, %dma_start3A_217, %add3A_4, %dma_start3A_218, %dma_start3A_219] : memref<50x8x128x8x128xf32, #tpu.memory_space<hbm>> -> memref<1x8x1x8x128xf32, #tpu.memory_space<hbm>>
      %dma_start3A_221 = tpu.memref_squeeze %dma_start3A_220 : memref<1x8x1x8x128xf32, #tpu.memory_space<hbm>> -> memref<8x8x128xf32, #tpu.memory_space<hbm>>
      %dma_start3A_222 = arith.constant 0 : i32
      %dma_start3A_223 = arith.constant 0 : i32
      %dma_start3A_224 = arith.constant 0 : i32
      %dma_start3A_225 = tpu.memref_slice %arg10[%dma_start3A_222, %dma_start3A_223, %dma_start3A_224] : memref<8x8x133xf32, #tpu.memory_space<vmem>> -> memref<8x8x128xf32, #tpu.memory_space<vmem>>
      tpu.enqueue_dma source(%dma_start3A_225 : memref<8x8x128xf32, #tpu.memory_space<vmem>>) target(%dma_start3A_221 : memref<8x8x128xf32, #tpu.memory_space<hbm>>) target_semaphore(%arg12 : memref<!tpu.dma_semaphore, #tpu.memory_space<semaphore_mem>>)
      %add3A_226 = arith.constant 2 : i32
      %add3A_227 = arith.addi %add3A_146, %add3A_226 : i32
      %lt3A = arith.constant 50 : i32
      %lt3A_228 = arith.cmpi slt, %add3A_227, %lt3A : i32
      %convert_element_type3A_229 = arith.extui %lt3A_228 : i1 to i32
      %cond3A_230 = arith.constant 0 : i32
      %cond3A_231 = arith.cmpi ne, %convert_element_type3A_229, %cond3A_230 : i32
      scf.if %cond3A_231 {
        %dma_start3A_328 = arith.constant 0 : i32
        %dma_start3A_329 = tpu.memref_slice %arg7[%add3A_227, %dma_start3A_328] : memref<50x128xi32, #tpu.memory_space<vmem>> -> memref<1x128xi32, #tpu.memory_space<vmem>>
        %dma_start3A_330 = tpu.memref_squeeze %dma_start3A_329 : memref<1x128xi32, #tpu.memory_space<vmem>> -> memref<128xi32, #tpu.memory_space<vmem>>
        %dma_start3A_331 = arith.constant 0 : i32
        %dma_start3A_332 = arith.constant 0 : i32
        %dma_start3A_333 = tpu.memref_slice %arg2[%dma_start3A_331, %dma_start3A_332] : memref<2000000x64xf32, #tpu.memory_space<hbm>> -> memref<2000000x64xf32, #tpu.memory_space<hbm>>
        tpu.enqueue_indirect_dma source(%dma_start3A_333 : memref<2000000x64xf32, #tpu.memory_space<hbm>>) target(%arg8 : memref<128x64xf32, #tpu.memory_space<vmem>>) offsets(%dma_start3A_330 : memref<128xi32, #tpu.memory_space<vmem>>) semaphore(%arg5 : memref<!tpu.dma_semaphore, #tpu.memory_space<semaphore_mem>>)
      } else {
      }
      %mul3A_232 = arith.constant 2 : i32
      %mul3A_233 = arith.muli %add3A_142, %mul3A_232 : i32
      %add3A_234 = arith.constant 1 : i32
      %add3A_235 = arith.addi %mul3A_233, %add3A_234 : i32
      %add3A_236 = arith.constant 0 : i32
      %add3A_237 = arith.addi %add3A_236, %add3A_235 : i32
      %dma_wait3A_238 = arith.constant 0 : i32
      %dma_wait3A_239 = tpu.memref_slice %arg7[%add3A_235, %dma_wait3A_238] : memref<50x128xi32, #tpu.memory_space<vmem>> -> memref<1x128xi32, #tpu.memory_space<vmem>>
      %dma_wait3A_240 = tpu.memref_squeeze %dma_wait3A_239 : memref<1x128xi32, #tpu.memory_space<vmem>> -> memref<128xi32, #tpu.memory_space<vmem>>
      %dma_wait3A_241 = arith.constant 0 : i32
      %dma_wait3A_242 = arith.constant 0 : i32
      %dma_wait3A_243 = tpu.memref_slice %arg2[%dma_wait3A_241, %dma_wait3A_242] : memref<2000000x64xf32, #tpu.memory_space<hbm>> -> memref<2000000x64xf32, #tpu.memory_space<hbm>>
      tpu.wait_indirect_dma semaphore(%arg6 : memref<!tpu.dma_semaphore, #tpu.memory_space<semaphore_mem>>) src(%dma_wait3A_243 : memref<2000000x64xf32, #tpu.memory_space<hbm>>) dst(%arg9 : memref<128x64xf32, #tpu.memory_space<vmem>>)
      %ge3A_244 = arith.constant 2 : i32
      %ge3A_245 = arith.cmpi sge, %add3A_237, %ge3A_244 : i32
      %convert_element_type3A_246 = arith.extui %ge3A_245 : i1 to i32
      %cond3A_247 = arith.constant 0 : i32
      %cond3A_248 = arith.cmpi ne, %convert_element_type3A_246, %cond3A_247 : i32
      scf.if %cond3A_248 {
        %dma_wait3A_328 = arith.constant 0 : i32
        %dma_wait3A_329 = arith.constant 0 : i32
        %dma_wait3A_330 = arith.constant 0 : i32
        %dma_wait3A_331 = arith.constant 0 : i32
        %dma_wait3A_332 = arith.constant 0 : i32
        %dma_wait3A_333 = tpu.memref_slice %arg11[%dma_wait3A_330, %dma_wait3A_331, %dma_wait3A_332] : memref<8x8x133xf32, #tpu.memory_space<vmem>> -> memref<8x8x128xf32, #tpu.memory_space<vmem>>
        %dma_wait3A_334 = arith.constant 0 : i32
        %dma_wait3A_335 = arith.constant 0 : i32
        %dma_wait3A_336 = arith.constant 0 : i32
        %dma_wait3A_337 = tpu.memref_slice %arg4[%dma_wait3A_328, %dma_wait3A_334, %dma_wait3A_329, %dma_wait3A_335, %dma_wait3A_336] : memref<50x8x128x8x128xf32, #tpu.memory_space<hbm>> -> memref<1x8x1x8x128xf32, #tpu.memory_space<hbm>>
        %dma_wait3A_338 = tpu.memref_squeeze %dma_wait3A_337 : memref<1x8x1x8x128xf32, #tpu.memory_space<hbm>> -> memref<8x8x128xf32, #tpu.memory_space<hbm>>
        %dma_wait3A_339 = arith.constant 0 : i32
        %dma_wait3A_340 = arith.constant 0 : i32
        %dma_wait3A_341 = arith.constant 0 : i32
        %dma_wait3A_342 = tpu.memref_slice %arg4[%dma_wait3A_328, %dma_wait3A_339, %dma_wait3A_329, %dma_wait3A_340, %dma_wait3A_341] : memref<50x8x128x8x128xf32, #tpu.memory_space<hbm>> -> memref<1x8x1x8x128xf32, #tpu.memory_space<hbm>>
        %dma_wait3A_343 = tpu.memref_squeeze %dma_wait3A_342 : memref<1x8x1x8x128xf32, #tpu.memory_space<hbm>> -> memref<8x8x128xf32, #tpu.memory_space<hbm>>
        %dma_wait3A_344 = arith.constant 0 : i32
        %dma_wait3A_345 = arith.constant 0 : i32
        %dma_wait3A_346 = arith.constant 0 : i32
        %dma_wait3A_347 = tpu.memref_slice %arg11[%dma_wait3A_344, %dma_wait3A_345, %dma_wait3A_346] : memref<8x8x133xf32, #tpu.memory_space<vmem>> -> memref<8x8x128xf32, #tpu.memory_space<vmem>>
        tpu.wait_dma2 semaphore(%arg13 : memref<!tpu.dma_semaphore, #tpu.memory_space<semaphore_mem>>) src(%dma_wait3A_347 : memref<8x8x128xf32, #tpu.memory_space<vmem>>) dst(%dma_wait3A_343 : memref<8x8x128xf32, #tpu.memory_space<hbm>>)
      } else {
      }
      %iota3A_249 = tpu.iota {dimensions = array<i32: 0>} : vector<16xi32>
      %add3A_250 = arith.constant 0 : i32
      %add3A_251 = vector.broadcast %add3A_250 : i32 to vector<16xi32>
      %add3A_252 = arith.addi %add3A_251, %iota3A_249 : vector<16xi32>
      %shift_right_arithmetic3A_253 = arith.constant 3 : i32
      %shift_right_arithmetic3A_254 = vector.broadcast %shift_right_arithmetic3A_253 : i32 to vector<16xi32>
      %shift_right_arithmetic3A_255 = arith.shrsi %add3A_252, %shift_right_arithmetic3A_254 : vector<16xi32>
      %add3A_256 = arith.constant 16 : i32
      %add3A_257 = vector.broadcast %add3A_256 : i32 to vector<16xi32>
      %add3A_258 = arith.addi %add3A_257, %iota3A_249 : vector<16xi32>
      %shift_right_arithmetic3A_259 = arith.constant 3 : i32
      %shift_right_arithmetic3A_260 = vector.broadcast %shift_right_arithmetic3A_259 : i32 to vector<16xi32>
      %shift_right_arithmetic3A_261 = arith.shrsi %add3A_258, %shift_right_arithmetic3A_260 : vector<16xi32>
      %add3A_262 = arith.constant 32 : i32
      %add3A_263 = vector.broadcast %add3A_262 : i32 to vector<16xi32>
      %add3A_264 = arith.addi %add3A_263, %iota3A_249 : vector<16xi32>
      %shift_right_arithmetic3A_265 = arith.constant 3 : i32
      %shift_right_arithmetic3A_266 = vector.broadcast %shift_right_arithmetic3A_265 : i32 to vector<16xi32>
      %shift_right_arithmetic3A_267 = arith.shrsi %add3A_264, %shift_right_arithmetic3A_266 : vector<16xi32>
      %add3A_268 = arith.constant 48 : i32
      %add3A_269 = vector.broadcast %add3A_268 : i32 to vector<16xi32>
      %add3A_270 = arith.addi %add3A_269, %iota3A_249 : vector<16xi32>
      %shift_right_arithmetic3A_271 = arith.constant 3 : i32
      %shift_right_arithmetic3A_272 = vector.broadcast %shift_right_arithmetic3A_271 : i32 to vector<16xi32>
      %shift_right_arithmetic3A_273 = arith.shrsi %add3A_270, %shift_right_arithmetic3A_272 : vector<16xi32>
      %add3A_274 = arith.constant 0 : i32
      %add3A_275 = vector.broadcast %add3A_274 : i32 to vector<16xi32>
      %add3A_276 = arith.addi %add3A_275, %iota3A_249 : vector<16xi32>
      %and3A_277 = arith.constant 7 : i32
      %and3A_278 = vector.broadcast %and3A_277 : i32 to vector<16xi32>
      %and3A_279 = arith.andi %add3A_276, %and3A_278 : vector<16xi32>
      %add3A_280 = arith.constant 16 : i32
      %add3A_281 = vector.broadcast %add3A_280 : i32 to vector<16xi32>
      %add3A_282 = arith.addi %add3A_281, %iota3A_249 : vector<16xi32>
      %and3A_283 = arith.constant 7 : i32
      %and3A_284 = vector.broadcast %and3A_283 : i32 to vector<16xi32>
      %and3A_285 = arith.andi %add3A_282, %and3A_284 : vector<16xi32>
      %add3A_286 = arith.constant 32 : i32
      %add3A_287 = vector.broadcast %add3A_286 : i32 to vector<16xi32>
      %add3A_288 = arith.addi %add3A_287, %iota3A_249 : vector<16xi32>
      %and3A_289 = arith.constant 7 : i32
      %and3A_290 = vector.broadcast %and3A_289 : i32 to vector<16xi32>
      %and3A_291 = arith.andi %add3A_288, %and3A_290 : vector<16xi32>
      %add3A_292 = arith.constant 48 : i32
      %add3A_293 = vector.broadcast %add3A_292 : i32 to vector<16xi32>
      %add3A_294 = arith.addi %add3A_293, %iota3A_249 : vector<16xi32>
      %and3A_295 = arith.constant 7 : i32
      %and3A_296 = vector.broadcast %and3A_295 : i32 to vector<16xi32>
      %and3A_297 = arith.andi %add3A_294, %and3A_296 : vector<16xi32>
      %scan3A_298 = arith.constant 0 : i32
      %scan3A_299 = arith.constant 128 : i32
      %scan3A_300 = arith.addi %scan3A_298, %scan3A_299 : i32
      %scan3A_301 = arith.constant 8 : i32
      scf.for %scan3A_328 = %scan3A_298 to %scan3A_300 step %scan3A_301  : i32 {
        %mul3A_329 = arith.constant 1 : i32
        %mul3A_330 = arith.muli %scan3A_328, %mul3A_329 : i32
        %add3A_331 = arith.constant 0 : i32
        %add3A_332 = arith.addi %add3A_331, %mul3A_330 : i32
        %broadcast_in_dim3A = vector.broadcast %add3A_332 : i32 to vector<16xi32>
        %get3A = arith.index_cast %add3A_332 : i32 to index
        %get3A_333 = arith.constant 0 : index
        %get3A_334 = tpu.vector_load %arg9[%get3A, %get3A_333] {strides = array<i32>} : memref<128x64xf32, #tpu.memory_space<vmem>>, vector<16xf32>,
        tpu.vector_store_idx %arg11[%shift_right_arithmetic3A_255, %and3A_279, %broadcast_in_dim3A], %get3A_334 : memref<8x8x133xf32, #tpu.memory_space<vmem>>[vector<16xi32>, vector<16xi32>, vector<16xi32>], vector<16xf32>,
        %get3A_335 = arith.index_cast %add3A_332 : i32 to index
        %get3A_336 = arith.constant 16 : index
        %get3A_337 = tpu.vector_load %arg9[%get3A_335, %get3A_336] {strides = array<i32>} : memref<128x64xf32, #tpu.memory_space<vmem>>, vector<16xf32>,
        tpu.vector_store_idx %arg11[%shift_right_arithmetic3A_261, %and3A_285, %broadcast_in_dim3A], %get3A_337 : memref<8x8x133xf32, #tpu.memory_space<vmem>>[vector<16xi32>, vector<16xi32>, vector<16xi32>], vector<16xf32>,
        %get3A_338 = arith.index_cast %add3A_332 : i32 to index
        %get3A_339 = arith.constant 32 : index
        %get3A_340 = tpu.vector_load %arg9[%get3A_338, %get3A_339] {strides = array<i32>} : memref<128x64xf32, #tpu.memory_space<vmem>>, vector<16xf32>,
        tpu.vector_store_idx %arg11[%shift_right_arithmetic3A_267, %and3A_291, %broadcast_in_dim3A], %get3A_340 : memref<8x8x133xf32, #tpu.memory_space<vmem>>[vector<16xi32>, vector<16xi32>, vector<16xi32>], vector<16xf32>,
        %get3A_341 = arith.index_cast %add3A_332 : i32 to index
        %get3A_342 = arith.constant 48 : index
        %get3A_343 = tpu.vector_load %arg9[%get3A_341, %get3A_342] {strides = array<i32>} : memref<128x64xf32, #tpu.memory_space<vmem>>, vector<16xf32>,
        tpu.vector_store_idx %arg11[%shift_right_arithmetic3A_273, %and3A_297, %broadcast_in_dim3A], %get3A_343 : memref<8x8x133xf32, #tpu.memory_space<vmem>>[vector<16xi32>, vector<16xi32>, vector<16xi32>], vector<16xf32>,
        %scan3A_344 = arith.constant 1 : i32
        %scan3A_345 = arith.addi %scan3A_328, %scan3A_344 : i32
        %mul3A_346 = arith.constant 1 : i32
        %mul3A_347 = arith.muli %scan3A_345, %mul3A_346 : i32
        %add3A_348 = arith.constant 0 : i32
        %add3A_349 = arith.addi %add3A_348, %mul3A_347 : i32
        %broadcast_in_dim3A_350 = vector.broadcast %add3A_349 : i32 to vector<16xi32>
        %get3A_351 = arith.index_cast %add3A_349 : i32 to index
        %get3A_352 = arith.constant 0 : index
        %get3A_353 = tpu.vector_load %arg9[%get3A_351, %get3A_352] {strides = array<i32>} : memref<128x64xf32, #tpu.memory_space<vmem>>, vector<16xf32>,
        tpu.vector_store_idx %arg11[%shift_right_arithmetic3A_255, %and3A_279, %broadcast_in_dim3A_350], %get3A_353 : memref<8x8x133xf32, #tpu.memory_space<vmem>>[vector<16xi32>, vector<16xi32>, vector<16xi32>], vector<16xf32>,
        %get3A_354 = arith.index_cast %add3A_349 : i32 to index
        %get3A_355 = arith.constant 16 : index
        %get3A_356 = tpu.vector_load %arg9[%get3A_354, %get3A_355] {strides = array<i32>} : memref<128x64xf32, #tpu.memory_space<vmem>>, vector<16xf32>,
        tpu.vector_store_idx %arg11[%shift_right_arithmetic3A_261, %and3A_285, %broadcast_in_dim3A_350], %get3A_356 : memref<8x8x133xf32, #tpu.memory_space<vmem>>[vector<16xi32>, vector<16xi32>, vector<16xi32>], vector<16xf32>,
        %get3A_357 = arith.index_cast %add3A_349 : i32 to index
        %get3A_358 = arith.constant 32 : index
        %get3A_359 = tpu.vector_load %arg9[%get3A_357, %get3A_358] {strides = array<i32>} : memref<128x64xf32, #tpu.memory_space<vmem>>, vector<16xf32>,
        tpu.vector_store_idx %arg11[%shift_right_arithmetic3A_267, %and3A_291, %broadcast_in_dim3A_350], %get3A_359 : memref<8x8x133xf32, #tpu.memory_space<vmem>>[vector<16xi32>, vector<16xi32>, vector<16xi32>], vector<16xf32>,
        %get3A_360 = arith.index_cast %add3A_349 : i32 to index
        %get3A_361 = arith.constant 48 : index
        %get3A_362 = tpu.vector_load %arg9[%get3A_360, %get3A_361] {strides = array<i32>} : memref<128x64xf32, #tpu.memory_space<vmem>>, vector<16xf32>,
        tpu.vector_store_idx %arg11[%shift_right_arithmetic3A_273, %and3A_297, %broadcast_in_dim3A_350], %get3A_362 : memref<8x8x133xf32, #tpu.memory_space<vmem>>[vector<16xi32>, vector<16xi32>, vector<16xi32>], vector<16xf32>,
        %scan3A_363 = arith.constant 2 : i32
        %scan3A_364 = arith.addi %scan3A_328, %scan3A_363 : i32
        %mul3A_365 = arith.constant 1 : i32
        %mul3A_366 = arith.muli %scan3A_364, %mul3A_365 : i32
        %add3A_367 = arith.constant 0 : i32
        %add3A_368 = arith.addi %add3A_367, %mul3A_366 : i32
        %broadcast_in_dim3A_369 = vector.broadcast %add3A_368 : i32 to vector<16xi32>
        %get3A_370 = arith.index_cast %add3A_368 : i32 to index
        %get3A_371 = arith.constant 0 : index
        %get3A_372 = tpu.vector_load %arg9[%get3A_370, %get3A_371] {strides = array<i32>} : memref<128x64xf32, #tpu.memory_space<vmem>>, vector<16xf32>,
        tpu.vector_store_idx %arg11[%shift_right_arithmetic3A_255, %and3A_279, %broadcast_in_dim3A_369], %get3A_372 : memref<8x8x133xf32, #tpu.memory_space<vmem>>[vector<16xi32>, vector<16xi32>, vector<16xi32>], vector<16xf32>,
        %get3A_373 = arith.index_cast %add3A_368 : i32 to index
        %get3A_374 = arith.constant 16 : index
        %get3A_375 = tpu.vector_load %arg9[%get3A_373, %get3A_374] {strides = array<i32>} : memref<128x64xf32, #tpu.memory_space<vmem>>, vector<16xf32>,
        tpu.vector_store_idx %arg11[%shift_right_arithmetic3A_261, %and3A_285, %broadcast_in_dim3A_369], %get3A_375 : memref<8x8x133xf32, #tpu.memory_space<vmem>>[vector<16xi32>, vector<16xi32>, vector<16xi32>], vector<16xf32>,
        %get3A_376 = arith.index_cast %add3A_368 : i32 to index
        %get3A_377 = arith.constant 32 : index
        %get3A_378 = tpu.vector_load %arg9[%get3A_376, %get3A_377] {strides = array<i32>} : memref<128x64xf32, #tpu.memory_space<vmem>>, vector<16xf32>,
        tpu.vector_store_idx %arg11[%shift_right_arithmetic3A_267, %and3A_291, %broadcast_in_dim3A_369], %get3A_378 : memref<8x8x133xf32, #tpu.memory_space<vmem>>[vector<16xi32>, vector<16xi32>, vector<16xi32>], vector<16xf32>,
        %get3A_379 = arith.index_cast %add3A_368 : i32 to index
        %get3A_380 = arith.constant 48 : index
        %get3A_381 = tpu.vector_load %arg9[%get3A_379, %get3A_380] {strides = array<i32>} : memref<128x64xf32, #tpu.memory_space<vmem>>, vector<16xf32>,
        tpu.vector_store_idx %arg11[%shift_right_arithmetic3A_273, %and3A_297, %broadcast_in_dim3A_369], %get3A_381 : memref<8x8x133xf32, #tpu.memory_space<vmem>>[vector<16xi32>, vector<16xi32>, vector<16xi32>], vector<16xf32>,
        %scan3A_382 = arith.constant 3 : i32
        %scan3A_383 = arith.addi %scan3A_328, %scan3A_382 : i32
        %mul3A_384 = arith.constant 1 : i32
        %mul3A_385 = arith.muli %scan3A_383, %mul3A_384 : i32
        %add3A_386 = arith.constant 0 : i32
        %add3A_387 = arith.addi %add3A_386, %mul3A_385 : i32
        %broadcast_in_dim3A_388 = vector.broadcast %add3A_387 : i32 to vector<16xi32>
        %get3A_389 = arith.index_cast %add3A_387 : i32 to index
        %get3A_390 = arith.constant 0 : index
        %get3A_391 = tpu.vector_load %arg9[%get3A_389, %get3A_390] {strides = array<i32>} : memref<128x64xf32, #tpu.memory_space<vmem>>, vector<16xf32>,
        tpu.vector_store_idx %arg11[%shift_right_arithmetic3A_255, %and3A_279, %broadcast_in_dim3A_388], %get3A_391 : memref<8x8x133xf32, #tpu.memory_space<vmem>>[vector<16xi32>, vector<16xi32>, vector<16xi32>], vector<16xf32>,
        %get3A_392 = arith.index_cast %add3A_387 : i32 to index
        %get3A_393 = arith.constant 16 : index
        %get3A_394 = tpu.vector_load %arg9[%get3A_392, %get3A_393] {strides = array<i32>} : memref<128x64xf32, #tpu.memory_space<vmem>>, vector<16xf32>,
        tpu.vector_store_idx %arg11[%shift_right_arithmetic3A_261, %and3A_285, %broadcast_in_dim3A_388], %get3A_394 : memref<8x8x133xf32, #tpu.memory_space<vmem>>[vector<16xi32>, vector<16xi32>, vector<16xi32>], vector<16xf32>,
        %get3A_395 = arith.index_cast %add3A_387 : i32 to index
        %get3A_396 = arith.constant 32 : index
        %get3A_397 = tpu.vector_load %arg9[%get3A_395, %get3A_396] {strides = array<i32>} : memref<128x64xf32, #tpu.memory_space<vmem>>, vector<16xf32>,
        tpu.vector_store_idx %arg11[%shift_right_arithmetic3A_267, %and3A_291, %broadcast_in_dim3A_388], %get3A_397 : memref<8x8x133xf32, #tpu.memory_space<vmem>>[vector<16xi32>, vector<16xi32>, vector<16xi32>], vector<16xf32>,
        %get3A_398 = arith.index_cast %add3A_387 : i32 to index
        %get3A_399 = arith.constant 48 : index
        %get3A_400 = tpu.vector_load %arg9[%get3A_398, %get3A_399] {strides = array<i32>} : memref<128x64xf32, #tpu.memory_space<vmem>>, vector<16xf32>,
        tpu.vector_store_idx %arg11[%shift_right_arithmetic3A_273, %and3A_297, %broadcast_in_dim3A_388], %get3A_400 : memref<8x8x133xf32, #tpu.memory_space<vmem>>[vector<16xi32>, vector<16xi32>, vector<16xi32>], vector<16xf32>,
        %scan3A_401 = arith.constant 4 : i32
        %scan3A_402 = arith.addi %scan3A_328, %scan3A_401 : i32
        %mul3A_403 = arith.constant 1 : i32
        %mul3A_404 = arith.muli %scan3A_402, %mul3A_403 : i32
        %add3A_405 = arith.constant 0 : i32
        %add3A_406 = arith.addi %add3A_405, %mul3A_404 : i32
        %broadcast_in_dim3A_407 = vector.broadcast %add3A_406 : i32 to vector<16xi32>
        %get3A_408 = arith.index_cast %add3A_406 : i32 to index
        %get3A_409 = arith.constant 0 : index
        %get3A_410 = tpu.vector_load %arg9[%get3A_408, %get3A_409] {strides = array<i32>} : memref<128x64xf32, #tpu.memory_space<vmem>>, vector<16xf32>,
        tpu.vector_store_idx %arg11[%shift_right_arithmetic3A_255, %and3A_279, %broadcast_in_dim3A_407], %get3A_410 : memref<8x8x133xf32, #tpu.memory_space<vmem>>[vector<16xi32>, vector<16xi32>, vector<16xi32>], vector<16xf32>,
        %get3A_411 = arith.index_cast %add3A_406 : i32 to index
        %get3A_412 = arith.constant 16 : index
        %get3A_413 = tpu.vector_load %arg9[%get3A_411, %get3A_412] {strides = array<i32>} : memref<128x64xf32, #tpu.memory_space<vmem>>, vector<16xf32>,
        tpu.vector_store_idx %arg11[%shift_right_arithmetic3A_261, %and3A_285, %broadcast_in_dim3A_407], %get3A_413 : memref<8x8x133xf32, #tpu.memory_space<vmem>>[vector<16xi32>, vector<16xi32>, vector<16xi32>], vector<16xf32>,
        %get3A_414 = arith.index_cast %add3A_406 : i32 to index
        %get3A_415 = arith.constant 32 : index
        %get3A_416 = tpu.vector_load %arg9[%get3A_414, %get3A_415] {strides = array<i32>} : memref<128x64xf32, #tpu.memory_space<vmem>>, vector<16xf32>,
        tpu.vector_store_idx %arg11[%shift_right_arithmetic3A_267, %and3A_291, %broadcast_in_dim3A_407], %get3A_416 : memref<8x8x133xf32, #tpu.memory_space<vmem>>[vector<16xi32>, vector<16xi32>, vector<16xi32>], vector<16xf32>,
        %get3A_417 = arith.index_cast %add3A_406 : i32 to index
        %get3A_418 = arith.constant 48 : index
        %get3A_419 = tpu.vector_load %arg9[%get3A_417, %get3A_418] {strides = array<i32>} : memref<128x64xf32, #tpu.memory_space<vmem>>, vector<16xf32>,
        tpu.vector_store_idx %arg11[%shift_right_arithmetic3A_273, %and3A_297, %broadcast_in_dim3A_407], %get3A_419 : memref<8x8x133xf32, #tpu.memory_space<vmem>>[vector<16xi32>, vector<16xi32>, vector<16xi32>], vector<16xf32>,
        %scan3A_420 = arith.constant 5 : i32
        %scan3A_421 = arith.addi %scan3A_328, %scan3A_420 : i32
        %mul3A_422 = arith.constant 1 : i32
        %mul3A_423 = arith.muli %scan3A_421, %mul3A_422 : i32
        %add3A_424 = arith.constant 0 : i32
        %add3A_425 = arith.addi %add3A_424, %mul3A_423 : i32
        %broadcast_in_dim3A_426 = vector.broadcast %add3A_425 : i32 to vector<16xi32>
        %get3A_427 = arith.index_cast %add3A_425 : i32 to index
        %get3A_428 = arith.constant 0 : index
        %get3A_429 = tpu.vector_load %arg9[%get3A_427, %get3A_428] {strides = array<i32>} : memref<128x64xf32, #tpu.memory_space<vmem>>, vector<16xf32>,
        tpu.vector_store_idx %arg11[%shift_right_arithmetic3A_255, %and3A_279, %broadcast_in_dim3A_426], %get3A_429 : memref<8x8x133xf32, #tpu.memory_space<vmem>>[vector<16xi32>, vector<16xi32>, vector<16xi32>], vector<16xf32>,
        %get3A_430 = arith.index_cast %add3A_425 : i32 to index
        %get3A_431 = arith.constant 16 : index
        %get3A_432 = tpu.vector_load %arg9[%get3A_430, %get3A_431] {strides = array<i32>} : memref<128x64xf32, #tpu.memory_space<vmem>>, vector<16xf32>,
        tpu.vector_store_idx %arg11[%shift_right_arithmetic3A_261, %and3A_285, %broadcast_in_dim3A_426], %get3A_432 : memref<8x8x133xf32, #tpu.memory_space<vmem>>[vector<16xi32>, vector<16xi32>, vector<16xi32>], vector<16xf32>,
        %get3A_433 = arith.index_cast %add3A_425 : i32 to index
        %get3A_434 = arith.constant 32 : index
        %get3A_435 = tpu.vector_load %arg9[%get3A_433, %get3A_434] {strides = array<i32>} : memref<128x64xf32, #tpu.memory_space<vmem>>, vector<16xf32>,
        tpu.vector_store_idx %arg11[%shift_right_arithmetic3A_267, %and3A_291, %broadcast_in_dim3A_426], %get3A_435 : memref<8x8x133xf32, #tpu.memory_space<vmem>>[vector<16xi32>, vector<16xi32>, vector<16xi32>], vector<16xf32>,
        %get3A_436 = arith.index_cast %add3A_425 : i32 to index
        %get3A_437 = arith.constant 48 : index
        %get3A_438 = tpu.vector_load %arg9[%get3A_436, %get3A_437] {strides = array<i32>} : memref<128x64xf32, #tpu.memory_space<vmem>>, vector<16xf32>,
        tpu.vector_store_idx %arg11[%shift_right_arithmetic3A_273, %and3A_297, %broadcast_in_dim3A_426], %get3A_438 : memref<8x8x133xf32, #tpu.memory_space<vmem>>[vector<16xi32>, vector<16xi32>, vector<16xi32>], vector<16xf32>,
        %scan3A_439 = arith.constant 6 : i32
        %scan3A_440 = arith.addi %scan3A_328, %scan3A_439 : i32
        %mul3A_441 = arith.constant 1 : i32
        %mul3A_442 = arith.muli %scan3A_440, %mul3A_441 : i32
        %add3A_443 = arith.constant 0 : i32
        %add3A_444 = arith.addi %add3A_443, %mul3A_442 : i32
        %broadcast_in_dim3A_445 = vector.broadcast %add3A_444 : i32 to vector<16xi32>
        %get3A_446 = arith.index_cast %add3A_444 : i32 to index
        %get3A_447 = arith.constant 0 : index
        %get3A_448 = tpu.vector_load %arg9[%get3A_446, %get3A_447] {strides = array<i32>} : memref<128x64xf32, #tpu.memory_space<vmem>>, vector<16xf32>,
        tpu.vector_store_idx %arg11[%shift_right_arithmetic3A_255, %and3A_279, %broadcast_in_dim3A_445], %get3A_448 : memref<8x8x133xf32, #tpu.memory_space<vmem>>[vector<16xi32>, vector<16xi32>, vector<16xi32>], vector<16xf32>,
        %get3A_449 = arith.index_cast %add3A_444 : i32 to index
        %get3A_450 = arith.constant 16 : index
        %get3A_451 = tpu.vector_load %arg9[%get3A_449, %get3A_450] {strides = array<i32>} : memref<128x64xf32, #tpu.memory_space<vmem>>, vector<16xf32>,
        tpu.vector_store_idx %arg11[%shift_right_arithmetic3A_261, %and3A_285, %broadcast_in_dim3A_445], %get3A_451 : memref<8x8x133xf32, #tpu.memory_space<vmem>>[vector<16xi32>, vector<16xi32>, vector<16xi32>], vector<16xf32>,
        %get3A_452 = arith.index_cast %add3A_444 : i32 to index
        %get3A_453 = arith.constant 32 : index
        %get3A_454 = tpu.vector_load %arg9[%get3A_452, %get3A_453] {strides = array<i32>} : memref<128x64xf32, #tpu.memory_space<vmem>>, vector<16xf32>,
        tpu.vector_store_idx %arg11[%shift_right_arithmetic3A_267, %and3A_291, %broadcast_in_dim3A_445], %get3A_454 : memref<8x8x133xf32, #tpu.memory_space<vmem>>[vector<16xi32>, vector<16xi32>, vector<16xi32>], vector<16xf32>,
        %get3A_455 = arith.index_cast %add3A_444 : i32 to index
        %get3A_456 = arith.constant 48 : index
        %get3A_457 = tpu.vector_load %arg9[%get3A_455, %get3A_456] {strides = array<i32>} : memref<128x64xf32, #tpu.memory_space<vmem>>, vector<16xf32>,
        tpu.vector_store_idx %arg11[%shift_right_arithmetic3A_273, %and3A_297, %broadcast_in_dim3A_445], %get3A_457 : memref<8x8x133xf32, #tpu.memory_space<vmem>>[vector<16xi32>, vector<16xi32>, vector<16xi32>], vector<16xf32>,
        %scan3A_458 = arith.constant 7 : i32
        %scan3A_459 = arith.addi %scan3A_328, %scan3A_458 : i32
        %mul3A_460 = arith.constant 1 : i32
        %mul3A_461 = arith.muli %scan3A_459, %mul3A_460 : i32
        %add3A_462 = arith.constant 0 : i32
        %add3A_463 = arith.addi %add3A_462, %mul3A_461 : i32
        %broadcast_in_dim3A_464 = vector.broadcast %add3A_463 : i32 to vector<16xi32>
        %get3A_465 = arith.index_cast %add3A_463 : i32 to index
        %get3A_466 = arith.constant 0 : index
        %get3A_467 = tpu.vector_load %arg9[%get3A_465, %get3A_466] {strides = array<i32>} : memref<128x64xf32, #tpu.memory_space<vmem>>, vector<16xf32>,
        tpu.vector_store_idx %arg11[%shift_right_arithmetic3A_255, %and3A_279, %broadcast_in_dim3A_464], %get3A_467 : memref<8x8x133xf32, #tpu.memory_space<vmem>>[vector<16xi32>, vector<16xi32>, vector<16xi32>], vector<16xf32>,
        %get3A_468 = arith.index_cast %add3A_463 : i32 to index
        %get3A_469 = arith.constant 16 : index
        %get3A_470 = tpu.vector_load %arg9[%get3A_468, %get3A_469] {strides = array<i32>} : memref<128x64xf32, #tpu.memory_space<vmem>>, vector<16xf32>,
        tpu.vector_store_idx %arg11[%shift_right_arithmetic3A_261, %and3A_285, %broadcast_in_dim3A_464], %get3A_470 : memref<8x8x133xf32, #tpu.memory_space<vmem>>[vector<16xi32>, vector<16xi32>, vector<16xi32>], vector<16xf32>,
        %get3A_471 = arith.index_cast %add3A_463 : i32 to index
        %get3A_472 = arith.constant 32 : index
        %get3A_473 = tpu.vector_load %arg9[%get3A_471, %get3A_472] {strides = array<i32>} : memref<128x64xf32, #tpu.memory_space<vmem>>, vector<16xf32>,
        tpu.vector_store_idx %arg11[%shift_right_arithmetic3A_267, %and3A_291, %broadcast_in_dim3A_464], %get3A_473 : memref<8x8x133xf32, #tpu.memory_space<vmem>>[vector<16xi32>, vector<16xi32>, vector<16xi32>], vector<16xf32>,
        %get3A_474 = arith.index_cast %add3A_463 : i32 to index
        %get3A_475 = arith.constant 48 : index
        %get3A_476 = tpu.vector_load %arg9[%get3A_474, %get3A_475] {strides = array<i32>} : memref<128x64xf32, #tpu.memory_space<vmem>>, vector<16xf32>,
        tpu.vector_store_idx %arg11[%shift_right_arithmetic3A_273, %and3A_297, %broadcast_in_dim3A_464], %get3A_476 : memref<8x8x133xf32, #tpu.memory_space<vmem>>[vector<16xi32>, vector<16xi32>, vector<16xi32>], vector<16xf32>,
      }
      %scan3A_302 = arith.constant 128 : i32
      %dma_start3A_303 = arith.constant 0 : i32
      %dma_start3A_304 = arith.constant 0 : i32
      %dma_start3A_305 = arith.constant 0 : i32
      %dma_start3A_306 = tpu.memref_slice %arg11[%dma_start3A_303, %dma_start3A_304, %dma_start3A_305] : memref<8x8x133xf32, #tpu.memory_space<vmem>> -> memref<8x8x128xf32, #tpu.memory_space<vmem>>
      %dma_start3A_307 = arith.constant 0 : i32
      %dma_start3A_308 = arith.constant 0 : i32
      %dma_start3A_309 = arith.constant 0 : i32
      %dma_start3A_310 = tpu.memref_slice %arg4[%add3A_235, %dma_start3A_307, %add3A_4, %dma_start3A_308, %dma_start3A_309] : memref<50x8x128x8x128xf32, #tpu.memory_space<hbm>> -> memref<1x8x1x8x128xf32, #tpu.memory_space<hbm>>
      %dma_start3A_311 = tpu.memref_squeeze %dma_start3A_310 : memref<1x8x1x8x128xf32, #tpu.memory_space<hbm>> -> memref<8x8x128xf32, #tpu.memory_space<hbm>>
      %dma_start3A_312 = arith.constant 0 : i32
      %dma_start3A_313 = arith.constant 0 : i32
      %dma_start3A_314 = arith.constant 0 : i32
      %dma_start3A_315 = tpu.memref_slice %arg4[%add3A_235, %dma_start3A_312, %add3A_4, %dma_start3A_313, %dma_start3A_314] : memref<50x8x128x8x128xf32, #tpu.memory_space<hbm>> -> memref<1x8x1x8x128xf32, #tpu.memory_space<hbm>>
      %dma_start3A_316 = tpu.memref_squeeze %dma_start3A_315 : memref<1x8x1x8x128xf32, #tpu.memory_space<hbm>> -> memref<8x8x128xf32, #tpu.memory_space<hbm>>
      %dma_start3A_317 = arith.constant 0 : i32
      %dma_start3A_318 = arith.constant 0 : i32
      %dma_start3A_319 = arith.constant 0 : i32
      %dma_start3A_320 = tpu.memref_slice %arg11[%dma_start3A_317, %dma_start3A_318, %dma_start3A_319] : memref<8x8x133xf32, #tpu.memory_space<vmem>> -> memref<8x8x128xf32, #tpu.memory_space<vmem>>
      tpu.enqueue_dma source(%dma_start3A_320 : memref<8x8x128xf32, #tpu.memory_space<vmem>>) target(%dma_start3A_316 : memref<8x8x128xf32, #tpu.memory_space<hbm>>) target_semaphore(%arg13 : memref<!tpu.dma_semaphore, #tpu.memory_space<semaphore_mem>>)
      %add3A_321 = arith.constant 2 : i32
      %add3A_322 = arith.addi %add3A_235, %add3A_321 : i32
      %lt3A_323 = arith.constant 50 : i32
      %lt3A_324 = arith.cmpi slt, %add3A_322, %lt3A_323 : i32
      %convert_element_type3A_325 = arith.extui %lt3A_324 : i1 to i32
      %cond3A_326 = arith.constant 0 : i32
      %cond3A_327 = arith.cmpi ne, %convert_element_type3A_325, %cond3A_326 : i32
      scf.if %cond3A_327 {
        %dma_start3A_328 = arith.constant 0 : i32
        %dma_start3A_329 = tpu.memref_slice %arg7[%add3A_322, %dma_start3A_328] : memref<50x128xi32, #tpu.memory_space<vmem>> -> memref<1x128xi32, #tpu.memory_space<vmem>>
        %dma_start3A_330 = tpu.memref_squeeze %dma_start3A_329 : memref<1x128xi32, #tpu.memory_space<vmem>> -> memref<128xi32, #tpu.memory_space<vmem>>
        %dma_start3A_331 = arith.constant 0 : i32
        %dma_start3A_332 = arith.constant 0 : i32
        %dma_start3A_333 = tpu.memref_slice %arg2[%dma_start3A_331, %dma_start3A_332] : memref<2000000x64xf32, #tpu.memory_space<hbm>> -> memref<2000000x64xf32, #tpu.memory_space<hbm>>
        tpu.enqueue_indirect_dma source(%dma_start3A_333 : memref<2000000x64xf32, #tpu.memory_space<hbm>>) target(%arg9 : memref<128x64xf32, #tpu.memory_space<vmem>>) offsets(%dma_start3A_330 : memref<128xi32, #tpu.memory_space<vmem>>) semaphore(%arg6 : memref<!tpu.dma_semaphore, #tpu.memory_space<semaphore_mem>>)
      } else {
      }
    }
    %scan3A_23 = arith.constant 25 : i32
    %mul3A_24 = arith.constant 4 : i32
    %mul3A_25 = arith.muli %add3A, %mul3A_24 : i32
    %add3A_26 = arith.constant 1 : i32
    %add3A_27 = arith.addi %mul3A_25, %add3A_26 : i32
    %mul3A_28 = arith.constant 128 : i32
    %mul3A_29 = arith.muli %add3A_27, %mul3A_28 : i32
    "tpu.region"() ({
      %run_scoped3A = tpu.sem_alloc : memref<!tpu.dma_semaphore, #tpu.memory_space<semaphore_mem>>
      %dma_start3A_138 = arith.constant 0 : i32
      %dma_start3A_139 = tpu.memref_slice %arg3[%dma_start3A_138, %mul3A_29] : memref<50x16384xi32, #tpu.memory_space<hbm>> -> memref<50x128xi32, #tpu.memory_space<hbm>>
      %dma_start3A_140 = arith.constant 0 : i32
      %dma_start3A_141 = tpu.memref_slice %arg3[%dma_start3A_140, %mul3A_29] : memref<50x16384xi32, #tpu.memory_space<hbm>> -> memref<50x128xi32, #tpu.memory_space<hbm>>
      tpu.enqueue_dma source(%dma_start3A_141 : memref<50x128xi32, #tpu.memory_space<hbm>>) target(%arg7 : memref<50x128xi32, #tpu.memory_space<vmem>>) target_semaphore(%run_scoped3A : memref<!tpu.dma_semaphore, #tpu.memory_space<semaphore_mem>>)
      %dma_wait3A_142 = arith.constant 0 : i32
      %dma_wait3A_143 = tpu.memref_slice %arg3[%dma_wait3A_142, %mul3A_29] : memref<50x16384xi32, #tpu.memory_space<hbm>> -> memref<50x128xi32, #tpu.memory_space<hbm>>
      %dma_wait3A_144 = arith.constant 0 : i32
      %dma_wait3A_145 = tpu.memref_slice %arg3[%dma_wait3A_144, %mul3A_29] : memref<50x16384xi32, #tpu.memory_space<hbm>> -> memref<50x128xi32, #tpu.memory_space<hbm>>
      tpu.wait_dma2 semaphore(%run_scoped3A : memref<!tpu.dma_semaphore, #tpu.memory_space<semaphore_mem>>) src(%dma_wait3A_145 : memref<50x128xi32, #tpu.memory_space<hbm>>) dst(%arg7 : memref<50x128xi32, #tpu.memory_space<vmem>>)
      tpu.yield
    }) : () -> ()
    %dma_start3A_30 = arith.constant 0 : i32
    %dma_start3A_31 = arith.constant 0 : i32
    %dma_start3A_32 = tpu.memref_slice %arg7[%dma_start3A_30, %dma_start3A_31] : memref<50x128xi32, #tpu.memory_space<vmem>> -> memref<1x128xi32, #tpu.memory_space<vmem>>
    %dma_start3A_33 = tpu.memref_squeeze %dma_start3A_32 : memref<1x128xi32, #tpu.memory_space<vmem>> -> memref<128xi32, #tpu.memory_space<vmem>>
    %dma_start3A_34 = arith.constant 0 : i32
    %dma_start3A_35 = arith.constant 0 : i32
    %dma_start3A_36 = tpu.memref_slice %arg2[%dma_start3A_34, %dma_start3A_35] : memref<2000000x64xf32, #tpu.memory_space<hbm>> -> memref<2000000x64xf32, #tpu.memory_space<hbm>>
    tpu.enqueue_indirect_dma source(%dma_start3A_36 : memref<2000000x64xf32, #tpu.memory_space<hbm>>) target(%arg8 : memref<128x64xf32, #tpu.memory_space<vmem>>) offsets(%dma_start3A_33 : memref<128xi32, #tpu.memory_space<vmem>>) semaphore(%arg5 : memref<!tpu.dma_semaphore, #tpu.memory_space<semaphore_mem>>)
    %dma_start3A_37 = arith.constant 1 : i32
    %dma_start3A_38 = arith.constant 0 : i32
    %dma_start3A_39 = tpu.memref_slice %arg7[%dma_start3A_37, %dma_start3A_38] : memref<50x128xi32, #tpu.memory_space<vmem>> -> memref<1x128xi32, #tpu.memory_space<vmem>>
    %dma_start3A_40 = tpu.memref_squeeze %dma_start3A_39 : memref<1x128xi32, #tpu.memory_space<vmem>> -> memref<128xi32, #tpu.memory_space<vmem>>
    %dma_start3A_41 = arith.constant 0 : i32
    %dma_start3A_42 = arith.constant 0 : i32
    %dma_start3A_43 = tpu.memref_slice %arg2[%dma_start3A_41, %dma_start3A_42] : memref<2000000x64xf32, #tpu.memory_space<hbm>> -> memref<2000000x64xf32, #tpu.memory_space<hbm>>
    tpu.enqueue_indirect_dma source(%dma_start3A_43 : memref<2000000x64xf32, #tpu.memory_space<hbm>>) target(%arg9 : memref<128x64xf32, #tpu.memory_space<vmem>>) offsets(%dma_start3A_40 : memref<128xi32, #tpu.memory_space<vmem>>) semaphore(%arg6 : memref<!tpu.dma_semaphore, #tpu.memory_space<semaphore_mem>>)
    %scan3A_44 = arith.constant 0 : i32
    %scan3A_45 = arith.constant 25 : i32
    %scan3A_46 = arith.addi %scan3A_44, %scan3A_45 : i32
    %scan3A_47 = arith.constant 1 : i32
    scf.for %scan3A_138 = %scan3A_44 to %scan3A_46 step %scan3A_47  : i32 {
      %mul3A_139 = arith.constant 1 : i32
      %mul3A_140 = arith.muli %scan3A_138, %mul3A_139 : i32
      %add3A_141 = arith.constant 0 : i32
      %add3A_142 = arith.addi %add3A_141, %mul3A_140 : i32
      %mul3A_143 = arith.constant 2 : i32
      %mul3A_144 = arith.muli %add3A_142, %mul3A_143 : i32
      %add3A_145 = arith.constant 0 : i32
      %add3A_146 = arith.addi %mul3A_144, %add3A_145 : i32
      %add3A_147 = arith.constant 50 : i32
      %add3A_148 = arith.addi %add3A_147, %add3A_146 : i32
      %dma_wait3A_149 = arith.constant 0 : i32
      %dma_wait3A_150 = tpu.memref_slice %arg7[%add3A_146, %dma_wait3A_149] : memref<50x128xi32, #tpu.memory_space<vmem>> -> memref<1x128xi32, #tpu.memory_space<vmem>>
      %dma_wait3A_151 = tpu.memref_squeeze %dma_wait3A_150 : memref<1x128xi32, #tpu.memory_space<vmem>> -> memref<128xi32, #tpu.memory_space<vmem>>
      %dma_wait3A_152 = arith.constant 0 : i32
      %dma_wait3A_153 = arith.constant 0 : i32
      %dma_wait3A_154 = tpu.memref_slice %arg2[%dma_wait3A_152, %dma_wait3A_153] : memref<2000000x64xf32, #tpu.memory_space<hbm>> -> memref<2000000x64xf32, #tpu.memory_space<hbm>>
      tpu.wait_indirect_dma semaphore(%arg5 : memref<!tpu.dma_semaphore, #tpu.memory_space<semaphore_mem>>) src(%dma_wait3A_154 : memref<2000000x64xf32, #tpu.memory_space<hbm>>) dst(%arg8 : memref<128x64xf32, #tpu.memory_space<vmem>>)
      %ge3A = arith.constant 2 : i32
      %ge3A_155 = arith.cmpi sge, %add3A_148, %ge3A : i32
      %convert_element_type3A = arith.extui %ge3A_155 : i1 to i32
      %cond3A = arith.constant 0 : i32
      %cond3A_156 = arith.cmpi ne, %convert_element_type3A, %cond3A : i32
      scf.if %cond3A_156 {
        %dma_wait3A_328 = arith.constant 0 : i32
        %dma_wait3A_329 = arith.constant 0 : i32
        %dma_wait3A_330 = arith.constant 0 : i32
        %dma_wait3A_331 = arith.constant 0 : i32
        %dma_wait3A_332 = arith.constant 0 : i32
        %dma_wait3A_333 = tpu.memref_slice %arg10[%dma_wait3A_330, %dma_wait3A_331, %dma_wait3A_332] : memref<8x8x133xf32, #tpu.memory_space<vmem>> -> memref<8x8x128xf32, #tpu.memory_space<vmem>>
        %dma_wait3A_334 = arith.constant 0 : i32
        %dma_wait3A_335 = arith.constant 0 : i32
        %dma_wait3A_336 = arith.constant 0 : i32
        %dma_wait3A_337 = tpu.memref_slice %arg4[%dma_wait3A_328, %dma_wait3A_334, %dma_wait3A_329, %dma_wait3A_335, %dma_wait3A_336] : memref<50x8x128x8x128xf32, #tpu.memory_space<hbm>> -> memref<1x8x1x8x128xf32, #tpu.memory_space<hbm>>
        %dma_wait3A_338 = tpu.memref_squeeze %dma_wait3A_337 : memref<1x8x1x8x128xf32, #tpu.memory_space<hbm>> -> memref<8x8x128xf32, #tpu.memory_space<hbm>>
        %dma_wait3A_339 = arith.constant 0 : i32
        %dma_wait3A_340 = arith.constant 0 : i32
        %dma_wait3A_341 = arith.constant 0 : i32
        %dma_wait3A_342 = tpu.memref_slice %arg4[%dma_wait3A_328, %dma_wait3A_339, %dma_wait3A_329, %dma_wait3A_340, %dma_wait3A_341] : memref<50x8x128x8x128xf32, #tpu.memory_space<hbm>> -> memref<1x8x1x8x128xf32, #tpu.memory_space<hbm>>
        %dma_wait3A_343 = tpu.memref_squeeze %dma_wait3A_342 : memref<1x8x1x8x128xf32, #tpu.memory_space<hbm>> -> memref<8x8x128xf32, #tpu.memory_space<hbm>>
        %dma_wait3A_344 = arith.constant 0 : i32
        %dma_wait3A_345 = arith.constant 0 : i32
        %dma_wait3A_346 = arith.constant 0 : i32
        %dma_wait3A_347 = tpu.memref_slice %arg10[%dma_wait3A_344, %dma_wait3A_345, %dma_wait3A_346] : memref<8x8x133xf32, #tpu.memory_space<vmem>> -> memref<8x8x128xf32, #tpu.memory_space<vmem>>
        tpu.wait_dma2 semaphore(%arg12 : memref<!tpu.dma_semaphore, #tpu.memory_space<semaphore_mem>>) src(%dma_wait3A_347 : memref<8x8x128xf32, #tpu.memory_space<vmem>>) dst(%dma_wait3A_343 : memref<8x8x128xf32, #tpu.memory_space<hbm>>)
      } else {
      }
      %iota3A = tpu.iota {dimensions = array<i32: 0>} : vector<16xi32>
      %add3A_157 = arith.constant 0 : i32
      %add3A_158 = vector.broadcast %add3A_157 : i32 to vector<16xi32>
      %add3A_159 = arith.addi %add3A_158, %iota3A : vector<16xi32>
      %shift_right_arithmetic3A = arith.constant 3 : i32
      %shift_right_arithmetic3A_160 = vector.broadcast %shift_right_arithmetic3A : i32 to vector<16xi32>
      %shift_right_arithmetic3A_161 = arith.shrsi %add3A_159, %shift_right_arithmetic3A_160 : vector<16xi32>
      %add3A_162 = arith.constant 16 : i32
      %add3A_163 = vector.broadcast %add3A_162 : i32 to vector<16xi32>
      %add3A_164 = arith.addi %add3A_163, %iota3A : vector<16xi32>
      %shift_right_arithmetic3A_165 = arith.constant 3 : i32
      %shift_right_arithmetic3A_166 = vector.broadcast %shift_right_arithmetic3A_165 : i32 to vector<16xi32>
      %shift_right_arithmetic3A_167 = arith.shrsi %add3A_164, %shift_right_arithmetic3A_166 : vector<16xi32>
      %add3A_168 = arith.constant 32 : i32
      %add3A_169 = vector.broadcast %add3A_168 : i32 to vector<16xi32>
      %add3A_170 = arith.addi %add3A_169, %iota3A : vector<16xi32>
      %shift_right_arithmetic3A_171 = arith.constant 3 : i32
      %shift_right_arithmetic3A_172 = vector.broadcast %shift_right_arithmetic3A_171 : i32 to vector<16xi32>
      %shift_right_arithmetic3A_173 = arith.shrsi %add3A_170, %shift_right_arithmetic3A_172 : vector<16xi32>
      %add3A_174 = arith.constant 48 : i32
      %add3A_175 = vector.broadcast %add3A_174 : i32 to vector<16xi32>
      %add3A_176 = arith.addi %add3A_175, %iota3A : vector<16xi32>
      %shift_right_arithmetic3A_177 = arith.constant 3 : i32
      %shift_right_arithmetic3A_178 = vector.broadcast %shift_right_arithmetic3A_177 : i32 to vector<16xi32>
      %shift_right_arithmetic3A_179 = arith.shrsi %add3A_176, %shift_right_arithmetic3A_178 : vector<16xi32>
      %add3A_180 = arith.constant 0 : i32
      %add3A_181 = vector.broadcast %add3A_180 : i32 to vector<16xi32>
      %add3A_182 = arith.addi %add3A_181, %iota3A : vector<16xi32>
      %and3A = arith.constant 7 : i32
      %and3A_183 = vector.broadcast %and3A : i32 to vector<16xi32>
      %and3A_184 = arith.andi %add3A_182, %and3A_183 : vector<16xi32>
      %add3A_185 = arith.constant 16 : i32
      %add3A_186 = vector.broadcast %add3A_185 : i32 to vector<16xi32>
      %add3A_187 = arith.addi %add3A_186, %iota3A : vector<16xi32>
      %and3A_188 = arith.constant 7 : i32
      %and3A_189 = vector.broadcast %and3A_188 : i32 to vector<16xi32>
      %and3A_190 = arith.andi %add3A_187, %and3A_189 : vector<16xi32>
      %add3A_191 = arith.constant 32 : i32
      %add3A_192 = vector.broadcast %add3A_191 : i32 to vector<16xi32>
      %add3A_193 = arith.addi %add3A_192, %iota3A : vector<16xi32>
      %and3A_194 = arith.constant 7 : i32
      %and3A_195 = vector.broadcast %and3A_194 : i32 to vector<16xi32>
      %and3A_196 = arith.andi %add3A_193, %and3A_195 : vector<16xi32>
      %add3A_197 = arith.constant 48 : i32
      %add3A_198 = vector.broadcast %add3A_197 : i32 to vector<16xi32>
      %add3A_199 = arith.addi %add3A_198, %iota3A : vector<16xi32>
      %and3A_200 = arith.constant 7 : i32
      %and3A_201 = vector.broadcast %and3A_200 : i32 to vector<16xi32>
      %and3A_202 = arith.andi %add3A_199, %and3A_201 : vector<16xi32>
      %scan3A_203 = arith.constant 0 : i32
      %scan3A_204 = arith.constant 128 : i32
      %scan3A_205 = arith.addi %scan3A_203, %scan3A_204 : i32
      %scan3A_206 = arith.constant 8 : i32
      scf.for %scan3A_328 = %scan3A_203 to %scan3A_205 step %scan3A_206  : i32 {
        %mul3A_329 = arith.constant 1 : i32
        %mul3A_330 = arith.muli %scan3A_328, %mul3A_329 : i32
        %add3A_331 = arith.constant 0 : i32
        %add3A_332 = arith.addi %add3A_331, %mul3A_330 : i32
        %broadcast_in_dim3A = vector.broadcast %add3A_332 : i32 to vector<16xi32>
        %get3A = arith.index_cast %add3A_332 : i32 to index
        %get3A_333 = arith.constant 0 : index
        %get3A_334 = tpu.vector_load %arg8[%get3A, %get3A_333] {strides = array<i32>} : memref<128x64xf32, #tpu.memory_space<vmem>>, vector<16xf32>,
        tpu.vector_store_idx %arg10[%shift_right_arithmetic3A_161, %and3A_184, %broadcast_in_dim3A], %get3A_334 : memref<8x8x133xf32, #tpu.memory_space<vmem>>[vector<16xi32>, vector<16xi32>, vector<16xi32>], vector<16xf32>,
        %get3A_335 = arith.index_cast %add3A_332 : i32 to index
        %get3A_336 = arith.constant 16 : index
        %get3A_337 = tpu.vector_load %arg8[%get3A_335, %get3A_336] {strides = array<i32>} : memref<128x64xf32, #tpu.memory_space<vmem>>, vector<16xf32>,
        tpu.vector_store_idx %arg10[%shift_right_arithmetic3A_167, %and3A_190, %broadcast_in_dim3A], %get3A_337 : memref<8x8x133xf32, #tpu.memory_space<vmem>>[vector<16xi32>, vector<16xi32>, vector<16xi32>], vector<16xf32>,
        %get3A_338 = arith.index_cast %add3A_332 : i32 to index
        %get3A_339 = arith.constant 32 : index
        %get3A_340 = tpu.vector_load %arg8[%get3A_338, %get3A_339] {strides = array<i32>} : memref<128x64xf32, #tpu.memory_space<vmem>>, vector<16xf32>,
        tpu.vector_store_idx %arg10[%shift_right_arithmetic3A_173, %and3A_196, %broadcast_in_dim3A], %get3A_340 : memref<8x8x133xf32, #tpu.memory_space<vmem>>[vector<16xi32>, vector<16xi32>, vector<16xi32>], vector<16xf32>,
        %get3A_341 = arith.index_cast %add3A_332 : i32 to index
        %get3A_342 = arith.constant 48 : index
        %get3A_343 = tpu.vector_load %arg8[%get3A_341, %get3A_342] {strides = array<i32>} : memref<128x64xf32, #tpu.memory_space<vmem>>, vector<16xf32>,
        tpu.vector_store_idx %arg10[%shift_right_arithmetic3A_179, %and3A_202, %broadcast_in_dim3A], %get3A_343 : memref<8x8x133xf32, #tpu.memory_space<vmem>>[vector<16xi32>, vector<16xi32>, vector<16xi32>], vector<16xf32>,
        %scan3A_344 = arith.constant 1 : i32
        %scan3A_345 = arith.addi %scan3A_328, %scan3A_344 : i32
        %mul3A_346 = arith.constant 1 : i32
        %mul3A_347 = arith.muli %scan3A_345, %mul3A_346 : i32
        %add3A_348 = arith.constant 0 : i32
        %add3A_349 = arith.addi %add3A_348, %mul3A_347 : i32
        %broadcast_in_dim3A_350 = vector.broadcast %add3A_349 : i32 to vector<16xi32>
        %get3A_351 = arith.index_cast %add3A_349 : i32 to index
        %get3A_352 = arith.constant 0 : index
        %get3A_353 = tpu.vector_load %arg8[%get3A_351, %get3A_352] {strides = array<i32>} : memref<128x64xf32, #tpu.memory_space<vmem>>, vector<16xf32>,
        tpu.vector_store_idx %arg10[%shift_right_arithmetic3A_161, %and3A_184, %broadcast_in_dim3A_350], %get3A_353 : memref<8x8x133xf32, #tpu.memory_space<vmem>>[vector<16xi32>, vector<16xi32>, vector<16xi32>], vector<16xf32>,
        %get3A_354 = arith.index_cast %add3A_349 : i32 to index
        %get3A_355 = arith.constant 16 : index
        %get3A_356 = tpu.vector_load %arg8[%get3A_354, %get3A_355] {strides = array<i32>} : memref<128x64xf32, #tpu.memory_space<vmem>>, vector<16xf32>,
        tpu.vector_store_idx %arg10[%shift_right_arithmetic3A_167, %and3A_190, %broadcast_in_dim3A_350], %get3A_356 : memref<8x8x133xf32, #tpu.memory_space<vmem>>[vector<16xi32>, vector<16xi32>, vector<16xi32>], vector<16xf32>,
        %get3A_357 = arith.index_cast %add3A_349 : i32 to index
        %get3A_358 = arith.constant 32 : index
        %get3A_359 = tpu.vector_load %arg8[%get3A_357, %get3A_358] {strides = array<i32>} : memref<128x64xf32, #tpu.memory_space<vmem>>, vector<16xf32>,
        tpu.vector_store_idx %arg10[%shift_right_arithmetic3A_173, %and3A_196, %broadcast_in_dim3A_350], %get3A_359 : memref<8x8x133xf32, #tpu.memory_space<vmem>>[vector<16xi32>, vector<16xi32>, vector<16xi32>], vector<16xf32>,
        %get3A_360 = arith.index_cast %add3A_349 : i32 to index
        %get3A_361 = arith.constant 48 : index
        %get3A_362 = tpu.vector_load %arg8[%get3A_360, %get3A_361] {strides = array<i32>} : memref<128x64xf32, #tpu.memory_space<vmem>>, vector<16xf32>,
        tpu.vector_store_idx %arg10[%shift_right_arithmetic3A_179, %and3A_202, %broadcast_in_dim3A_350], %get3A_362 : memref<8x8x133xf32, #tpu.memory_space<vmem>>[vector<16xi32>, vector<16xi32>, vector<16xi32>], vector<16xf32>,
        %scan3A_363 = arith.constant 2 : i32
        %scan3A_364 = arith.addi %scan3A_328, %scan3A_363 : i32
        %mul3A_365 = arith.constant 1 : i32
        %mul3A_366 = arith.muli %scan3A_364, %mul3A_365 : i32
        %add3A_367 = arith.constant 0 : i32
        %add3A_368 = arith.addi %add3A_367, %mul3A_366 : i32
        %broadcast_in_dim3A_369 = vector.broadcast %add3A_368 : i32 to vector<16xi32>
        %get3A_370 = arith.index_cast %add3A_368 : i32 to index
        %get3A_371 = arith.constant 0 : index
        %get3A_372 = tpu.vector_load %arg8[%get3A_370, %get3A_371] {strides = array<i32>} : memref<128x64xf32, #tpu.memory_space<vmem>>, vector<16xf32>,
        tpu.vector_store_idx %arg10[%shift_right_arithmetic3A_161, %and3A_184, %broadcast_in_dim3A_369], %get3A_372 : memref<8x8x133xf32, #tpu.memory_space<vmem>>[vector<16xi32>, vector<16xi32>, vector<16xi32>], vector<16xf32>,
        %get3A_373 = arith.index_cast %add3A_368 : i32 to index
        %get3A_374 = arith.constant 16 : index
        %get3A_375 = tpu.vector_load %arg8[%get3A_373, %get3A_374] {strides = array<i32>} : memref<128x64xf32, #tpu.memory_space<vmem>>, vector<16xf32>,
        tpu.vector_store_idx %arg10[%shift_right_arithmetic3A_167, %and3A_190, %broadcast_in_dim3A_369], %get3A_375 : memref<8x8x133xf32, #tpu.memory_space<vmem>>[vector<16xi32>, vector<16xi32>, vector<16xi32>], vector<16xf32>,
        %get3A_376 = arith.index_cast %add3A_368 : i32 to index
        %get3A_377 = arith.constant 32 : index
        %get3A_378 = tpu.vector_load %arg8[%get3A_376, %get3A_377] {strides = array<i32>} : memref<128x64xf32, #tpu.memory_space<vmem>>, vector<16xf32>,
        tpu.vector_store_idx %arg10[%shift_right_arithmetic3A_173, %and3A_196, %broadcast_in_dim3A_369], %get3A_378 : memref<8x8x133xf32, #tpu.memory_space<vmem>>[vector<16xi32>, vector<16xi32>, vector<16xi32>], vector<16xf32>,
        %get3A_379 = arith.index_cast %add3A_368 : i32 to index
        %get3A_380 = arith.constant 48 : index
        %get3A_381 = tpu.vector_load %arg8[%get3A_379, %get3A_380] {strides = array<i32>} : memref<128x64xf32, #tpu.memory_space<vmem>>, vector<16xf32>,
        tpu.vector_store_idx %arg10[%shift_right_arithmetic3A_179, %and3A_202, %broadcast_in_dim3A_369], %get3A_381 : memref<8x8x133xf32, #tpu.memory_space<vmem>>[vector<16xi32>, vector<16xi32>, vector<16xi32>], vector<16xf32>,
        %scan3A_382 = arith.constant 3 : i32
        %scan3A_383 = arith.addi %scan3A_328, %scan3A_382 : i32
        %mul3A_384 = arith.constant 1 : i32
        %mul3A_385 = arith.muli %scan3A_383, %mul3A_384 : i32
        %add3A_386 = arith.constant 0 : i32
        %add3A_387 = arith.addi %add3A_386, %mul3A_385 : i32
        %broadcast_in_dim3A_388 = vector.broadcast %add3A_387 : i32 to vector<16xi32>
        %get3A_389 = arith.index_cast %add3A_387 : i32 to index
        %get3A_390 = arith.constant 0 : index
        %get3A_391 = tpu.vector_load %arg8[%get3A_389, %get3A_390] {strides = array<i32>} : memref<128x64xf32, #tpu.memory_space<vmem>>, vector<16xf32>,
        tpu.vector_store_idx %arg10[%shift_right_arithmetic3A_161, %and3A_184, %broadcast_in_dim3A_388], %get3A_391 : memref<8x8x133xf32, #tpu.memory_space<vmem>>[vector<16xi32>, vector<16xi32>, vector<16xi32>], vector<16xf32>,
        %get3A_392 = arith.index_cast %add3A_387 : i32 to index
        %get3A_393 = arith.constant 16 : index
        %get3A_394 = tpu.vector_load %arg8[%get3A_392, %get3A_393] {strides = array<i32>} : memref<128x64xf32, #tpu.memory_space<vmem>>, vector<16xf32>,
        tpu.vector_store_idx %arg10[%shift_right_arithmetic3A_167, %and3A_190, %broadcast_in_dim3A_388], %get3A_394 : memref<8x8x133xf32, #tpu.memory_space<vmem>>[vector<16xi32>, vector<16xi32>, vector<16xi32>], vector<16xf32>,
        %get3A_395 = arith.index_cast %add3A_387 : i32 to index
        %get3A_396 = arith.constant 32 : index
        %get3A_397 = tpu.vector_load %arg8[%get3A_395, %get3A_396] {strides = array<i32>} : memref<128x64xf32, #tpu.memory_space<vmem>>, vector<16xf32>,
        tpu.vector_store_idx %arg10[%shift_right_arithmetic3A_173, %and3A_196, %broadcast_in_dim3A_388], %get3A_397 : memref<8x8x133xf32, #tpu.memory_space<vmem>>[vector<16xi32>, vector<16xi32>, vector<16xi32>], vector<16xf32>,
        %get3A_398 = arith.index_cast %add3A_387 : i32 to index
        %get3A_399 = arith.constant 48 : index
        %get3A_400 = tpu.vector_load %arg8[%get3A_398, %get3A_399] {strides = array<i32>} : memref<128x64xf32, #tpu.memory_space<vmem>>, vector<16xf32>,
        tpu.vector_store_idx %arg10[%shift_right_arithmetic3A_179, %and3A_202, %broadcast_in_dim3A_388], %get3A_400 : memref<8x8x133xf32, #tpu.memory_space<vmem>>[vector<16xi32>, vector<16xi32>, vector<16xi32>], vector<16xf32>,
        %scan3A_401 = arith.constant 4 : i32
        %scan3A_402 = arith.addi %scan3A_328, %scan3A_401 : i32
        %mul3A_403 = arith.constant 1 : i32
        %mul3A_404 = arith.muli %scan3A_402, %mul3A_403 : i32
        %add3A_405 = arith.constant 0 : i32
        %add3A_406 = arith.addi %add3A_405, %mul3A_404 : i32
        %broadcast_in_dim3A_407 = vector.broadcast %add3A_406 : i32 to vector<16xi32>
        %get3A_408 = arith.index_cast %add3A_406 : i32 to index
        %get3A_409 = arith.constant 0 : index
        %get3A_410 = tpu.vector_load %arg8[%get3A_408, %get3A_409] {strides = array<i32>} : memref<128x64xf32, #tpu.memory_space<vmem>>, vector<16xf32>,
        tpu.vector_store_idx %arg10[%shift_right_arithmetic3A_161, %and3A_184, %broadcast_in_dim3A_407], %get3A_410 : memref<8x8x133xf32, #tpu.memory_space<vmem>>[vector<16xi32>, vector<16xi32>, vector<16xi32>], vector<16xf32>,
        %get3A_411 = arith.index_cast %add3A_406 : i32 to index
        %get3A_412 = arith.constant 16 : index
        %get3A_413 = tpu.vector_load %arg8[%get3A_411, %get3A_412] {strides = array<i32>} : memref<128x64xf32, #tpu.memory_space<vmem>>, vector<16xf32>,
        tpu.vector_store_idx %arg10[%shift_right_arithmetic3A_167, %and3A_190, %broadcast_in_dim3A_407], %get3A_413 : memref<8x8x133xf32, #tpu.memory_space<vmem>>[vector<16xi32>, vector<16xi32>, vector<16xi32>], vector<16xf32>,
        %get3A_414 = arith.index_cast %add3A_406 : i32 to index
        %get3A_415 = arith.constant 32 : index
        %get3A_416 = tpu.vector_load %arg8[%get3A_414, %get3A_415] {strides = array<i32>} : memref<128x64xf32, #tpu.memory_space<vmem>>, vector<16xf32>,
        tpu.vector_store_idx %arg10[%shift_right_arithmetic3A_173, %and3A_196, %broadcast_in_dim3A_407], %get3A_416 : memref<8x8x133xf32, #tpu.memory_space<vmem>>[vector<16xi32>, vector<16xi32>, vector<16xi32>], vector<16xf32>,
        %get3A_417 = arith.index_cast %add3A_406 : i32 to index
        %get3A_418 = arith.constant 48 : index
        %get3A_419 = tpu.vector_load %arg8[%get3A_417, %get3A_418] {strides = array<i32>} : memref<128x64xf32, #tpu.memory_space<vmem>>, vector<16xf32>,
        tpu.vector_store_idx %arg10[%shift_right_arithmetic3A_179, %and3A_202, %broadcast_in_dim3A_407], %get3A_419 : memref<8x8x133xf32, #tpu.memory_space<vmem>>[vector<16xi32>, vector<16xi32>, vector<16xi32>], vector<16xf32>,
        %scan3A_420 = arith.constant 5 : i32
        %scan3A_421 = arith.addi %scan3A_328, %scan3A_420 : i32
        %mul3A_422 = arith.constant 1 : i32
        %mul3A_423 = arith.muli %scan3A_421, %mul3A_422 : i32
        %add3A_424 = arith.constant 0 : i32
        %add3A_425 = arith.addi %add3A_424, %mul3A_423 : i32
        %broadcast_in_dim3A_426 = vector.broadcast %add3A_425 : i32 to vector<16xi32>
        %get3A_427 = arith.index_cast %add3A_425 : i32 to index
        %get3A_428 = arith.constant 0 : index
        %get3A_429 = tpu.vector_load %arg8[%get3A_427, %get3A_428] {strides = array<i32>} : memref<128x64xf32, #tpu.memory_space<vmem>>, vector<16xf32>,
        tpu.vector_store_idx %arg10[%shift_right_arithmetic3A_161, %and3A_184, %broadcast_in_dim3A_426], %get3A_429 : memref<8x8x133xf32, #tpu.memory_space<vmem>>[vector<16xi32>, vector<16xi32>, vector<16xi32>], vector<16xf32>,
        %get3A_430 = arith.index_cast %add3A_425 : i32 to index
        %get3A_431 = arith.constant 16 : index
        %get3A_432 = tpu.vector_load %arg8[%get3A_430, %get3A_431] {strides = array<i32>} : memref<128x64xf32, #tpu.memory_space<vmem>>, vector<16xf32>,
        tpu.vector_store_idx %arg10[%shift_right_arithmetic3A_167, %and3A_190, %broadcast_in_dim3A_426], %get3A_432 : memref<8x8x133xf32, #tpu.memory_space<vmem>>[vector<16xi32>, vector<16xi32>, vector<16xi32>], vector<16xf32>,
        %get3A_433 = arith.index_cast %add3A_425 : i32 to index
        %get3A_434 = arith.constant 32 : index
        %get3A_435 = tpu.vector_load %arg8[%get3A_433, %get3A_434] {strides = array<i32>} : memref<128x64xf32, #tpu.memory_space<vmem>>, vector<16xf32>,
        tpu.vector_store_idx %arg10[%shift_right_arithmetic3A_173, %and3A_196, %broadcast_in_dim3A_426], %get3A_435 : memref<8x8x133xf32, #tpu.memory_space<vmem>>[vector<16xi32>, vector<16xi32>, vector<16xi32>], vector<16xf32>,
        %get3A_436 = arith.index_cast %add3A_425 : i32 to index
        %get3A_437 = arith.constant 48 : index
        %get3A_438 = tpu.vector_load %arg8[%get3A_436, %get3A_437] {strides = array<i32>} : memref<128x64xf32, #tpu.memory_space<vmem>>, vector<16xf32>,
        tpu.vector_store_idx %arg10[%shift_right_arithmetic3A_179, %and3A_202, %broadcast_in_dim3A_426], %get3A_438 : memref<8x8x133xf32, #tpu.memory_space<vmem>>[vector<16xi32>, vector<16xi32>, vector<16xi32>], vector<16xf32>,
        %scan3A_439 = arith.constant 6 : i32
        %scan3A_440 = arith.addi %scan3A_328, %scan3A_439 : i32
        %mul3A_441 = arith.constant 1 : i32
        %mul3A_442 = arith.muli %scan3A_440, %mul3A_441 : i32
        %add3A_443 = arith.constant 0 : i32
        %add3A_444 = arith.addi %add3A_443, %mul3A_442 : i32
        %broadcast_in_dim3A_445 = vector.broadcast %add3A_444 : i32 to vector<16xi32>
        %get3A_446 = arith.index_cast %add3A_444 : i32 to index
        %get3A_447 = arith.constant 0 : index
        %get3A_448 = tpu.vector_load %arg8[%get3A_446, %get3A_447] {strides = array<i32>} : memref<128x64xf32, #tpu.memory_space<vmem>>, vector<16xf32>,
        tpu.vector_store_idx %arg10[%shift_right_arithmetic3A_161, %and3A_184, %broadcast_in_dim3A_445], %get3A_448 : memref<8x8x133xf32, #tpu.memory_space<vmem>>[vector<16xi32>, vector<16xi32>, vector<16xi32>], vector<16xf32>,
        %get3A_449 = arith.index_cast %add3A_444 : i32 to index
        %get3A_450 = arith.constant 16 : index
        %get3A_451 = tpu.vector_load %arg8[%get3A_449, %get3A_450] {strides = array<i32>} : memref<128x64xf32, #tpu.memory_space<vmem>>, vector<16xf32>,
        tpu.vector_store_idx %arg10[%shift_right_arithmetic3A_167, %and3A_190, %broadcast_in_dim3A_445], %get3A_451 : memref<8x8x133xf32, #tpu.memory_space<vmem>>[vector<16xi32>, vector<16xi32>, vector<16xi32>], vector<16xf32>,
        %get3A_452 = arith.index_cast %add3A_444 : i32 to index
        %get3A_453 = arith.constant 32 : index
        %get3A_454 = tpu.vector_load %arg8[%get3A_452, %get3A_453] {strides = array<i32>} : memref<128x64xf32, #tpu.memory_space<vmem>>, vector<16xf32>,
        tpu.vector_store_idx %arg10[%shift_right_arithmetic3A_173, %and3A_196, %broadcast_in_dim3A_445], %get3A_454 : memref<8x8x133xf32, #tpu.memory_space<vmem>>[vector<16xi32>, vector<16xi32>, vector<16xi32>], vector<16xf32>,
        %get3A_455 = arith.index_cast %add3A_444 : i32 to index
        %get3A_456 = arith.constant 48 : index
        %get3A_457 = tpu.vector_load %arg8[%get3A_455, %get3A_456] {strides = array<i32>} : memref<128x64xf32, #tpu.memory_space<vmem>>, vector<16xf32>,
        tpu.vector_store_idx %arg10[%shift_right_arithmetic3A_179, %and3A_202, %broadcast_in_dim3A_445], %get3A_457 : memref<8x8x133xf32, #tpu.memory_space<vmem>>[vector<16xi32>, vector<16xi32>, vector<16xi32>], vector<16xf32>,
        %scan3A_458 = arith.constant 7 : i32
        %scan3A_459 = arith.addi %scan3A_328, %scan3A_458 : i32
        %mul3A_460 = arith.constant 1 : i32
        %mul3A_461 = arith.muli %scan3A_459, %mul3A_460 : i32
        %add3A_462 = arith.constant 0 : i32
        %add3A_463 = arith.addi %add3A_462, %mul3A_461 : i32
        %broadcast_in_dim3A_464 = vector.broadcast %add3A_463 : i32 to vector<16xi32>
        %get3A_465 = arith.index_cast %add3A_463 : i32 to index
        %get3A_466 = arith.constant 0 : index
        %get3A_467 = tpu.vector_load %arg8[%get3A_465, %get3A_466] {strides = array<i32>} : memref<128x64xf32, #tpu.memory_space<vmem>>, vector<16xf32>,
        tpu.vector_store_idx %arg10[%shift_right_arithmetic3A_161, %and3A_184, %broadcast_in_dim3A_464], %get3A_467 : memref<8x8x133xf32, #tpu.memory_space<vmem>>[vector<16xi32>, vector<16xi32>, vector<16xi32>], vector<16xf32>,
        %get3A_468 = arith.index_cast %add3A_463 : i32 to index
        %get3A_469 = arith.constant 16 : index
        %get3A_470 = tpu.vector_load %arg8[%get3A_468, %get3A_469] {strides = array<i32>} : memref<128x64xf32, #tpu.memory_space<vmem>>, vector<16xf32>,
        tpu.vector_store_idx %arg10[%shift_right_arithmetic3A_167, %and3A_190, %broadcast_in_dim3A_464], %get3A_470 : memref<8x8x133xf32, #tpu.memory_space<vmem>>[vector<16xi32>, vector<16xi32>, vector<16xi32>], vector<16xf32>,
        %get3A_471 = arith.index_cast %add3A_463 : i32 to index
        %get3A_472 = arith.constant 32 : index
        %get3A_473 = tpu.vector_load %arg8[%get3A_471, %get3A_472] {strides = array<i32>} : memref<128x64xf32, #tpu.memory_space<vmem>>, vector<16xf32>,
        tpu.vector_store_idx %arg10[%shift_right_arithmetic3A_173, %and3A_196, %broadcast_in_dim3A_464], %get3A_473 : memref<8x8x133xf32, #tpu.memory_space<vmem>>[vector<16xi32>, vector<16xi32>, vector<16xi32>], vector<16xf32>,
        %get3A_474 = arith.index_cast %add3A_463 : i32 to index
        %get3A_475 = arith.constant 48 : index
        %get3A_476 = tpu.vector_load %arg8[%get3A_474, %get3A_475] {strides = array<i32>} : memref<128x64xf32, #tpu.memory_space<vmem>>, vector<16xf32>,
        tpu.vector_store_idx %arg10[%shift_right_arithmetic3A_179, %and3A_202, %broadcast_in_dim3A_464], %get3A_476 : memref<8x8x133xf32, #tpu.memory_space<vmem>>[vector<16xi32>, vector<16xi32>, vector<16xi32>], vector<16xf32>,
      }
      %scan3A_207 = arith.constant 128 : i32
      %dma_start3A_208 = arith.constant 0 : i32
      %dma_start3A_209 = arith.constant 0 : i32
      %dma_start3A_210 = arith.constant 0 : i32
      %dma_start3A_211 = tpu.memref_slice %arg10[%dma_start3A_208, %dma_start3A_209, %dma_start3A_210] : memref<8x8x133xf32, #tpu.memory_space<vmem>> -> memref<8x8x128xf32, #tpu.memory_space<vmem>>
      %dma_start3A_212 = arith.constant 0 : i32
      %dma_start3A_213 = arith.constant 0 : i32
      %dma_start3A_214 = arith.constant 0 : i32
      %dma_start3A_215 = tpu.memref_slice %arg4[%add3A_146, %dma_start3A_212, %add3A_27, %dma_start3A_213, %dma_start3A_214] : memref<50x8x128x8x128xf32, #tpu.memory_space<hbm>> -> memref<1x8x1x8x128xf32, #tpu.memory_space<hbm>>
      %dma_start3A_216 = tpu.memref_squeeze %dma_start3A_215 : memref<1x8x1x8x128xf32, #tpu.memory_space<hbm>> -> memref<8x8x128xf32, #tpu.memory_space<hbm>>
      %dma_start3A_217 = arith.constant 0 : i32
      %dma_start3A_218 = arith.constant 0 : i32
      %dma_start3A_219 = arith.constant 0 : i32
      %dma_start3A_220 = tpu.memref_slice %arg4[%add3A_146, %dma_start3A_217, %add3A_27, %dma_start3A_218, %dma_start3A_219] : memref<50x8x128x8x128xf32, #tpu.memory_space<hbm>> -> memref<1x8x1x8x128xf32, #tpu.memory_space<hbm>>
      %dma_start3A_221 = tpu.memref_squeeze %dma_start3A_220 : memref<1x8x1x8x128xf32, #tpu.memory_space<hbm>> -> memref<8x8x128xf32, #tpu.memory_space<hbm>>
      %dma_start3A_222 = arith.constant 0 : i32
      %dma_start3A_223 = arith.constant 0 : i32
      %dma_start3A_224 = arith.constant 0 : i32
      %dma_start3A_225 = tpu.memref_slice %arg10[%dma_start3A_222, %dma_start3A_223, %dma_start3A_224] : memref<8x8x133xf32, #tpu.memory_space<vmem>> -> memref<8x8x128xf32, #tpu.memory_space<vmem>>
      tpu.enqueue_dma source(%dma_start3A_225 : memref<8x8x128xf32, #tpu.memory_space<vmem>>) target(%dma_start3A_221 : memref<8x8x128xf32, #tpu.memory_space<hbm>>) target_semaphore(%arg12 : memref<!tpu.dma_semaphore, #tpu.memory_space<semaphore_mem>>)
      %add3A_226 = arith.constant 2 : i32
      %add3A_227 = arith.addi %add3A_146, %add3A_226 : i32
      %lt3A = arith.constant 50 : i32
      %lt3A_228 = arith.cmpi slt, %add3A_227, %lt3A : i32
      %convert_element_type3A_229 = arith.extui %lt3A_228 : i1 to i32
      %cond3A_230 = arith.constant 0 : i32
      %cond3A_231 = arith.cmpi ne, %convert_element_type3A_229, %cond3A_230 : i32
      scf.if %cond3A_231 {
        %dma_start3A_328 = arith.constant 0 : i32
        %dma_start3A_329 = tpu.memref_slice %arg7[%add3A_227, %dma_start3A_328] : memref<50x128xi32, #tpu.memory_space<vmem>> -> memref<1x128xi32, #tpu.memory_space<vmem>>
        %dma_start3A_330 = tpu.memref_squeeze %dma_start3A_329 : memref<1x128xi32, #tpu.memory_space<vmem>> -> memref<128xi32, #tpu.memory_space<vmem>>
        %dma_start3A_331 = arith.constant 0 : i32
        %dma_start3A_332 = arith.constant 0 : i32
        %dma_start3A_333 = tpu.memref_slice %arg2[%dma_start3A_331, %dma_start3A_332] : memref<2000000x64xf32, #tpu.memory_space<hbm>> -> memref<2000000x64xf32, #tpu.memory_space<hbm>>
        tpu.enqueue_indirect_dma source(%dma_start3A_333 : memref<2000000x64xf32, #tpu.memory_space<hbm>>) target(%arg8 : memref<128x64xf32, #tpu.memory_space<vmem>>) offsets(%dma_start3A_330 : memref<128xi32, #tpu.memory_space<vmem>>) semaphore(%arg5 : memref<!tpu.dma_semaphore, #tpu.memory_space<semaphore_mem>>)
      } else {
      }
      %mul3A_232 = arith.constant 2 : i32
      %mul3A_233 = arith.muli %add3A_142, %mul3A_232 : i32
      %add3A_234 = arith.constant 1 : i32
      %add3A_235 = arith.addi %mul3A_233, %add3A_234 : i32
      %add3A_236 = arith.constant 50 : i32
      %add3A_237 = arith.addi %add3A_236, %add3A_235 : i32
      %dma_wait3A_238 = arith.constant 0 : i32
      %dma_wait3A_239 = tpu.memref_slice %arg7[%add3A_235, %dma_wait3A_238] : memref<50x128xi32, #tpu.memory_space<vmem>> -> memref<1x128xi32, #tpu.memory_space<vmem>>
      %dma_wait3A_240 = tpu.memref_squeeze %dma_wait3A_239 : memref<1x128xi32, #tpu.memory_space<vmem>> -> memref<128xi32, #tpu.memory_space<vmem>>
      %dma_wait3A_241 = arith.constant 0 : i32
      %dma_wait3A_242 = arith.constant 0 : i32
      %dma_wait3A_243 = tpu.memref_slice %arg2[%dma_wait3A_241, %dma_wait3A_242] : memref<2000000x64xf32, #tpu.memory_space<hbm>> -> memref<2000000x64xf32, #tpu.memory_space<hbm>>
      tpu.wait_indirect_dma semaphore(%arg6 : memref<!tpu.dma_semaphore, #tpu.memory_space<semaphore_mem>>) src(%dma_wait3A_243 : memref<2000000x64xf32, #tpu.memory_space<hbm>>) dst(%arg9 : memref<128x64xf32, #tpu.memory_space<vmem>>)
      %ge3A_244 = arith.constant 2 : i32
      %ge3A_245 = arith.cmpi sge, %add3A_237, %ge3A_244 : i32
      %convert_element_type3A_246 = arith.extui %ge3A_245 : i1 to i32
      %cond3A_247 = arith.constant 0 : i32
      %cond3A_248 = arith.cmpi ne, %convert_element_type3A_246, %cond3A_247 : i32
      scf.if %cond3A_248 {
        %dma_wait3A_328 = arith.constant 0 : i32
        %dma_wait3A_329 = arith.constant 0 : i32
        %dma_wait3A_330 = arith.constant 0 : i32
        %dma_wait3A_331 = arith.constant 0 : i32
        %dma_wait3A_332 = arith.constant 0 : i32
        %dma_wait3A_333 = tpu.memref_slice %arg11[%dma_wait3A_330, %dma_wait3A_331, %dma_wait3A_332] : memref<8x8x133xf32, #tpu.memory_space<vmem>> -> memref<8x8x128xf32, #tpu.memory_space<vmem>>
        %dma_wait3A_334 = arith.constant 0 : i32
        %dma_wait3A_335 = arith.constant 0 : i32
        %dma_wait3A_336 = arith.constant 0 : i32
        %dma_wait3A_337 = tpu.memref_slice %arg4[%dma_wait3A_328, %dma_wait3A_334, %dma_wait3A_329, %dma_wait3A_335, %dma_wait3A_336] : memref<50x8x128x8x128xf32, #tpu.memory_space<hbm>> -> memref<1x8x1x8x128xf32, #tpu.memory_space<hbm>>
        %dma_wait3A_338 = tpu.memref_squeeze %dma_wait3A_337 : memref<1x8x1x8x128xf32, #tpu.memory_space<hbm>> -> memref<8x8x128xf32, #tpu.memory_space<hbm>>
        %dma_wait3A_339 = arith.constant 0 : i32
        %dma_wait3A_340 = arith.constant 0 : i32
        %dma_wait3A_341 = arith.constant 0 : i32
        %dma_wait3A_342 = tpu.memref_slice %arg4[%dma_wait3A_328, %dma_wait3A_339, %dma_wait3A_329, %dma_wait3A_340, %dma_wait3A_341] : memref<50x8x128x8x128xf32, #tpu.memory_space<hbm>> -> memref<1x8x1x8x128xf32, #tpu.memory_space<hbm>>
        %dma_wait3A_343 = tpu.memref_squeeze %dma_wait3A_342 : memref<1x8x1x8x128xf32, #tpu.memory_space<hbm>> -> memref<8x8x128xf32, #tpu.memory_space<hbm>>
        %dma_wait3A_344 = arith.constant 0 : i32
        %dma_wait3A_345 = arith.constant 0 : i32
        %dma_wait3A_346 = arith.constant 0 : i32
        %dma_wait3A_347 = tpu.memref_slice %arg11[%dma_wait3A_344, %dma_wait3A_345, %dma_wait3A_346] : memref<8x8x133xf32, #tpu.memory_space<vmem>> -> memref<8x8x128xf32, #tpu.memory_space<vmem>>
        tpu.wait_dma2 semaphore(%arg13 : memref<!tpu.dma_semaphore, #tpu.memory_space<semaphore_mem>>) src(%dma_wait3A_347 : memref<8x8x128xf32, #tpu.memory_space<vmem>>) dst(%dma_wait3A_343 : memref<8x8x128xf32, #tpu.memory_space<hbm>>)
      } else {
      }
      %iota3A_249 = tpu.iota {dimensions = array<i32: 0>} : vector<16xi32>
      %add3A_250 = arith.constant 0 : i32
      %add3A_251 = vector.broadcast %add3A_250 : i32 to vector<16xi32>
      %add3A_252 = arith.addi %add3A_251, %iota3A_249 : vector<16xi32>
      %shift_right_arithmetic3A_253 = arith.constant 3 : i32
      %shift_right_arithmetic3A_254 = vector.broadcast %shift_right_arithmetic3A_253 : i32 to vector<16xi32>
      %shift_right_arithmetic3A_255 = arith.shrsi %add3A_252, %shift_right_arithmetic3A_254 : vector<16xi32>
      %add3A_256 = arith.constant 16 : i32
      %add3A_257 = vector.broadcast %add3A_256 : i32 to vector<16xi32>
      %add3A_258 = arith.addi %add3A_257, %iota3A_249 : vector<16xi32>
      %shift_right_arithmetic3A_259 = arith.constant 3 : i32
      %shift_right_arithmetic3A_260 = vector.broadcast %shift_right_arithmetic3A_259 : i32 to vector<16xi32>
      %shift_right_arithmetic3A_261 = arith.shrsi %add3A_258, %shift_right_arithmetic3A_260 : vector<16xi32>
      %add3A_262 = arith.constant 32 : i32
      %add3A_263 = vector.broadcast %add3A_262 : i32 to vector<16xi32>
      %add3A_264 = arith.addi %add3A_263, %iota3A_249 : vector<16xi32>
      %shift_right_arithmetic3A_265 = arith.constant 3 : i32
      %shift_right_arithmetic3A_266 = vector.broadcast %shift_right_arithmetic3A_265 : i32 to vector<16xi32>
      %shift_right_arithmetic3A_267 = arith.shrsi %add3A_264, %shift_right_arithmetic3A_266 : vector<16xi32>
      %add3A_268 = arith.constant 48 : i32
      %add3A_269 = vector.broadcast %add3A_268 : i32 to vector<16xi32>
      %add3A_270 = arith.addi %add3A_269, %iota3A_249 : vector<16xi32>
      %shift_right_arithmetic3A_271 = arith.constant 3 : i32
      %shift_right_arithmetic3A_272 = vector.broadcast %shift_right_arithmetic3A_271 : i32 to vector<16xi32>
      %shift_right_arithmetic3A_273 = arith.shrsi %add3A_270, %shift_right_arithmetic3A_272 : vector<16xi32>
      %add3A_274 = arith.constant 0 : i32
      %add3A_275 = vector.broadcast %add3A_274 : i32 to vector<16xi32>
      %add3A_276 = arith.addi %add3A_275, %iota3A_249 : vector<16xi32>
      %and3A_277 = arith.constant 7 : i32
      %and3A_278 = vector.broadcast %and3A_277 : i32 to vector<16xi32>
      %and3A_279 = arith.andi %add3A_276, %and3A_278 : vector<16xi32>
      %add3A_280 = arith.constant 16 : i32
      %add3A_281 = vector.broadcast %add3A_280 : i32 to vector<16xi32>
      %add3A_282 = arith.addi %add3A_281, %iota3A_249 : vector<16xi32>
      %and3A_283 = arith.constant 7 : i32
      %and3A_284 = vector.broadcast %and3A_283 : i32 to vector<16xi32>
      %and3A_285 = arith.andi %add3A_282, %and3A_284 : vector<16xi32>
      %add3A_286 = arith.constant 32 : i32
      %add3A_287 = vector.broadcast %add3A_286 : i32 to vector<16xi32>
      %add3A_288 = arith.addi %add3A_287, %iota3A_249 : vector<16xi32>
      %and3A_289 = arith.constant 7 : i32
      %and3A_290 = vector.broadcast %and3A_289 : i32 to vector<16xi32>
      %and3A_291 = arith.andi %add3A_288, %and3A_290 : vector<16xi32>
      %add3A_292 = arith.constant 48 : i32
      %add3A_293 = vector.broadcast %add3A_292 : i32 to vector<16xi32>
      %add3A_294 = arith.addi %add3A_293, %iota3A_249 : vector<16xi32>
      %and3A_295 = arith.constant 7 : i32
      %and3A_296 = vector.broadcast %and3A_295 : i32 to vector<16xi32>
      %and3A_297 = arith.andi %add3A_294, %and3A_296 : vector<16xi32>
      %scan3A_298 = arith.constant 0 : i32
      %scan3A_299 = arith.constant 128 : i32
      %scan3A_300 = arith.addi %scan3A_298, %scan3A_299 : i32
      %scan3A_301 = arith.constant 8 : i32
      scf.for %scan3A_328 = %scan3A_298 to %scan3A_300 step %scan3A_301  : i32 {
        %mul3A_329 = arith.constant 1 : i32
        %mul3A_330 = arith.muli %scan3A_328, %mul3A_329 : i32
        %add3A_331 = arith.constant 0 : i32
        %add3A_332 = arith.addi %add3A_331, %mul3A_330 : i32
        %broadcast_in_dim3A = vector.broadcast %add3A_332 : i32 to vector<16xi32>
        %get3A = arith.index_cast %add3A_332 : i32 to index
        %get3A_333 = arith.constant 0 : index
        %get3A_334 = tpu.vector_load %arg9[%get3A, %get3A_333] {strides = array<i32>} : memref<128x64xf32, #tpu.memory_space<vmem>>, vector<16xf32>,
        tpu.vector_store_idx %arg11[%shift_right_arithmetic3A_255, %and3A_279, %broadcast_in_dim3A], %get3A_334 : memref<8x8x133xf32, #tpu.memory_space<vmem>>[vector<16xi32>, vector<16xi32>, vector<16xi32>], vector<16xf32>,
        %get3A_335 = arith.index_cast %add3A_332 : i32 to index
        %get3A_336 = arith.constant 16 : index
        %get3A_337 = tpu.vector_load %arg9[%get3A_335, %get3A_336] {strides = array<i32>} : memref<128x64xf32, #tpu.memory_space<vmem>>, vector<16xf32>,
        tpu.vector_store_idx %arg11[%shift_right_arithmetic3A_261, %and3A_285, %broadcast_in_dim3A], %get3A_337 : memref<8x8x133xf32, #tpu.memory_space<vmem>>[vector<16xi32>, vector<16xi32>, vector<16xi32>], vector<16xf32>,
        %get3A_338 = arith.index_cast %add3A_332 : i32 to index
        %get3A_339 = arith.constant 32 : index
        %get3A_340 = tpu.vector_load %arg9[%get3A_338, %get3A_339] {strides = array<i32>} : memref<128x64xf32, #tpu.memory_space<vmem>>, vector<16xf32>,
        tpu.vector_store_idx %arg11[%shift_right_arithmetic3A_267, %and3A_291, %broadcast_in_dim3A], %get3A_340 : memref<8x8x133xf32, #tpu.memory_space<vmem>>[vector<16xi32>, vector<16xi32>, vector<16xi32>], vector<16xf32>,
        %get3A_341 = arith.index_cast %add3A_332 : i32 to index
        %get3A_342 = arith.constant 48 : index
        %get3A_343 = tpu.vector_load %arg9[%get3A_341, %get3A_342] {strides = array<i32>} : memref<128x64xf32, #tpu.memory_space<vmem>>, vector<16xf32>,
        tpu.vector_store_idx %arg11[%shift_right_arithmetic3A_273, %and3A_297, %broadcast_in_dim3A], %get3A_343 : memref<8x8x133xf32, #tpu.memory_space<vmem>>[vector<16xi32>, vector<16xi32>, vector<16xi32>], vector<16xf32>,
        %scan3A_344 = arith.constant 1 : i32
        %scan3A_345 = arith.addi %scan3A_328, %scan3A_344 : i32
        %mul3A_346 = arith.constant 1 : i32
        %mul3A_347 = arith.muli %scan3A_345, %mul3A_346 : i32
        %add3A_348 = arith.constant 0 : i32
        %add3A_349 = arith.addi %add3A_348, %mul3A_347 : i32
        %broadcast_in_dim3A_350 = vector.broadcast %add3A_349 : i32 to vector<16xi32>
        %get3A_351 = arith.index_cast %add3A_349 : i32 to index
        %get3A_352 = arith.constant 0 : index
        %get3A_353 = tpu.vector_load %arg9[%get3A_351, %get3A_352] {strides = array<i32>} : memref<128x64xf32, #tpu.memory_space<vmem>>, vector<16xf32>,
        tpu.vector_store_idx %arg11[%shift_right_arithmetic3A_255, %and3A_279, %broadcast_in_dim3A_350], %get3A_353 : memref<8x8x133xf32, #tpu.memory_space<vmem>>[vector<16xi32>, vector<16xi32>, vector<16xi32>], vector<16xf32>,
        %get3A_354 = arith.index_cast %add3A_349 : i32 to index
        %get3A_355 = arith.constant 16 : index
        %get3A_356 = tpu.vector_load %arg9[%get3A_354, %get3A_355] {strides = array<i32>} : memref<128x64xf32, #tpu.memory_space<vmem>>, vector<16xf32>,
        tpu.vector_store_idx %arg11[%shift_right_arithmetic3A_261, %and3A_285, %broadcast_in_dim3A_350], %get3A_356 : memref<8x8x133xf32, #tpu.memory_space<vmem>>[vector<16xi32>, vector<16xi32>, vector<16xi32>], vector<16xf32>,
        %get3A_357 = arith.index_cast %add3A_349 : i32 to index
        %get3A_358 = arith.constant 32 : index
        %get3A_359 = tpu.vector_load %arg9[%get3A_357, %get3A_358] {strides = array<i32>} : memref<128x64xf32, #tpu.memory_space<vmem>>, vector<16xf32>,
        tpu.vector_store_idx %arg11[%shift_right_arithmetic3A_267, %and3A_291, %broadcast_in_dim3A_350], %get3A_359 : memref<8x8x133xf32, #tpu.memory_space<vmem>>[vector<16xi32>, vector<16xi32>, vector<16xi32>], vector<16xf32>,
        %get3A_360 = arith.index_cast %add3A_349 : i32 to index
        %get3A_361 = arith.constant 48 : index
        %get3A_362 = tpu.vector_load %arg9[%get3A_360, %get3A_361] {strides = array<i32>} : memref<128x64xf32, #tpu.memory_space<vmem>>, vector<16xf32>,
        tpu.vector_store_idx %arg11[%shift_right_arithmetic3A_273, %and3A_297, %broadcast_in_dim3A_350], %get3A_362 : memref<8x8x133xf32, #tpu.memory_space<vmem>>[vector<16xi32>, vector<16xi32>, vector<16xi32>], vector<16xf32>,
        %scan3A_363 = arith.constant 2 : i32
        %scan3A_364 = arith.addi %scan3A_328, %scan3A_363 : i32
        %mul3A_365 = arith.constant 1 : i32
        %mul3A_366 = arith.muli %scan3A_364, %mul3A_365 : i32
        %add3A_367 = arith.constant 0 : i32
        %add3A_368 = arith.addi %add3A_367, %mul3A_366 : i32
        %broadcast_in_dim3A_369 = vector.broadcast %add3A_368 : i32 to vector<16xi32>
        %get3A_370 = arith.index_cast %add3A_368 : i32 to index
        %get3A_371 = arith.constant 0 : index
        %get3A_372 = tpu.vector_load %arg9[%get3A_370, %get3A_371] {strides = array<i32>} : memref<128x64xf32, #tpu.memory_space<vmem>>, vector<16xf32>,
        tpu.vector_store_idx %arg11[%shift_right_arithmetic3A_255, %and3A_279, %broadcast_in_dim3A_369], %get3A_372 : memref<8x8x133xf32, #tpu.memory_space<vmem>>[vector<16xi32>, vector<16xi32>, vector<16xi32>], vector<16xf32>,
        %get3A_373 = arith.index_cast %add3A_368 : i32 to index
        %get3A_374 = arith.constant 16 : index
        %get3A_375 = tpu.vector_load %arg9[%get3A_373, %get3A_374] {strides = array<i32>} : memref<128x64xf32, #tpu.memory_space<vmem>>, vector<16xf32>,
        tpu.vector_store_idx %arg11[%shift_right_arithmetic3A_261, %and3A_285, %broadcast_in_dim3A_369], %get3A_375 : memref<8x8x133xf32, #tpu.memory_space<vmem>>[vector<16xi32>, vector<16xi32>, vector<16xi32>], vector<16xf32>,
        %get3A_376 = arith.index_cast %add3A_368 : i32 to index
        %get3A_377 = arith.constant 32 : index
        %get3A_378 = tpu.vector_load %arg9[%get3A_376, %get3A_377] {strides = array<i32>} : memref<128x64xf32, #tpu.memory_space<vmem>>, vector<16xf32>,
        tpu.vector_store_idx %arg11[%shift_right_arithmetic3A_267, %and3A_291, %broadcast_in_dim3A_369], %get3A_378 : memref<8x8x133xf32, #tpu.memory_space<vmem>>[vector<16xi32>, vector<16xi32>, vector<16xi32>], vector<16xf32>,
        %get3A_379 = arith.index_cast %add3A_368 : i32 to index
        %get3A_380 = arith.constant 48 : index
        %get3A_381 = tpu.vector_load %arg9[%get3A_379, %get3A_380] {strides = array<i32>} : memref<128x64xf32, #tpu.memory_space<vmem>>, vector<16xf32>,
        tpu.vector_store_idx %arg11[%shift_right_arithmetic3A_273, %and3A_297, %broadcast_in_dim3A_369], %get3A_381 : memref<8x8x133xf32, #tpu.memory_space<vmem>>[vector<16xi32>, vector<16xi32>, vector<16xi32>], vector<16xf32>,
        %scan3A_382 = arith.constant 3 : i32
        %scan3A_383 = arith.addi %scan3A_328, %scan3A_382 : i32
        %mul3A_384 = arith.constant 1 : i32
        %mul3A_385 = arith.muli %scan3A_383, %mul3A_384 : i32
        %add3A_386 = arith.constant 0 : i32
        %add3A_387 = arith.addi %add3A_386, %mul3A_385 : i32
        %broadcast_in_dim3A_388 = vector.broadcast %add3A_387 : i32 to vector<16xi32>
        %get3A_389 = arith.index_cast %add3A_387 : i32 to index
        %get3A_390 = arith.constant 0 : index
        %get3A_391 = tpu.vector_load %arg9[%get3A_389, %get3A_390] {strides = array<i32>} : memref<128x64xf32, #tpu.memory_space<vmem>>, vector<16xf32>,
        tpu.vector_store_idx %arg11[%shift_right_arithmetic3A_255, %and3A_279, %broadcast_in_dim3A_388], %get3A_391 : memref<8x8x133xf32, #tpu.memory_space<vmem>>[vector<16xi32>, vector<16xi32>, vector<16xi32>], vector<16xf32>,
        %get3A_392 = arith.index_cast %add3A_387 : i32 to index
        %get3A_393 = arith.constant 16 : index
        %get3A_394 = tpu.vector_load %arg9[%get3A_392, %get3A_393] {strides = array<i32>} : memref<128x64xf32, #tpu.memory_space<vmem>>, vector<16xf32>,
        tpu.vector_store_idx %arg11[%shift_right_arithmetic3A_261, %and3A_285, %broadcast_in_dim3A_388], %get3A_394 : memref<8x8x133xf32, #tpu.memory_space<vmem>>[vector<16xi32>, vector<16xi32>, vector<16xi32>], vector<16xf32>,
        %get3A_395 = arith.index_cast %add3A_387 : i32 to index
        %get3A_396 = arith.constant 32 : index
        %get3A_397 = tpu.vector_load %arg9[%get3A_395, %get3A_396] {strides = array<i32>} : memref<128x64xf32, #tpu.memory_space<vmem>>, vector<16xf32>,
        tpu.vector_store_idx %arg11[%shift_right_arithmetic3A_267, %and3A_291, %broadcast_in_dim3A_388], %get3A_397 : memref<8x8x133xf32, #tpu.memory_space<vmem>>[vector<16xi32>, vector<16xi32>, vector<16xi32>], vector<16xf32>,
        %get3A_398 = arith.index_cast %add3A_387 : i32 to index
        %get3A_399 = arith.constant 48 : index
        %get3A_400 = tpu.vector_load %arg9[%get3A_398, %get3A_399] {strides = array<i32>} : memref<128x64xf32, #tpu.memory_space<vmem>>, vector<16xf32>,
        tpu.vector_store_idx %arg11[%shift_right_arithmetic3A_273, %and3A_297, %broadcast_in_dim3A_388], %get3A_400 : memref<8x8x133xf32, #tpu.memory_space<vmem>>[vector<16xi32>, vector<16xi32>, vector<16xi32>], vector<16xf32>,
        %scan3A_401 = arith.constant 4 : i32
        %scan3A_402 = arith.addi %scan3A_328, %scan3A_401 : i32
        %mul3A_403 = arith.constant 1 : i32
        %mul3A_404 = arith.muli %scan3A_402, %mul3A_403 : i32
        %add3A_405 = arith.constant 0 : i32
        %add3A_406 = arith.addi %add3A_405, %mul3A_404 : i32
        %broadcast_in_dim3A_407 = vector.broadcast %add3A_406 : i32 to vector<16xi32>
        %get3A_408 = arith.index_cast %add3A_406 : i32 to index
        %get3A_409 = arith.constant 0 : index
        %get3A_410 = tpu.vector_load %arg9[%get3A_408, %get3A_409] {strides = array<i32>} : memref<128x64xf32, #tpu.memory_space<vmem>>, vector<16xf32>,
        tpu.vector_store_idx %arg11[%shift_right_arithmetic3A_255, %and3A_279, %broadcast_in_dim3A_407], %get3A_410 : memref<8x8x133xf32, #tpu.memory_space<vmem>>[vector<16xi32>, vector<16xi32>, vector<16xi32>], vector<16xf32>,
        %get3A_411 = arith.index_cast %add3A_406 : i32 to index
        %get3A_412 = arith.constant 16 : index
        %get3A_413 = tpu.vector_load %arg9[%get3A_411, %get3A_412] {strides = array<i32>} : memref<128x64xf32, #tpu.memory_space<vmem>>, vector<16xf32>,
        tpu.vector_store_idx %arg11[%shift_right_arithmetic3A_261, %and3A_285, %broadcast_in_dim3A_407], %get3A_413 : memref<8x8x133xf32, #tpu.memory_space<vmem>>[vector<16xi32>, vector<16xi32>, vector<16xi32>], vector<16xf32>,
        %get3A_414 = arith.index_cast %add3A_406 : i32 to index
        %get3A_415 = arith.constant 32 : index
        %get3A_416 = tpu.vector_load %arg9[%get3A_414, %get3A_415] {strides = array<i32>} : memref<128x64xf32, #tpu.memory_space<vmem>>, vector<16xf32>,
        tpu.vector_store_idx %arg11[%shift_right_arithmetic3A_267, %and3A_291, %broadcast_in_dim3A_407], %get3A_416 : memref<8x8x133xf32, #tpu.memory_space<vmem>>[vector<16xi32>, vector<16xi32>, vector<16xi32>], vector<16xf32>,
        %get3A_417 = arith.index_cast %add3A_406 : i32 to index
        %get3A_418 = arith.constant 48 : index
        %get3A_419 = tpu.vector_load %arg9[%get3A_417, %get3A_418] {strides = array<i32>} : memref<128x64xf32, #tpu.memory_space<vmem>>, vector<16xf32>,
        tpu.vector_store_idx %arg11[%shift_right_arithmetic3A_273, %and3A_297, %broadcast_in_dim3A_407], %get3A_419 : memref<8x8x133xf32, #tpu.memory_space<vmem>>[vector<16xi32>, vector<16xi32>, vector<16xi32>], vector<16xf32>,
        %scan3A_420 = arith.constant 5 : i32
        %scan3A_421 = arith.addi %scan3A_328, %scan3A_420 : i32
        %mul3A_422 = arith.constant 1 : i32
        %mul3A_423 = arith.muli %scan3A_421, %mul3A_422 : i32
        %add3A_424 = arith.constant 0 : i32
        %add3A_425 = arith.addi %add3A_424, %mul3A_423 : i32
        %broadcast_in_dim3A_426 = vector.broadcast %add3A_425 : i32 to vector<16xi32>
        %get3A_427 = arith.index_cast %add3A_425 : i32 to index
        %get3A_428 = arith.constant 0 : index
        %get3A_429 = tpu.vector_load %arg9[%get3A_427, %get3A_428] {strides = array<i32>} : memref<128x64xf32, #tpu.memory_space<vmem>>, vector<16xf32>,
        tpu.vector_store_idx %arg11[%shift_right_arithmetic3A_255, %and3A_279, %broadcast_in_dim3A_426], %get3A_429 : memref<8x8x133xf32, #tpu.memory_space<vmem>>[vector<16xi32>, vector<16xi32>, vector<16xi32>], vector<16xf32>,
        %get3A_430 = arith.index_cast %add3A_425 : i32 to index
        %get3A_431 = arith.constant 16 : index
        %get3A_432 = tpu.vector_load %arg9[%get3A_430, %get3A_431] {strides = array<i32>} : memref<128x64xf32, #tpu.memory_space<vmem>>, vector<16xf32>,
        tpu.vector_store_idx %arg11[%shift_right_arithmetic3A_261, %and3A_285, %broadcast_in_dim3A_426], %get3A_432 : memref<8x8x133xf32, #tpu.memory_space<vmem>>[vector<16xi32>, vector<16xi32>, vector<16xi32>], vector<16xf32>,
        %get3A_433 = arith.index_cast %add3A_425 : i32 to index
        %get3A_434 = arith.constant 32 : index
        %get3A_435 = tpu.vector_load %arg9[%get3A_433, %get3A_434] {strides = array<i32>} : memref<128x64xf32, #tpu.memory_space<vmem>>, vector<16xf32>,
        tpu.vector_store_idx %arg11[%shift_right_arithmetic3A_267, %and3A_291, %broadcast_in_dim3A_426], %get3A_435 : memref<8x8x133xf32, #tpu.memory_space<vmem>>[vector<16xi32>, vector<16xi32>, vector<16xi32>], vector<16xf32>,
        %get3A_436 = arith.index_cast %add3A_425 : i32 to index
        %get3A_437 = arith.constant 48 : index
        %get3A_438 = tpu.vector_load %arg9[%get3A_436, %get3A_437] {strides = array<i32>} : memref<128x64xf32, #tpu.memory_space<vmem>>, vector<16xf32>,
        tpu.vector_store_idx %arg11[%shift_right_arithmetic3A_273, %and3A_297, %broadcast_in_dim3A_426], %get3A_438 : memref<8x8x133xf32, #tpu.memory_space<vmem>>[vector<16xi32>, vector<16xi32>, vector<16xi32>], vector<16xf32>,
        %scan3A_439 = arith.constant 6 : i32
        %scan3A_440 = arith.addi %scan3A_328, %scan3A_439 : i32
        %mul3A_441 = arith.constant 1 : i32
        %mul3A_442 = arith.muli %scan3A_440, %mul3A_441 : i32
        %add3A_443 = arith.constant 0 : i32
        %add3A_444 = arith.addi %add3A_443, %mul3A_442 : i32
        %broadcast_in_dim3A_445 = vector.broadcast %add3A_444 : i32 to vector<16xi32>
        %get3A_446 = arith.index_cast %add3A_444 : i32 to index
        %get3A_447 = arith.constant 0 : index
        %get3A_448 = tpu.vector_load %arg9[%get3A_446, %get3A_447] {strides = array<i32>} : memref<128x64xf32, #tpu.memory_space<vmem>>, vector<16xf32>,
        tpu.vector_store_idx %arg11[%shift_right_arithmetic3A_255, %and3A_279, %broadcast_in_dim3A_445], %get3A_448 : memref<8x8x133xf32, #tpu.memory_space<vmem>>[vector<16xi32>, vector<16xi32>, vector<16xi32>], vector<16xf32>,
        %get3A_449 = arith.index_cast %add3A_444 : i32 to index
        %get3A_450 = arith.constant 16 : index
        %get3A_451 = tpu.vector_load %arg9[%get3A_449, %get3A_450] {strides = array<i32>} : memref<128x64xf32, #tpu.memory_space<vmem>>, vector<16xf32>,
        tpu.vector_store_idx %arg11[%shift_right_arithmetic3A_261, %and3A_285, %broadcast_in_dim3A_445], %get3A_451 : memref<8x8x133xf32, #tpu.memory_space<vmem>>[vector<16xi32>, vector<16xi32>, vector<16xi32>], vector<16xf32>,
        %get3A_452 = arith.index_cast %add3A_444 : i32 to index
        %get3A_453 = arith.constant 32 : index
        %get3A_454 = tpu.vector_load %arg9[%get3A_452, %get3A_453] {strides = array<i32>} : memref<128x64xf32, #tpu.memory_space<vmem>>, vector<16xf32>,
        tpu.vector_store_idx %arg11[%shift_right_arithmetic3A_267, %and3A_291, %broadcast_in_dim3A_445], %get3A_454 : memref<8x8x133xf32, #tpu.memory_space<vmem>>[vector<16xi32>, vector<16xi32>, vector<16xi32>], vector<16xf32>,
        %get3A_455 = arith.index_cast %add3A_444 : i32 to index
        %get3A_456 = arith.constant 48 : index
        %get3A_457 = tpu.vector_load %arg9[%get3A_455, %get3A_456] {strides = array<i32>} : memref<128x64xf32, #tpu.memory_space<vmem>>, vector<16xf32>,
        tpu.vector_store_idx %arg11[%shift_right_arithmetic3A_273, %and3A_297, %broadcast_in_dim3A_445], %get3A_457 : memref<8x8x133xf32, #tpu.memory_space<vmem>>[vector<16xi32>, vector<16xi32>, vector<16xi32>], vector<16xf32>,
        %scan3A_458 = arith.constant 7 : i32
        %scan3A_459 = arith.addi %scan3A_328, %scan3A_458 : i32
        %mul3A_460 = arith.constant 1 : i32
        %mul3A_461 = arith.muli %scan3A_459, %mul3A_460 : i32
        %add3A_462 = arith.constant 0 : i32
        %add3A_463 = arith.addi %add3A_462, %mul3A_461 : i32
        %broadcast_in_dim3A_464 = vector.broadcast %add3A_463 : i32 to vector<16xi32>
        %get3A_465 = arith.index_cast %add3A_463 : i32 to index
        %get3A_466 = arith.constant 0 : index
        %get3A_467 = tpu.vector_load %arg9[%get3A_465, %get3A_466] {strides = array<i32>} : memref<128x64xf32, #tpu.memory_space<vmem>>, vector<16xf32>,
        tpu.vector_store_idx %arg11[%shift_right_arithmetic3A_255, %and3A_279, %broadcast_in_dim3A_464], %get3A_467 : memref<8x8x133xf32, #tpu.memory_space<vmem>>[vector<16xi32>, vector<16xi32>, vector<16xi32>], vector<16xf32>,
        %get3A_468 = arith.index_cast %add3A_463 : i32 to index
        %get3A_469 = arith.constant 16 : index
        %get3A_470 = tpu.vector_load %arg9[%get3A_468, %get3A_469] {strides = array<i32>} : memref<128x64xf32, #tpu.memory_space<vmem>>, vector<16xf32>,
        tpu.vector_store_idx %arg11[%shift_right_arithmetic3A_261, %and3A_285, %broadcast_in_dim3A_464], %get3A_470 : memref<8x8x133xf32, #tpu.memory_space<vmem>>[vector<16xi32>, vector<16xi32>, vector<16xi32>], vector<16xf32>,
        %get3A_471 = arith.index_cast %add3A_463 : i32 to index
        %get3A_472 = arith.constant 32 : index
        %get3A_473 = tpu.vector_load %arg9[%get3A_471, %get3A_472] {strides = array<i32>} : memref<128x64xf32, #tpu.memory_space<vmem>>, vector<16xf32>,
        tpu.vector_store_idx %arg11[%shift_right_arithmetic3A_267, %and3A_291, %broadcast_in_dim3A_464], %get3A_473 : memref<8x8x133xf32, #tpu.memory_space<vmem>>[vector<16xi32>, vector<16xi32>, vector<16xi32>], vector<16xf32>,
        %get3A_474 = arith.index_cast %add3A_463 : i32 to index
        %get3A_475 = arith.constant 48 : index
        %get3A_476 = tpu.vector_load %arg9[%get3A_474, %get3A_475] {strides = array<i32>} : memref<128x64xf32, #tpu.memory_space<vmem>>, vector<16xf32>,
        tpu.vector_store_idx %arg11[%shift_right_arithmetic3A_273, %and3A_297, %broadcast_in_dim3A_464], %get3A_476 : memref<8x8x133xf32, #tpu.memory_space<vmem>>[vector<16xi32>, vector<16xi32>, vector<16xi32>], vector<16xf32>,
      }
      %scan3A_302 = arith.constant 128 : i32
      %dma_start3A_303 = arith.constant 0 : i32
      %dma_start3A_304 = arith.constant 0 : i32
      %dma_start3A_305 = arith.constant 0 : i32
      %dma_start3A_306 = tpu.memref_slice %arg11[%dma_start3A_303, %dma_start3A_304, %dma_start3A_305] : memref<8x8x133xf32, #tpu.memory_space<vmem>> -> memref<8x8x128xf32, #tpu.memory_space<vmem>>
      %dma_start3A_307 = arith.constant 0 : i32
      %dma_start3A_308 = arith.constant 0 : i32
      %dma_start3A_309 = arith.constant 0 : i32
      %dma_start3A_310 = tpu.memref_slice %arg4[%add3A_235, %dma_start3A_307, %add3A_27, %dma_start3A_308, %dma_start3A_309] : memref<50x8x128x8x128xf32, #tpu.memory_space<hbm>> -> memref<1x8x1x8x128xf32, #tpu.memory_space<hbm>>
      %dma_start3A_311 = tpu.memref_squeeze %dma_start3A_310 : memref<1x8x1x8x128xf32, #tpu.memory_space<hbm>> -> memref<8x8x128xf32, #tpu.memory_space<hbm>>
      %dma_start3A_312 = arith.constant 0 : i32
      %dma_start3A_313 = arith.constant 0 : i32
      %dma_start3A_314 = arith.constant 0 : i32
      %dma_start3A_315 = tpu.memref_slice %arg4[%add3A_235, %dma_start3A_312, %add3A_27, %dma_start3A_313, %dma_start3A_314] : memref<50x8x128x8x128xf32, #tpu.memory_space<hbm>> -> memref<1x8x1x8x128xf32, #tpu.memory_space<hbm>>
      %dma_start3A_316 = tpu.memref_squeeze %dma_start3A_315 : memref<1x8x1x8x128xf32, #tpu.memory_space<hbm>> -> memref<8x8x128xf32, #tpu.memory_space<hbm>>
      %dma_start3A_317 = arith.constant 0 : i32
      %dma_start3A_318 = arith.constant 0 : i32
      %dma_start3A_319 = arith.constant 0 : i32
      %dma_start3A_320 = tpu.memref_slice %arg11[%dma_start3A_317, %dma_start3A_318, %dma_start3A_319] : memref<8x8x133xf32, #tpu.memory_space<vmem>> -> memref<8x8x128xf32, #tpu.memory_space<vmem>>
      tpu.enqueue_dma source(%dma_start3A_320 : memref<8x8x128xf32, #tpu.memory_space<vmem>>) target(%dma_start3A_316 : memref<8x8x128xf32, #tpu.memory_space<hbm>>) target_semaphore(%arg13 : memref<!tpu.dma_semaphore, #tpu.memory_space<semaphore_mem>>)
      %add3A_321 = arith.constant 2 : i32
      %add3A_322 = arith.addi %add3A_235, %add3A_321 : i32
      %lt3A_323 = arith.constant 50 : i32
      %lt3A_324 = arith.cmpi slt, %add3A_322, %lt3A_323 : i32
      %convert_element_type3A_325 = arith.extui %lt3A_324 : i1 to i32
      %cond3A_326 = arith.constant 0 : i32
      %cond3A_327 = arith.cmpi ne, %convert_element_type3A_325, %cond3A_326 : i32
      scf.if %cond3A_327 {
        %dma_start3A_328 = arith.constant 0 : i32
        %dma_start3A_329 = tpu.memref_slice %arg7[%add3A_322, %dma_start3A_328] : memref<50x128xi32, #tpu.memory_space<vmem>> -> memref<1x128xi32, #tpu.memory_space<vmem>>
        %dma_start3A_330 = tpu.memref_squeeze %dma_start3A_329 : memref<1x128xi32, #tpu.memory_space<vmem>> -> memref<128xi32, #tpu.memory_space<vmem>>
        %dma_start3A_331 = arith.constant 0 : i32
        %dma_start3A_332 = arith.constant 0 : i32
        %dma_start3A_333 = tpu.memref_slice %arg2[%dma_start3A_331, %dma_start3A_332] : memref<2000000x64xf32, #tpu.memory_space<hbm>> -> memref<2000000x64xf32, #tpu.memory_space<hbm>>
        tpu.enqueue_indirect_dma source(%dma_start3A_333 : memref<2000000x64xf32, #tpu.memory_space<hbm>>) target(%arg9 : memref<128x64xf32, #tpu.memory_space<vmem>>) offsets(%dma_start3A_330 : memref<128xi32, #tpu.memory_space<vmem>>) semaphore(%arg6 : memref<!tpu.dma_semaphore, #tpu.memory_space<semaphore_mem>>)
      } else {
      }
    }
    %scan3A_48 = arith.constant 25 : i32
    %mul3A_49 = arith.constant 4 : i32
    %mul3A_50 = arith.muli %add3A, %mul3A_49 : i32
    %add3A_51 = arith.constant 2 : i32
    %add3A_52 = arith.addi %mul3A_50, %add3A_51 : i32
    %mul3A_53 = arith.constant 128 : i32
    %mul3A_54 = arith.muli %add3A_52, %mul3A_53 : i32
    "tpu.region"() ({
      %run_scoped3A = tpu.sem_alloc : memref<!tpu.dma_semaphore, #tpu.memory_space<semaphore_mem>>
      %dma_start3A_138 = arith.constant 0 : i32
      %dma_start3A_139 = tpu.memref_slice %arg3[%dma_start3A_138, %mul3A_54] : memref<50x16384xi32, #tpu.memory_space<hbm>> -> memref<50x128xi32, #tpu.memory_space<hbm>>
      %dma_start3A_140 = arith.constant 0 : i32
      %dma_start3A_141 = tpu.memref_slice %arg3[%dma_start3A_140, %mul3A_54] : memref<50x16384xi32, #tpu.memory_space<hbm>> -> memref<50x128xi32, #tpu.memory_space<hbm>>
      tpu.enqueue_dma source(%dma_start3A_141 : memref<50x128xi32, #tpu.memory_space<hbm>>) target(%arg7 : memref<50x128xi32, #tpu.memory_space<vmem>>) target_semaphore(%run_scoped3A : memref<!tpu.dma_semaphore, #tpu.memory_space<semaphore_mem>>)
      %dma_wait3A_142 = arith.constant 0 : i32
      %dma_wait3A_143 = tpu.memref_slice %arg3[%dma_wait3A_142, %mul3A_54] : memref<50x16384xi32, #tpu.memory_space<hbm>> -> memref<50x128xi32, #tpu.memory_space<hbm>>
      %dma_wait3A_144 = arith.constant 0 : i32
      %dma_wait3A_145 = tpu.memref_slice %arg3[%dma_wait3A_144, %mul3A_54] : memref<50x16384xi32, #tpu.memory_space<hbm>> -> memref<50x128xi32, #tpu.memory_space<hbm>>
      tpu.wait_dma2 semaphore(%run_scoped3A : memref<!tpu.dma_semaphore, #tpu.memory_space<semaphore_mem>>) src(%dma_wait3A_145 : memref<50x128xi32, #tpu.memory_space<hbm>>) dst(%arg7 : memref<50x128xi32, #tpu.memory_space<vmem>>)
      tpu.yield
    }) : () -> ()
    %dma_start3A_55 = arith.constant 0 : i32
    %dma_start3A_56 = arith.constant 0 : i32
    %dma_start3A_57 = tpu.memref_slice %arg7[%dma_start3A_55, %dma_start3A_56] : memref<50x128xi32, #tpu.memory_space<vmem>> -> memref<1x128xi32, #tpu.memory_space<vmem>>
    %dma_start3A_58 = tpu.memref_squeeze %dma_start3A_57 : memref<1x128xi32, #tpu.memory_space<vmem>> -> memref<128xi32, #tpu.memory_space<vmem>>
    %dma_start3A_59 = arith.constant 0 : i32
    %dma_start3A_60 = arith.constant 0 : i32
    %dma_start3A_61 = tpu.memref_slice %arg2[%dma_start3A_59, %dma_start3A_60] : memref<2000000x64xf32, #tpu.memory_space<hbm>> -> memref<2000000x64xf32, #tpu.memory_space<hbm>>
    tpu.enqueue_indirect_dma source(%dma_start3A_61 : memref<2000000x64xf32, #tpu.memory_space<hbm>>) target(%arg8 : memref<128x64xf32, #tpu.memory_space<vmem>>) offsets(%dma_start3A_58 : memref<128xi32, #tpu.memory_space<vmem>>) semaphore(%arg5 : memref<!tpu.dma_semaphore, #tpu.memory_space<semaphore_mem>>)
    %dma_start3A_62 = arith.constant 1 : i32
    %dma_start3A_63 = arith.constant 0 : i32
    %dma_start3A_64 = tpu.memref_slice %arg7[%dma_start3A_62, %dma_start3A_63] : memref<50x128xi32, #tpu.memory_space<vmem>> -> memref<1x128xi32, #tpu.memory_space<vmem>>
    %dma_start3A_65 = tpu.memref_squeeze %dma_start3A_64 : memref<1x128xi32, #tpu.memory_space<vmem>> -> memref<128xi32, #tpu.memory_space<vmem>>
    %dma_start3A_66 = arith.constant 0 : i32
    %dma_start3A_67 = arith.constant 0 : i32
    %dma_start3A_68 = tpu.memref_slice %arg2[%dma_start3A_66, %dma_start3A_67] : memref<2000000x64xf32, #tpu.memory_space<hbm>> -> memref<2000000x64xf32, #tpu.memory_space<hbm>>
    tpu.enqueue_indirect_dma source(%dma_start3A_68 : memref<2000000x64xf32, #tpu.memory_space<hbm>>) target(%arg9 : memref<128x64xf32, #tpu.memory_space<vmem>>) offsets(%dma_start3A_65 : memref<128xi32, #tpu.memory_space<vmem>>) semaphore(%arg6 : memref<!tpu.dma_semaphore, #tpu.memory_space<semaphore_mem>>)
    %scan3A_69 = arith.constant 0 : i32
    %scan3A_70 = arith.constant 25 : i32
    %scan3A_71 = arith.addi %scan3A_69, %scan3A_70 : i32
    %scan3A_72 = arith.constant 1 : i32
    scf.for %scan3A_138 = %scan3A_69 to %scan3A_71 step %scan3A_72  : i32 {
      %mul3A_139 = arith.constant 1 : i32
      %mul3A_140 = arith.muli %scan3A_138, %mul3A_139 : i32
      %add3A_141 = arith.constant 0 : i32
      %add3A_142 = arith.addi %add3A_141, %mul3A_140 : i32
      %mul3A_143 = arith.constant 2 : i32
      %mul3A_144 = arith.muli %add3A_142, %mul3A_143 : i32
      %add3A_145 = arith.constant 0 : i32
      %add3A_146 = arith.addi %mul3A_144, %add3A_145 : i32
      %add3A_147 = arith.constant 100 : i32
      %add3A_148 = arith.addi %add3A_147, %add3A_146 : i32
      %dma_wait3A_149 = arith.constant 0 : i32
      %dma_wait3A_150 = tpu.memref_slice %arg7[%add3A_146, %dma_wait3A_149] : memref<50x128xi32, #tpu.memory_space<vmem>> -> memref<1x128xi32, #tpu.memory_space<vmem>>
      %dma_wait3A_151 = tpu.memref_squeeze %dma_wait3A_150 : memref<1x128xi32, #tpu.memory_space<vmem>> -> memref<128xi32, #tpu.memory_space<vmem>>
      %dma_wait3A_152 = arith.constant 0 : i32
      %dma_wait3A_153 = arith.constant 0 : i32
      %dma_wait3A_154 = tpu.memref_slice %arg2[%dma_wait3A_152, %dma_wait3A_153] : memref<2000000x64xf32, #tpu.memory_space<hbm>> -> memref<2000000x64xf32, #tpu.memory_space<hbm>>
      tpu.wait_indirect_dma semaphore(%arg5 : memref<!tpu.dma_semaphore, #tpu.memory_space<semaphore_mem>>) src(%dma_wait3A_154 : memref<2000000x64xf32, #tpu.memory_space<hbm>>) dst(%arg8 : memref<128x64xf32, #tpu.memory_space<vmem>>)
      %ge3A = arith.constant 2 : i32
      %ge3A_155 = arith.cmpi sge, %add3A_148, %ge3A : i32
      %convert_element_type3A = arith.extui %ge3A_155 : i1 to i32
      %cond3A = arith.constant 0 : i32
      %cond3A_156 = arith.cmpi ne, %convert_element_type3A, %cond3A : i32
      scf.if %cond3A_156 {
        %dma_wait3A_328 = arith.constant 0 : i32
        %dma_wait3A_329 = arith.constant 0 : i32
        %dma_wait3A_330 = arith.constant 0 : i32
        %dma_wait3A_331 = arith.constant 0 : i32
        %dma_wait3A_332 = arith.constant 0 : i32
        %dma_wait3A_333 = tpu.memref_slice %arg10[%dma_wait3A_330, %dma_wait3A_331, %dma_wait3A_332] : memref<8x8x133xf32, #tpu.memory_space<vmem>> -> memref<8x8x128xf32, #tpu.memory_space<vmem>>
        %dma_wait3A_334 = arith.constant 0 : i32
        %dma_wait3A_335 = arith.constant 0 : i32
        %dma_wait3A_336 = arith.constant 0 : i32
        %dma_wait3A_337 = tpu.memref_slice %arg4[%dma_wait3A_328, %dma_wait3A_334, %dma_wait3A_329, %dma_wait3A_335, %dma_wait3A_336] : memref<50x8x128x8x128xf32, #tpu.memory_space<hbm>> -> memref<1x8x1x8x128xf32, #tpu.memory_space<hbm>>
        %dma_wait3A_338 = tpu.memref_squeeze %dma_wait3A_337 : memref<1x8x1x8x128xf32, #tpu.memory_space<hbm>> -> memref<8x8x128xf32, #tpu.memory_space<hbm>>
        %dma_wait3A_339 = arith.constant 0 : i32
        %dma_wait3A_340 = arith.constant 0 : i32
        %dma_wait3A_341 = arith.constant 0 : i32
        %dma_wait3A_342 = tpu.memref_slice %arg4[%dma_wait3A_328, %dma_wait3A_339, %dma_wait3A_329, %dma_wait3A_340, %dma_wait3A_341] : memref<50x8x128x8x128xf32, #tpu.memory_space<hbm>> -> memref<1x8x1x8x128xf32, #tpu.memory_space<hbm>>
        %dma_wait3A_343 = tpu.memref_squeeze %dma_wait3A_342 : memref<1x8x1x8x128xf32, #tpu.memory_space<hbm>> -> memref<8x8x128xf32, #tpu.memory_space<hbm>>
        %dma_wait3A_344 = arith.constant 0 : i32
        %dma_wait3A_345 = arith.constant 0 : i32
        %dma_wait3A_346 = arith.constant 0 : i32
        %dma_wait3A_347 = tpu.memref_slice %arg10[%dma_wait3A_344, %dma_wait3A_345, %dma_wait3A_346] : memref<8x8x133xf32, #tpu.memory_space<vmem>> -> memref<8x8x128xf32, #tpu.memory_space<vmem>>
        tpu.wait_dma2 semaphore(%arg12 : memref<!tpu.dma_semaphore, #tpu.memory_space<semaphore_mem>>) src(%dma_wait3A_347 : memref<8x8x128xf32, #tpu.memory_space<vmem>>) dst(%dma_wait3A_343 : memref<8x8x128xf32, #tpu.memory_space<hbm>>)
      } else {
      }
      %iota3A = tpu.iota {dimensions = array<i32: 0>} : vector<16xi32>
      %add3A_157 = arith.constant 0 : i32
      %add3A_158 = vector.broadcast %add3A_157 : i32 to vector<16xi32>
      %add3A_159 = arith.addi %add3A_158, %iota3A : vector<16xi32>
      %shift_right_arithmetic3A = arith.constant 3 : i32
      %shift_right_arithmetic3A_160 = vector.broadcast %shift_right_arithmetic3A : i32 to vector<16xi32>
      %shift_right_arithmetic3A_161 = arith.shrsi %add3A_159, %shift_right_arithmetic3A_160 : vector<16xi32>
      %add3A_162 = arith.constant 16 : i32
      %add3A_163 = vector.broadcast %add3A_162 : i32 to vector<16xi32>
      %add3A_164 = arith.addi %add3A_163, %iota3A : vector<16xi32>
      %shift_right_arithmetic3A_165 = arith.constant 3 : i32
      %shift_right_arithmetic3A_166 = vector.broadcast %shift_right_arithmetic3A_165 : i32 to vector<16xi32>
      %shift_right_arithmetic3A_167 = arith.shrsi %add3A_164, %shift_right_arithmetic3A_166 : vector<16xi32>
      %add3A_168 = arith.constant 32 : i32
      %add3A_169 = vector.broadcast %add3A_168 : i32 to vector<16xi32>
      %add3A_170 = arith.addi %add3A_169, %iota3A : vector<16xi32>
      %shift_right_arithmetic3A_171 = arith.constant 3 : i32
      %shift_right_arithmetic3A_172 = vector.broadcast %shift_right_arithmetic3A_171 : i32 to vector<16xi32>
      %shift_right_arithmetic3A_173 = arith.shrsi %add3A_170, %shift_right_arithmetic3A_172 : vector<16xi32>
      %add3A_174 = arith.constant 48 : i32
      %add3A_175 = vector.broadcast %add3A_174 : i32 to vector<16xi32>
      %add3A_176 = arith.addi %add3A_175, %iota3A : vector<16xi32>
      %shift_right_arithmetic3A_177 = arith.constant 3 : i32
      %shift_right_arithmetic3A_178 = vector.broadcast %shift_right_arithmetic3A_177 : i32 to vector<16xi32>
      %shift_right_arithmetic3A_179 = arith.shrsi %add3A_176, %shift_right_arithmetic3A_178 : vector<16xi32>
      %add3A_180 = arith.constant 0 : i32
      %add3A_181 = vector.broadcast %add3A_180 : i32 to vector<16xi32>
      %add3A_182 = arith.addi %add3A_181, %iota3A : vector<16xi32>
      %and3A = arith.constant 7 : i32
      %and3A_183 = vector.broadcast %and3A : i32 to vector<16xi32>
      %and3A_184 = arith.andi %add3A_182, %and3A_183 : vector<16xi32>
      %add3A_185 = arith.constant 16 : i32
      %add3A_186 = vector.broadcast %add3A_185 : i32 to vector<16xi32>
      %add3A_187 = arith.addi %add3A_186, %iota3A : vector<16xi32>
      %and3A_188 = arith.constant 7 : i32
      %and3A_189 = vector.broadcast %and3A_188 : i32 to vector<16xi32>
      %and3A_190 = arith.andi %add3A_187, %and3A_189 : vector<16xi32>
      %add3A_191 = arith.constant 32 : i32
      %add3A_192 = vector.broadcast %add3A_191 : i32 to vector<16xi32>
      %add3A_193 = arith.addi %add3A_192, %iota3A : vector<16xi32>
      %and3A_194 = arith.constant 7 : i32
      %and3A_195 = vector.broadcast %and3A_194 : i32 to vector<16xi32>
      %and3A_196 = arith.andi %add3A_193, %and3A_195 : vector<16xi32>
      %add3A_197 = arith.constant 48 : i32
      %add3A_198 = vector.broadcast %add3A_197 : i32 to vector<16xi32>
      %add3A_199 = arith.addi %add3A_198, %iota3A : vector<16xi32>
      %and3A_200 = arith.constant 7 : i32
      %and3A_201 = vector.broadcast %and3A_200 : i32 to vector<16xi32>
      %and3A_202 = arith.andi %add3A_199, %and3A_201 : vector<16xi32>
      %scan3A_203 = arith.constant 0 : i32
      %scan3A_204 = arith.constant 128 : i32
      %scan3A_205 = arith.addi %scan3A_203, %scan3A_204 : i32
      %scan3A_206 = arith.constant 8 : i32
      scf.for %scan3A_328 = %scan3A_203 to %scan3A_205 step %scan3A_206  : i32 {
        %mul3A_329 = arith.constant 1 : i32
        %mul3A_330 = arith.muli %scan3A_328, %mul3A_329 : i32
        %add3A_331 = arith.constant 0 : i32
        %add3A_332 = arith.addi %add3A_331, %mul3A_330 : i32
        %broadcast_in_dim3A = vector.broadcast %add3A_332 : i32 to vector<16xi32>
        %get3A = arith.index_cast %add3A_332 : i32 to index
        %get3A_333 = arith.constant 0 : index
        %get3A_334 = tpu.vector_load %arg8[%get3A, %get3A_333] {strides = array<i32>} : memref<128x64xf32, #tpu.memory_space<vmem>>, vector<16xf32>,
        tpu.vector_store_idx %arg10[%shift_right_arithmetic3A_161, %and3A_184, %broadcast_in_dim3A], %get3A_334 : memref<8x8x133xf32, #tpu.memory_space<vmem>>[vector<16xi32>, vector<16xi32>, vector<16xi32>], vector<16xf32>,
        %get3A_335 = arith.index_cast %add3A_332 : i32 to index
        %get3A_336 = arith.constant 16 : index
        %get3A_337 = tpu.vector_load %arg8[%get3A_335, %get3A_336] {strides = array<i32>} : memref<128x64xf32, #tpu.memory_space<vmem>>, vector<16xf32>,
        tpu.vector_store_idx %arg10[%shift_right_arithmetic3A_167, %and3A_190, %broadcast_in_dim3A], %get3A_337 : memref<8x8x133xf32, #tpu.memory_space<vmem>>[vector<16xi32>, vector<16xi32>, vector<16xi32>], vector<16xf32>,
        %get3A_338 = arith.index_cast %add3A_332 : i32 to index
        %get3A_339 = arith.constant 32 : index
        %get3A_340 = tpu.vector_load %arg8[%get3A_338, %get3A_339] {strides = array<i32>} : memref<128x64xf32, #tpu.memory_space<vmem>>, vector<16xf32>,
        tpu.vector_store_idx %arg10[%shift_right_arithmetic3A_173, %and3A_196, %broadcast_in_dim3A], %get3A_340 : memref<8x8x133xf32, #tpu.memory_space<vmem>>[vector<16xi32>, vector<16xi32>, vector<16xi32>], vector<16xf32>,
        %get3A_341 = arith.index_cast %add3A_332 : i32 to index
        %get3A_342 = arith.constant 48 : index
        %get3A_343 = tpu.vector_load %arg8[%get3A_341, %get3A_342] {strides = array<i32>} : memref<128x64xf32, #tpu.memory_space<vmem>>, vector<16xf32>,
        tpu.vector_store_idx %arg10[%shift_right_arithmetic3A_179, %and3A_202, %broadcast_in_dim3A], %get3A_343 : memref<8x8x133xf32, #tpu.memory_space<vmem>>[vector<16xi32>, vector<16xi32>, vector<16xi32>], vector<16xf32>,
        %scan3A_344 = arith.constant 1 : i32
        %scan3A_345 = arith.addi %scan3A_328, %scan3A_344 : i32
        %mul3A_346 = arith.constant 1 : i32
        %mul3A_347 = arith.muli %scan3A_345, %mul3A_346 : i32
        %add3A_348 = arith.constant 0 : i32
        %add3A_349 = arith.addi %add3A_348, %mul3A_347 : i32
        %broadcast_in_dim3A_350 = vector.broadcast %add3A_349 : i32 to vector<16xi32>
        %get3A_351 = arith.index_cast %add3A_349 : i32 to index
        %get3A_352 = arith.constant 0 : index
        %get3A_353 = tpu.vector_load %arg8[%get3A_351, %get3A_352] {strides = array<i32>} : memref<128x64xf32, #tpu.memory_space<vmem>>, vector<16xf32>,
        tpu.vector_store_idx %arg10[%shift_right_arithmetic3A_161, %and3A_184, %broadcast_in_dim3A_350], %get3A_353 : memref<8x8x133xf32, #tpu.memory_space<vmem>>[vector<16xi32>, vector<16xi32>, vector<16xi32>], vector<16xf32>,
        %get3A_354 = arith.index_cast %add3A_349 : i32 to index
        %get3A_355 = arith.constant 16 : index
        %get3A_356 = tpu.vector_load %arg8[%get3A_354, %get3A_355] {strides = array<i32>} : memref<128x64xf32, #tpu.memory_space<vmem>>, vector<16xf32>,
        tpu.vector_store_idx %arg10[%shift_right_arithmetic3A_167, %and3A_190, %broadcast_in_dim3A_350], %get3A_356 : memref<8x8x133xf32, #tpu.memory_space<vmem>>[vector<16xi32>, vector<16xi32>, vector<16xi32>], vector<16xf32>,
        %get3A_357 = arith.index_cast %add3A_349 : i32 to index
        %get3A_358 = arith.constant 32 : index
        %get3A_359 = tpu.vector_load %arg8[%get3A_357, %get3A_358] {strides = array<i32>} : memref<128x64xf32, #tpu.memory_space<vmem>>, vector<16xf32>,
        tpu.vector_store_idx %arg10[%shift_right_arithmetic3A_173, %and3A_196, %broadcast_in_dim3A_350], %get3A_359 : memref<8x8x133xf32, #tpu.memory_space<vmem>>[vector<16xi32>, vector<16xi32>, vector<16xi32>], vector<16xf32>,
        %get3A_360 = arith.index_cast %add3A_349 : i32 to index
        %get3A_361 = arith.constant 48 : index
        %get3A_362 = tpu.vector_load %arg8[%get3A_360, %get3A_361] {strides = array<i32>} : memref<128x64xf32, #tpu.memory_space<vmem>>, vector<16xf32>,
        tpu.vector_store_idx %arg10[%shift_right_arithmetic3A_179, %and3A_202, %broadcast_in_dim3A_350], %get3A_362 : memref<8x8x133xf32, #tpu.memory_space<vmem>>[vector<16xi32>, vector<16xi32>, vector<16xi32>], vector<16xf32>,
        %scan3A_363 = arith.constant 2 : i32
        %scan3A_364 = arith.addi %scan3A_328, %scan3A_363 : i32
        %mul3A_365 = arith.constant 1 : i32
        %mul3A_366 = arith.muli %scan3A_364, %mul3A_365 : i32
        %add3A_367 = arith.constant 0 : i32
        %add3A_368 = arith.addi %add3A_367, %mul3A_366 : i32
        %broadcast_in_dim3A_369 = vector.broadcast %add3A_368 : i32 to vector<16xi32>
        %get3A_370 = arith.index_cast %add3A_368 : i32 to index
        %get3A_371 = arith.constant 0 : index
        %get3A_372 = tpu.vector_load %arg8[%get3A_370, %get3A_371] {strides = array<i32>} : memref<128x64xf32, #tpu.memory_space<vmem>>, vector<16xf32>,
        tpu.vector_store_idx %arg10[%shift_right_arithmetic3A_161, %and3A_184, %broadcast_in_dim3A_369], %get3A_372 : memref<8x8x133xf32, #tpu.memory_space<vmem>>[vector<16xi32>, vector<16xi32>, vector<16xi32>], vector<16xf32>,
        %get3A_373 = arith.index_cast %add3A_368 : i32 to index
        %get3A_374 = arith.constant 16 : index
        %get3A_375 = tpu.vector_load %arg8[%get3A_373, %get3A_374] {strides = array<i32>} : memref<128x64xf32, #tpu.memory_space<vmem>>, vector<16xf32>,
        tpu.vector_store_idx %arg10[%shift_right_arithmetic3A_167, %and3A_190, %broadcast_in_dim3A_369], %get3A_375 : memref<8x8x133xf32, #tpu.memory_space<vmem>>[vector<16xi32>, vector<16xi32>, vector<16xi32>], vector<16xf32>,
        %get3A_376 = arith.index_cast %add3A_368 : i32 to index
        %get3A_377 = arith.constant 32 : index
        %get3A_378 = tpu.vector_load %arg8[%get3A_376, %get3A_377] {strides = array<i32>} : memref<128x64xf32, #tpu.memory_space<vmem>>, vector<16xf32>,
        tpu.vector_store_idx %arg10[%shift_right_arithmetic3A_173, %and3A_196, %broadcast_in_dim3A_369], %get3A_378 : memref<8x8x133xf32, #tpu.memory_space<vmem>>[vector<16xi32>, vector<16xi32>, vector<16xi32>], vector<16xf32>,
        %get3A_379 = arith.index_cast %add3A_368 : i32 to index
        %get3A_380 = arith.constant 48 : index
        %get3A_381 = tpu.vector_load %arg8[%get3A_379, %get3A_380] {strides = array<i32>} : memref<128x64xf32, #tpu.memory_space<vmem>>, vector<16xf32>,
        tpu.vector_store_idx %arg10[%shift_right_arithmetic3A_179, %and3A_202, %broadcast_in_dim3A_369], %get3A_381 : memref<8x8x133xf32, #tpu.memory_space<vmem>>[vector<16xi32>, vector<16xi32>, vector<16xi32>], vector<16xf32>,
        %scan3A_382 = arith.constant 3 : i32
        %scan3A_383 = arith.addi %scan3A_328, %scan3A_382 : i32
        %mul3A_384 = arith.constant 1 : i32
        %mul3A_385 = arith.muli %scan3A_383, %mul3A_384 : i32
        %add3A_386 = arith.constant 0 : i32
        %add3A_387 = arith.addi %add3A_386, %mul3A_385 : i32
        %broadcast_in_dim3A_388 = vector.broadcast %add3A_387 : i32 to vector<16xi32>
        %get3A_389 = arith.index_cast %add3A_387 : i32 to index
        %get3A_390 = arith.constant 0 : index
        %get3A_391 = tpu.vector_load %arg8[%get3A_389, %get3A_390] {strides = array<i32>} : memref<128x64xf32, #tpu.memory_space<vmem>>, vector<16xf32>,
        tpu.vector_store_idx %arg10[%shift_right_arithmetic3A_161, %and3A_184, %broadcast_in_dim3A_388], %get3A_391 : memref<8x8x133xf32, #tpu.memory_space<vmem>>[vector<16xi32>, vector<16xi32>, vector<16xi32>], vector<16xf32>,
        %get3A_392 = arith.index_cast %add3A_387 : i32 to index
        %get3A_393 = arith.constant 16 : index
        %get3A_394 = tpu.vector_load %arg8[%get3A_392, %get3A_393] {strides = array<i32>} : memref<128x64xf32, #tpu.memory_space<vmem>>, vector<16xf32>,
        tpu.vector_store_idx %arg10[%shift_right_arithmetic3A_167, %and3A_190, %broadcast_in_dim3A_388], %get3A_394 : memref<8x8x133xf32, #tpu.memory_space<vmem>>[vector<16xi32>, vector<16xi32>, vector<16xi32>], vector<16xf32>,
        %get3A_395 = arith.index_cast %add3A_387 : i32 to index
        %get3A_396 = arith.constant 32 : index
        %get3A_397 = tpu.vector_load %arg8[%get3A_395, %get3A_396] {strides = array<i32>} : memref<128x64xf32, #tpu.memory_space<vmem>>, vector<16xf32>,
        tpu.vector_store_idx %arg10[%shift_right_arithmetic3A_173, %and3A_196, %broadcast_in_dim3A_388], %get3A_397 : memref<8x8x133xf32, #tpu.memory_space<vmem>>[vector<16xi32>, vector<16xi32>, vector<16xi32>], vector<16xf32>,
        %get3A_398 = arith.index_cast %add3A_387 : i32 to index
        %get3A_399 = arith.constant 48 : index
        %get3A_400 = tpu.vector_load %arg8[%get3A_398, %get3A_399] {strides = array<i32>} : memref<128x64xf32, #tpu.memory_space<vmem>>, vector<16xf32>,
        tpu.vector_store_idx %arg10[%shift_right_arithmetic3A_179, %and3A_202, %broadcast_in_dim3A_388], %get3A_400 : memref<8x8x133xf32, #tpu.memory_space<vmem>>[vector<16xi32>, vector<16xi32>, vector<16xi32>], vector<16xf32>,
        %scan3A_401 = arith.constant 4 : i32
        %scan3A_402 = arith.addi %scan3A_328, %scan3A_401 : i32
        %mul3A_403 = arith.constant 1 : i32
        %mul3A_404 = arith.muli %scan3A_402, %mul3A_403 : i32
        %add3A_405 = arith.constant 0 : i32
        %add3A_406 = arith.addi %add3A_405, %mul3A_404 : i32
        %broadcast_in_dim3A_407 = vector.broadcast %add3A_406 : i32 to vector<16xi32>
        %get3A_408 = arith.index_cast %add3A_406 : i32 to index
        %get3A_409 = arith.constant 0 : index
        %get3A_410 = tpu.vector_load %arg8[%get3A_408, %get3A_409] {strides = array<i32>} : memref<128x64xf32, #tpu.memory_space<vmem>>, vector<16xf32>,
        tpu.vector_store_idx %arg10[%shift_right_arithmetic3A_161, %and3A_184, %broadcast_in_dim3A_407], %get3A_410 : memref<8x8x133xf32, #tpu.memory_space<vmem>>[vector<16xi32>, vector<16xi32>, vector<16xi32>], vector<16xf32>,
        %get3A_411 = arith.index_cast %add3A_406 : i32 to index
        %get3A_412 = arith.constant 16 : index
        %get3A_413 = tpu.vector_load %arg8[%get3A_411, %get3A_412] {strides = array<i32>} : memref<128x64xf32, #tpu.memory_space<vmem>>, vector<16xf32>,
        tpu.vector_store_idx %arg10[%shift_right_arithmetic3A_167, %and3A_190, %broadcast_in_dim3A_407], %get3A_413 : memref<8x8x133xf32, #tpu.memory_space<vmem>>[vector<16xi32>, vector<16xi32>, vector<16xi32>], vector<16xf32>,
        %get3A_414 = arith.index_cast %add3A_406 : i32 to index
        %get3A_415 = arith.constant 32 : index
        %get3A_416 = tpu.vector_load %arg8[%get3A_414, %get3A_415] {strides = array<i32>} : memref<128x64xf32, #tpu.memory_space<vmem>>, vector<16xf32>,
        tpu.vector_store_idx %arg10[%shift_right_arithmetic3A_173, %and3A_196, %broadcast_in_dim3A_407], %get3A_416 : memref<8x8x133xf32, #tpu.memory_space<vmem>>[vector<16xi32>, vector<16xi32>, vector<16xi32>], vector<16xf32>,
        %get3A_417 = arith.index_cast %add3A_406 : i32 to index
        %get3A_418 = arith.constant 48 : index
        %get3A_419 = tpu.vector_load %arg8[%get3A_417, %get3A_418] {strides = array<i32>} : memref<128x64xf32, #tpu.memory_space<vmem>>, vector<16xf32>,
        tpu.vector_store_idx %arg10[%shift_right_arithmetic3A_179, %and3A_202, %broadcast_in_dim3A_407], %get3A_419 : memref<8x8x133xf32, #tpu.memory_space<vmem>>[vector<16xi32>, vector<16xi32>, vector<16xi32>], vector<16xf32>,
        %scan3A_420 = arith.constant 5 : i32
        %scan3A_421 = arith.addi %scan3A_328, %scan3A_420 : i32
        %mul3A_422 = arith.constant 1 : i32
        %mul3A_423 = arith.muli %scan3A_421, %mul3A_422 : i32
        %add3A_424 = arith.constant 0 : i32
        %add3A_425 = arith.addi %add3A_424, %mul3A_423 : i32
        %broadcast_in_dim3A_426 = vector.broadcast %add3A_425 : i32 to vector<16xi32>
        %get3A_427 = arith.index_cast %add3A_425 : i32 to index
        %get3A_428 = arith.constant 0 : index
        %get3A_429 = tpu.vector_load %arg8[%get3A_427, %get3A_428] {strides = array<i32>} : memref<128x64xf32, #tpu.memory_space<vmem>>, vector<16xf32>,
        tpu.vector_store_idx %arg10[%shift_right_arithmetic3A_161, %and3A_184, %broadcast_in_dim3A_426], %get3A_429 : memref<8x8x133xf32, #tpu.memory_space<vmem>>[vector<16xi32>, vector<16xi32>, vector<16xi32>], vector<16xf32>,
        %get3A_430 = arith.index_cast %add3A_425 : i32 to index
        %get3A_431 = arith.constant 16 : index
        %get3A_432 = tpu.vector_load %arg8[%get3A_430, %get3A_431] {strides = array<i32>} : memref<128x64xf32, #tpu.memory_space<vmem>>, vector<16xf32>,
        tpu.vector_store_idx %arg10[%shift_right_arithmetic3A_167, %and3A_190, %broadcast_in_dim3A_426], %get3A_432 : memref<8x8x133xf32, #tpu.memory_space<vmem>>[vector<16xi32>, vector<16xi32>, vector<16xi32>], vector<16xf32>,
        %get3A_433 = arith.index_cast %add3A_425 : i32 to index
        %get3A_434 = arith.constant 32 : index
        %get3A_435 = tpu.vector_load %arg8[%get3A_433, %get3A_434] {strides = array<i32>} : memref<128x64xf32, #tpu.memory_space<vmem>>, vector<16xf32>,
        tpu.vector_store_idx %arg10[%shift_right_arithmetic3A_173, %and3A_196, %broadcast_in_dim3A_426], %get3A_435 : memref<8x8x133xf32, #tpu.memory_space<vmem>>[vector<16xi32>, vector<16xi32>, vector<16xi32>], vector<16xf32>,
        %get3A_436 = arith.index_cast %add3A_425 : i32 to index
        %get3A_437 = arith.constant 48 : index
        %get3A_438 = tpu.vector_load %arg8[%get3A_436, %get3A_437] {strides = array<i32>} : memref<128x64xf32, #tpu.memory_space<vmem>>, vector<16xf32>,
        tpu.vector_store_idx %arg10[%shift_right_arithmetic3A_179, %and3A_202, %broadcast_in_dim3A_426], %get3A_438 : memref<8x8x133xf32, #tpu.memory_space<vmem>>[vector<16xi32>, vector<16xi32>, vector<16xi32>], vector<16xf32>,
        %scan3A_439 = arith.constant 6 : i32
        %scan3A_440 = arith.addi %scan3A_328, %scan3A_439 : i32
        %mul3A_441 = arith.constant 1 : i32
        %mul3A_442 = arith.muli %scan3A_440, %mul3A_441 : i32
        %add3A_443 = arith.constant 0 : i32
        %add3A_444 = arith.addi %add3A_443, %mul3A_442 : i32
        %broadcast_in_dim3A_445 = vector.broadcast %add3A_444 : i32 to vector<16xi32>
        %get3A_446 = arith.index_cast %add3A_444 : i32 to index
        %get3A_447 = arith.constant 0 : index
        %get3A_448 = tpu.vector_load %arg8[%get3A_446, %get3A_447] {strides = array<i32>} : memref<128x64xf32, #tpu.memory_space<vmem>>, vector<16xf32>,
        tpu.vector_store_idx %arg10[%shift_right_arithmetic3A_161, %and3A_184, %broadcast_in_dim3A_445], %get3A_448 : memref<8x8x133xf32, #tpu.memory_space<vmem>>[vector<16xi32>, vector<16xi32>, vector<16xi32>], vector<16xf32>,
        %get3A_449 = arith.index_cast %add3A_444 : i32 to index
        %get3A_450 = arith.constant 16 : index
        %get3A_451 = tpu.vector_load %arg8[%get3A_449, %get3A_450] {strides = array<i32>} : memref<128x64xf32, #tpu.memory_space<vmem>>, vector<16xf32>,
        tpu.vector_store_idx %arg10[%shift_right_arithmetic3A_167, %and3A_190, %broadcast_in_dim3A_445], %get3A_451 : memref<8x8x133xf32, #tpu.memory_space<vmem>>[vector<16xi32>, vector<16xi32>, vector<16xi32>], vector<16xf32>,
        %get3A_452 = arith.index_cast %add3A_444 : i32 to index
        %get3A_453 = arith.constant 32 : index
        %get3A_454 = tpu.vector_load %arg8[%get3A_452, %get3A_453] {strides = array<i32>} : memref<128x64xf32, #tpu.memory_space<vmem>>, vector<16xf32>,
        tpu.vector_store_idx %arg10[%shift_right_arithmetic3A_173, %and3A_196, %broadcast_in_dim3A_445], %get3A_454 : memref<8x8x133xf32, #tpu.memory_space<vmem>>[vector<16xi32>, vector<16xi32>, vector<16xi32>], vector<16xf32>,
        %get3A_455 = arith.index_cast %add3A_444 : i32 to index
        %get3A_456 = arith.constant 48 : index
        %get3A_457 = tpu.vector_load %arg8[%get3A_455, %get3A_456] {strides = array<i32>} : memref<128x64xf32, #tpu.memory_space<vmem>>, vector<16xf32>,
        tpu.vector_store_idx %arg10[%shift_right_arithmetic3A_179, %and3A_202, %broadcast_in_dim3A_445], %get3A_457 : memref<8x8x133xf32, #tpu.memory_space<vmem>>[vector<16xi32>, vector<16xi32>, vector<16xi32>], vector<16xf32>,
        %scan3A_458 = arith.constant 7 : i32
        %scan3A_459 = arith.addi %scan3A_328, %scan3A_458 : i32
        %mul3A_460 = arith.constant 1 : i32
        %mul3A_461 = arith.muli %scan3A_459, %mul3A_460 : i32
        %add3A_462 = arith.constant 0 : i32
        %add3A_463 = arith.addi %add3A_462, %mul3A_461 : i32
        %broadcast_in_dim3A_464 = vector.broadcast %add3A_463 : i32 to vector<16xi32>
        %get3A_465 = arith.index_cast %add3A_463 : i32 to index
        %get3A_466 = arith.constant 0 : index
        %get3A_467 = tpu.vector_load %arg8[%get3A_465, %get3A_466] {strides = array<i32>} : memref<128x64xf32, #tpu.memory_space<vmem>>, vector<16xf32>,
        tpu.vector_store_idx %arg10[%shift_right_arithmetic3A_161, %and3A_184, %broadcast_in_dim3A_464], %get3A_467 : memref<8x8x133xf32, #tpu.memory_space<vmem>>[vector<16xi32>, vector<16xi32>, vector<16xi32>], vector<16xf32>,
        %get3A_468 = arith.index_cast %add3A_463 : i32 to index
        %get3A_469 = arith.constant 16 : index
        %get3A_470 = tpu.vector_load %arg8[%get3A_468, %get3A_469] {strides = array<i32>} : memref<128x64xf32, #tpu.memory_space<vmem>>, vector<16xf32>,
        tpu.vector_store_idx %arg10[%shift_right_arithmetic3A_167, %and3A_190, %broadcast_in_dim3A_464], %get3A_470 : memref<8x8x133xf32, #tpu.memory_space<vmem>>[vector<16xi32>, vector<16xi32>, vector<16xi32>], vector<16xf32>,
        %get3A_471 = arith.index_cast %add3A_463 : i32 to index
        %get3A_472 = arith.constant 32 : index
        %get3A_473 = tpu.vector_load %arg8[%get3A_471, %get3A_472] {strides = array<i32>} : memref<128x64xf32, #tpu.memory_space<vmem>>, vector<16xf32>,
        tpu.vector_store_idx %arg10[%shift_right_arithmetic3A_173, %and3A_196, %broadcast_in_dim3A_464], %get3A_473 : memref<8x8x133xf32, #tpu.memory_space<vmem>>[vector<16xi32>, vector<16xi32>, vector<16xi32>], vector<16xf32>,
        %get3A_474 = arith.index_cast %add3A_463 : i32 to index
        %get3A_475 = arith.constant 48 : index
        %get3A_476 = tpu.vector_load %arg8[%get3A_474, %get3A_475] {strides = array<i32>} : memref<128x64xf32, #tpu.memory_space<vmem>>, vector<16xf32>,
        tpu.vector_store_idx %arg10[%shift_right_arithmetic3A_179, %and3A_202, %broadcast_in_dim3A_464], %get3A_476 : memref<8x8x133xf32, #tpu.memory_space<vmem>>[vector<16xi32>, vector<16xi32>, vector<16xi32>], vector<16xf32>,
      }
      %scan3A_207 = arith.constant 128 : i32
      %dma_start3A_208 = arith.constant 0 : i32
      %dma_start3A_209 = arith.constant 0 : i32
      %dma_start3A_210 = arith.constant 0 : i32
      %dma_start3A_211 = tpu.memref_slice %arg10[%dma_start3A_208, %dma_start3A_209, %dma_start3A_210] : memref<8x8x133xf32, #tpu.memory_space<vmem>> -> memref<8x8x128xf32, #tpu.memory_space<vmem>>
      %dma_start3A_212 = arith.constant 0 : i32
      %dma_start3A_213 = arith.constant 0 : i32
      %dma_start3A_214 = arith.constant 0 : i32
      %dma_start3A_215 = tpu.memref_slice %arg4[%add3A_146, %dma_start3A_212, %add3A_52, %dma_start3A_213, %dma_start3A_214] : memref<50x8x128x8x128xf32, #tpu.memory_space<hbm>> -> memref<1x8x1x8x128xf32, #tpu.memory_space<hbm>>
      %dma_start3A_216 = tpu.memref_squeeze %dma_start3A_215 : memref<1x8x1x8x128xf32, #tpu.memory_space<hbm>> -> memref<8x8x128xf32, #tpu.memory_space<hbm>>
      %dma_start3A_217 = arith.constant 0 : i32
      %dma_start3A_218 = arith.constant 0 : i32
      %dma_start3A_219 = arith.constant 0 : i32
      %dma_start3A_220 = tpu.memref_slice %arg4[%add3A_146, %dma_start3A_217, %add3A_52, %dma_start3A_218, %dma_start3A_219] : memref<50x8x128x8x128xf32, #tpu.memory_space<hbm>> -> memref<1x8x1x8x128xf32, #tpu.memory_space<hbm>>
      %dma_start3A_221 = tpu.memref_squeeze %dma_start3A_220 : memref<1x8x1x8x128xf32, #tpu.memory_space<hbm>> -> memref<8x8x128xf32, #tpu.memory_space<hbm>>
      %dma_start3A_222 = arith.constant 0 : i32
      %dma_start3A_223 = arith.constant 0 : i32
      %dma_start3A_224 = arith.constant 0 : i32
      %dma_start3A_225 = tpu.memref_slice %arg10[%dma_start3A_222, %dma_start3A_223, %dma_start3A_224] : memref<8x8x133xf32, #tpu.memory_space<vmem>> -> memref<8x8x128xf32, #tpu.memory_space<vmem>>
      tpu.enqueue_dma source(%dma_start3A_225 : memref<8x8x128xf32, #tpu.memory_space<vmem>>) target(%dma_start3A_221 : memref<8x8x128xf32, #tpu.memory_space<hbm>>) target_semaphore(%arg12 : memref<!tpu.dma_semaphore, #tpu.memory_space<semaphore_mem>>)
      %add3A_226 = arith.constant 2 : i32
      %add3A_227 = arith.addi %add3A_146, %add3A_226 : i32
      %lt3A = arith.constant 50 : i32
      %lt3A_228 = arith.cmpi slt, %add3A_227, %lt3A : i32
      %convert_element_type3A_229 = arith.extui %lt3A_228 : i1 to i32
      %cond3A_230 = arith.constant 0 : i32
      %cond3A_231 = arith.cmpi ne, %convert_element_type3A_229, %cond3A_230 : i32
      scf.if %cond3A_231 {
        %dma_start3A_328 = arith.constant 0 : i32
        %dma_start3A_329 = tpu.memref_slice %arg7[%add3A_227, %dma_start3A_328] : memref<50x128xi32, #tpu.memory_space<vmem>> -> memref<1x128xi32, #tpu.memory_space<vmem>>
        %dma_start3A_330 = tpu.memref_squeeze %dma_start3A_329 : memref<1x128xi32, #tpu.memory_space<vmem>> -> memref<128xi32, #tpu.memory_space<vmem>>
        %dma_start3A_331 = arith.constant 0 : i32
        %dma_start3A_332 = arith.constant 0 : i32
        %dma_start3A_333 = tpu.memref_slice %arg2[%dma_start3A_331, %dma_start3A_332] : memref<2000000x64xf32, #tpu.memory_space<hbm>> -> memref<2000000x64xf32, #tpu.memory_space<hbm>>
        tpu.enqueue_indirect_dma source(%dma_start3A_333 : memref<2000000x64xf32, #tpu.memory_space<hbm>>) target(%arg8 : memref<128x64xf32, #tpu.memory_space<vmem>>) offsets(%dma_start3A_330 : memref<128xi32, #tpu.memory_space<vmem>>) semaphore(%arg5 : memref<!tpu.dma_semaphore, #tpu.memory_space<semaphore_mem>>)
      } else {
      }
      %mul3A_232 = arith.constant 2 : i32
      %mul3A_233 = arith.muli %add3A_142, %mul3A_232 : i32
      %add3A_234 = arith.constant 1 : i32
      %add3A_235 = arith.addi %mul3A_233, %add3A_234 : i32
      %add3A_236 = arith.constant 100 : i32
      %add3A_237 = arith.addi %add3A_236, %add3A_235 : i32
      %dma_wait3A_238 = arith.constant 0 : i32
      %dma_wait3A_239 = tpu.memref_slice %arg7[%add3A_235, %dma_wait3A_238] : memref<50x128xi32, #tpu.memory_space<vmem>> -> memref<1x128xi32, #tpu.memory_space<vmem>>
      %dma_wait3A_240 = tpu.memref_squeeze %dma_wait3A_239 : memref<1x128xi32, #tpu.memory_space<vmem>> -> memref<128xi32, #tpu.memory_space<vmem>>
      %dma_wait3A_241 = arith.constant 0 : i32
      %dma_wait3A_242 = arith.constant 0 : i32
      %dma_wait3A_243 = tpu.memref_slice %arg2[%dma_wait3A_241, %dma_wait3A_242] : memref<2000000x64xf32, #tpu.memory_space<hbm>> -> memref<2000000x64xf32, #tpu.memory_space<hbm>>
      tpu.wait_indirect_dma semaphore(%arg6 : memref<!tpu.dma_semaphore, #tpu.memory_space<semaphore_mem>>) src(%dma_wait3A_243 : memref<2000000x64xf32, #tpu.memory_space<hbm>>) dst(%arg9 : memref<128x64xf32, #tpu.memory_space<vmem>>)
      %ge3A_244 = arith.constant 2 : i32
      %ge3A_245 = arith.cmpi sge, %add3A_237, %ge3A_244 : i32
      %convert_element_type3A_246 = arith.extui %ge3A_245 : i1 to i32
      %cond3A_247 = arith.constant 0 : i32
      %cond3A_248 = arith.cmpi ne, %convert_element_type3A_246, %cond3A_247 : i32
      scf.if %cond3A_248 {
        %dma_wait3A_328 = arith.constant 0 : i32
        %dma_wait3A_329 = arith.constant 0 : i32
        %dma_wait3A_330 = arith.constant 0 : i32
        %dma_wait3A_331 = arith.constant 0 : i32
        %dma_wait3A_332 = arith.constant 0 : i32
        %dma_wait3A_333 = tpu.memref_slice %arg11[%dma_wait3A_330, %dma_wait3A_331, %dma_wait3A_332] : memref<8x8x133xf32, #tpu.memory_space<vmem>> -> memref<8x8x128xf32, #tpu.memory_space<vmem>>
        %dma_wait3A_334 = arith.constant 0 : i32
        %dma_wait3A_335 = arith.constant 0 : i32
        %dma_wait3A_336 = arith.constant 0 : i32
        %dma_wait3A_337 = tpu.memref_slice %arg4[%dma_wait3A_328, %dma_wait3A_334, %dma_wait3A_329, %dma_wait3A_335, %dma_wait3A_336] : memref<50x8x128x8x128xf32, #tpu.memory_space<hbm>> -> memref<1x8x1x8x128xf32, #tpu.memory_space<hbm>>
        %dma_wait3A_338 = tpu.memref_squeeze %dma_wait3A_337 : memref<1x8x1x8x128xf32, #tpu.memory_space<hbm>> -> memref<8x8x128xf32, #tpu.memory_space<hbm>>
        %dma_wait3A_339 = arith.constant 0 : i32
        %dma_wait3A_340 = arith.constant 0 : i32
        %dma_wait3A_341 = arith.constant 0 : i32
        %dma_wait3A_342 = tpu.memref_slice %arg4[%dma_wait3A_328, %dma_wait3A_339, %dma_wait3A_329, %dma_wait3A_340, %dma_wait3A_341] : memref<50x8x128x8x128xf32, #tpu.memory_space<hbm>> -> memref<1x8x1x8x128xf32, #tpu.memory_space<hbm>>
        %dma_wait3A_343 = tpu.memref_squeeze %dma_wait3A_342 : memref<1x8x1x8x128xf32, #tpu.memory_space<hbm>> -> memref<8x8x128xf32, #tpu.memory_space<hbm>>
        %dma_wait3A_344 = arith.constant 0 : i32
        %dma_wait3A_345 = arith.constant 0 : i32
        %dma_wait3A_346 = arith.constant 0 : i32
        %dma_wait3A_347 = tpu.memref_slice %arg11[%dma_wait3A_344, %dma_wait3A_345, %dma_wait3A_346] : memref<8x8x133xf32, #tpu.memory_space<vmem>> -> memref<8x8x128xf32, #tpu.memory_space<vmem>>
        tpu.wait_dma2 semaphore(%arg13 : memref<!tpu.dma_semaphore, #tpu.memory_space<semaphore_mem>>) src(%dma_wait3A_347 : memref<8x8x128xf32, #tpu.memory_space<vmem>>) dst(%dma_wait3A_343 : memref<8x8x128xf32, #tpu.memory_space<hbm>>)
      } else {
      }
      %iota3A_249 = tpu.iota {dimensions = array<i32: 0>} : vector<16xi32>
      %add3A_250 = arith.constant 0 : i32
      %add3A_251 = vector.broadcast %add3A_250 : i32 to vector<16xi32>
      %add3A_252 = arith.addi %add3A_251, %iota3A_249 : vector<16xi32>
      %shift_right_arithmetic3A_253 = arith.constant 3 : i32
      %shift_right_arithmetic3A_254 = vector.broadcast %shift_right_arithmetic3A_253 : i32 to vector<16xi32>
      %shift_right_arithmetic3A_255 = arith.shrsi %add3A_252, %shift_right_arithmetic3A_254 : vector<16xi32>
      %add3A_256 = arith.constant 16 : i32
      %add3A_257 = vector.broadcast %add3A_256 : i32 to vector<16xi32>
      %add3A_258 = arith.addi %add3A_257, %iota3A_249 : vector<16xi32>
      %shift_right_arithmetic3A_259 = arith.constant 3 : i32
      %shift_right_arithmetic3A_260 = vector.broadcast %shift_right_arithmetic3A_259 : i32 to vector<16xi32>
      %shift_right_arithmetic3A_261 = arith.shrsi %add3A_258, %shift_right_arithmetic3A_260 : vector<16xi32>
      %add3A_262 = arith.constant 32 : i32
      %add3A_263 = vector.broadcast %add3A_262 : i32 to vector<16xi32>
      %add3A_264 = arith.addi %add3A_263, %iota3A_249 : vector<16xi32>
      %shift_right_arithmetic3A_265 = arith.constant 3 : i32
      %shift_right_arithmetic3A_266 = vector.broadcast %shift_right_arithmetic3A_265 : i32 to vector<16xi32>
      %shift_right_arithmetic3A_267 = arith.shrsi %add3A_264, %shift_right_arithmetic3A_266 : vector<16xi32>
      %add3A_268 = arith.constant 48 : i32
      %add3A_269 = vector.broadcast %add3A_268 : i32 to vector<16xi32>
      %add3A_270 = arith.addi %add3A_269, %iota3A_249 : vector<16xi32>
      %shift_right_arithmetic3A_271 = arith.constant 3 : i32
      %shift_right_arithmetic3A_272 = vector.broadcast %shift_right_arithmetic3A_271 : i32 to vector<16xi32>
      %shift_right_arithmetic3A_273 = arith.shrsi %add3A_270, %shift_right_arithmetic3A_272 : vector<16xi32>
      %add3A_274 = arith.constant 0 : i32
      %add3A_275 = vector.broadcast %add3A_274 : i32 to vector<16xi32>
      %add3A_276 = arith.addi %add3A_275, %iota3A_249 : vector<16xi32>
      %and3A_277 = arith.constant 7 : i32
      %and3A_278 = vector.broadcast %and3A_277 : i32 to vector<16xi32>
      %and3A_279 = arith.andi %add3A_276, %and3A_278 : vector<16xi32>
      %add3A_280 = arith.constant 16 : i32
      %add3A_281 = vector.broadcast %add3A_280 : i32 to vector<16xi32>
      %add3A_282 = arith.addi %add3A_281, %iota3A_249 : vector<16xi32>
      %and3A_283 = arith.constant 7 : i32
      %and3A_284 = vector.broadcast %and3A_283 : i32 to vector<16xi32>
      %and3A_285 = arith.andi %add3A_282, %and3A_284 : vector<16xi32>
      %add3A_286 = arith.constant 32 : i32
      %add3A_287 = vector.broadcast %add3A_286 : i32 to vector<16xi32>
      %add3A_288 = arith.addi %add3A_287, %iota3A_249 : vector<16xi32>
      %and3A_289 = arith.constant 7 : i32
      %and3A_290 = vector.broadcast %and3A_289 : i32 to vector<16xi32>
      %and3A_291 = arith.andi %add3A_288, %and3A_290 : vector<16xi32>
      %add3A_292 = arith.constant 48 : i32
      %add3A_293 = vector.broadcast %add3A_292 : i32 to vector<16xi32>
      %add3A_294 = arith.addi %add3A_293, %iota3A_249 : vector<16xi32>
      %and3A_295 = arith.constant 7 : i32
      %and3A_296 = vector.broadcast %and3A_295 : i32 to vector<16xi32>
      %and3A_297 = arith.andi %add3A_294, %and3A_296 : vector<16xi32>
      %scan3A_298 = arith.constant 0 : i32
      %scan3A_299 = arith.constant 128 : i32
      %scan3A_300 = arith.addi %scan3A_298, %scan3A_299 : i32
      %scan3A_301 = arith.constant 8 : i32
      scf.for %scan3A_328 = %scan3A_298 to %scan3A_300 step %scan3A_301  : i32 {
        %mul3A_329 = arith.constant 1 : i32
        %mul3A_330 = arith.muli %scan3A_328, %mul3A_329 : i32
        %add3A_331 = arith.constant 0 : i32
        %add3A_332 = arith.addi %add3A_331, %mul3A_330 : i32
        %broadcast_in_dim3A = vector.broadcast %add3A_332 : i32 to vector<16xi32>
        %get3A = arith.index_cast %add3A_332 : i32 to index
        %get3A_333 = arith.constant 0 : index
        %get3A_334 = tpu.vector_load %arg9[%get3A, %get3A_333] {strides = array<i32>} : memref<128x64xf32, #tpu.memory_space<vmem>>, vector<16xf32>,
        tpu.vector_store_idx %arg11[%shift_right_arithmetic3A_255, %and3A_279, %broadcast_in_dim3A], %get3A_334 : memref<8x8x133xf32, #tpu.memory_space<vmem>>[vector<16xi32>, vector<16xi32>, vector<16xi32>], vector<16xf32>,
        %get3A_335 = arith.index_cast %add3A_332 : i32 to index
        %get3A_336 = arith.constant 16 : index
        %get3A_337 = tpu.vector_load %arg9[%get3A_335, %get3A_336] {strides = array<i32>} : memref<128x64xf32, #tpu.memory_space<vmem>>, vector<16xf32>,
        tpu.vector_store_idx %arg11[%shift_right_arithmetic3A_261, %and3A_285, %broadcast_in_dim3A], %get3A_337 : memref<8x8x133xf32, #tpu.memory_space<vmem>>[vector<16xi32>, vector<16xi32>, vector<16xi32>], vector<16xf32>,
        %get3A_338 = arith.index_cast %add3A_332 : i32 to index
        %get3A_339 = arith.constant 32 : index
        %get3A_340 = tpu.vector_load %arg9[%get3A_338, %get3A_339] {strides = array<i32>} : memref<128x64xf32, #tpu.memory_space<vmem>>, vector<16xf32>,
        tpu.vector_store_idx %arg11[%shift_right_arithmetic3A_267, %and3A_291, %broadcast_in_dim3A], %get3A_340 : memref<8x8x133xf32, #tpu.memory_space<vmem>>[vector<16xi32>, vector<16xi32>, vector<16xi32>], vector<16xf32>,
        %get3A_341 = arith.index_cast %add3A_332 : i32 to index
        %get3A_342 = arith.constant 48 : index
        %get3A_343 = tpu.vector_load %arg9[%get3A_341, %get3A_342] {strides = array<i32>} : memref<128x64xf32, #tpu.memory_space<vmem>>, vector<16xf32>,
        tpu.vector_store_idx %arg11[%shift_right_arithmetic3A_273, %and3A_297, %broadcast_in_dim3A], %get3A_343 : memref<8x8x133xf32, #tpu.memory_space<vmem>>[vector<16xi32>, vector<16xi32>, vector<16xi32>], vector<16xf32>,
        %scan3A_344 = arith.constant 1 : i32
        %scan3A_345 = arith.addi %scan3A_328, %scan3A_344 : i32
        %mul3A_346 = arith.constant 1 : i32
        %mul3A_347 = arith.muli %scan3A_345, %mul3A_346 : i32
        %add3A_348 = arith.constant 0 : i32
        %add3A_349 = arith.addi %add3A_348, %mul3A_347 : i32
        %broadcast_in_dim3A_350 = vector.broadcast %add3A_349 : i32 to vector<16xi32>
        %get3A_351 = arith.index_cast %add3A_349 : i32 to index
        %get3A_352 = arith.constant 0 : index
        %get3A_353 = tpu.vector_load %arg9[%get3A_351, %get3A_352] {strides = array<i32>} : memref<128x64xf32, #tpu.memory_space<vmem>>, vector<16xf32>,
        tpu.vector_store_idx %arg11[%shift_right_arithmetic3A_255, %and3A_279, %broadcast_in_dim3A_350], %get3A_353 : memref<8x8x133xf32, #tpu.memory_space<vmem>>[vector<16xi32>, vector<16xi32>, vector<16xi32>], vector<16xf32>,
        %get3A_354 = arith.index_cast %add3A_349 : i32 to index
        %get3A_355 = arith.constant 16 : index
        %get3A_356 = tpu.vector_load %arg9[%get3A_354, %get3A_355] {strides = array<i32>} : memref<128x64xf32, #tpu.memory_space<vmem>>, vector<16xf32>,
        tpu.vector_store_idx %arg11[%shift_right_arithmetic3A_261, %and3A_285, %broadcast_in_dim3A_350], %get3A_356 : memref<8x8x133xf32, #tpu.memory_space<vmem>>[vector<16xi32>, vector<16xi32>, vector<16xi32>], vector<16xf32>,
        %get3A_357 = arith.index_cast %add3A_349 : i32 to index
        %get3A_358 = arith.constant 32 : index
        %get3A_359 = tpu.vector_load %arg9[%get3A_357, %get3A_358] {strides = array<i32>} : memref<128x64xf32, #tpu.memory_space<vmem>>, vector<16xf32>,
        tpu.vector_store_idx %arg11[%shift_right_arithmetic3A_267, %and3A_291, %broadcast_in_dim3A_350], %get3A_359 : memref<8x8x133xf32, #tpu.memory_space<vmem>>[vector<16xi32>, vector<16xi32>, vector<16xi32>], vector<16xf32>,
        %get3A_360 = arith.index_cast %add3A_349 : i32 to index
        %get3A_361 = arith.constant 48 : index
        %get3A_362 = tpu.vector_load %arg9[%get3A_360, %get3A_361] {strides = array<i32>} : memref<128x64xf32, #tpu.memory_space<vmem>>, vector<16xf32>,
        tpu.vector_store_idx %arg11[%shift_right_arithmetic3A_273, %and3A_297, %broadcast_in_dim3A_350], %get3A_362 : memref<8x8x133xf32, #tpu.memory_space<vmem>>[vector<16xi32>, vector<16xi32>, vector<16xi32>], vector<16xf32>,
        %scan3A_363 = arith.constant 2 : i32
        %scan3A_364 = arith.addi %scan3A_328, %scan3A_363 : i32
        %mul3A_365 = arith.constant 1 : i32
        %mul3A_366 = arith.muli %scan3A_364, %mul3A_365 : i32
        %add3A_367 = arith.constant 0 : i32
        %add3A_368 = arith.addi %add3A_367, %mul3A_366 : i32
        %broadcast_in_dim3A_369 = vector.broadcast %add3A_368 : i32 to vector<16xi32>
        %get3A_370 = arith.index_cast %add3A_368 : i32 to index
        %get3A_371 = arith.constant 0 : index
        %get3A_372 = tpu.vector_load %arg9[%get3A_370, %get3A_371] {strides = array<i32>} : memref<128x64xf32, #tpu.memory_space<vmem>>, vector<16xf32>,
        tpu.vector_store_idx %arg11[%shift_right_arithmetic3A_255, %and3A_279, %broadcast_in_dim3A_369], %get3A_372 : memref<8x8x133xf32, #tpu.memory_space<vmem>>[vector<16xi32>, vector<16xi32>, vector<16xi32>], vector<16xf32>,
        %get3A_373 = arith.index_cast %add3A_368 : i32 to index
        %get3A_374 = arith.constant 16 : index
        %get3A_375 = tpu.vector_load %arg9[%get3A_373, %get3A_374] {strides = array<i32>} : memref<128x64xf32, #tpu.memory_space<vmem>>, vector<16xf32>,
        tpu.vector_store_idx %arg11[%shift_right_arithmetic3A_261, %and3A_285, %broadcast_in_dim3A_369], %get3A_375 : memref<8x8x133xf32, #tpu.memory_space<vmem>>[vector<16xi32>, vector<16xi32>, vector<16xi32>], vector<16xf32>,
        %get3A_376 = arith.index_cast %add3A_368 : i32 to index
        %get3A_377 = arith.constant 32 : index
        %get3A_378 = tpu.vector_load %arg9[%get3A_376, %get3A_377] {strides = array<i32>} : memref<128x64xf32, #tpu.memory_space<vmem>>, vector<16xf32>,
        tpu.vector_store_idx %arg11[%shift_right_arithmetic3A_267, %and3A_291, %broadcast_in_dim3A_369], %get3A_378 : memref<8x8x133xf32, #tpu.memory_space<vmem>>[vector<16xi32>, vector<16xi32>, vector<16xi32>], vector<16xf32>,
        %get3A_379 = arith.index_cast %add3A_368 : i32 to index
        %get3A_380 = arith.constant 48 : index
        %get3A_381 = tpu.vector_load %arg9[%get3A_379, %get3A_380] {strides = array<i32>} : memref<128x64xf32, #tpu.memory_space<vmem>>, vector<16xf32>,
        tpu.vector_store_idx %arg11[%shift_right_arithmetic3A_273, %and3A_297, %broadcast_in_dim3A_369], %get3A_381 : memref<8x8x133xf32, #tpu.memory_space<vmem>>[vector<16xi32>, vector<16xi32>, vector<16xi32>], vector<16xf32>,
        %scan3A_382 = arith.constant 3 : i32
        %scan3A_383 = arith.addi %scan3A_328, %scan3A_382 : i32
        %mul3A_384 = arith.constant 1 : i32
        %mul3A_385 = arith.muli %scan3A_383, %mul3A_384 : i32
        %add3A_386 = arith.constant 0 : i32
        %add3A_387 = arith.addi %add3A_386, %mul3A_385 : i32
        %broadcast_in_dim3A_388 = vector.broadcast %add3A_387 : i32 to vector<16xi32>
        %get3A_389 = arith.index_cast %add3A_387 : i32 to index
        %get3A_390 = arith.constant 0 : index
        %get3A_391 = tpu.vector_load %arg9[%get3A_389, %get3A_390] {strides = array<i32>} : memref<128x64xf32, #tpu.memory_space<vmem>>, vector<16xf32>,
        tpu.vector_store_idx %arg11[%shift_right_arithmetic3A_255, %and3A_279, %broadcast_in_dim3A_388], %get3A_391 : memref<8x8x133xf32, #tpu.memory_space<vmem>>[vector<16xi32>, vector<16xi32>, vector<16xi32>], vector<16xf32>,
        %get3A_392 = arith.index_cast %add3A_387 : i32 to index
        %get3A_393 = arith.constant 16 : index
        %get3A_394 = tpu.vector_load %arg9[%get3A_392, %get3A_393] {strides = array<i32>} : memref<128x64xf32, #tpu.memory_space<vmem>>, vector<16xf32>,
        tpu.vector_store_idx %arg11[%shift_right_arithmetic3A_261, %and3A_285, %broadcast_in_dim3A_388], %get3A_394 : memref<8x8x133xf32, #tpu.memory_space<vmem>>[vector<16xi32>, vector<16xi32>, vector<16xi32>], vector<16xf32>,
        %get3A_395 = arith.index_cast %add3A_387 : i32 to index
        %get3A_396 = arith.constant 32 : index
        %get3A_397 = tpu.vector_load %arg9[%get3A_395, %get3A_396] {strides = array<i32>} : memref<128x64xf32, #tpu.memory_space<vmem>>, vector<16xf32>,
        tpu.vector_store_idx %arg11[%shift_right_arithmetic3A_267, %and3A_291, %broadcast_in_dim3A_388], %get3A_397 : memref<8x8x133xf32, #tpu.memory_space<vmem>>[vector<16xi32>, vector<16xi32>, vector<16xi32>], vector<16xf32>,
        %get3A_398 = arith.index_cast %add3A_387 : i32 to index
        %get3A_399 = arith.constant 48 : index
        %get3A_400 = tpu.vector_load %arg9[%get3A_398, %get3A_399] {strides = array<i32>} : memref<128x64xf32, #tpu.memory_space<vmem>>, vector<16xf32>,
        tpu.vector_store_idx %arg11[%shift_right_arithmetic3A_273, %and3A_297, %broadcast_in_dim3A_388], %get3A_400 : memref<8x8x133xf32, #tpu.memory_space<vmem>>[vector<16xi32>, vector<16xi32>, vector<16xi32>], vector<16xf32>,
        %scan3A_401 = arith.constant 4 : i32
        %scan3A_402 = arith.addi %scan3A_328, %scan3A_401 : i32
        %mul3A_403 = arith.constant 1 : i32
        %mul3A_404 = arith.muli %scan3A_402, %mul3A_403 : i32
        %add3A_405 = arith.constant 0 : i32
        %add3A_406 = arith.addi %add3A_405, %mul3A_404 : i32
        %broadcast_in_dim3A_407 = vector.broadcast %add3A_406 : i32 to vector<16xi32>
        %get3A_408 = arith.index_cast %add3A_406 : i32 to index
        %get3A_409 = arith.constant 0 : index
        %get3A_410 = tpu.vector_load %arg9[%get3A_408, %get3A_409] {strides = array<i32>} : memref<128x64xf32, #tpu.memory_space<vmem>>, vector<16xf32>,
        tpu.vector_store_idx %arg11[%shift_right_arithmetic3A_255, %and3A_279, %broadcast_in_dim3A_407], %get3A_410 : memref<8x8x133xf32, #tpu.memory_space<vmem>>[vector<16xi32>, vector<16xi32>, vector<16xi32>], vector<16xf32>,
        %get3A_411 = arith.index_cast %add3A_406 : i32 to index
        %get3A_412 = arith.constant 16 : index
        %get3A_413 = tpu.vector_load %arg9[%get3A_411, %get3A_412] {strides = array<i32>} : memref<128x64xf32, #tpu.memory_space<vmem>>, vector<16xf32>,
        tpu.vector_store_idx %arg11[%shift_right_arithmetic3A_261, %and3A_285, %broadcast_in_dim3A_407], %get3A_413 : memref<8x8x133xf32, #tpu.memory_space<vmem>>[vector<16xi32>, vector<16xi32>, vector<16xi32>], vector<16xf32>,
        %get3A_414 = arith.index_cast %add3A_406 : i32 to index
        %get3A_415 = arith.constant 32 : index
        %get3A_416 = tpu.vector_load %arg9[%get3A_414, %get3A_415] {strides = array<i32>} : memref<128x64xf32, #tpu.memory_space<vmem>>, vector<16xf32>,
        tpu.vector_store_idx %arg11[%shift_right_arithmetic3A_267, %and3A_291, %broadcast_in_dim3A_407], %get3A_416 : memref<8x8x133xf32, #tpu.memory_space<vmem>>[vector<16xi32>, vector<16xi32>, vector<16xi32>], vector<16xf32>,
        %get3A_417 = arith.index_cast %add3A_406 : i32 to index
        %get3A_418 = arith.constant 48 : index
        %get3A_419 = tpu.vector_load %arg9[%get3A_417, %get3A_418] {strides = array<i32>} : memref<128x64xf32, #tpu.memory_space<vmem>>, vector<16xf32>,
        tpu.vector_store_idx %arg11[%shift_right_arithmetic3A_273, %and3A_297, %broadcast_in_dim3A_407], %get3A_419 : memref<8x8x133xf32, #tpu.memory_space<vmem>>[vector<16xi32>, vector<16xi32>, vector<16xi32>], vector<16xf32>,
        %scan3A_420 = arith.constant 5 : i32
        %scan3A_421 = arith.addi %scan3A_328, %scan3A_420 : i32
        %mul3A_422 = arith.constant 1 : i32
        %mul3A_423 = arith.muli %scan3A_421, %mul3A_422 : i32
        %add3A_424 = arith.constant 0 : i32
        %add3A_425 = arith.addi %add3A_424, %mul3A_423 : i32
        %broadcast_in_dim3A_426 = vector.broadcast %add3A_425 : i32 to vector<16xi32>
        %get3A_427 = arith.index_cast %add3A_425 : i32 to index
        %get3A_428 = arith.constant 0 : index
        %get3A_429 = tpu.vector_load %arg9[%get3A_427, %get3A_428] {strides = array<i32>} : memref<128x64xf32, #tpu.memory_space<vmem>>, vector<16xf32>,
        tpu.vector_store_idx %arg11[%shift_right_arithmetic3A_255, %and3A_279, %broadcast_in_dim3A_426], %get3A_429 : memref<8x8x133xf32, #tpu.memory_space<vmem>>[vector<16xi32>, vector<16xi32>, vector<16xi32>], vector<16xf32>,
        %get3A_430 = arith.index_cast %add3A_425 : i32 to index
        %get3A_431 = arith.constant 16 : index
        %get3A_432 = tpu.vector_load %arg9[%get3A_430, %get3A_431] {strides = array<i32>} : memref<128x64xf32, #tpu.memory_space<vmem>>, vector<16xf32>,
        tpu.vector_store_idx %arg11[%shift_right_arithmetic3A_261, %and3A_285, %broadcast_in_dim3A_426], %get3A_432 : memref<8x8x133xf32, #tpu.memory_space<vmem>>[vector<16xi32>, vector<16xi32>, vector<16xi32>], vector<16xf32>,
        %get3A_433 = arith.index_cast %add3A_425 : i32 to index
        %get3A_434 = arith.constant 32 : index
        %get3A_435 = tpu.vector_load %arg9[%get3A_433, %get3A_434] {strides = array<i32>} : memref<128x64xf32, #tpu.memory_space<vmem>>, vector<16xf32>,
        tpu.vector_store_idx %arg11[%shift_right_arithmetic3A_267, %and3A_291, %broadcast_in_dim3A_426], %get3A_435 : memref<8x8x133xf32, #tpu.memory_space<vmem>>[vector<16xi32>, vector<16xi32>, vector<16xi32>], vector<16xf32>,
        %get3A_436 = arith.index_cast %add3A_425 : i32 to index
        %get3A_437 = arith.constant 48 : index
        %get3A_438 = tpu.vector_load %arg9[%get3A_436, %get3A_437] {strides = array<i32>} : memref<128x64xf32, #tpu.memory_space<vmem>>, vector<16xf32>,
        tpu.vector_store_idx %arg11[%shift_right_arithmetic3A_273, %and3A_297, %broadcast_in_dim3A_426], %get3A_438 : memref<8x8x133xf32, #tpu.memory_space<vmem>>[vector<16xi32>, vector<16xi32>, vector<16xi32>], vector<16xf32>,
        %scan3A_439 = arith.constant 6 : i32
        %scan3A_440 = arith.addi %scan3A_328, %scan3A_439 : i32
        %mul3A_441 = arith.constant 1 : i32
        %mul3A_442 = arith.muli %scan3A_440, %mul3A_441 : i32
        %add3A_443 = arith.constant 0 : i32
        %add3A_444 = arith.addi %add3A_443, %mul3A_442 : i32
        %broadcast_in_dim3A_445 = vector.broadcast %add3A_444 : i32 to vector<16xi32>
        %get3A_446 = arith.index_cast %add3A_444 : i32 to index
        %get3A_447 = arith.constant 0 : index
        %get3A_448 = tpu.vector_load %arg9[%get3A_446, %get3A_447] {strides = array<i32>} : memref<128x64xf32, #tpu.memory_space<vmem>>, vector<16xf32>,
        tpu.vector_store_idx %arg11[%shift_right_arithmetic3A_255, %and3A_279, %broadcast_in_dim3A_445], %get3A_448 : memref<8x8x133xf32, #tpu.memory_space<vmem>>[vector<16xi32>, vector<16xi32>, vector<16xi32>], vector<16xf32>,
        %get3A_449 = arith.index_cast %add3A_444 : i32 to index
        %get3A_450 = arith.constant 16 : index
        %get3A_451 = tpu.vector_load %arg9[%get3A_449, %get3A_450] {strides = array<i32>} : memref<128x64xf32, #tpu.memory_space<vmem>>, vector<16xf32>,
        tpu.vector_store_idx %arg11[%shift_right_arithmetic3A_261, %and3A_285, %broadcast_in_dim3A_445], %get3A_451 : memref<8x8x133xf32, #tpu.memory_space<vmem>>[vector<16xi32>, vector<16xi32>, vector<16xi32>], vector<16xf32>,
        %get3A_452 = arith.index_cast %add3A_444 : i32 to index
        %get3A_453 = arith.constant 32 : index
        %get3A_454 = tpu.vector_load %arg9[%get3A_452, %get3A_453] {strides = array<i32>} : memref<128x64xf32, #tpu.memory_space<vmem>>, vector<16xf32>,
        tpu.vector_store_idx %arg11[%shift_right_arithmetic3A_267, %and3A_291, %broadcast_in_dim3A_445], %get3A_454 : memref<8x8x133xf32, #tpu.memory_space<vmem>>[vector<16xi32>, vector<16xi32>, vector<16xi32>], vector<16xf32>,
        %get3A_455 = arith.index_cast %add3A_444 : i32 to index
        %get3A_456 = arith.constant 48 : index
        %get3A_457 = tpu.vector_load %arg9[%get3A_455, %get3A_456] {strides = array<i32>} : memref<128x64xf32, #tpu.memory_space<vmem>>, vector<16xf32>,
        tpu.vector_store_idx %arg11[%shift_right_arithmetic3A_273, %and3A_297, %broadcast_in_dim3A_445], %get3A_457 : memref<8x8x133xf32, #tpu.memory_space<vmem>>[vector<16xi32>, vector<16xi32>, vector<16xi32>], vector<16xf32>,
        %scan3A_458 = arith.constant 7 : i32
        %scan3A_459 = arith.addi %scan3A_328, %scan3A_458 : i32
        %mul3A_460 = arith.constant 1 : i32
        %mul3A_461 = arith.muli %scan3A_459, %mul3A_460 : i32
        %add3A_462 = arith.constant 0 : i32
        %add3A_463 = arith.addi %add3A_462, %mul3A_461 : i32
        %broadcast_in_dim3A_464 = vector.broadcast %add3A_463 : i32 to vector<16xi32>
        %get3A_465 = arith.index_cast %add3A_463 : i32 to index
        %get3A_466 = arith.constant 0 : index
        %get3A_467 = tpu.vector_load %arg9[%get3A_465, %get3A_466] {strides = array<i32>} : memref<128x64xf32, #tpu.memory_space<vmem>>, vector<16xf32>,
        tpu.vector_store_idx %arg11[%shift_right_arithmetic3A_255, %and3A_279, %broadcast_in_dim3A_464], %get3A_467 : memref<8x8x133xf32, #tpu.memory_space<vmem>>[vector<16xi32>, vector<16xi32>, vector<16xi32>], vector<16xf32>,
        %get3A_468 = arith.index_cast %add3A_463 : i32 to index
        %get3A_469 = arith.constant 16 : index
        %get3A_470 = tpu.vector_load %arg9[%get3A_468, %get3A_469] {strides = array<i32>} : memref<128x64xf32, #tpu.memory_space<vmem>>, vector<16xf32>,
        tpu.vector_store_idx %arg11[%shift_right_arithmetic3A_261, %and3A_285, %broadcast_in_dim3A_464], %get3A_470 : memref<8x8x133xf32, #tpu.memory_space<vmem>>[vector<16xi32>, vector<16xi32>, vector<16xi32>], vector<16xf32>,
        %get3A_471 = arith.index_cast %add3A_463 : i32 to index
        %get3A_472 = arith.constant 32 : index
        %get3A_473 = tpu.vector_load %arg9[%get3A_471, %get3A_472] {strides = array<i32>} : memref<128x64xf32, #tpu.memory_space<vmem>>, vector<16xf32>,
        tpu.vector_store_idx %arg11[%shift_right_arithmetic3A_267, %and3A_291, %broadcast_in_dim3A_464], %get3A_473 : memref<8x8x133xf32, #tpu.memory_space<vmem>>[vector<16xi32>, vector<16xi32>, vector<16xi32>], vector<16xf32>,
        %get3A_474 = arith.index_cast %add3A_463 : i32 to index
        %get3A_475 = arith.constant 48 : index
        %get3A_476 = tpu.vector_load %arg9[%get3A_474, %get3A_475] {strides = array<i32>} : memref<128x64xf32, #tpu.memory_space<vmem>>, vector<16xf32>,
        tpu.vector_store_idx %arg11[%shift_right_arithmetic3A_273, %and3A_297, %broadcast_in_dim3A_464], %get3A_476 : memref<8x8x133xf32, #tpu.memory_space<vmem>>[vector<16xi32>, vector<16xi32>, vector<16xi32>], vector<16xf32>,
      }
      %scan3A_302 = arith.constant 128 : i32
      %dma_start3A_303 = arith.constant 0 : i32
      %dma_start3A_304 = arith.constant 0 : i32
      %dma_start3A_305 = arith.constant 0 : i32
      %dma_start3A_306 = tpu.memref_slice %arg11[%dma_start3A_303, %dma_start3A_304, %dma_start3A_305] : memref<8x8x133xf32, #tpu.memory_space<vmem>> -> memref<8x8x128xf32, #tpu.memory_space<vmem>>
      %dma_start3A_307 = arith.constant 0 : i32
      %dma_start3A_308 = arith.constant 0 : i32
      %dma_start3A_309 = arith.constant 0 : i32
      %dma_start3A_310 = tpu.memref_slice %arg4[%add3A_235, %dma_start3A_307, %add3A_52, %dma_start3A_308, %dma_start3A_309] : memref<50x8x128x8x128xf32, #tpu.memory_space<hbm>> -> memref<1x8x1x8x128xf32, #tpu.memory_space<hbm>>
      %dma_start3A_311 = tpu.memref_squeeze %dma_start3A_310 : memref<1x8x1x8x128xf32, #tpu.memory_space<hbm>> -> memref<8x8x128xf32, #tpu.memory_space<hbm>>
      %dma_start3A_312 = arith.constant 0 : i32
      %dma_start3A_313 = arith.constant 0 : i32
      %dma_start3A_314 = arith.constant 0 : i32
      %dma_start3A_315 = tpu.memref_slice %arg4[%add3A_235, %dma_start3A_312, %add3A_52, %dma_start3A_313, %dma_start3A_314] : memref<50x8x128x8x128xf32, #tpu.memory_space<hbm>> -> memref<1x8x1x8x128xf32, #tpu.memory_space<hbm>>
      %dma_start3A_316 = tpu.memref_squeeze %dma_start3A_315 : memref<1x8x1x8x128xf32, #tpu.memory_space<hbm>> -> memref<8x8x128xf32, #tpu.memory_space<hbm>>
      %dma_start3A_317 = arith.constant 0 : i32
      %dma_start3A_318 = arith.constant 0 : i32
      %dma_start3A_319 = arith.constant 0 : i32
      %dma_start3A_320 = tpu.memref_slice %arg11[%dma_start3A_317, %dma_start3A_318, %dma_start3A_319] : memref<8x8x133xf32, #tpu.memory_space<vmem>> -> memref<8x8x128xf32, #tpu.memory_space<vmem>>
      tpu.enqueue_dma source(%dma_start3A_320 : memref<8x8x128xf32, #tpu.memory_space<vmem>>) target(%dma_start3A_316 : memref<8x8x128xf32, #tpu.memory_space<hbm>>) target_semaphore(%arg13 : memref<!tpu.dma_semaphore, #tpu.memory_space<semaphore_mem>>)
      %add3A_321 = arith.constant 2 : i32
      %add3A_322 = arith.addi %add3A_235, %add3A_321 : i32
      %lt3A_323 = arith.constant 50 : i32
      %lt3A_324 = arith.cmpi slt, %add3A_322, %lt3A_323 : i32
      %convert_element_type3A_325 = arith.extui %lt3A_324 : i1 to i32
      %cond3A_326 = arith.constant 0 : i32
      %cond3A_327 = arith.cmpi ne, %convert_element_type3A_325, %cond3A_326 : i32
      scf.if %cond3A_327 {
        %dma_start3A_328 = arith.constant 0 : i32
        %dma_start3A_329 = tpu.memref_slice %arg7[%add3A_322, %dma_start3A_328] : memref<50x128xi32, #tpu.memory_space<vmem>> -> memref<1x128xi32, #tpu.memory_space<vmem>>
        %dma_start3A_330 = tpu.memref_squeeze %dma_start3A_329 : memref<1x128xi32, #tpu.memory_space<vmem>> -> memref<128xi32, #tpu.memory_space<vmem>>
        %dma_start3A_331 = arith.constant 0 : i32
        %dma_start3A_332 = arith.constant 0 : i32
        %dma_start3A_333 = tpu.memref_slice %arg2[%dma_start3A_331, %dma_start3A_332] : memref<2000000x64xf32, #tpu.memory_space<hbm>> -> memref<2000000x64xf32, #tpu.memory_space<hbm>>
        tpu.enqueue_indirect_dma source(%dma_start3A_333 : memref<2000000x64xf32, #tpu.memory_space<hbm>>) target(%arg9 : memref<128x64xf32, #tpu.memory_space<vmem>>) offsets(%dma_start3A_330 : memref<128xi32, #tpu.memory_space<vmem>>) semaphore(%arg6 : memref<!tpu.dma_semaphore, #tpu.memory_space<semaphore_mem>>)
      } else {
      }
    }
    %scan3A_73 = arith.constant 25 : i32
    %mul3A_74 = arith.constant 4 : i32
    %mul3A_75 = arith.muli %add3A, %mul3A_74 : i32
    %add3A_76 = arith.constant 3 : i32
    %add3A_77 = arith.addi %mul3A_75, %add3A_76 : i32
    %mul3A_78 = arith.constant 128 : i32
    %mul3A_79 = arith.muli %add3A_77, %mul3A_78 : i32
    "tpu.region"() ({
      %run_scoped3A = tpu.sem_alloc : memref<!tpu.dma_semaphore, #tpu.memory_space<semaphore_mem>>
      %dma_start3A_138 = arith.constant 0 : i32
      %dma_start3A_139 = tpu.memref_slice %arg3[%dma_start3A_138, %mul3A_79] : memref<50x16384xi32, #tpu.memory_space<hbm>> -> memref<50x128xi32, #tpu.memory_space<hbm>>
      %dma_start3A_140 = arith.constant 0 : i32
      %dma_start3A_141 = tpu.memref_slice %arg3[%dma_start3A_140, %mul3A_79] : memref<50x16384xi32, #tpu.memory_space<hbm>> -> memref<50x128xi32, #tpu.memory_space<hbm>>
      tpu.enqueue_dma source(%dma_start3A_141 : memref<50x128xi32, #tpu.memory_space<hbm>>) target(%arg7 : memref<50x128xi32, #tpu.memory_space<vmem>>) target_semaphore(%run_scoped3A : memref<!tpu.dma_semaphore, #tpu.memory_space<semaphore_mem>>)
      %dma_wait3A_142 = arith.constant 0 : i32
      %dma_wait3A_143 = tpu.memref_slice %arg3[%dma_wait3A_142, %mul3A_79] : memref<50x16384xi32, #tpu.memory_space<hbm>> -> memref<50x128xi32, #tpu.memory_space<hbm>>
      %dma_wait3A_144 = arith.constant 0 : i32
      %dma_wait3A_145 = tpu.memref_slice %arg3[%dma_wait3A_144, %mul3A_79] : memref<50x16384xi32, #tpu.memory_space<hbm>> -> memref<50x128xi32, #tpu.memory_space<hbm>>
      tpu.wait_dma2 semaphore(%run_scoped3A : memref<!tpu.dma_semaphore, #tpu.memory_space<semaphore_mem>>) src(%dma_wait3A_145 : memref<50x128xi32, #tpu.memory_space<hbm>>) dst(%arg7 : memref<50x128xi32, #tpu.memory_space<vmem>>)
      tpu.yield
    }) : () -> ()
    %dma_start3A_80 = arith.constant 0 : i32
    %dma_start3A_81 = arith.constant 0 : i32
    %dma_start3A_82 = tpu.memref_slice %arg7[%dma_start3A_80, %dma_start3A_81] : memref<50x128xi32, #tpu.memory_space<vmem>> -> memref<1x128xi32, #tpu.memory_space<vmem>>
    %dma_start3A_83 = tpu.memref_squeeze %dma_start3A_82 : memref<1x128xi32, #tpu.memory_space<vmem>> -> memref<128xi32, #tpu.memory_space<vmem>>
    %dma_start3A_84 = arith.constant 0 : i32
    %dma_start3A_85 = arith.constant 0 : i32
    %dma_start3A_86 = tpu.memref_slice %arg2[%dma_start3A_84, %dma_start3A_85] : memref<2000000x64xf32, #tpu.memory_space<hbm>> -> memref<2000000x64xf32, #tpu.memory_space<hbm>>
    tpu.enqueue_indirect_dma source(%dma_start3A_86 : memref<2000000x64xf32, #tpu.memory_space<hbm>>) target(%arg8 : memref<128x64xf32, #tpu.memory_space<vmem>>) offsets(%dma_start3A_83 : memref<128xi32, #tpu.memory_space<vmem>>) semaphore(%arg5 : memref<!tpu.dma_semaphore, #tpu.memory_space<semaphore_mem>>)
    %dma_start3A_87 = arith.constant 1 : i32
    %dma_start3A_88 = arith.constant 0 : i32
    %dma_start3A_89 = tpu.memref_slice %arg7[%dma_start3A_87, %dma_start3A_88] : memref<50x128xi32, #tpu.memory_space<vmem>> -> memref<1x128xi32, #tpu.memory_space<vmem>>
    %dma_start3A_90 = tpu.memref_squeeze %dma_start3A_89 : memref<1x128xi32, #tpu.memory_space<vmem>> -> memref<128xi32, #tpu.memory_space<vmem>>
    %dma_start3A_91 = arith.constant 0 : i32
    %dma_start3A_92 = arith.constant 0 : i32
    %dma_start3A_93 = tpu.memref_slice %arg2[%dma_start3A_91, %dma_start3A_92] : memref<2000000x64xf32, #tpu.memory_space<hbm>> -> memref<2000000x64xf32, #tpu.memory_space<hbm>>
    tpu.enqueue_indirect_dma source(%dma_start3A_93 : memref<2000000x64xf32, #tpu.memory_space<hbm>>) target(%arg9 : memref<128x64xf32, #tpu.memory_space<vmem>>) offsets(%dma_start3A_90 : memref<128xi32, #tpu.memory_space<vmem>>) semaphore(%arg6 : memref<!tpu.dma_semaphore, #tpu.memory_space<semaphore_mem>>)
    %scan3A_94 = arith.constant 0 : i32
    %scan3A_95 = arith.constant 25 : i32
    %scan3A_96 = arith.addi %scan3A_94, %scan3A_95 : i32
    %scan3A_97 = arith.constant 1 : i32
    scf.for %scan3A_138 = %scan3A_94 to %scan3A_96 step %scan3A_97  : i32 {
      %mul3A_139 = arith.constant 1 : i32
      %mul3A_140 = arith.muli %scan3A_138, %mul3A_139 : i32
      %add3A_141 = arith.constant 0 : i32
      %add3A_142 = arith.addi %add3A_141, %mul3A_140 : i32
      %mul3A_143 = arith.constant 2 : i32
      %mul3A_144 = arith.muli %add3A_142, %mul3A_143 : i32
      %add3A_145 = arith.constant 0 : i32
      %add3A_146 = arith.addi %mul3A_144, %add3A_145 : i32
      %add3A_147 = arith.constant 150 : i32
      %add3A_148 = arith.addi %add3A_147, %add3A_146 : i32
      %dma_wait3A_149 = arith.constant 0 : i32
      %dma_wait3A_150 = tpu.memref_slice %arg7[%add3A_146, %dma_wait3A_149] : memref<50x128xi32, #tpu.memory_space<vmem>> -> memref<1x128xi32, #tpu.memory_space<vmem>>
      %dma_wait3A_151 = tpu.memref_squeeze %dma_wait3A_150 : memref<1x128xi32, #tpu.memory_space<vmem>> -> memref<128xi32, #tpu.memory_space<vmem>>
      %dma_wait3A_152 = arith.constant 0 : i32
      %dma_wait3A_153 = arith.constant 0 : i32
      %dma_wait3A_154 = tpu.memref_slice %arg2[%dma_wait3A_152, %dma_wait3A_153] : memref<2000000x64xf32, #tpu.memory_space<hbm>> -> memref<2000000x64xf32, #tpu.memory_space<hbm>>
      tpu.wait_indirect_dma semaphore(%arg5 : memref<!tpu.dma_semaphore, #tpu.memory_space<semaphore_mem>>) src(%dma_wait3A_154 : memref<2000000x64xf32, #tpu.memory_space<hbm>>) dst(%arg8 : memref<128x64xf32, #tpu.memory_space<vmem>>)
      %ge3A = arith.constant 2 : i32
      %ge3A_155 = arith.cmpi sge, %add3A_148, %ge3A : i32
      %convert_element_type3A = arith.extui %ge3A_155 : i1 to i32
      %cond3A = arith.constant 0 : i32
      %cond3A_156 = arith.cmpi ne, %convert_element_type3A, %cond3A : i32
      scf.if %cond3A_156 {
        %dma_wait3A_328 = arith.constant 0 : i32
        %dma_wait3A_329 = arith.constant 0 : i32
        %dma_wait3A_330 = arith.constant 0 : i32
        %dma_wait3A_331 = arith.constant 0 : i32
        %dma_wait3A_332 = arith.constant 0 : i32
        %dma_wait3A_333 = tpu.memref_slice %arg10[%dma_wait3A_330, %dma_wait3A_331, %dma_wait3A_332] : memref<8x8x133xf32, #tpu.memory_space<vmem>> -> memref<8x8x128xf32, #tpu.memory_space<vmem>>
        %dma_wait3A_334 = arith.constant 0 : i32
        %dma_wait3A_335 = arith.constant 0 : i32
        %dma_wait3A_336 = arith.constant 0 : i32
        %dma_wait3A_337 = tpu.memref_slice %arg4[%dma_wait3A_328, %dma_wait3A_334, %dma_wait3A_329, %dma_wait3A_335, %dma_wait3A_336] : memref<50x8x128x8x128xf32, #tpu.memory_space<hbm>> -> memref<1x8x1x8x128xf32, #tpu.memory_space<hbm>>
        %dma_wait3A_338 = tpu.memref_squeeze %dma_wait3A_337 : memref<1x8x1x8x128xf32, #tpu.memory_space<hbm>> -> memref<8x8x128xf32, #tpu.memory_space<hbm>>
        %dma_wait3A_339 = arith.constant 0 : i32
        %dma_wait3A_340 = arith.constant 0 : i32
        %dma_wait3A_341 = arith.constant 0 : i32
        %dma_wait3A_342 = tpu.memref_slice %arg4[%dma_wait3A_328, %dma_wait3A_339, %dma_wait3A_329, %dma_wait3A_340, %dma_wait3A_341] : memref<50x8x128x8x128xf32, #tpu.memory_space<hbm>> -> memref<1x8x1x8x128xf32, #tpu.memory_space<hbm>>
        %dma_wait3A_343 = tpu.memref_squeeze %dma_wait3A_342 : memref<1x8x1x8x128xf32, #tpu.memory_space<hbm>> -> memref<8x8x128xf32, #tpu.memory_space<hbm>>
        %dma_wait3A_344 = arith.constant 0 : i32
        %dma_wait3A_345 = arith.constant 0 : i32
        %dma_wait3A_346 = arith.constant 0 : i32
        %dma_wait3A_347 = tpu.memref_slice %arg10[%dma_wait3A_344, %dma_wait3A_345, %dma_wait3A_346] : memref<8x8x133xf32, #tpu.memory_space<vmem>> -> memref<8x8x128xf32, #tpu.memory_space<vmem>>
        tpu.wait_dma2 semaphore(%arg12 : memref<!tpu.dma_semaphore, #tpu.memory_space<semaphore_mem>>) src(%dma_wait3A_347 : memref<8x8x128xf32, #tpu.memory_space<vmem>>) dst(%dma_wait3A_343 : memref<8x8x128xf32, #tpu.memory_space<hbm>>)
      } else {
      }
      %iota3A = tpu.iota {dimensions = array<i32: 0>} : vector<16xi32>
      %add3A_157 = arith.constant 0 : i32
      %add3A_158 = vector.broadcast %add3A_157 : i32 to vector<16xi32>
      %add3A_159 = arith.addi %add3A_158, %iota3A : vector<16xi32>
      %shift_right_arithmetic3A = arith.constant 3 : i32
      %shift_right_arithmetic3A_160 = vector.broadcast %shift_right_arithmetic3A : i32 to vector<16xi32>
      %shift_right_arithmetic3A_161 = arith.shrsi %add3A_159, %shift_right_arithmetic3A_160 : vector<16xi32>
      %add3A_162 = arith.constant 16 : i32
      %add3A_163 = vector.broadcast %add3A_162 : i32 to vector<16xi32>
      %add3A_164 = arith.addi %add3A_163, %iota3A : vector<16xi32>
      %shift_right_arithmetic3A_165 = arith.constant 3 : i32
      %shift_right_arithmetic3A_166 = vector.broadcast %shift_right_arithmetic3A_165 : i32 to vector<16xi32>
      %shift_right_arithmetic3A_167 = arith.shrsi %add3A_164, %shift_right_arithmetic3A_166 : vector<16xi32>
      %add3A_168 = arith.constant 32 : i32
      %add3A_169 = vector.broadcast %add3A_168 : i32 to vector<16xi32>
      %add3A_170 = arith.addi %add3A_169, %iota3A : vector<16xi32>
      %shift_right_arithmetic3A_171 = arith.constant 3 : i32
      %shift_right_arithmetic3A_172 = vector.broadcast %shift_right_arithmetic3A_171 : i32 to vector<16xi32>
      %shift_right_arithmetic3A_173 = arith.shrsi %add3A_170, %shift_right_arithmetic3A_172 : vector<16xi32>
      %add3A_174 = arith.constant 48 : i32
      %add3A_175 = vector.broadcast %add3A_174 : i32 to vector<16xi32>
      %add3A_176 = arith.addi %add3A_175, %iota3A : vector<16xi32>
      %shift_right_arithmetic3A_177 = arith.constant 3 : i32
      %shift_right_arithmetic3A_178 = vector.broadcast %shift_right_arithmetic3A_177 : i32 to vector<16xi32>
      %shift_right_arithmetic3A_179 = arith.shrsi %add3A_176, %shift_right_arithmetic3A_178 : vector<16xi32>
      %add3A_180 = arith.constant 0 : i32
      %add3A_181 = vector.broadcast %add3A_180 : i32 to vector<16xi32>
      %add3A_182 = arith.addi %add3A_181, %iota3A : vector<16xi32>
      %and3A = arith.constant 7 : i32
      %and3A_183 = vector.broadcast %and3A : i32 to vector<16xi32>
      %and3A_184 = arith.andi %add3A_182, %and3A_183 : vector<16xi32>
      %add3A_185 = arith.constant 16 : i32
      %add3A_186 = vector.broadcast %add3A_185 : i32 to vector<16xi32>
      %add3A_187 = arith.addi %add3A_186, %iota3A : vector<16xi32>
      %and3A_188 = arith.constant 7 : i32
      %and3A_189 = vector.broadcast %and3A_188 : i32 to vector<16xi32>
      %and3A_190 = arith.andi %add3A_187, %and3A_189 : vector<16xi32>
      %add3A_191 = arith.constant 32 : i32
      %add3A_192 = vector.broadcast %add3A_191 : i32 to vector<16xi32>
      %add3A_193 = arith.addi %add3A_192, %iota3A : vector<16xi32>
      %and3A_194 = arith.constant 7 : i32
      %and3A_195 = vector.broadcast %and3A_194 : i32 to vector<16xi32>
      %and3A_196 = arith.andi %add3A_193, %and3A_195 : vector<16xi32>
      %add3A_197 = arith.constant 48 : i32
      %add3A_198 = vector.broadcast %add3A_197 : i32 to vector<16xi32>
      %add3A_199 = arith.addi %add3A_198, %iota3A : vector<16xi32>
      %and3A_200 = arith.constant 7 : i32
      %and3A_201 = vector.broadcast %and3A_200 : i32 to vector<16xi32>
      %and3A_202 = arith.andi %add3A_199, %and3A_201 : vector<16xi32>
      %scan3A_203 = arith.constant 0 : i32
      %scan3A_204 = arith.constant 128 : i32
      %scan3A_205 = arith.addi %scan3A_203, %scan3A_204 : i32
      %scan3A_206 = arith.constant 8 : i32
      scf.for %scan3A_328 = %scan3A_203 to %scan3A_205 step %scan3A_206  : i32 {
        %mul3A_329 = arith.constant 1 : i32
        %mul3A_330 = arith.muli %scan3A_328, %mul3A_329 : i32
        %add3A_331 = arith.constant 0 : i32
        %add3A_332 = arith.addi %add3A_331, %mul3A_330 : i32
        %broadcast_in_dim3A = vector.broadcast %add3A_332 : i32 to vector<16xi32>
        %get3A = arith.index_cast %add3A_332 : i32 to index
        %get3A_333 = arith.constant 0 : index
        %get3A_334 = tpu.vector_load %arg8[%get3A, %get3A_333] {strides = array<i32>} : memref<128x64xf32, #tpu.memory_space<vmem>>, vector<16xf32>,
        tpu.vector_store_idx %arg10[%shift_right_arithmetic3A_161, %and3A_184, %broadcast_in_dim3A], %get3A_334 : memref<8x8x133xf32, #tpu.memory_space<vmem>>[vector<16xi32>, vector<16xi32>, vector<16xi32>], vector<16xf32>,
        %get3A_335 = arith.index_cast %add3A_332 : i32 to index
        %get3A_336 = arith.constant 16 : index
        %get3A_337 = tpu.vector_load %arg8[%get3A_335, %get3A_336] {strides = array<i32>} : memref<128x64xf32, #tpu.memory_space<vmem>>, vector<16xf32>,
        tpu.vector_store_idx %arg10[%shift_right_arithmetic3A_167, %and3A_190, %broadcast_in_dim3A], %get3A_337 : memref<8x8x133xf32, #tpu.memory_space<vmem>>[vector<16xi32>, vector<16xi32>, vector<16xi32>], vector<16xf32>,
        %get3A_338 = arith.index_cast %add3A_332 : i32 to index
        %get3A_339 = arith.constant 32 : index
        %get3A_340 = tpu.vector_load %arg8[%get3A_338, %get3A_339] {strides = array<i32>} : memref<128x64xf32, #tpu.memory_space<vmem>>, vector<16xf32>,
        tpu.vector_store_idx %arg10[%shift_right_arithmetic3A_173, %and3A_196, %broadcast_in_dim3A], %get3A_340 : memref<8x8x133xf32, #tpu.memory_space<vmem>>[vector<16xi32>, vector<16xi32>, vector<16xi32>], vector<16xf32>,
        %get3A_341 = arith.index_cast %add3A_332 : i32 to index
        %get3A_342 = arith.constant 48 : index
        %get3A_343 = tpu.vector_load %arg8[%get3A_341, %get3A_342] {strides = array<i32>} : memref<128x64xf32, #tpu.memory_space<vmem>>, vector<16xf32>,
        tpu.vector_store_idx %arg10[%shift_right_arithmetic3A_179, %and3A_202, %broadcast_in_dim3A], %get3A_343 : memref<8x8x133xf32, #tpu.memory_space<vmem>>[vector<16xi32>, vector<16xi32>, vector<16xi32>], vector<16xf32>,
        %scan3A_344 = arith.constant 1 : i32
        %scan3A_345 = arith.addi %scan3A_328, %scan3A_344 : i32
        %mul3A_346 = arith.constant 1 : i32
        %mul3A_347 = arith.muli %scan3A_345, %mul3A_346 : i32
        %add3A_348 = arith.constant 0 : i32
        %add3A_349 = arith.addi %add3A_348, %mul3A_347 : i32
        %broadcast_in_dim3A_350 = vector.broadcast %add3A_349 : i32 to vector<16xi32>
        %get3A_351 = arith.index_cast %add3A_349 : i32 to index
        %get3A_352 = arith.constant 0 : index
        %get3A_353 = tpu.vector_load %arg8[%get3A_351, %get3A_352] {strides = array<i32>} : memref<128x64xf32, #tpu.memory_space<vmem>>, vector<16xf32>,
        tpu.vector_store_idx %arg10[%shift_right_arithmetic3A_161, %and3A_184, %broadcast_in_dim3A_350], %get3A_353 : memref<8x8x133xf32, #tpu.memory_space<vmem>>[vector<16xi32>, vector<16xi32>, vector<16xi32>], vector<16xf32>,
        %get3A_354 = arith.index_cast %add3A_349 : i32 to index
        %get3A_355 = arith.constant 16 : index
        %get3A_356 = tpu.vector_load %arg8[%get3A_354, %get3A_355] {strides = array<i32>} : memref<128x64xf32, #tpu.memory_space<vmem>>, vector<16xf32>,
        tpu.vector_store_idx %arg10[%shift_right_arithmetic3A_167, %and3A_190, %broadcast_in_dim3A_350], %get3A_356 : memref<8x8x133xf32, #tpu.memory_space<vmem>>[vector<16xi32>, vector<16xi32>, vector<16xi32>], vector<16xf32>,
        %get3A_357 = arith.index_cast %add3A_349 : i32 to index
        %get3A_358 = arith.constant 32 : index
        %get3A_359 = tpu.vector_load %arg8[%get3A_357, %get3A_358] {strides = array<i32>} : memref<128x64xf32, #tpu.memory_space<vmem>>, vector<16xf32>,
        tpu.vector_store_idx %arg10[%shift_right_arithmetic3A_173, %and3A_196, %broadcast_in_dim3A_350], %get3A_359 : memref<8x8x133xf32, #tpu.memory_space<vmem>>[vector<16xi32>, vector<16xi32>, vector<16xi32>], vector<16xf32>,
        %get3A_360 = arith.index_cast %add3A_349 : i32 to index
        %get3A_361 = arith.constant 48 : index
        %get3A_362 = tpu.vector_load %arg8[%get3A_360, %get3A_361] {strides = array<i32>} : memref<128x64xf32, #tpu.memory_space<vmem>>, vector<16xf32>,
        tpu.vector_store_idx %arg10[%shift_right_arithmetic3A_179, %and3A_202, %broadcast_in_dim3A_350], %get3A_362 : memref<8x8x133xf32, #tpu.memory_space<vmem>>[vector<16xi32>, vector<16xi32>, vector<16xi32>], vector<16xf32>,
        %scan3A_363 = arith.constant 2 : i32
        %scan3A_364 = arith.addi %scan3A_328, %scan3A_363 : i32
        %mul3A_365 = arith.constant 1 : i32
        %mul3A_366 = arith.muli %scan3A_364, %mul3A_365 : i32
        %add3A_367 = arith.constant 0 : i32
        %add3A_368 = arith.addi %add3A_367, %mul3A_366 : i32
        %broadcast_in_dim3A_369 = vector.broadcast %add3A_368 : i32 to vector<16xi32>
        %get3A_370 = arith.index_cast %add3A_368 : i32 to index
        %get3A_371 = arith.constant 0 : index
        %get3A_372 = tpu.vector_load %arg8[%get3A_370, %get3A_371] {strides = array<i32>} : memref<128x64xf32, #tpu.memory_space<vmem>>, vector<16xf32>,
        tpu.vector_store_idx %arg10[%shift_right_arithmetic3A_161, %and3A_184, %broadcast_in_dim3A_369], %get3A_372 : memref<8x8x133xf32, #tpu.memory_space<vmem>>[vector<16xi32>, vector<16xi32>, vector<16xi32>], vector<16xf32>,
        %get3A_373 = arith.index_cast %add3A_368 : i32 to index
        %get3A_374 = arith.constant 16 : index
        %get3A_375 = tpu.vector_load %arg8[%get3A_373, %get3A_374] {strides = array<i32>} : memref<128x64xf32, #tpu.memory_space<vmem>>, vector<16xf32>,
        tpu.vector_store_idx %arg10[%shift_right_arithmetic3A_167, %and3A_190, %broadcast_in_dim3A_369], %get3A_375 : memref<8x8x133xf32, #tpu.memory_space<vmem>>[vector<16xi32>, vector<16xi32>, vector<16xi32>], vector<16xf32>,
        %get3A_376 = arith.index_cast %add3A_368 : i32 to index
        %get3A_377 = arith.constant 32 : index
        %get3A_378 = tpu.vector_load %arg8[%get3A_376, %get3A_377] {strides = array<i32>} : memref<128x64xf32, #tpu.memory_space<vmem>>, vector<16xf32>,
        tpu.vector_store_idx %arg10[%shift_right_arithmetic3A_173, %and3A_196, %broadcast_in_dim3A_369], %get3A_378 : memref<8x8x133xf32, #tpu.memory_space<vmem>>[vector<16xi32>, vector<16xi32>, vector<16xi32>], vector<16xf32>,
        %get3A_379 = arith.index_cast %add3A_368 : i32 to index
        %get3A_380 = arith.constant 48 : index
        %get3A_381 = tpu.vector_load %arg8[%get3A_379, %get3A_380] {strides = array<i32>} : memref<128x64xf32, #tpu.memory_space<vmem>>, vector<16xf32>,
        tpu.vector_store_idx %arg10[%shift_right_arithmetic3A_179, %and3A_202, %broadcast_in_dim3A_369], %get3A_381 : memref<8x8x133xf32, #tpu.memory_space<vmem>>[vector<16xi32>, vector<16xi32>, vector<16xi32>], vector<16xf32>,
        %scan3A_382 = arith.constant 3 : i32
        %scan3A_383 = arith.addi %scan3A_328, %scan3A_382 : i32
        %mul3A_384 = arith.constant 1 : i32
        %mul3A_385 = arith.muli %scan3A_383, %mul3A_384 : i32
        %add3A_386 = arith.constant 0 : i32
        %add3A_387 = arith.addi %add3A_386, %mul3A_385 : i32
        %broadcast_in_dim3A_388 = vector.broadcast %add3A_387 : i32 to vector<16xi32>
        %get3A_389 = arith.index_cast %add3A_387 : i32 to index
        %get3A_390 = arith.constant 0 : index
        %get3A_391 = tpu.vector_load %arg8[%get3A_389, %get3A_390] {strides = array<i32>} : memref<128x64xf32, #tpu.memory_space<vmem>>, vector<16xf32>,
        tpu.vector_store_idx %arg10[%shift_right_arithmetic3A_161, %and3A_184, %broadcast_in_dim3A_388], %get3A_391 : memref<8x8x133xf32, #tpu.memory_space<vmem>>[vector<16xi32>, vector<16xi32>, vector<16xi32>], vector<16xf32>,
        %get3A_392 = arith.index_cast %add3A_387 : i32 to index
        %get3A_393 = arith.constant 16 : index
        %get3A_394 = tpu.vector_load %arg8[%get3A_392, %get3A_393] {strides = array<i32>} : memref<128x64xf32, #tpu.memory_space<vmem>>, vector<16xf32>,
        tpu.vector_store_idx %arg10[%shift_right_arithmetic3A_167, %and3A_190, %broadcast_in_dim3A_388], %get3A_394 : memref<8x8x133xf32, #tpu.memory_space<vmem>>[vector<16xi32>, vector<16xi32>, vector<16xi32>], vector<16xf32>,
        %get3A_395 = arith.index_cast %add3A_387 : i32 to index
        %get3A_396 = arith.constant 32 : index
        %get3A_397 = tpu.vector_load %arg8[%get3A_395, %get3A_396] {strides = array<i32>} : memref<128x64xf32, #tpu.memory_space<vmem>>, vector<16xf32>,
        tpu.vector_store_idx %arg10[%shift_right_arithmetic3A_173, %and3A_196, %broadcast_in_dim3A_388], %get3A_397 : memref<8x8x133xf32, #tpu.memory_space<vmem>>[vector<16xi32>, vector<16xi32>, vector<16xi32>], vector<16xf32>,
        %get3A_398 = arith.index_cast %add3A_387 : i32 to index
        %get3A_399 = arith.constant 48 : index
        %get3A_400 = tpu.vector_load %arg8[%get3A_398, %get3A_399] {strides = array<i32>} : memref<128x64xf32, #tpu.memory_space<vmem>>, vector<16xf32>,
        tpu.vector_store_idx %arg10[%shift_right_arithmetic3A_179, %and3A_202, %broadcast_in_dim3A_388], %get3A_400 : memref<8x8x133xf32, #tpu.memory_space<vmem>>[vector<16xi32>, vector<16xi32>, vector<16xi32>], vector<16xf32>,
        %scan3A_401 = arith.constant 4 : i32
        %scan3A_402 = arith.addi %scan3A_328, %scan3A_401 : i32
        %mul3A_403 = arith.constant 1 : i32
        %mul3A_404 = arith.muli %scan3A_402, %mul3A_403 : i32
        %add3A_405 = arith.constant 0 : i32
        %add3A_406 = arith.addi %add3A_405, %mul3A_404 : i32
        %broadcast_in_dim3A_407 = vector.broadcast %add3A_406 : i32 to vector<16xi32>
        %get3A_408 = arith.index_cast %add3A_406 : i32 to index
        %get3A_409 = arith.constant 0 : index
        %get3A_410 = tpu.vector_load %arg8[%get3A_408, %get3A_409] {strides = array<i32>} : memref<128x64xf32, #tpu.memory_space<vmem>>, vector<16xf32>,
        tpu.vector_store_idx %arg10[%shift_right_arithmetic3A_161, %and3A_184, %broadcast_in_dim3A_407], %get3A_410 : memref<8x8x133xf32, #tpu.memory_space<vmem>>[vector<16xi32>, vector<16xi32>, vector<16xi32>], vector<16xf32>,
        %get3A_411 = arith.index_cast %add3A_406 : i32 to index
        %get3A_412 = arith.constant 16 : index
        %get3A_413 = tpu.vector_load %arg8[%get3A_411, %get3A_412] {strides = array<i32>} : memref<128x64xf32, #tpu.memory_space<vmem>>, vector<16xf32>,
        tpu.vector_store_idx %arg10[%shift_right_arithmetic3A_167, %and3A_190, %broadcast_in_dim3A_407], %get3A_413 : memref<8x8x133xf32, #tpu.memory_space<vmem>>[vector<16xi32>, vector<16xi32>, vector<16xi32>], vector<16xf32>,
        %get3A_414 = arith.index_cast %add3A_406 : i32 to index
        %get3A_415 = arith.constant 32 : index
        %get3A_416 = tpu.vector_load %arg8[%get3A_414, %get3A_415] {strides = array<i32>} : memref<128x64xf32, #tpu.memory_space<vmem>>, vector<16xf32>,
        tpu.vector_store_idx %arg10[%shift_right_arithmetic3A_173, %and3A_196, %broadcast_in_dim3A_407], %get3A_416 : memref<8x8x133xf32, #tpu.memory_space<vmem>>[vector<16xi32>, vector<16xi32>, vector<16xi32>], vector<16xf32>,
        %get3A_417 = arith.index_cast %add3A_406 : i32 to index
        %get3A_418 = arith.constant 48 : index
        %get3A_419 = tpu.vector_load %arg8[%get3A_417, %get3A_418] {strides = array<i32>} : memref<128x64xf32, #tpu.memory_space<vmem>>, vector<16xf32>,
        tpu.vector_store_idx %arg10[%shift_right_arithmetic3A_179, %and3A_202, %broadcast_in_dim3A_407], %get3A_419 : memref<8x8x133xf32, #tpu.memory_space<vmem>>[vector<16xi32>, vector<16xi32>, vector<16xi32>], vector<16xf32>,
        %scan3A_420 = arith.constant 5 : i32
        %scan3A_421 = arith.addi %scan3A_328, %scan3A_420 : i32
        %mul3A_422 = arith.constant 1 : i32
        %mul3A_423 = arith.muli %scan3A_421, %mul3A_422 : i32
        %add3A_424 = arith.constant 0 : i32
        %add3A_425 = arith.addi %add3A_424, %mul3A_423 : i32
        %broadcast_in_dim3A_426 = vector.broadcast %add3A_425 : i32 to vector<16xi32>
        %get3A_427 = arith.index_cast %add3A_425 : i32 to index
        %get3A_428 = arith.constant 0 : index
        %get3A_429 = tpu.vector_load %arg8[%get3A_427, %get3A_428] {strides = array<i32>} : memref<128x64xf32, #tpu.memory_space<vmem>>, vector<16xf32>,
        tpu.vector_store_idx %arg10[%shift_right_arithmetic3A_161, %and3A_184, %broadcast_in_dim3A_426], %get3A_429 : memref<8x8x133xf32, #tpu.memory_space<vmem>>[vector<16xi32>, vector<16xi32>, vector<16xi32>], vector<16xf32>,
        %get3A_430 = arith.index_cast %add3A_425 : i32 to index
        %get3A_431 = arith.constant 16 : index
        %get3A_432 = tpu.vector_load %arg8[%get3A_430, %get3A_431] {strides = array<i32>} : memref<128x64xf32, #tpu.memory_space<vmem>>, vector<16xf32>,
        tpu.vector_store_idx %arg10[%shift_right_arithmetic3A_167, %and3A_190, %broadcast_in_dim3A_426], %get3A_432 : memref<8x8x133xf32, #tpu.memory_space<vmem>>[vector<16xi32>, vector<16xi32>, vector<16xi32>], vector<16xf32>,
        %get3A_433 = arith.index_cast %add3A_425 : i32 to index
        %get3A_434 = arith.constant 32 : index
        %get3A_435 = tpu.vector_load %arg8[%get3A_433, %get3A_434] {strides = array<i32>} : memref<128x64xf32, #tpu.memory_space<vmem>>, vector<16xf32>,
        tpu.vector_store_idx %arg10[%shift_right_arithmetic3A_173, %and3A_196, %broadcast_in_dim3A_426], %get3A_435 : memref<8x8x133xf32, #tpu.memory_space<vmem>>[vector<16xi32>, vector<16xi32>, vector<16xi32>], vector<16xf32>,
        %get3A_436 = arith.index_cast %add3A_425 : i32 to index
        %get3A_437 = arith.constant 48 : index
        %get3A_438 = tpu.vector_load %arg8[%get3A_436, %get3A_437] {strides = array<i32>} : memref<128x64xf32, #tpu.memory_space<vmem>>, vector<16xf32>,
        tpu.vector_store_idx %arg10[%shift_right_arithmetic3A_179, %and3A_202, %broadcast_in_dim3A_426], %get3A_438 : memref<8x8x133xf32, #tpu.memory_space<vmem>>[vector<16xi32>, vector<16xi32>, vector<16xi32>], vector<16xf32>,
        %scan3A_439 = arith.constant 6 : i32
        %scan3A_440 = arith.addi %scan3A_328, %scan3A_439 : i32
        %mul3A_441 = arith.constant 1 : i32
        %mul3A_442 = arith.muli %scan3A_440, %mul3A_441 : i32
        %add3A_443 = arith.constant 0 : i32
        %add3A_444 = arith.addi %add3A_443, %mul3A_442 : i32
        %broadcast_in_dim3A_445 = vector.broadcast %add3A_444 : i32 to vector<16xi32>
        %get3A_446 = arith.index_cast %add3A_444 : i32 to index
        %get3A_447 = arith.constant 0 : index
        %get3A_448 = tpu.vector_load %arg8[%get3A_446, %get3A_447] {strides = array<i32>} : memref<128x64xf32, #tpu.memory_space<vmem>>, vector<16xf32>,
        tpu.vector_store_idx %arg10[%shift_right_arithmetic3A_161, %and3A_184, %broadcast_in_dim3A_445], %get3A_448 : memref<8x8x133xf32, #tpu.memory_space<vmem>>[vector<16xi32>, vector<16xi32>, vector<16xi32>], vector<16xf32>,
        %get3A_449 = arith.index_cast %add3A_444 : i32 to index
        %get3A_450 = arith.constant 16 : index
        %get3A_451 = tpu.vector_load %arg8[%get3A_449, %get3A_450] {strides = array<i32>} : memref<128x64xf32, #tpu.memory_space<vmem>>, vector<16xf32>,
        tpu.vector_store_idx %arg10[%shift_right_arithmetic3A_167, %and3A_190, %broadcast_in_dim3A_445], %get3A_451 : memref<8x8x133xf32, #tpu.memory_space<vmem>>[vector<16xi32>, vector<16xi32>, vector<16xi32>], vector<16xf32>,
        %get3A_452 = arith.index_cast %add3A_444 : i32 to index
        %get3A_453 = arith.constant 32 : index
        %get3A_454 = tpu.vector_load %arg8[%get3A_452, %get3A_453] {strides = array<i32>} : memref<128x64xf32, #tpu.memory_space<vmem>>, vector<16xf32>,
        tpu.vector_store_idx %arg10[%shift_right_arithmetic3A_173, %and3A_196, %broadcast_in_dim3A_445], %get3A_454 : memref<8x8x133xf32, #tpu.memory_space<vmem>>[vector<16xi32>, vector<16xi32>, vector<16xi32>], vector<16xf32>,
        %get3A_455 = arith.index_cast %add3A_444 : i32 to index
        %get3A_456 = arith.constant 48 : index
        %get3A_457 = tpu.vector_load %arg8[%get3A_455, %get3A_456] {strides = array<i32>} : memref<128x64xf32, #tpu.memory_space<vmem>>, vector<16xf32>,
        tpu.vector_store_idx %arg10[%shift_right_arithmetic3A_179, %and3A_202, %broadcast_in_dim3A_445], %get3A_457 : memref<8x8x133xf32, #tpu.memory_space<vmem>>[vector<16xi32>, vector<16xi32>, vector<16xi32>], vector<16xf32>,
        %scan3A_458 = arith.constant 7 : i32
        %scan3A_459 = arith.addi %scan3A_328, %scan3A_458 : i32
        %mul3A_460 = arith.constant 1 : i32
        %mul3A_461 = arith.muli %scan3A_459, %mul3A_460 : i32
        %add3A_462 = arith.constant 0 : i32
        %add3A_463 = arith.addi %add3A_462, %mul3A_461 : i32
        %broadcast_in_dim3A_464 = vector.broadcast %add3A_463 : i32 to vector<16xi32>
        %get3A_465 = arith.index_cast %add3A_463 : i32 to index
        %get3A_466 = arith.constant 0 : index
        %get3A_467 = tpu.vector_load %arg8[%get3A_465, %get3A_466] {strides = array<i32>} : memref<128x64xf32, #tpu.memory_space<vmem>>, vector<16xf32>,
        tpu.vector_store_idx %arg10[%shift_right_arithmetic3A_161, %and3A_184, %broadcast_in_dim3A_464], %get3A_467 : memref<8x8x133xf32, #tpu.memory_space<vmem>>[vector<16xi32>, vector<16xi32>, vector<16xi32>], vector<16xf32>,
        %get3A_468 = arith.index_cast %add3A_463 : i32 to index
        %get3A_469 = arith.constant 16 : index
        %get3A_470 = tpu.vector_load %arg8[%get3A_468, %get3A_469] {strides = array<i32>} : memref<128x64xf32, #tpu.memory_space<vmem>>, vector<16xf32>,
        tpu.vector_store_idx %arg10[%shift_right_arithmetic3A_167, %and3A_190, %broadcast_in_dim3A_464], %get3A_470 : memref<8x8x133xf32, #tpu.memory_space<vmem>>[vector<16xi32>, vector<16xi32>, vector<16xi32>], vector<16xf32>,
        %get3A_471 = arith.index_cast %add3A_463 : i32 to index
        %get3A_472 = arith.constant 32 : index
        %get3A_473 = tpu.vector_load %arg8[%get3A_471, %get3A_472] {strides = array<i32>} : memref<128x64xf32, #tpu.memory_space<vmem>>, vector<16xf32>,
        tpu.vector_store_idx %arg10[%shift_right_arithmetic3A_173, %and3A_196, %broadcast_in_dim3A_464], %get3A_473 : memref<8x8x133xf32, #tpu.memory_space<vmem>>[vector<16xi32>, vector<16xi32>, vector<16xi32>], vector<16xf32>,
        %get3A_474 = arith.index_cast %add3A_463 : i32 to index
        %get3A_475 = arith.constant 48 : index
        %get3A_476 = tpu.vector_load %arg8[%get3A_474, %get3A_475] {strides = array<i32>} : memref<128x64xf32, #tpu.memory_space<vmem>>, vector<16xf32>,
        tpu.vector_store_idx %arg10[%shift_right_arithmetic3A_179, %and3A_202, %broadcast_in_dim3A_464], %get3A_476 : memref<8x8x133xf32, #tpu.memory_space<vmem>>[vector<16xi32>, vector<16xi32>, vector<16xi32>], vector<16xf32>,
      }
      %scan3A_207 = arith.constant 128 : i32
      %dma_start3A_208 = arith.constant 0 : i32
      %dma_start3A_209 = arith.constant 0 : i32
      %dma_start3A_210 = arith.constant 0 : i32
      %dma_start3A_211 = tpu.memref_slice %arg10[%dma_start3A_208, %dma_start3A_209, %dma_start3A_210] : memref<8x8x133xf32, #tpu.memory_space<vmem>> -> memref<8x8x128xf32, #tpu.memory_space<vmem>>
      %dma_start3A_212 = arith.constant 0 : i32
      %dma_start3A_213 = arith.constant 0 : i32
      %dma_start3A_214 = arith.constant 0 : i32
      %dma_start3A_215 = tpu.memref_slice %arg4[%add3A_146, %dma_start3A_212, %add3A_77, %dma_start3A_213, %dma_start3A_214] : memref<50x8x128x8x128xf32, #tpu.memory_space<hbm>> -> memref<1x8x1x8x128xf32, #tpu.memory_space<hbm>>
      %dma_start3A_216 = tpu.memref_squeeze %dma_start3A_215 : memref<1x8x1x8x128xf32, #tpu.memory_space<hbm>> -> memref<8x8x128xf32, #tpu.memory_space<hbm>>
      %dma_start3A_217 = arith.constant 0 : i32
      %dma_start3A_218 = arith.constant 0 : i32
      %dma_start3A_219 = arith.constant 0 : i32
      %dma_start3A_220 = tpu.memref_slice %arg4[%add3A_146, %dma_start3A_217, %add3A_77, %dma_start3A_218, %dma_start3A_219] : memref<50x8x128x8x128xf32, #tpu.memory_space<hbm>> -> memref<1x8x1x8x128xf32, #tpu.memory_space<hbm>>
      %dma_start3A_221 = tpu.memref_squeeze %dma_start3A_220 : memref<1x8x1x8x128xf32, #tpu.memory_space<hbm>> -> memref<8x8x128xf32, #tpu.memory_space<hbm>>
      %dma_start3A_222 = arith.constant 0 : i32
      %dma_start3A_223 = arith.constant 0 : i32
      %dma_start3A_224 = arith.constant 0 : i32
      %dma_start3A_225 = tpu.memref_slice %arg10[%dma_start3A_222, %dma_start3A_223, %dma_start3A_224] : memref<8x8x133xf32, #tpu.memory_space<vmem>> -> memref<8x8x128xf32, #tpu.memory_space<vmem>>
      tpu.enqueue_dma source(%dma_start3A_225 : memref<8x8x128xf32, #tpu.memory_space<vmem>>) target(%dma_start3A_221 : memref<8x8x128xf32, #tpu.memory_space<hbm>>) target_semaphore(%arg12 : memref<!tpu.dma_semaphore, #tpu.memory_space<semaphore_mem>>)
      %add3A_226 = arith.constant 2 : i32
      %add3A_227 = arith.addi %add3A_146, %add3A_226 : i32
      %lt3A = arith.constant 50 : i32
      %lt3A_228 = arith.cmpi slt, %add3A_227, %lt3A : i32
      %convert_element_type3A_229 = arith.extui %lt3A_228 : i1 to i32
      %cond3A_230 = arith.constant 0 : i32
      %cond3A_231 = arith.cmpi ne, %convert_element_type3A_229, %cond3A_230 : i32
      scf.if %cond3A_231 {
        %dma_start3A_328 = arith.constant 0 : i32
        %dma_start3A_329 = tpu.memref_slice %arg7[%add3A_227, %dma_start3A_328] : memref<50x128xi32, #tpu.memory_space<vmem>> -> memref<1x128xi32, #tpu.memory_space<vmem>>
        %dma_start3A_330 = tpu.memref_squeeze %dma_start3A_329 : memref<1x128xi32, #tpu.memory_space<vmem>> -> memref<128xi32, #tpu.memory_space<vmem>>
        %dma_start3A_331 = arith.constant 0 : i32
        %dma_start3A_332 = arith.constant 0 : i32
        %dma_start3A_333 = tpu.memref_slice %arg2[%dma_start3A_331, %dma_start3A_332] : memref<2000000x64xf32, #tpu.memory_space<hbm>> -> memref<2000000x64xf32, #tpu.memory_space<hbm>>
        tpu.enqueue_indirect_dma source(%dma_start3A_333 : memref<2000000x64xf32, #tpu.memory_space<hbm>>) target(%arg8 : memref<128x64xf32, #tpu.memory_space<vmem>>) offsets(%dma_start3A_330 : memref<128xi32, #tpu.memory_space<vmem>>) semaphore(%arg5 : memref<!tpu.dma_semaphore, #tpu.memory_space<semaphore_mem>>)
      } else {
      }
      %mul3A_232 = arith.constant 2 : i32
      %mul3A_233 = arith.muli %add3A_142, %mul3A_232 : i32
      %add3A_234 = arith.constant 1 : i32
      %add3A_235 = arith.addi %mul3A_233, %add3A_234 : i32
      %add3A_236 = arith.constant 150 : i32
      %add3A_237 = arith.addi %add3A_236, %add3A_235 : i32
      %dma_wait3A_238 = arith.constant 0 : i32
      %dma_wait3A_239 = tpu.memref_slice %arg7[%add3A_235, %dma_wait3A_238] : memref<50x128xi32, #tpu.memory_space<vmem>> -> memref<1x128xi32, #tpu.memory_space<vmem>>
      %dma_wait3A_240 = tpu.memref_squeeze %dma_wait3A_239 : memref<1x128xi32, #tpu.memory_space<vmem>> -> memref<128xi32, #tpu.memory_space<vmem>>
      %dma_wait3A_241 = arith.constant 0 : i32
      %dma_wait3A_242 = arith.constant 0 : i32
      %dma_wait3A_243 = tpu.memref_slice %arg2[%dma_wait3A_241, %dma_wait3A_242] : memref<2000000x64xf32, #tpu.memory_space<hbm>> -> memref<2000000x64xf32, #tpu.memory_space<hbm>>
      tpu.wait_indirect_dma semaphore(%arg6 : memref<!tpu.dma_semaphore, #tpu.memory_space<semaphore_mem>>) src(%dma_wait3A_243 : memref<2000000x64xf32, #tpu.memory_space<hbm>>) dst(%arg9 : memref<128x64xf32, #tpu.memory_space<vmem>>)
      %ge3A_244 = arith.constant 2 : i32
      %ge3A_245 = arith.cmpi sge, %add3A_237, %ge3A_244 : i32
      %convert_element_type3A_246 = arith.extui %ge3A_245 : i1 to i32
      %cond3A_247 = arith.constant 0 : i32
      %cond3A_248 = arith.cmpi ne, %convert_element_type3A_246, %cond3A_247 : i32
      scf.if %cond3A_248 {
        %dma_wait3A_328 = arith.constant 0 : i32
        %dma_wait3A_329 = arith.constant 0 : i32
        %dma_wait3A_330 = arith.constant 0 : i32
        %dma_wait3A_331 = arith.constant 0 : i32
        %dma_wait3A_332 = arith.constant 0 : i32
        %dma_wait3A_333 = tpu.memref_slice %arg11[%dma_wait3A_330, %dma_wait3A_331, %dma_wait3A_332] : memref<8x8x133xf32, #tpu.memory_space<vmem>> -> memref<8x8x128xf32, #tpu.memory_space<vmem>>
        %dma_wait3A_334 = arith.constant 0 : i32
        %dma_wait3A_335 = arith.constant 0 : i32
        %dma_wait3A_336 = arith.constant 0 : i32
        %dma_wait3A_337 = tpu.memref_slice %arg4[%dma_wait3A_328, %dma_wait3A_334, %dma_wait3A_329, %dma_wait3A_335, %dma_wait3A_336] : memref<50x8x128x8x128xf32, #tpu.memory_space<hbm>> -> memref<1x8x1x8x128xf32, #tpu.memory_space<hbm>>
        %dma_wait3A_338 = tpu.memref_squeeze %dma_wait3A_337 : memref<1x8x1x8x128xf32, #tpu.memory_space<hbm>> -> memref<8x8x128xf32, #tpu.memory_space<hbm>>
        %dma_wait3A_339 = arith.constant 0 : i32
        %dma_wait3A_340 = arith.constant 0 : i32
        %dma_wait3A_341 = arith.constant 0 : i32
        %dma_wait3A_342 = tpu.memref_slice %arg4[%dma_wait3A_328, %dma_wait3A_339, %dma_wait3A_329, %dma_wait3A_340, %dma_wait3A_341] : memref<50x8x128x8x128xf32, #tpu.memory_space<hbm>> -> memref<1x8x1x8x128xf32, #tpu.memory_space<hbm>>
        %dma_wait3A_343 = tpu.memref_squeeze %dma_wait3A_342 : memref<1x8x1x8x128xf32, #tpu.memory_space<hbm>> -> memref<8x8x128xf32, #tpu.memory_space<hbm>>
        %dma_wait3A_344 = arith.constant 0 : i32
        %dma_wait3A_345 = arith.constant 0 : i32
        %dma_wait3A_346 = arith.constant 0 : i32
        %dma_wait3A_347 = tpu.memref_slice %arg11[%dma_wait3A_344, %dma_wait3A_345, %dma_wait3A_346] : memref<8x8x133xf32, #tpu.memory_space<vmem>> -> memref<8x8x128xf32, #tpu.memory_space<vmem>>
        tpu.wait_dma2 semaphore(%arg13 : memref<!tpu.dma_semaphore, #tpu.memory_space<semaphore_mem>>) src(%dma_wait3A_347 : memref<8x8x128xf32, #tpu.memory_space<vmem>>) dst(%dma_wait3A_343 : memref<8x8x128xf32, #tpu.memory_space<hbm>>)
      } else {
      }
      %iota3A_249 = tpu.iota {dimensions = array<i32: 0>} : vector<16xi32>
      %add3A_250 = arith.constant 0 : i32
      %add3A_251 = vector.broadcast %add3A_250 : i32 to vector<16xi32>
      %add3A_252 = arith.addi %add3A_251, %iota3A_249 : vector<16xi32>
      %shift_right_arithmetic3A_253 = arith.constant 3 : i32
      %shift_right_arithmetic3A_254 = vector.broadcast %shift_right_arithmetic3A_253 : i32 to vector<16xi32>
      %shift_right_arithmetic3A_255 = arith.shrsi %add3A_252, %shift_right_arithmetic3A_254 : vector<16xi32>
      %add3A_256 = arith.constant 16 : i32
      %add3A_257 = vector.broadcast %add3A_256 : i32 to vector<16xi32>
      %add3A_258 = arith.addi %add3A_257, %iota3A_249 : vector<16xi32>
      %shift_right_arithmetic3A_259 = arith.constant 3 : i32
      %shift_right_arithmetic3A_260 = vector.broadcast %shift_right_arithmetic3A_259 : i32 to vector<16xi32>
      %shift_right_arithmetic3A_261 = arith.shrsi %add3A_258, %shift_right_arithmetic3A_260 : vector<16xi32>
      %add3A_262 = arith.constant 32 : i32
      %add3A_263 = vector.broadcast %add3A_262 : i32 to vector<16xi32>
      %add3A_264 = arith.addi %add3A_263, %iota3A_249 : vector<16xi32>
      %shift_right_arithmetic3A_265 = arith.constant 3 : i32
      %shift_right_arithmetic3A_266 = vector.broadcast %shift_right_arithmetic3A_265 : i32 to vector<16xi32>
      %shift_right_arithmetic3A_267 = arith.shrsi %add3A_264, %shift_right_arithmetic3A_266 : vector<16xi32>
      %add3A_268 = arith.constant 48 : i32
      %add3A_269 = vector.broadcast %add3A_268 : i32 to vector<16xi32>
      %add3A_270 = arith.addi %add3A_269, %iota3A_249 : vector<16xi32>
      %shift_right_arithmetic3A_271 = arith.constant 3 : i32
      %shift_right_arithmetic3A_272 = vector.broadcast %shift_right_arithmetic3A_271 : i32 to vector<16xi32>
      %shift_right_arithmetic3A_273 = arith.shrsi %add3A_270, %shift_right_arithmetic3A_272 : vector<16xi32>
      %add3A_274 = arith.constant 0 : i32
      %add3A_275 = vector.broadcast %add3A_274 : i32 to vector<16xi32>
      %add3A_276 = arith.addi %add3A_275, %iota3A_249 : vector<16xi32>
      %and3A_277 = arith.constant 7 : i32
      %and3A_278 = vector.broadcast %and3A_277 : i32 to vector<16xi32>
      %and3A_279 = arith.andi %add3A_276, %and3A_278 : vector<16xi32>
      %add3A_280 = arith.constant 16 : i32
      %add3A_281 = vector.broadcast %add3A_280 : i32 to vector<16xi32>
      %add3A_282 = arith.addi %add3A_281, %iota3A_249 : vector<16xi32>
      %and3A_283 = arith.constant 7 : i32
      %and3A_284 = vector.broadcast %and3A_283 : i32 to vector<16xi32>
      %and3A_285 = arith.andi %add3A_282, %and3A_284 : vector<16xi32>
      %add3A_286 = arith.constant 32 : i32
      %add3A_287 = vector.broadcast %add3A_286 : i32 to vector<16xi32>
      %add3A_288 = arith.addi %add3A_287, %iota3A_249 : vector<16xi32>
      %and3A_289 = arith.constant 7 : i32
      %and3A_290 = vector.broadcast %and3A_289 : i32 to vector<16xi32>
      %and3A_291 = arith.andi %add3A_288, %and3A_290 : vector<16xi32>
      %add3A_292 = arith.constant 48 : i32
      %add3A_293 = vector.broadcast %add3A_292 : i32 to vector<16xi32>
      %add3A_294 = arith.addi %add3A_293, %iota3A_249 : vector<16xi32>
      %and3A_295 = arith.constant 7 : i32
      %and3A_296 = vector.broadcast %and3A_295 : i32 to vector<16xi32>
      %and3A_297 = arith.andi %add3A_294, %and3A_296 : vector<16xi32>
      %scan3A_298 = arith.constant 0 : i32
      %scan3A_299 = arith.constant 128 : i32
      %scan3A_300 = arith.addi %scan3A_298, %scan3A_299 : i32
      %scan3A_301 = arith.constant 8 : i32
      scf.for %scan3A_328 = %scan3A_298 to %scan3A_300 step %scan3A_301  : i32 {
        %mul3A_329 = arith.constant 1 : i32
        %mul3A_330 = arith.muli %scan3A_328, %mul3A_329 : i32
        %add3A_331 = arith.constant 0 : i32
        %add3A_332 = arith.addi %add3A_331, %mul3A_330 : i32
        %broadcast_in_dim3A = vector.broadcast %add3A_332 : i32 to vector<16xi32>
        %get3A = arith.index_cast %add3A_332 : i32 to index
        %get3A_333 = arith.constant 0 : index
        %get3A_334 = tpu.vector_load %arg9[%get3A, %get3A_333] {strides = array<i32>} : memref<128x64xf32, #tpu.memory_space<vmem>>, vector<16xf32>,
        tpu.vector_store_idx %arg11[%shift_right_arithmetic3A_255, %and3A_279, %broadcast_in_dim3A], %get3A_334 : memref<8x8x133xf32, #tpu.memory_space<vmem>>[vector<16xi32>, vector<16xi32>, vector<16xi32>], vector<16xf32>,
        %get3A_335 = arith.index_cast %add3A_332 : i32 to index
        %get3A_336 = arith.constant 16 : index
        %get3A_337 = tpu.vector_load %arg9[%get3A_335, %get3A_336] {strides = array<i32>} : memref<128x64xf32, #tpu.memory_space<vmem>>, vector<16xf32>,
        tpu.vector_store_idx %arg11[%shift_right_arithmetic3A_261, %and3A_285, %broadcast_in_dim3A], %get3A_337 : memref<8x8x133xf32, #tpu.memory_space<vmem>>[vector<16xi32>, vector<16xi32>, vector<16xi32>], vector<16xf32>,
        %get3A_338 = arith.index_cast %add3A_332 : i32 to index
        %get3A_339 = arith.constant 32 : index
        %get3A_340 = tpu.vector_load %arg9[%get3A_338, %get3A_339] {strides = array<i32>} : memref<128x64xf32, #tpu.memory_space<vmem>>, vector<16xf32>,
        tpu.vector_store_idx %arg11[%shift_right_arithmetic3A_267, %and3A_291, %broadcast_in_dim3A], %get3A_340 : memref<8x8x133xf32, #tpu.memory_space<vmem>>[vector<16xi32>, vector<16xi32>, vector<16xi32>], vector<16xf32>,
        %get3A_341 = arith.index_cast %add3A_332 : i32 to index
        %get3A_342 = arith.constant 48 : index
        %get3A_343 = tpu.vector_load %arg9[%get3A_341, %get3A_342] {strides = array<i32>} : memref<128x64xf32, #tpu.memory_space<vmem>>, vector<16xf32>,
        tpu.vector_store_idx %arg11[%shift_right_arithmetic3A_273, %and3A_297, %broadcast_in_dim3A], %get3A_343 : memref<8x8x133xf32, #tpu.memory_space<vmem>>[vector<16xi32>, vector<16xi32>, vector<16xi32>], vector<16xf32>,
        %scan3A_344 = arith.constant 1 : i32
        %scan3A_345 = arith.addi %scan3A_328, %scan3A_344 : i32
        %mul3A_346 = arith.constant 1 : i32
        %mul3A_347 = arith.muli %scan3A_345, %mul3A_346 : i32
        %add3A_348 = arith.constant 0 : i32
        %add3A_349 = arith.addi %add3A_348, %mul3A_347 : i32
        %broadcast_in_dim3A_350 = vector.broadcast %add3A_349 : i32 to vector<16xi32>
        %get3A_351 = arith.index_cast %add3A_349 : i32 to index
        %get3A_352 = arith.constant 0 : index
        %get3A_353 = tpu.vector_load %arg9[%get3A_351, %get3A_352] {strides = array<i32>} : memref<128x64xf32, #tpu.memory_space<vmem>>, vector<16xf32>,
        tpu.vector_store_idx %arg11[%shift_right_arithmetic3A_255, %and3A_279, %broadcast_in_dim3A_350], %get3A_353 : memref<8x8x133xf32, #tpu.memory_space<vmem>>[vector<16xi32>, vector<16xi32>, vector<16xi32>], vector<16xf32>,
        %get3A_354 = arith.index_cast %add3A_349 : i32 to index
        %get3A_355 = arith.constant 16 : index
        %get3A_356 = tpu.vector_load %arg9[%get3A_354, %get3A_355] {strides = array<i32>} : memref<128x64xf32, #tpu.memory_space<vmem>>, vector<16xf32>,
        tpu.vector_store_idx %arg11[%shift_right_arithmetic3A_261, %and3A_285, %broadcast_in_dim3A_350], %get3A_356 : memref<8x8x133xf32, #tpu.memory_space<vmem>>[vector<16xi32>, vector<16xi32>, vector<16xi32>], vector<16xf32>,
        %get3A_357 = arith.index_cast %add3A_349 : i32 to index
        %get3A_358 = arith.constant 32 : index
        %get3A_359 = tpu.vector_load %arg9[%get3A_357, %get3A_358] {strides = array<i32>} : memref<128x64xf32, #tpu.memory_space<vmem>>, vector<16xf32>,
        tpu.vector_store_idx %arg11[%shift_right_arithmetic3A_267, %and3A_291, %broadcast_in_dim3A_350], %get3A_359 : memref<8x8x133xf32, #tpu.memory_space<vmem>>[vector<16xi32>, vector<16xi32>, vector<16xi32>], vector<16xf32>,
        %get3A_360 = arith.index_cast %add3A_349 : i32 to index
        %get3A_361 = arith.constant 48 : index
        %get3A_362 = tpu.vector_load %arg9[%get3A_360, %get3A_361] {strides = array<i32>} : memref<128x64xf32, #tpu.memory_space<vmem>>, vector<16xf32>,
        tpu.vector_store_idx %arg11[%shift_right_arithmetic3A_273, %and3A_297, %broadcast_in_dim3A_350], %get3A_362 : memref<8x8x133xf32, #tpu.memory_space<vmem>>[vector<16xi32>, vector<16xi32>, vector<16xi32>], vector<16xf32>,
        %scan3A_363 = arith.constant 2 : i32
        %scan3A_364 = arith.addi %scan3A_328, %scan3A_363 : i32
        %mul3A_365 = arith.constant 1 : i32
        %mul3A_366 = arith.muli %scan3A_364, %mul3A_365 : i32
        %add3A_367 = arith.constant 0 : i32
        %add3A_368 = arith.addi %add3A_367, %mul3A_366 : i32
        %broadcast_in_dim3A_369 = vector.broadcast %add3A_368 : i32 to vector<16xi32>
        %get3A_370 = arith.index_cast %add3A_368 : i32 to index
        %get3A_371 = arith.constant 0 : index
        %get3A_372 = tpu.vector_load %arg9[%get3A_370, %get3A_371] {strides = array<i32>} : memref<128x64xf32, #tpu.memory_space<vmem>>, vector<16xf32>,
        tpu.vector_store_idx %arg11[%shift_right_arithmetic3A_255, %and3A_279, %broadcast_in_dim3A_369], %get3A_372 : memref<8x8x133xf32, #tpu.memory_space<vmem>>[vector<16xi32>, vector<16xi32>, vector<16xi32>], vector<16xf32>,
        %get3A_373 = arith.index_cast %add3A_368 : i32 to index
        %get3A_374 = arith.constant 16 : index
        %get3A_375 = tpu.vector_load %arg9[%get3A_373, %get3A_374] {strides = array<i32>} : memref<128x64xf32, #tpu.memory_space<vmem>>, vector<16xf32>,
        tpu.vector_store_idx %arg11[%shift_right_arithmetic3A_261, %and3A_285, %broadcast_in_dim3A_369], %get3A_375 : memref<8x8x133xf32, #tpu.memory_space<vmem>>[vector<16xi32>, vector<16xi32>, vector<16xi32>], vector<16xf32>,
        %get3A_376 = arith.index_cast %add3A_368 : i32 to index
        %get3A_377 = arith.constant 32 : index
        %get3A_378 = tpu.vector_load %arg9[%get3A_376, %get3A_377] {strides = array<i32>} : memref<128x64xf32, #tpu.memory_space<vmem>>, vector<16xf32>,
        tpu.vector_store_idx %arg11[%shift_right_arithmetic3A_267, %and3A_291, %broadcast_in_dim3A_369], %get3A_378 : memref<8x8x133xf32, #tpu.memory_space<vmem>>[vector<16xi32>, vector<16xi32>, vector<16xi32>], vector<16xf32>,
        %get3A_379 = arith.index_cast %add3A_368 : i32 to index
        %get3A_380 = arith.constant 48 : index
        %get3A_381 = tpu.vector_load %arg9[%get3A_379, %get3A_380] {strides = array<i32>} : memref<128x64xf32, #tpu.memory_space<vmem>>, vector<16xf32>,
        tpu.vector_store_idx %arg11[%shift_right_arithmetic3A_273, %and3A_297, %broadcast_in_dim3A_369], %get3A_381 : memref<8x8x133xf32, #tpu.memory_space<vmem>>[vector<16xi32>, vector<16xi32>, vector<16xi32>], vector<16xf32>,
        %scan3A_382 = arith.constant 3 : i32
        %scan3A_383 = arith.addi %scan3A_328, %scan3A_382 : i32
        %mul3A_384 = arith.constant 1 : i32
        %mul3A_385 = arith.muli %scan3A_383, %mul3A_384 : i32
        %add3A_386 = arith.constant 0 : i32
        %add3A_387 = arith.addi %add3A_386, %mul3A_385 : i32
        %broadcast_in_dim3A_388 = vector.broadcast %add3A_387 : i32 to vector<16xi32>
        %get3A_389 = arith.index_cast %add3A_387 : i32 to index
        %get3A_390 = arith.constant 0 : index
        %get3A_391 = tpu.vector_load %arg9[%get3A_389, %get3A_390] {strides = array<i32>} : memref<128x64xf32, #tpu.memory_space<vmem>>, vector<16xf32>,
        tpu.vector_store_idx %arg11[%shift_right_arithmetic3A_255, %and3A_279, %broadcast_in_dim3A_388], %get3A_391 : memref<8x8x133xf32, #tpu.memory_space<vmem>>[vector<16xi32>, vector<16xi32>, vector<16xi32>], vector<16xf32>,
        %get3A_392 = arith.index_cast %add3A_387 : i32 to index
        %get3A_393 = arith.constant 16 : index
        %get3A_394 = tpu.vector_load %arg9[%get3A_392, %get3A_393] {strides = array<i32>} : memref<128x64xf32, #tpu.memory_space<vmem>>, vector<16xf32>,
        tpu.vector_store_idx %arg11[%shift_right_arithmetic3A_261, %and3A_285, %broadcast_in_dim3A_388], %get3A_394 : memref<8x8x133xf32, #tpu.memory_space<vmem>>[vector<16xi32>, vector<16xi32>, vector<16xi32>], vector<16xf32>,
        %get3A_395 = arith.index_cast %add3A_387 : i32 to index
        %get3A_396 = arith.constant 32 : index
        %get3A_397 = tpu.vector_load %arg9[%get3A_395, %get3A_396] {strides = array<i32>} : memref<128x64xf32, #tpu.memory_space<vmem>>, vector<16xf32>,
        tpu.vector_store_idx %arg11[%shift_right_arithmetic3A_267, %and3A_291, %broadcast_in_dim3A_388], %get3A_397 : memref<8x8x133xf32, #tpu.memory_space<vmem>>[vector<16xi32>, vector<16xi32>, vector<16xi32>], vector<16xf32>,
        %get3A_398 = arith.index_cast %add3A_387 : i32 to index
        %get3A_399 = arith.constant 48 : index
        %get3A_400 = tpu.vector_load %arg9[%get3A_398, %get3A_399] {strides = array<i32>} : memref<128x64xf32, #tpu.memory_space<vmem>>, vector<16xf32>,
        tpu.vector_store_idx %arg11[%shift_right_arithmetic3A_273, %and3A_297, %broadcast_in_dim3A_388], %get3A_400 : memref<8x8x133xf32, #tpu.memory_space<vmem>>[vector<16xi32>, vector<16xi32>, vector<16xi32>], vector<16xf32>,
        %scan3A_401 = arith.constant 4 : i32
        %scan3A_402 = arith.addi %scan3A_328, %scan3A_401 : i32
        %mul3A_403 = arith.constant 1 : i32
        %mul3A_404 = arith.muli %scan3A_402, %mul3A_403 : i32
        %add3A_405 = arith.constant 0 : i32
        %add3A_406 = arith.addi %add3A_405, %mul3A_404 : i32
        %broadcast_in_dim3A_407 = vector.broadcast %add3A_406 : i32 to vector<16xi32>
        %get3A_408 = arith.index_cast %add3A_406 : i32 to index
        %get3A_409 = arith.constant 0 : index
        %get3A_410 = tpu.vector_load %arg9[%get3A_408, %get3A_409] {strides = array<i32>} : memref<128x64xf32, #tpu.memory_space<vmem>>, vector<16xf32>,
        tpu.vector_store_idx %arg11[%shift_right_arithmetic3A_255, %and3A_279, %broadcast_in_dim3A_407], %get3A_410 : memref<8x8x133xf32, #tpu.memory_space<vmem>>[vector<16xi32>, vector<16xi32>, vector<16xi32>], vector<16xf32>,
        %get3A_411 = arith.index_cast %add3A_406 : i32 to index
        %get3A_412 = arith.constant 16 : index
        %get3A_413 = tpu.vector_load %arg9[%get3A_411, %get3A_412] {strides = array<i32>} : memref<128x64xf32, #tpu.memory_space<vmem>>, vector<16xf32>,
        tpu.vector_store_idx %arg11[%shift_right_arithmetic3A_261, %and3A_285, %broadcast_in_dim3A_407], %get3A_413 : memref<8x8x133xf32, #tpu.memory_space<vmem>>[vector<16xi32>, vector<16xi32>, vector<16xi32>], vector<16xf32>,
        %get3A_414 = arith.index_cast %add3A_406 : i32 to index
        %get3A_415 = arith.constant 32 : index
        %get3A_416 = tpu.vector_load %arg9[%get3A_414, %get3A_415] {strides = array<i32>} : memref<128x64xf32, #tpu.memory_space<vmem>>, vector<16xf32>,
        tpu.vector_store_idx %arg11[%shift_right_arithmetic3A_267, %and3A_291, %broadcast_in_dim3A_407], %get3A_416 : memref<8x8x133xf32, #tpu.memory_space<vmem>>[vector<16xi32>, vector<16xi32>, vector<16xi32>], vector<16xf32>,
        %get3A_417 = arith.index_cast %add3A_406 : i32 to index
        %get3A_418 = arith.constant 48 : index
        %get3A_419 = tpu.vector_load %arg9[%get3A_417, %get3A_418] {strides = array<i32>} : memref<128x64xf32, #tpu.memory_space<vmem>>, vector<16xf32>,
        tpu.vector_store_idx %arg11[%shift_right_arithmetic3A_273, %and3A_297, %broadcast_in_dim3A_407], %get3A_419 : memref<8x8x133xf32, #tpu.memory_space<vmem>>[vector<16xi32>, vector<16xi32>, vector<16xi32>], vector<16xf32>,
        %scan3A_420 = arith.constant 5 : i32
        %scan3A_421 = arith.addi %scan3A_328, %scan3A_420 : i32
        %mul3A_422 = arith.constant 1 : i32
        %mul3A_423 = arith.muli %scan3A_421, %mul3A_422 : i32
        %add3A_424 = arith.constant 0 : i32
        %add3A_425 = arith.addi %add3A_424, %mul3A_423 : i32
        %broadcast_in_dim3A_426 = vector.broadcast %add3A_425 : i32 to vector<16xi32>
        %get3A_427 = arith.index_cast %add3A_425 : i32 to index
        %get3A_428 = arith.constant 0 : index
        %get3A_429 = tpu.vector_load %arg9[%get3A_427, %get3A_428] {strides = array<i32>} : memref<128x64xf32, #tpu.memory_space<vmem>>, vector<16xf32>,
        tpu.vector_store_idx %arg11[%shift_right_arithmetic3A_255, %and3A_279, %broadcast_in_dim3A_426], %get3A_429 : memref<8x8x133xf32, #tpu.memory_space<vmem>>[vector<16xi32>, vector<16xi32>, vector<16xi32>], vector<16xf32>,
        %get3A_430 = arith.index_cast %add3A_425 : i32 to index
        %get3A_431 = arith.constant 16 : index
        %get3A_432 = tpu.vector_load %arg9[%get3A_430, %get3A_431] {strides = array<i32>} : memref<128x64xf32, #tpu.memory_space<vmem>>, vector<16xf32>,
        tpu.vector_store_idx %arg11[%shift_right_arithmetic3A_261, %and3A_285, %broadcast_in_dim3A_426], %get3A_432 : memref<8x8x133xf32, #tpu.memory_space<vmem>>[vector<16xi32>, vector<16xi32>, vector<16xi32>], vector<16xf32>,
        %get3A_433 = arith.index_cast %add3A_425 : i32 to index
        %get3A_434 = arith.constant 32 : index
        %get3A_435 = tpu.vector_load %arg9[%get3A_433, %get3A_434] {strides = array<i32>} : memref<128x64xf32, #tpu.memory_space<vmem>>, vector<16xf32>,
        tpu.vector_store_idx %arg11[%shift_right_arithmetic3A_267, %and3A_291, %broadcast_in_dim3A_426], %get3A_435 : memref<8x8x133xf32, #tpu.memory_space<vmem>>[vector<16xi32>, vector<16xi32>, vector<16xi32>], vector<16xf32>,
        %get3A_436 = arith.index_cast %add3A_425 : i32 to index
        %get3A_437 = arith.constant 48 : index
        %get3A_438 = tpu.vector_load %arg9[%get3A_436, %get3A_437] {strides = array<i32>} : memref<128x64xf32, #tpu.memory_space<vmem>>, vector<16xf32>,
        tpu.vector_store_idx %arg11[%shift_right_arithmetic3A_273, %and3A_297, %broadcast_in_dim3A_426], %get3A_438 : memref<8x8x133xf32, #tpu.memory_space<vmem>>[vector<16xi32>, vector<16xi32>, vector<16xi32>], vector<16xf32>,
        %scan3A_439 = arith.constant 6 : i32
        %scan3A_440 = arith.addi %scan3A_328, %scan3A_439 : i32
        %mul3A_441 = arith.constant 1 : i32
        %mul3A_442 = arith.muli %scan3A_440, %mul3A_441 : i32
        %add3A_443 = arith.constant 0 : i32
        %add3A_444 = arith.addi %add3A_443, %mul3A_442 : i32
        %broadcast_in_dim3A_445 = vector.broadcast %add3A_444 : i32 to vector<16xi32>
        %get3A_446 = arith.index_cast %add3A_444 : i32 to index
        %get3A_447 = arith.constant 0 : index
        %get3A_448 = tpu.vector_load %arg9[%get3A_446, %get3A_447] {strides = array<i32>} : memref<128x64xf32, #tpu.memory_space<vmem>>, vector<16xf32>,
        tpu.vector_store_idx %arg11[%shift_right_arithmetic3A_255, %and3A_279, %broadcast_in_dim3A_445], %get3A_448 : memref<8x8x133xf32, #tpu.memory_space<vmem>>[vector<16xi32>, vector<16xi32>, vector<16xi32>], vector<16xf32>,
        %get3A_449 = arith.index_cast %add3A_444 : i32 to index
        %get3A_450 = arith.constant 16 : index
        %get3A_451 = tpu.vector_load %arg9[%get3A_449, %get3A_450] {strides = array<i32>} : memref<128x64xf32, #tpu.memory_space<vmem>>, vector<16xf32>,
        tpu.vector_store_idx %arg11[%shift_right_arithmetic3A_261, %and3A_285, %broadcast_in_dim3A_445], %get3A_451 : memref<8x8x133xf32, #tpu.memory_space<vmem>>[vector<16xi32>, vector<16xi32>, vector<16xi32>], vector<16xf32>,
        %get3A_452 = arith.index_cast %add3A_444 : i32 to index
        %get3A_453 = arith.constant 32 : index
        %get3A_454 = tpu.vector_load %arg9[%get3A_452, %get3A_453] {strides = array<i32>} : memref<128x64xf32, #tpu.memory_space<vmem>>, vector<16xf32>,
        tpu.vector_store_idx %arg11[%shift_right_arithmetic3A_267, %and3A_291, %broadcast_in_dim3A_445], %get3A_454 : memref<8x8x133xf32, #tpu.memory_space<vmem>>[vector<16xi32>, vector<16xi32>, vector<16xi32>], vector<16xf32>,
        %get3A_455 = arith.index_cast %add3A_444 : i32 to index
        %get3A_456 = arith.constant 48 : index
        %get3A_457 = tpu.vector_load %arg9[%get3A_455, %get3A_456] {strides = array<i32>} : memref<128x64xf32, #tpu.memory_space<vmem>>, vector<16xf32>,
        tpu.vector_store_idx %arg11[%shift_right_arithmetic3A_273, %and3A_297, %broadcast_in_dim3A_445], %get3A_457 : memref<8x8x133xf32, #tpu.memory_space<vmem>>[vector<16xi32>, vector<16xi32>, vector<16xi32>], vector<16xf32>,
        %scan3A_458 = arith.constant 7 : i32
        %scan3A_459 = arith.addi %scan3A_328, %scan3A_458 : i32
        %mul3A_460 = arith.constant 1 : i32
        %mul3A_461 = arith.muli %scan3A_459, %mul3A_460 : i32
        %add3A_462 = arith.constant 0 : i32
        %add3A_463 = arith.addi %add3A_462, %mul3A_461 : i32
        %broadcast_in_dim3A_464 = vector.broadcast %add3A_463 : i32 to vector<16xi32>
        %get3A_465 = arith.index_cast %add3A_463 : i32 to index
        %get3A_466 = arith.constant 0 : index
        %get3A_467 = tpu.vector_load %arg9[%get3A_465, %get3A_466] {strides = array<i32>} : memref<128x64xf32, #tpu.memory_space<vmem>>, vector<16xf32>,
        tpu.vector_store_idx %arg11[%shift_right_arithmetic3A_255, %and3A_279, %broadcast_in_dim3A_464], %get3A_467 : memref<8x8x133xf32, #tpu.memory_space<vmem>>[vector<16xi32>, vector<16xi32>, vector<16xi32>], vector<16xf32>,
        %get3A_468 = arith.index_cast %add3A_463 : i32 to index
        %get3A_469 = arith.constant 16 : index
        %get3A_470 = tpu.vector_load %arg9[%get3A_468, %get3A_469] {strides = array<i32>} : memref<128x64xf32, #tpu.memory_space<vmem>>, vector<16xf32>,
        tpu.vector_store_idx %arg11[%shift_right_arithmetic3A_261, %and3A_285, %broadcast_in_dim3A_464], %get3A_470 : memref<8x8x133xf32, #tpu.memory_space<vmem>>[vector<16xi32>, vector<16xi32>, vector<16xi32>], vector<16xf32>,
        %get3A_471 = arith.index_cast %add3A_463 : i32 to index
        %get3A_472 = arith.constant 32 : index
        %get3A_473 = tpu.vector_load %arg9[%get3A_471, %get3A_472] {strides = array<i32>} : memref<128x64xf32, #tpu.memory_space<vmem>>, vector<16xf32>,
        tpu.vector_store_idx %arg11[%shift_right_arithmetic3A_267, %and3A_291, %broadcast_in_dim3A_464], %get3A_473 : memref<8x8x133xf32, #tpu.memory_space<vmem>>[vector<16xi32>, vector<16xi32>, vector<16xi32>], vector<16xf32>,
        %get3A_474 = arith.index_cast %add3A_463 : i32 to index
        %get3A_475 = arith.constant 48 : index
        %get3A_476 = tpu.vector_load %arg9[%get3A_474, %get3A_475] {strides = array<i32>} : memref<128x64xf32, #tpu.memory_space<vmem>>, vector<16xf32>,
        tpu.vector_store_idx %arg11[%shift_right_arithmetic3A_273, %and3A_297, %broadcast_in_dim3A_464], %get3A_476 : memref<8x8x133xf32, #tpu.memory_space<vmem>>[vector<16xi32>, vector<16xi32>, vector<16xi32>], vector<16xf32>,
      }
      %scan3A_302 = arith.constant 128 : i32
      %dma_start3A_303 = arith.constant 0 : i32
      %dma_start3A_304 = arith.constant 0 : i32
      %dma_start3A_305 = arith.constant 0 : i32
      %dma_start3A_306 = tpu.memref_slice %arg11[%dma_start3A_303, %dma_start3A_304, %dma_start3A_305] : memref<8x8x133xf32, #tpu.memory_space<vmem>> -> memref<8x8x128xf32, #tpu.memory_space<vmem>>
      %dma_start3A_307 = arith.constant 0 : i32
      %dma_start3A_308 = arith.constant 0 : i32
      %dma_start3A_309 = arith.constant 0 : i32
      %dma_start3A_310 = tpu.memref_slice %arg4[%add3A_235, %dma_start3A_307, %add3A_77, %dma_start3A_308, %dma_start3A_309] : memref<50x8x128x8x128xf32, #tpu.memory_space<hbm>> -> memref<1x8x1x8x128xf32, #tpu.memory_space<hbm>>
      %dma_start3A_311 = tpu.memref_squeeze %dma_start3A_310 : memref<1x8x1x8x128xf32, #tpu.memory_space<hbm>> -> memref<8x8x128xf32, #tpu.memory_space<hbm>>
      %dma_start3A_312 = arith.constant 0 : i32
      %dma_start3A_313 = arith.constant 0 : i32
      %dma_start3A_314 = arith.constant 0 : i32
      %dma_start3A_315 = tpu.memref_slice %arg4[%add3A_235, %dma_start3A_312, %add3A_77, %dma_start3A_313, %dma_start3A_314] : memref<50x8x128x8x128xf32, #tpu.memory_space<hbm>> -> memref<1x8x1x8x128xf32, #tpu.memory_space<hbm>>
      %dma_start3A_316 = tpu.memref_squeeze %dma_start3A_315 : memref<1x8x1x8x128xf32, #tpu.memory_space<hbm>> -> memref<8x8x128xf32, #tpu.memory_space<hbm>>
      %dma_start3A_317 = arith.constant 0 : i32
      %dma_start3A_318 = arith.constant 0 : i32
      %dma_start3A_319 = arith.constant 0 : i32
      %dma_start3A_320 = tpu.memref_slice %arg11[%dma_start3A_317, %dma_start3A_318, %dma_start3A_319] : memref<8x8x133xf32, #tpu.memory_space<vmem>> -> memref<8x8x128xf32, #tpu.memory_space<vmem>>
      tpu.enqueue_dma source(%dma_start3A_320 : memref<8x8x128xf32, #tpu.memory_space<vmem>>) target(%dma_start3A_316 : memref<8x8x128xf32, #tpu.memory_space<hbm>>) target_semaphore(%arg13 : memref<!tpu.dma_semaphore, #tpu.memory_space<semaphore_mem>>)
      %add3A_321 = arith.constant 2 : i32
      %add3A_322 = arith.addi %add3A_235, %add3A_321 : i32
      %lt3A_323 = arith.constant 50 : i32
      %lt3A_324 = arith.cmpi slt, %add3A_322, %lt3A_323 : i32
      %convert_element_type3A_325 = arith.extui %lt3A_324 : i1 to i32
      %cond3A_326 = arith.constant 0 : i32
      %cond3A_327 = arith.cmpi ne, %convert_element_type3A_325, %cond3A_326 : i32
      scf.if %cond3A_327 {
        %dma_start3A_328 = arith.constant 0 : i32
        %dma_start3A_329 = tpu.memref_slice %arg7[%add3A_322, %dma_start3A_328] : memref<50x128xi32, #tpu.memory_space<vmem>> -> memref<1x128xi32, #tpu.memory_space<vmem>>
        %dma_start3A_330 = tpu.memref_squeeze %dma_start3A_329 : memref<1x128xi32, #tpu.memory_space<vmem>> -> memref<128xi32, #tpu.memory_space<vmem>>
        %dma_start3A_331 = arith.constant 0 : i32
        %dma_start3A_332 = arith.constant 0 : i32
        %dma_start3A_333 = tpu.memref_slice %arg2[%dma_start3A_331, %dma_start3A_332] : memref<2000000x64xf32, #tpu.memory_space<hbm>> -> memref<2000000x64xf32, #tpu.memory_space<hbm>>
        tpu.enqueue_indirect_dma source(%dma_start3A_333 : memref<2000000x64xf32, #tpu.memory_space<hbm>>) target(%arg9 : memref<128x64xf32, #tpu.memory_space<vmem>>) offsets(%dma_start3A_330 : memref<128xi32, #tpu.memory_space<vmem>>) semaphore(%arg6 : memref<!tpu.dma_semaphore, #tpu.memory_space<semaphore_mem>>)
      } else {
      }
    }
    %scan3A_98 = arith.constant 25 : i32
    %dma_wait3A = arith.constant 0 : i32
    %dma_wait3A_99 = arith.constant 0 : i32
    %dma_wait3A_100 = arith.constant 0 : i32
    %dma_wait3A_101 = arith.constant 0 : i32
    %dma_wait3A_102 = arith.constant 0 : i32
    %dma_wait3A_103 = tpu.memref_slice %arg10[%dma_wait3A_100, %dma_wait3A_101, %dma_wait3A_102] : memref<8x8x133xf32, #tpu.memory_space<vmem>> -> memref<8x8x128xf32, #tpu.memory_space<vmem>>
    %dma_wait3A_104 = arith.constant 0 : i32
    %dma_wait3A_105 = arith.constant 0 : i32
    %dma_wait3A_106 = arith.constant 0 : i32
    %dma_wait3A_107 = tpu.memref_slice %arg4[%dma_wait3A, %dma_wait3A_104, %dma_wait3A_99, %dma_wait3A_105, %dma_wait3A_106] : memref<50x8x128x8x128xf32, #tpu.memory_space<hbm>> -> memref<1x8x1x8x128xf32, #tpu.memory_space<hbm>>
    %dma_wait3A_108 = tpu.memref_squeeze %dma_wait3A_107 : memref<1x8x1x8x128xf32, #tpu.memory_space<hbm>> -> memref<8x8x128xf32, #tpu.memory_space<hbm>>
    %dma_wait3A_109 = arith.constant 0 : i32
    %dma_wait3A_110 = arith.constant 0 : i32
    %dma_wait3A_111 = arith.constant 0 : i32
    %dma_wait3A_112 = tpu.memref_slice %arg4[%dma_wait3A, %dma_wait3A_109, %dma_wait3A_99, %dma_wait3A_110, %dma_wait3A_111] : memref<50x8x128x8x128xf32, #tpu.memory_space<hbm>> -> memref<1x8x1x8x128xf32, #tpu.memory_space<hbm>>
    %dma_wait3A_113 = tpu.memref_squeeze %dma_wait3A_112 : memref<1x8x1x8x128xf32, #tpu.memory_space<hbm>> -> memref<8x8x128xf32, #tpu.memory_space<hbm>>
    %dma_wait3A_114 = arith.constant 0 : i32
    %dma_wait3A_115 = arith.constant 0 : i32
    %dma_wait3A_116 = arith.constant 0 : i32
    %dma_wait3A_117 = tpu.memref_slice %arg10[%dma_wait3A_114, %dma_wait3A_115, %dma_wait3A_116] : memref<8x8x133xf32, #tpu.memory_space<vmem>> -> memref<8x8x128xf32, #tpu.memory_space<vmem>>
    tpu.wait_dma2 semaphore(%arg12 : memref<!tpu.dma_semaphore, #tpu.memory_space<semaphore_mem>>) src(%dma_wait3A_117 : memref<8x8x128xf32, #tpu.memory_space<vmem>>) dst(%dma_wait3A_113 : memref<8x8x128xf32, #tpu.memory_space<hbm>>)
    %dma_wait3A_118 = arith.constant 0 : i32
    %dma_wait3A_119 = arith.constant 0 : i32
    %dma_wait3A_120 = arith.constant 0 : i32
    %dma_wait3A_121 = arith.constant 0 : i32
    %dma_wait3A_122 = arith.constant 0 : i32
    %dma_wait3A_123 = tpu.memref_slice %arg11[%dma_wait3A_120, %dma_wait3A_121, %dma_wait3A_122] : memref<8x8x133xf32, #tpu.memory_space<vmem>> -> memref<8x8x128xf32, #tpu.memory_space<vmem>>
    %dma_wait3A_124 = arith.constant 0 : i32
    %dma_wait3A_125 = arith.constant 0 : i32
    %dma_wait3A_126 = arith.constant 0 : i32
    %dma_wait3A_127 = tpu.memref_slice %arg4[%dma_wait3A_118, %dma_wait3A_124, %dma_wait3A_119, %dma_wait3A_125, %dma_wait3A_126] : memref<50x8x128x8x128xf32, #tpu.memory_space<hbm>> -> memref<1x8x1x8x128xf32, #tpu.memory_space<hbm>>
    %dma_wait3A_128 = tpu.memref_squeeze %dma_wait3A_127 : memref<1x8x1x8x128xf32, #tpu.memory_space<hbm>> -> memref<8x8x128xf32, #tpu.memory_space<hbm>>
    %dma_wait3A_129 = arith.constant 0 : i32
    %dma_wait3A_130 = arith.constant 0 : i32
    %dma_wait3A_131 = arith.constant 0 : i32
    %dma_wait3A_132 = tpu.memref_slice %arg4[%dma_wait3A_118, %dma_wait3A_129, %dma_wait3A_119, %dma_wait3A_130, %dma_wait3A_131] : memref<50x8x128x8x128xf32, #tpu.memory_space<hbm>> -> memref<1x8x1x8x128xf32, #tpu.memory_space<hbm>>
    %dma_wait3A_133 = tpu.memref_squeeze %dma_wait3A_132 : memref<1x8x1x8x128xf32, #tpu.memory_space<hbm>> -> memref<8x8x128xf32, #tpu.memory_space<hbm>>
    %dma_wait3A_134 = arith.constant 0 : i32
    %dma_wait3A_135 = arith.constant 0 : i32
    %dma_wait3A_136 = arith.constant 0 : i32
    %dma_wait3A_137 = tpu.memref_slice %arg11[%dma_wait3A_134, %dma_wait3A_135, %dma_wait3A_136] : memref<8x8x133xf32, #tpu.memory_space<vmem>> -> memref<8x8x128xf32, #tpu.memory_space<vmem>>
    tpu.wait_dma2 semaphore(%arg13 : memref<!tpu.dma_semaphore, #tpu.memory_space<semaphore_mem>>) src(%dma_wait3A_137 : memref<8x8x128xf32, #tpu.memory_space<vmem>>) dst(%dma_wait3A_133 : memref<8x8x128xf32, #tpu.memory_space<hbm>>)
    return
  }
}

</mosaic_0001>

<sc_bundles>
// kernel: _embed.3.cloned.1.call-start
scs
__scs_entry_jumppad:
0x0: {  	(pc) =	sbr.rel $0x88, $3  }
0x1: {  	(tag) =	ssettag $0x0;
	lr =	simm.s32 $0x1  }
0x2: {  	[smem:$0x3F9F] =	sst lr;
	_ =	strace $0xD0000000  }
0x3: {  	_ = 	snop  }
0x4: {  	_ = 	snop  }
0x5: {  	_ = 	snop  }
0x6: {  	_ = 	snop  }
0x7: {  	_ = 	snop  }
__scs_overlays_trampoline_lowered:
0x8: {  	[smem:$0x3FAE] =	sst s0  }
0x9: {  	[smem:$0x3FAF] =	sst s1  }
0xa: {  	[smem:$0x3FB0] =	sst s2  }
0xb: {  	[smem:$0x3FB1] =	sst s3  }
0xc: {  	[smem:$0x3FB2] =	sst s4  }
0xd: {  	[smem:$0x3FB3] =	sst s5  }
0xe: {  	[smem:$0x3FB4] =	sst s6  }
0xf: {  	[smem:$0x3FB5] =	sst s7  }
0x10: {  	[smem:$0x3FB6] =	sst s8  }
0x11: {  	[smem:$0x3FB7] =	sst s9;
	s0 =	simm.s32 @!p0 $0x0  }
0x12: {  	s1 =	sld [smem:$0x3F9D];
	s0 =	simm.s32 @p0 $0x1  }
0x13: {  	[smem:$0x3FB8] =	sst s0;
	s0 =	simm.s32 @!p1 $0x0  }
0x14: {  	s2 =	sld [smem:$0x3F9C];
	s0 =	simm.s32 @p1 $0x1  }
0x15: {  	[smem:$0x3FB9] =	sst s0;
	s0 =	simm.s32 @!p2 $0x0  }
0x16: {  	s3 =	sld [smem:$0x3FDB];
	s0 =	simm.s32 @p2 $0x1  }
0x17: {  	s4 =	simm.s32 $0x1BF5;
	[smem:$0x3FBB] =	sst s0  }
0x18: {  	s0 =	sld [smem:$0x3F9E];
	_ =	swait.ge [sflag:s4], $0x0  }
0x19: {  	s7 =	sld [smem:$0x3F9F]  }
0x1a: {  	s8 =	sadd.s32 $0xFFFFE003, lr  }
0x1b: {  	s9 =	sadd.s32 $0xFFFFFEF7, lr;
	s5 =	simm.s32 $0xFFFFFFFF;
	p2 =	slt.u32 s8, $0xFFFFF086  }
0x1c: {  	p1 =	slt.u32 s9, $0xF7A;
	s5 =	simm.s32 @!p2 $0x0  }
0x1d: {  	s5 =	simm.s32 @p1 $0x1;
	p0 =	seq.s32 s7, s2  }
0x1e: {  	s7 =	smul.u32 @!p0 $0xF7A, s2;
	p2 =	seq.s32 @!p0 s5, $0x0  }
0x1f: {  	s9 =	smul.u32 $0xF7A, s1;
	s8 =	simm.s32 @!p0 $0x1BF5;
	p2 =	por !p2, p0  }
0x20: {  	[sflag:s8] =	ssyncset.s32 @!p0 $0xFFFFF086;
	s6 =	sadd.s32 @!p0 s3, s7;
	s7 =	simm.s32 @!p0 $0x108  }
0x21: {  	s3 =	sadd.s32 s3, s9;
	s6 =	sadd.s32 @!p0 $0x88, s6;
	s7 =	simm.s32 @p2 $0x1082  }
0x22: {  	[simem:s7], [sflag:s8] =	dma.local @!p0 [hbm:s6], $0xF7A  }
0x23: {  	s9 =	sor.u32 $0xD0000000, s2;
	s6 =	simm.s32 $0x108;
	_ =	swait.ge @!p0 [sflag:s8], $0x0  }
0x24: {  	s3 =	sadd.s32 $0x88, s3;
	s6 =	simm.s32 @!p1 $0x1082;
	[sflag:s4] =	ssyncset.s32 $0xFFFFF086  }
0x25: {  	[simem:s6], [sflag:s4] =	dma.local [hbm:s3], $0xF7A  }
0x26: {  	[smem:$0x3F9F] =	sst s1;
	(tag) =	ssettag s2;
	_ =	strace s9  }
0x27: {  	s1 =	sld [smem:$0x3FAF]  }
0x28: {  	s2 =	sld [smem:$0x3FB0]  }
0x29: {  	s4 =	sld [smem:$0x3FB2]  }
0x2a: {  	p0 =	seq.s32 s5, $0x0;
	s5 =	sld [smem:$0x3FB3]  }
0x2b: {  	s6 =	sld [smem:$0x3FB4]  }
0x2c: {  	s7 =	sld [smem:$0x3FB5]  }
0x2d: {  	s3 =	simm.s32 $0x108;
	s8 =	sld [smem:$0x3FB6]  }
0x2e: {  	s3 =	simm.s32 @!p0 $0x1082;
	s9 =	sld [smem:$0x3FB7]  }
0x2f: {  	lr =	sadd.s32 s0, s3;
	s0 =	sld [smem:$0x3FAE]  }
0x30: {  	s3 =	sld [smem:$0x3FB1]  }
0x31: {  	[smem:$0x3FBA] =	sst s10  }
0x32: {  	s10 =	sld [smem:$0x3FB8];
	_ =	sdelay $0x3  }
0x33: {  	p0 =	seq.s32 s10, $0x1;
	s10 =	sld [smem:$0x3FBA];
	_ =	sdelay $0x3  }
0x34: {  	[smem:$0x3FBA] =	sst s10  }
0x35: {  	s10 =	sld [smem:$0x3FB9];
	_ =	sdelay $0x3  }
0x36: {  	p1 =	seq.s32 s10, $0x1;
	s10 =	sld [smem:$0x3FBA];
	_ =	sdelay $0x3  }
0x37: {  	[smem:$0x3FBA] =	sst s10  }
0x38: {  	s10 =	sld [smem:$0x3FBB]  }
0x39: {  	_ = 	snop;
	(pc) =	sbr.ind lr, $3  }
0x3a: {  	_ = 	snop  }
0x3b: {  	_ = 	snop  }
0x3c: {  	p2 =	seq.s32 s10, $0x1;
	s10 =	sld [smem:$0x3FBA]  }
0x3d: {  	_ =	shalt  }
0x3e: {  	_ =	shalt  }
0x3f: {  	_ =	shalt  }
0x40: {  	_ =	shalt  }
0x41: {  	_ =	shalt  }
0x42: {  	_ =	shalt  }
0x43: {  	_ =	shalt  }
0x44: {  	_ =	shalt  }
0x45: {  	_ =	shalt  }
0x46: {  	_ =	shalt  }
0x47: {  	_ =	shalt  }
0x48: {  	_ =	shalt  }
0x49: {  	_ =	shalt  }
0x4a: {  	_ =	shalt  }
0x4b: {  	_ =	shalt  }
0x4c: {  	_ =	shalt  }
0x4d: {  	_ =	shalt  }
0x4e: {  	_ =	shalt  }
0x4f: {  	_ =	shalt  }
0x50: {  	_ =	shalt  }
0x51: {  	_ =	shalt  }
0x52: {  	_ =	shalt  }
0x53: {  	_ =	shalt  }
0x54: {  	_ =	shalt  }
0x55: {  	_ =	shalt  }
0x56: {  	_ =	shalt  }
0x57: {  	_ =	shalt  }
0x58: {  	_ =	shalt  }
0x59: {  	_ =	shalt  }
0x5a: {  	_ =	shalt  }
0x5b: {  	_ =	shalt  }
0x5c: {  	_ =	shalt  }
0x5d: {  	_ =	shalt  }
0x5e: {  	_ =	shalt  }
0x5f: {  	_ =	shalt  }
0x60: {  	_ =	shalt  }
0x61: {  	_ =	shalt  }
0x62: {  	_ =	shalt  }
0x63: {  	_ =	shalt  }
0x64: {  	_ =	shalt  }
0x65: {  	_ =	shalt  }
0x66: {  	_ =	shalt  }
0x67: {  	_ =	shalt  }
0x68: {  	_ =	shalt  }
0x69: {  	_ =	shalt  }
0x6a: {  	_ =	shalt  }
0x6b: {  	_ =	shalt  }
0x6c: {  	_ =	shalt  }
0x6d: {  	_ =	shalt  }
0x6e: {  	_ =	shalt  }
0x6f: {  	_ =	shalt  }
0x70: {  	_ =	shalt  }
0x71: {  	_ =	shalt  }
0x72: {  	_ =	shalt  }
0x73: {  	_ =	shalt  }
0x74: {  	_ =	shalt  }
0x75: {  	_ =	shalt  }
0x76: {  	_ =	shalt  }
0x77: {  	_ =	shalt  }
0x78: {  	_ =	shalt  }
0x79: {  	_ =	shalt  }
0x7a: {  	_ =	shalt  }
0x7b: {  	_ =	shalt  }
0x7c: {  	_ =	shalt  }
0x7d: {  	_ =	shalt  }
0x7e: {  	_ =	shalt  }
0x7f: {  	_ =	shalt  }
0x80: {  	_ =	shalt  }
0x81: {  	_ =	shalt  }
0x82: {  	_ =	shalt  }
0x83: {  	_ =	shalt  }
0x84: {  	_ =	shalt  }
0x85: {  	_ =	shalt  }
0x86: {  	_ =	shalt  }
0x87: {  	_ =	shalt  }
.Lfunc_end0:
.L_simem_size_0:
called_computation_lowered:
.L_overlay_start_0:
0x88: {  	s2 =	sld [smem:$0x3FD9]  }
0x89: {  	s3 =	sld [smem:$0x3FFE];
	_ =	sdelay $0x1  }
0x8a: {  	s1 =	srdreg.scid  }
0x8b: {  	s0 =	sand.u32 $0x1, s1  }
0x8c: {  	s17 =	sshll.u32 s0, $0xA;
	s2 =	sadd.s32 s3, s2  }
0x8d: {  	s2 =	sadd.s32 s2, s17  }
0x8e: {  	[smem:$0x3FC6] =	sst s2  }
0x8f: {  	_ = 	snop  }
0x90: {  	s2 =	sld [smem:$0x3FD0];
	(tm) =	ssettm $0x1  }
0x91: {  	s18 =	sld [smem:$0x3FFB];
	_ =	sdelay $0x3  }
0x92: {  	_ =	strace s18  }
0x93: {  	s3 =	sld [smem:$0x3FFC];
	_ =	sdelay $0x3  }
0x94: {  	_ =	strace s3  }
0x95: {  	s3 =	sld [smem:$0x3FFD];
	_ =	sdelay $0x3  }
0x96: {  	_ =	strace s3  }
0x97: {  	_ =	strace $0x8FFFFFFF  }
0x98: {  	s19 =	sld [smem:$0x3FDB];
	_ =	sdelay $0x1  }
0x99: {  	s4 =	simm.s32 $_scs_section_size  }
0x9a: {  	s5 =	simm.s32 $_size__tile_overlayer_lowered;
	s6 =	simm.s32 $_tile_overlayer_lowered  }
0x9b: {  	s22 =	simm.s32 $0x1BFF;
	s21 =	sshll.u32 s6, $0x1;
	s3 =	sadd.s32 s4, s19  }
0x9c: {  	s7 =	simm.s32 $0x0;
	s20 =	sshll.u32 s5, $0x1;
	s5 =	sadd.s32 s21, s3  }
0x9d: {  	[timem:s7], [sflag:s22] =	dma.local [hbm:s5], s20  }
0x9e: {  	_ =	swait.ge [sflag:s22], s20  }
0x9f: {  	s4 =	ssub.s32 $0x0, s20;
	[sflag:s22] =	ssyncset.done $0x0  }
0xa0: {  	[sflag:s22] =	ssyncadd.s32 s4;
	_ =	sdelay $0x1  }
0xa1: {  	s23 =	simm.s32 $0x1B8B  }
0xa2: {  	_ =	swait.ge [sflag:s23], $0x1  }
0xa3: {  	[sflag:s23] =	ssyncset.done $0x0  }
0xa4: {  	s25 =	simm.s32 $0x1B8E;
	s24 =	sld [smem:$0x3FFE];
	[sflag:s23] =	ssyncadd.s32 $0xFFFFFFFF  }
0xa5: {  	s26 =	simm.s32 $execute0_lowered;
	[smem:$0x3FD2] =	sst s25  }
0xa6: {  	s5 =	sshll.u32 s26, $0x1;
	_ =	strace $0x80000046;
	[dreg:$0x1] =	wrdreg $0xFFFFFFFF  }
0xa7: {  	s28 =	simm.s32 $_size_execute0_lowered;
	s3 =	sadd.s32 s3, s5;
	[dreg:$0x0] =	wrdreg $0x0  }
0xa8: {  	s5 =	sshll.u32 s28, $0x1;
	[dreg:$0x2] =	wrdreg s3  }
0xa9: {  	[dreg:$0x3] =	wrdreg s5  }
0xaa: {  	[dreg:$0x4] =	wrdreg $0xC0  }
0xab: {  	_ =	task [dreg:s7], $0x5FFFF  }
0xac: {  	[dreg:$0x1] =	wrdreg $0xFFFFFFFF  }
0xad: {  	[dreg:$0x0] =	wrdreg $0x60  }
0xae: {  	[dreg:$0x2] =	wrdreg s24  }
0xaf: {  	[dreg:$0x3] =	wrdreg s2  }
0xb0: {  	[dreg:$0x4] =	wrdreg $0x9  }
0xb1: {  	_ =	task.clear_ibuf [dreg:s7], $0x5FFFF;
	_ =	strace $0x90000046  }
0xb2: {  	s29 =	simm.s32 $0x9;
	_ =	strace $0x80000048  }
0xb3: {  	_ =	swait.ge [sflag:s29], $0x1  }
0xb4: {  	[sflag:s29] =	ssyncadd.s32 $0xFFFFFFFF  }
0xb5: {  	_ =	strace $0x90000048  }
0xb6: {  	_ =	sfence  }
0xb7: {  	s30 =	sld [smem:$0x0];
	_ =	sdelay $0x2  }
0xb8: {  	s31 =	sshll.u32 s1, $0xD;
	s1 =	sshrl.u32 s1, $0x2  }
0xb9: {  	s3 =	sand.u32 $0x4000, s31;
	s1 =	sadd.s32 s1, s30  }
0xba: {  	s0 =	sor.u32 s3, s0;
	s1 =	sshll.u32 s1, $0x11  }
0xbb: {  	s0 =	sor.u32 s1, s0  }
0xbc: {  	s0 =	sadd.s32 $0x8F2B, s0  }
0xbd: {  	[sflag:s0] =	ssyncadd.remote.s32 $0x1  }
0xbe: {  	_ =	sfence.sel $0xFFFF  }
0xbf: {  	[dreg:$0x0] =	wrdreg $0xFFFFFFFF;
	(pc) =	sbr.abs _section_cstart, $3  }
0xc0: {  	[dreg:$0x1] =	wrdreg $0xFFFFFFFF  }
0xc1: {  	_ =	task.clear_ibuf [dreg:s7], $0x2FFFF;
	_ =	strace $0x9FFFFFFF  }
0xc2: {  	(tm) =	ssettm $0x7FFFFFFF  }
0xc3: {  	_ =	shalt  }
tec
execute0_lowered:
.L_overlay_start_1:
0x0: {  	(tag) =	ssettag $0x1  }
0x1: {  	s0 =	rddreg [dreg:$0x0]  }
0x2: {  	s1 =	rddreg [dreg:$0x1];
	s3 =	simm.s32 $0x0;
	s2 =	srdreg.scid  }
0x3: {  	s4 =	stileid.u32;
	s15 =	simm.s32 $0x80;
	s16 =	simm.s32 $0x4000  }
0x4: {  	v0 =	vlaneseq.u32;
	s17 =	simm.s32 $0x5;
	s18 =	simm.s32 $0x1900;
	s19 =	simm.s32 $0x3900  }
0x5: {  	s20 =	simm.s32 $0x1;
	s21 =	simm.s32 $0x5900;
	s22 =	simm.s32 $0x2;
	v0 =	vmul.u32 $0x88, v0  }
0x6: {  	v1 =	vimm.s32 $0x0;
	vm0 =	vcmask $0x300;
	s23 =	simm.s32 $0x4;
	s24 =	simm.s32 $0x7B00;
	s25 =	simm.s32 $0x3  }
0x7: {  	s26 =	simm.s32 $0x0;
	[smem:$0x7FF] =	sst s3;
	s2 =	sand.u32 $0x1, s2;
	v1 =	vsel vm0, $0x3, v1;
	v2 =	vadd.s32 $0x880, v0  }
0x8: {  	s5 =	sshll.u32 s4, $0x1;
	s4 =	sadd.s32 $0x1E84E00, s0;
	s0 =	sadd.s32 $0x600, s0;
	v3 =	vadd.s32 $0x1100, v0;
	v4 =	vadd.s32 $0x1980, v0;
	v5 =	vor.u32 $0x1, v0  }
0x9: {  	s7 =	sadd.s32 $0x20000, s1;
	s6 =	ssub.s32 $0x2, s2;
	s2 =	sor.u32 s2, s5;
	v6 =	vadd.s32 $0x881, v0;
	v7 =	vadd.s32 $0x1101, v0;
	v8 =	vadd.s32 $0x1981, v0  }
0xa: {  	_ =	strace $0x80000047;
	s28 =	sshrl.u32 s6, $0x1;
	s29 =	sshll.u32 s2, $0x6;
	v9 =	vor.u32 $0x2, v0;
	v10 =	vadd.s32 $0x882, v0;
	v11 =	vadd.s32 $0x1102, v0  }
0xb: {  	s8 =	sshll.u32 s2, $0x2;
	v12 =	vadd.s32 $0x1982, v0;
	v13 =	vor.u32 $0x3, v0;
	v14 =	vadd.s32 $0x883, v0;
	s5 =	ssub.s32 s6, s28;
	s6 =	sadd.s32 s0, s29  }
0xc: {  	v15 =	vadd.s32 $0x1103, v0;
	v16 =	vadd.s32 $0x1983, v0;
	v17 =	vor.u32 $0x4, v0;
	s9 =	sor.u32 $0x1, s8;
	s8 =	sor.u32 $0x2, s8;
	[dreg:$0x3] =	wrdreg s6  }
.Ltmp0:
0xd: {  	v18 =	vadd.s32 $0x884, v0;
	v19 =	vadd.s32 $0x1104, v0;
	v20 =	vadd.s32 $0x1984, v0;
	s6 =	sshll.u32 s2, $0x9;
	s10 =	sshll.u32 s9, $0x4;
	(pc) =	sbr.rel .LBB2_1-.Ltmp0, $4  }
0xe: {  	v21 =	vor.u32 $0x5, v0;
	v22 =	vadd.s32 $0x885, v0;
	v23 =	vadd.s32 $0x1105, v0;
	s9 =	sshll.u32 s9, $0x7;
	s30 =	sshll.u32 s8, $0x4;
	s2 =	sshllo.u32 s2, $0x2  }
0xf: {  	v24 =	vadd.s32 $0x1985, v0;
	v25 =	vor.u32 $0x6, v0;
	v26 =	vadd.s32 $0x886, v0;
	s11 =	sshll.u32 s8, $0x7;
	s14 =	smax.u32 s5, $0x1;
	s10 =	sadd.s32 s0, s10  }
0x10: {  	v27 =	vadd.s32 $0x1106, v0;
	v28 =	vadd.s32 $0x1986, v0;
	v29 =	vor.u32 $0x7, v0;
	s31 =	sshll.u32 s2, $0x4;
	[dreg:$0x4] =	wrdreg s10;
	s10 =	sadd.s32 s0, s30  }
0x11: {  	v30 =	vadd.s32 $0x887, v0;
	v31 =	vadd.s32 $0x1107, v0;
	v32 =	vadd.s32 $0x1987, v0;
	s13 =	sshll.u32 s2, $0x7;
	s12 =	sadd.s32 s0, s31;
	[dreg:$0x5] =	wrdreg s10  }
.LBB2_49:
0x12: {  	s26 =	sadd.s32 $0x1, s26  }
0x13: {  	_ =	swait.ge [sflag:s25], $0x2000;
	p0 =	sne.s32 s26, s14  }
.Ltmp1:
0x14: {  	[sflag:s25] =	ssyncset.done $0x0;
	(pc) =	sbr.rel @!p0 .LBB2_50-.Ltmp1, $4  }
0x15: {  	[sflag:s25] =	ssyncadd.s32 $0xFFFFE000  }
0x16: {  	_ =	swait.ge [sflag:s23], $0x2000  }
0x17: {  	[sflag:s23] =	ssyncset.done $0x0  }
0x18: {  	[sflag:s23] =	ssyncadd.s32 $0xFFFFE000  }
.LBB2_1:
0x19: {  	s0 =	rddreg [dreg:$0x3]  }
0x1a: {  	[tilespmem:s3], [sflag:$0x5] =	stream.strided.gather [hbm4b:s0+s15], $0x1900, s16, s15, $0x38;
	[tilespmem:$0x9D00] =	vst v63  }
0x1b: {  	_ =	swait.ge [sflag:s17], $0x1900  }
0x1c: {  	[sflag:s17] =	ssyncset.done $0x0  }
0x1d: {  	[sflag:s17] =	ssyncadd.s32 $0xFFFFE700  }
0x1e: {  	[tilespmem:s18], [sflag:$0x1] =	stream.indirect.gather [hbm4b:s4+s15], $0x40, s3, s15, $0xb8;
	[tilespmem:$0x9D00] =	vst v63  }
0x1f: {  	s28 =	simm.s32 $0x0  }
0x20: {  	[tilespmem:s19], [sflag:$0x2] =	stream.indirect.gather [hbm4b:s4+s15], $0x40, s15, s15, $0xb8;
	[tilespmem:$0x9D00] =	vst v63  }
.LBB2_2:
0x21: {  	_ =	swait.ge [sflag:s20], $0x2000;
	s0 =	simm.s32 $0x0  }
0x22: {  	p0 =	seq.s32 s28, $0x0;
	[sflag:s20] =	ssyncset.done $0x0;
	v33 =	vmov s0  }
0x23: {  	s0 =	simm.s32 @!p0 $0x3;
	[sflag:s20] =	ssyncadd.s32 $0xFFFFE000;
	v33 =	vshrl.u32 v33, $0x3  }
0x24: {  	_ =	swait.ge @!p0 [sflag:s0], $0x2000;
	v33 =	vshll.u32 v33, v1  }
0x25: {  	[sflag:s0] =	ssyncset.done @!p0 $0x0;
	v33 =	vbroadcast v33, $0x0  }
0x26: {  	s30 =	simm.s32 $0x1A00;
	[sflag:s0] =	ssyncadd.s32 @!p0 $0xFFFFE000  }
0x27: {  	v34 =	vld [tilespmem:s30+$0xFFFFFF00];
	v35 =	vadd.s32 v0, v33;
	_ =	sdelay $0x4  }
0x28: {  	[tilespmem:v35+s21+$0x0] =	vst.idx.msk $0xffff, v34  }
0x29: {  	v56 =	vadd.s32 v2, v33;
	v34 =	vld [tilespmem:s30+$0xFFFFFF10];
	_ =	sdelay $0x4  }
0x2a: {  	[tilespmem:v56+s21+$0x0] =	vst.idx.msk $0xffff, v34  }
0x2b: {  	v57 =	vadd.s32 v3, v33;
	v34 =	vld [tilespmem:s30+$0xFFFFFF20];
	_ =	sdelay $0x4  }
0x2c: {  	[tilespmem:v57+s21+$0x0] =	vst.idx.msk $0xffff, v34  }
0x2d: {  	s10 =	simm.s32 $0x1;
	v33 =	vadd.s32 v4, v33;
	v34 =	vld [tilespmem:s30+$0xFFFFFF30]  }
0x2e: {  	v58 =	vmov s10  }
0x2f: {  	v35 =	vshrl.u32 v58, $0x3  }
0x30: {  	v35 =	vshll.u32 v35, v1  }
0x31: {  	v35 =	vbroadcast v35, $0x0  }
0x32: {  	[tilespmem:v33+s21+$0x0] =	vst.idx.msk $0xffff, v34  }
0x33: {  	v59 =	vadd.s32 v5, v35;
	v33 =	vld [tilespmem:s30+$0xFFFFFF40];
	_ =	sdelay $0x4  }
0x34: {  	[tilespmem:v59+s21+$0x0] =	vst.idx.msk $0xffff, v33  }
0x35: {  	v60 =	vadd.s32 v6, v35;
	v33 =	vld [tilespmem:s30+$0xFFFFFF50];
	_ =	sdelay $0x4  }
0x36: {  	[tilespmem:v60+s21+$0x0] =	vst.idx.msk $0xffff, v33  }
0x37: {  	v61 =	vadd.s32 v7, v35;
	v33 =	vld [tilespmem:s30+$0xFFFFFF60];
	_ =	sdelay $0x4  }
0x38: {  	[tilespmem:v61+s21+$0x0] =	vst.idx.msk $0xffff, v33  }
0x39: {  	s31 =	simm.s32 $0x2;
	v62 =	vadd.s32 v8, v35;
	v33 =	vld [tilespmem:s30+$0xFFFFFF70]  }
0x3a: {  	v63 =	vmov s31  }
0x3b: {  	v35 =	vshrl.u32 v63, $0x3  }
0x3c: {  	v35 =	vshll.u32 v35, v1  }
0x3d: {  	v35 =	vbroadcast v35, $0x0  }
0x3e: {  	[tilespmem:v62+s21+$0x0] =	vst.idx.msk $0xffff, v33  }
0x3f: {  	v36 =	vadd.s32 v9, v35;
	v33 =	vld [tilespmem:s30+$0xFFFFFF80];
	_ =	sdelay $0x4  }
0x40: {  	[tilespmem:v36+s21+$0x0] =	vst.idx.msk $0xffff, v33  }
0x41: {  	v37 =	vadd.s32 v10, v35;
	v33 =	vld [tilespmem:s30+$0xFFFFFF90];
	_ =	sdelay $0x4  }
0x42: {  	[tilespmem:v37+s21+$0x0] =	vst.idx.msk $0xffff, v33  }
0x43: {  	v38 =	vadd.s32 v11, v35;
	v33 =	vld [tilespmem:s30+$0xFFFFFFA0];
	_ =	sdelay $0x4  }
0x44: {  	[tilespmem:v38+s21+$0x0] =	vst.idx.msk $0xffff, v33  }
0x45: {  	s2 =	simm.s32 $0x3;
	v39 =	vadd.s32 v12, v35;
	v33 =	vld [tilespmem:s30+$0xFFFFFFB0]  }
0x46: {  	v40 =	vmov s2  }
0x47: {  	v35 =	vshrl.u32 v40, $0x3  }
0x48: {  	v35 =	vshll.u32 v35, v1  }
0x49: {  	v35 =	vbroadcast v35, $0x0  }
0x4a: {  	[tilespmem:v39+s21+$0x0] =	vst.idx.msk $0xffff, v33  }
0x4b: {  	v41 =	vadd.s32 v13, v35;
	v33 =	vld [tilespmem:s30+$0xFFFFFFC0];
	_ =	sdelay $0x4  }
0x4c: {  	[tilespmem:v41+s21+$0x0] =	vst.idx.msk $0xffff, v33  }
0x4d: {  	v42 =	vadd.s32 v14, v35;
	v33 =	vld [tilespmem:s30+$0xFFFFFFD0];
	_ =	sdelay $0x4  }
0x4e: {  	[tilespmem:v42+s21+$0x0] =	vst.idx.msk $0xffff, v33  }
0x4f: {  	v43 =	vadd.s32 v15, v35;
	v33 =	vld [tilespmem:s30+$0xFFFFFFE0];
	_ =	sdelay $0x4  }
0x50: {  	[tilespmem:v43+s21+$0x0] =	vst.idx.msk $0xffff, v33  }
0x51: {  	s5 =	simm.s32 $0x4;
	v44 =	vadd.s32 v16, v35;
	v33 =	vld [tilespmem:s30+$0xFFFFFFF0]  }
0x52: {  	v45 =	vmov s5  }
0x53: {  	v35 =	vshrl.u32 v45, $0x3  }
0x54: {  	v35 =	vshll.u32 v35, v1  }
0x55: {  	v35 =	vbroadcast v35, $0x0  }
0x56: {  	[tilespmem:v44+s21+$0x0] =	vst.idx.msk $0xffff, v33  }
0x57: {  	v46 =	vadd.s32 v17, v35;
	v33 =	vld [tilespmem:s30+$0x0];
	_ =	sdelay $0x4  }
0x58: {  	[tilespmem:v46+s21+$0x0] =	vst.idx.msk $0xffff, v33  }
0x59: {  	v47 =	vadd.s32 v18, v35;
	v33 =	vld [tilespmem:s30+$0x10];
	_ =	sdelay $0x4  }
0x5a: {  	[tilespmem:v47+s21+$0x0] =	vst.idx.msk $0xffff, v33  }
0x5b: {  	v48 =	vadd.s32 v19, v35;
	v33 =	vld [tilespmem:s30+$0x20];
	_ =	sdelay $0x4  }
0x5c: {  	[tilespmem:v48+s21+$0x0] =	vst.idx.msk $0xffff, v33  }
0x5d: {  	s8 =	simm.s32 $0x5;
	v49 =	vadd.s32 v20, v35;
	v33 =	vld [tilespmem:s30+$0x30]  }
0x5e: {  	v50 =	vmov s8  }
0x5f: {  	v35 =	vshrl.u32 v50, $0x3  }
0x60: {  	v35 =	vshll.u32 v35, v1  }
0x61: {  	v35 =	vbroadcast v35, $0x0  }
0x62: {  	[tilespmem:v49+s21+$0x0] =	vst.idx.msk $0xffff, v33  }
0x63: {  	v51 =	vadd.s32 v21, v35;
	v33 =	vld [tilespmem:s30+$0x40];
	_ =	sdelay $0x4  }
0x64: {  	[tilespmem:v51+s21+$0x0] =	vst.idx.msk $0xffff, v33  }
0x65: {  	v52 =	vadd.s32 v22, v35;
	v33 =	vld [tilespmem:s30+$0x50];
	_ =	sdelay $0x4  }
0x66: {  	[tilespmem:v52+s21+$0x0] =	vst.idx.msk $0xffff, v33  }
0x67: {  	v53 =	vadd.s32 v23, v35;
	v33 =	vld [tilespmem:s30+$0x60];
	_ =	sdelay $0x4  }
0x68: {  	[tilespmem:v53+s21+$0x0] =	vst.idx.msk $0xffff, v33  }
0x69: {  	s10 =	simm.s32 $0x6;
	v54 =	vadd.s32 v24, v35;
	v33 =	vld [tilespmem:s30+$0x70]  }
0x6a: {  	v55 =	vmov s10  }
0x6b: {  	v35 =	vshrl.u32 v55, $0x3  }
0x6c: {  	v35 =	vshll.u32 v35, v1  }
0x6d: {  	v35 =	vbroadcast v35, $0x0  }
0x6e: {  	[tilespmem:v54+s21+$0x0] =	vst.idx.msk $0xffff, v33  }
0x6f: {  	v56 =	vadd.s32 v25, v35;
	v33 =	vld [tilespmem:s30+$0x80];
	_ =	sdelay $0x4  }
0x70: {  	[tilespmem:v56+s21+$0x0] =	vst.idx.msk $0xffff, v33  }
0x71: {  	v57 =	vadd.s32 v26, v35;
	v33 =	vld [tilespmem:s30+$0x90];
	_ =	sdelay $0x4  }
0x72: {  	[tilespmem:v57+s21+$0x0] =	vst.idx.msk $0xffff, v33  }
0x73: {  	v58 =	vadd.s32 v27, v35;
	v33 =	vld [tilespmem:s30+$0xA0];
	_ =	sdelay $0x4  }
0x74: {  	[tilespmem:v58+s21+$0x0] =	vst.idx.msk $0xffff, v33  }
0x75: {  	s31 =	simm.s32 $0x7;
	v59 =	vadd.s32 v28, v35;
	v33 =	vld [tilespmem:s30+$0xB0]  }
0x76: {  	v60 =	vmov s31  }
0x77: {  	v35 =	vshrl.u32 v60, $0x3  }
0x78: {  	v35 =	vshll.u32 v35, v1  }
0x79: {  	v35 =	vbroadcast v35, $0x0  }
0x7a: {  	[tilespmem:v59+s21+$0x0] =	vst.idx.msk $0xffff, v33  }
0x7b: {  	v61 =	vadd.s32 v29, v35;
	v33 =	vld [tilespmem:s30+$0xC0];
	_ =	sdelay $0x4  }
0x7c: {  	[tilespmem:v61+s21+$0x0] =	vst.idx.msk $0xffff, v33  }
0x7d: {  	v62 =	vadd.s32 v30, v35;
	v33 =	vld [tilespmem:s30+$0xD0];
	_ =	sdelay $0x4  }
0x7e: {  	[tilespmem:v62+s21+$0x0] =	vst.idx.msk $0xffff, v33  }
0x7f: {  	v63 =	vadd.s32 v31, v35;
	v33 =	vld [tilespmem:s30+$0xE0];
	_ =	sdelay $0x4  }
0x80: {  	[tilespmem:v63+s21+$0x0] =	vst.idx.msk $0xffff, v33  }
0x81: {  	s0 =	simm.s32 $0x8;
	v34 =	vadd.s32 v32, v35;
	v33 =	vld [tilespmem:s30+$0xF0]  }
0x82: {  	s29 =	sshll.u32 s28, $0xA;
	s2 =	simm.s32 $0x10;
	v35 =	vmov s0  }
.LBB2_3:
0x83: {  	p1 =	slt.u32 s2, $0x78;
	v35 =	vshrl.u32 v35, $0x3  }
0x84: {  	v35 =	vshll.u32 v35, v1  }
0x85: {  	v35 =	vbroadcast v35, $0x0  }
0x86: {  	s30 =	sadd.s32 $0x200, s30;
	[tilespmem:v34+s21+$0x0] =	vst.idx.msk $0xffff, v33  }
0x87: {  	v33 =	vld [tilespmem:s30+$0xFFFFFF00];
	v34 =	vadd.s32 v0, v35;
	_ =	sdelay $0x4  }
0x88: {  	[tilespmem:v34+s21+$0x0] =	vst.idx.msk $0xffff, v33  }
0x89: {  	v34 =	vadd.s32 v2, v35;
	v33 =	vld [tilespmem:s30+$0xFFFFFF10];
	_ =	sdelay $0x4  }
0x8a: {  	[tilespmem:v34+s21+$0x0] =	vst.idx.msk $0xffff, v33  }
0x8b: {  	v34 =	vadd.s32 v3, v35;
	v33 =	vld [tilespmem:s30+$0xFFFFFF20];
	_ =	sdelay $0x4  }
0x8c: {  	[tilespmem:v34+s21+$0x0] =	vst.idx.msk $0xffff, v33  }
0x8d: {  	s5 =	sadd.s32 $0x1, s0;
	v34 =	vadd.s32 v4, v35;
	v33 =	vld [tilespmem:s30+$0xFFFFFF30]  }
0x8e: {  	v35 =	vmov s5  }
0x8f: {  	v35 =	vshrl.u32 v35, $0x3  }
0x90: {  	v35 =	vshll.u32 v35, v1  }
0x91: {  	v35 =	vbroadcast v35, $0x0  }
0x92: {  	[tilespmem:v34+s21+$0x0] =	vst.idx.msk $0xffff, v33  }
0x93: {  	v34 =	vadd.s32 v5, v35;
	v33 =	vld [tilespmem:s30+$0xFFFFFF40];
	_ =	sdelay $0x4  }
0x94: {  	[tilespmem:v34+s21+$0x0] =	vst.idx.msk $0xffff, v33  }
0x95: {  	v34 =	vadd.s32 v6, v35;
	v33 =	vld [tilespmem:s30+$0xFFFFFF50];
	_ =	sdelay $0x4  }
0x96: {  	[tilespmem:v34+s21+$0x0] =	vst.idx.msk $0xffff, v33  }
0x97: {  	v34 =	vadd.s32 v7, v35;
	v33 =	vld [tilespmem:s30+$0xFFFFFF60];
	_ =	sdelay $0x4  }
0x98: {  	[tilespmem:v34+s21+$0x0] =	vst.idx.msk $0xffff, v33  }
0x99: {  	s5 =	sadd.s32 $0x2, s0;
	v34 =	vadd.s32 v8, v35;
	v33 =	vld [tilespmem:s30+$0xFFFFFF70]  }
0x9a: {  	v35 =	vmov s5  }
0x9b: {  	v35 =	vshrl.u32 v35, $0x3  }
0x9c: {  	v35 =	vshll.u32 v35, v1  }
0x9d: {  	v35 =	vbroadcast v35, $0x0  }
0x9e: {  	[tilespmem:v34+s21+$0x0] =	vst.idx.msk $0xffff, v33  }
0x9f: {  	v34 =	vadd.s32 v9, v35;
	v33 =	vld [tilespmem:s30+$0xFFFFFF80];
	_ =	sdelay $0x4  }
0xa0: {  	[tilespmem:v34+s21+$0x0] =	vst.idx.msk $0xffff, v33  }
0xa1: {  	v34 =	vadd.s32 v10, v35;
	v33 =	vld [tilespmem:s30+$0xFFFFFF90];
	_ =	sdelay $0x4  }
0xa2: {  	[tilespmem:v34+s21+$0x0] =	vst.idx.msk $0xffff, v33  }
0xa3: {  	v34 =	vadd.s32 v11, v35;
	v33 =	vld [tilespmem:s30+$0xFFFFFFA0];
	_ =	sdelay $0x4  }
0xa4: {  	[tilespmem:v34+s21+$0x0] =	vst.idx.msk $0xffff, v33  }
0xa5: {  	s5 =	sadd.s32 $0x3, s0;
	v34 =	vadd.s32 v12, v35;
	v33 =	vld [tilespmem:s30+$0xFFFFFFB0]  }
0xa6: {  	v35 =	vmov s5  }
0xa7: {  	v35 =	vshrl.u32 v35, $0x3  }
0xa8: {  	v35 =	vshll.u32 v35, v1  }
0xa9: {  	v35 =	vbroadcast v35, $0x0  }
0xaa: {  	[tilespmem:v34+s21+$0x0] =	vst.idx.msk $0xffff, v33  }
0xab: {  	v34 =	vadd.s32 v13, v35;
	v33 =	vld [tilespmem:s30+$0xFFFFFFC0];
	_ =	sdelay $0x4  }
0xac: {  	[tilespmem:v34+s21+$0x0] =	vst.idx.msk $0xffff, v33  }
0xad: {  	v34 =	vadd.s32 v14, v35;
	v33 =	vld [tilespmem:s30+$0xFFFFFFD0];
	_ =	sdelay $0x4  }
0xae: {  	[tilespmem:v34+s21+$0x0] =	vst.idx.msk $0xffff, v33  }
0xaf: {  	v34 =	vadd.s32 v15, v35;
	v33 =	vld [tilespmem:s30+$0xFFFFFFE0];
	_ =	sdelay $0x4  }
0xb0: {  	[tilespmem:v34+s21+$0x0] =	vst.idx.msk $0xffff, v33  }
0xb1: {  	s5 =	sadd.s32 $0x4, s0;
	v34 =	vadd.s32 v16, v35;
	v33 =	vld [tilespmem:s30+$0xFFFFFFF0]  }
0xb2: {  	v35 =	vmov s5  }
0xb3: {  	v35 =	vshrl.u32 v35, $0x3  }
0xb4: {  	v35 =	vshll.u32 v35, v1  }
0xb5: {  	v35 =	vbroadcast v35, $0x0  }
0xb6: {  	[tilespmem:v34+s21+$0x0] =	vst.idx.msk $0xffff, v33  }
0xb7: {  	v34 =	vadd.s32 v17, v35;
	v33 =	vld [tilespmem:s30+$0x0];
	_ =	sdelay $0x4  }
0xb8: {  	[tilespmem:v34+s21+$0x0] =	vst.idx.msk $0xffff, v33  }
0xb9: {  	v34 =	vadd.s32 v18, v35;
	v33 =	vld [tilespmem:s30+$0x10];
	_ =	sdelay $0x4  }
0xba: {  	[tilespmem:v34+s21+$0x0] =	vst.idx.msk $0xffff, v33  }
0xbb: {  	v34 =	vadd.s32 v19, v35;
	v33 =	vld [tilespmem:s30+$0x20];
	_ =	sdelay $0x4  }
0xbc: {  	[tilespmem:v34+s21+$0x0] =	vst.idx.msk $0xffff, v33  }
0xbd: {  	s5 =	sadd.s32 $0x5, s0;
	v34 =	vadd.s32 v20, v35;
	v33 =	vld [tilespmem:s30+$0x30]  }
0xbe: {  	v35 =	vmov s5  }
0xbf: {  	v35 =	vshrl.u32 v35, $0x3  }
0xc0: {  	v35 =	vshll.u32 v35, v1  }
0xc1: {  	v35 =	vbroadcast v35, $0x0  }
0xc2: {  	[tilespmem:v34+s21+$0x0] =	vst.idx.msk $0xffff, v33  }
0xc3: {  	v34 =	vadd.s32 v21, v35;
	v33 =	vld [tilespmem:s30+$0x40];
	_ =	sdelay $0x4  }
0xc4: {  	[tilespmem:v34+s21+$0x0] =	vst.idx.msk $0xffff, v33  }
0xc5: {  	v34 =	vadd.s32 v22, v35;
	v33 =	vld [tilespmem:s30+$0x50];
	_ =	sdelay $0x4  }
0xc6: {  	[tilespmem:v34+s21+$0x0] =	vst.idx.msk $0xffff, v33  }
0xc7: {  	v34 =	vadd.s32 v23, v35;
	v33 =	vld [tilespmem:s30+$0x60];
	_ =	sdelay $0x4  }
0xc8: {  	[tilespmem:v34+s21+$0x0] =	vst.idx.msk $0xffff, v33  }
0xc9: {  	s5 =	sadd.s32 $0x6, s0;
	v34 =	vadd.s32 v24, v35;
	v33 =	vld [tilespmem:s30+$0x70]  }
0xca: {  	v35 =	vmov s5  }
0xcb: {  	v35 =	vshrl.u32 v35, $0x3  }
0xcc: {  	v35 =	vshll.u32 v35, v1  }
0xcd: {  	v35 =	vbroadcast v35, $0x0  }
0xce: {  	[tilespmem:v34+s21+$0x0] =	vst.idx.msk $0xffff, v33  }
0xcf: {  	v34 =	vadd.s32 v25, v35;
	v33 =	vld [tilespmem:s30+$0x80];
	_ =	sdelay $0x4  }
0xd0: {  	[tilespmem:v34+s21+$0x0] =	vst.idx.msk $0xffff, v33  }
0xd1: {  	v34 =	vadd.s32 v26, v35;
	v33 =	vld [tilespmem:s30+$0x90];
	_ =	sdelay $0x4  }
0xd2: {  	[tilespmem:v34+s21+$0x0] =	vst.idx.msk $0xffff, v33  }
0xd3: {  	v34 =	vadd.s32 v27, v35;
	v33 =	vld [tilespmem:s30+$0xA0];
	_ =	sdelay $0x4  }
0xd4: {  	[tilespmem:v34+s21+$0x0] =	vst.idx.msk $0xffff, v33  }
0xd5: {  	s5 =	sadd.s32 $0x7, s0;
	s0 =	smov.u32 s2;
	v34 =	vadd.s32 v28, v35;
	v33 =	vld [tilespmem:s30+$0xB0]  }
0xd6: {  	v35 =	vmov s5  }
0xd7: {  	v35 =	vshrl.u32 v35, $0x3  }
0xd8: {  	v35 =	vshll.u32 v35, v1  }
0xd9: {  	v35 =	vbroadcast v35, $0x0  }
0xda: {  	[tilespmem:v34+s21+$0x0] =	vst.idx.msk $0xffff, v33  }
0xdb: {  	v34 =	vadd.s32 v29, v35;
	v33 =	vld [tilespmem:s30+$0xC0];
	_ =	sdelay $0x4  }
0xdc: {  	[tilespmem:v34+s21+$0x0] =	vst.idx.msk $0xffff, v33  }
0xdd: {  	v34 =	vadd.s32 v30, v35;
	v33 =	vld [tilespmem:s30+$0xD0];
	_ =	sdelay $0x4  }
0xde: {  	[tilespmem:v34+s21+$0x0] =	vst.idx.msk $0xffff, v33  }
0xdf: {  	v34 =	vadd.s32 v31, v35;
	v33 =	vld [tilespmem:s30+$0xE0];
	_ =	sdelay $0x2  }
.Ltmp2:
0xe0: {  	(pc) =	sbr.rel @p1 .LBB2_3-.Ltmp2, $4  }
0xe1: {  	_ = 	snop  }
0xe2: {  	[tilespmem:v34+s21+$0x0] =	vst.idx.msk $0xffff, v33  }
0xe3: {  	v34 =	vadd.s32 v32, v35;
	v33 =	vld [tilespmem:s30+$0xF0]  }
0xe4: {  	s2 =	sadd.s32 $0x8, s2;
	v35 =	vmov s0  }
0xe5: {  	_ = 	snop  }
0xe6: {  	v35 =	vshrl.u32 v35, $0x3  }
0xe7: {  	v35 =	vshll.u32 v35, v1  }
0xe8: {  	v35 =	vbroadcast v35, $0x0  }
0xe9: {  	s2 =	sadd.s32 $0x200, s30;
	[tilespmem:v34+s21+$0x0] =	vst.idx.msk $0xffff, v33  }
0xea: {  	v33 =	vld [tilespmem:s2+$0xFFFFFF00];
	v53 =	vadd.s32 v0, v35;
	_ =	sdelay $0x4  }
0xeb: {  	[tilespmem:v53+s21+$0x0] =	vst.idx.msk $0xffff, v33  }
0xec: {  	v54 =	vadd.s32 v2, v35;
	v33 =	vld [tilespmem:s2+$0xFFFFFF10];
	_ =	sdelay $0x4  }
0xed: {  	[tilespmem:v54+s21+$0x0] =	vst.idx.msk $0xffff, v33  }
0xee: {  	v55 =	vadd.s32 v3, v35;
	v33 =	vld [tilespmem:s2+$0xFFFFFF20];
	_ =	sdelay $0x4  }
0xef: {  	[tilespmem:v55+s21+$0x0] =	vst.idx.msk $0xffff, v33  }
0xf0: {  	s5 =	sadd.s32 $0x1, s0;
	v56 =	vadd.s32 v4, v35;
	v33 =	vld [tilespmem:s2+$0xFFFFFF30]  }
0xf1: {  	v57 =	vmov s5  }
0xf2: {  	v35 =	vshrl.u32 v57, $0x3  }
0xf3: {  	v35 =	vshll.u32 v35, v1  }
0xf4: {  	v35 =	vbroadcast v35, $0x0  }
0xf5: {  	[tilespmem:v56+s21+$0x0] =	vst.idx.msk $0xffff, v33  }
0xf6: {  	v58 =	vadd.s32 v5, v35;
	v33 =	vld [tilespmem:s2+$0xFFFFFF40];
	_ =	sdelay $0x4  }
0xf7: {  	[tilespmem:v58+s21+$0x0] =	vst.idx.msk $0xffff, v33  }
0xf8: {  	v59 =	vadd.s32 v6, v35;
	v33 =	vld [tilespmem:s2+$0xFFFFFF50];
	_ =	sdelay $0x4  }
0xf9: {  	[tilespmem:v59+s21+$0x0] =	vst.idx.msk $0xffff, v33  }
0xfa: {  	v60 =	vadd.s32 v7, v35;
	v33 =	vld [tilespmem:s2+$0xFFFFFF60];
	_ =	sdelay $0x4  }
0xfb: {  	[tilespmem:v60+s21+$0x0] =	vst.idx.msk $0xffff, v33  }
0xfc: {  	s8 =	sadd.s32 $0x2, s0;
	v61 =	vadd.s32 v8, v35;
	v33 =	vld [tilespmem:s2+$0xFFFFFF70]  }
0xfd: {  	v62 =	vmov s8  }
0xfe: {  	v35 =	vshrl.u32 v62, $0x3  }
0xff: {  	v35 =	vshll.u32 v35, v1  }
0x100: {  	v35 =	vbroadcast v35, $0x0  }
0x101: {  	[tilespmem:v61+s21+$0x0] =	vst.idx.msk $0xffff, v33  }
0x102: {  	v63 =	vadd.s32 v9, v35;
	v33 =	vld [tilespmem:s2+$0xFFFFFF80];
	_ =	sdelay $0x4  }
0x103: {  	[tilespmem:v63+s21+$0x0] =	vst.idx.msk $0xffff, v33  }
0x104: {  	v36 =	vadd.s32 v10, v35;
	v33 =	vld [tilespmem:s2+$0xFFFFFF90];
	_ =	sdelay $0x4  }
0x105: {  	[tilespmem:v36+s21+$0x0] =	vst.idx.msk $0xffff, v33  }
0x106: {  	v37 =	vadd.s32 v11, v35;
	v33 =	vld [tilespmem:s2+$0xFFFFFFA0];
	_ =	sdelay $0x4  }
0x107: {  	[tilespmem:v37+s21+$0x0] =	vst.idx.msk $0xffff, v33  }
0x108: {  	s10 =	sadd.s32 $0x3, s0;
	v38 =	vadd.s32 v12, v35;
	v33 =	vld [tilespmem:s2+$0xFFFFFFB0]  }
0x109: {  	v39 =	vmov s10  }
0x10a: {  	v35 =	vshrl.u32 v39, $0x3  }
0x10b: {  	v35 =	vshll.u32 v35, v1  }
0x10c: {  	v35 =	vbroadcast v35, $0x0  }
0x10d: {  	[tilespmem:v38+s21+$0x0] =	vst.idx.msk $0xffff, v33  }
0x10e: {  	v40 =	vadd.s32 v13, v35;
	v33 =	vld [tilespmem:s2+$0xFFFFFFC0];
	_ =	sdelay $0x4  }
0x10f: {  	[tilespmem:v40+s21+$0x0] =	vst.idx.msk $0xffff, v33  }
0x110: {  	v41 =	vadd.s32 v14, v35;
	v33 =	vld [tilespmem:s2+$0xFFFFFFD0];
	_ =	sdelay $0x4  }
0x111: {  	[tilespmem:v41+s21+$0x0] =	vst.idx.msk $0xffff, v33  }
0x112: {  	v42 =	vadd.s32 v15, v35;
	v33 =	vld [tilespmem:s2+$0xFFFFFFE0];
	_ =	sdelay $0x4  }
0x113: {  	[tilespmem:v42+s21+$0x0] =	vst.idx.msk $0xffff, v33  }
0x114: {  	s8 =	sadd.s32 $0x4, s0;
	v43 =	vadd.s32 v16, v35;
	v33 =	vld [tilespmem:s2+$0xFFFFFFF0]  }
0x115: {  	v44 =	vmov s8  }
0x116: {  	v35 =	vshrl.u32 v44, $0x3  }
0x117: {  	v35 =	vshll.u32 v35, v1  }
0x118: {  	v35 =	vbroadcast v35, $0x0  }
0x119: {  	[tilespmem:v43+s21+$0x0] =	vst.idx.msk $0xffff, v33  }
0x11a: {  	v45 =	vadd.s32 v17, v35;
	v33 =	vld [tilespmem:s2+$0x0];
	_ =	sdelay $0x4  }
0x11b: {  	[tilespmem:v45+s21+$0x0] =	vst.idx.msk $0xffff, v33  }
0x11c: {  	v46 =	vadd.s32 v18, v35;
	v33 =	vld [tilespmem:s2+$0x10];
	_ =	sdelay $0x4  }
0x11d: {  	[tilespmem:v46+s21+$0x0] =	vst.idx.msk $0xffff, v33  }
0x11e: {  	v47 =	vadd.s32 v19, v35;
	v33 =	vld [tilespmem:s2+$0x20];
	_ =	sdelay $0x4  }
0x11f: {  	[tilespmem:v47+s21+$0x0] =	vst.idx.msk $0xffff, v33  }
0x120: {  	s10 =	sadd.s32 $0x5, s0;
	v48 =	vadd.s32 v20, v35;
	v33 =	vld [tilespmem:s2+$0x30]  }
0x121: {  	v49 =	vmov s10  }
0x122: {  	v35 =	vshrl.u32 v49, $0x3  }
0x123: {  	v35 =	vshll.u32 v35, v1  }
0x124: {  	v35 =	vbroadcast v35, $0x0  }
0x125: {  	[tilespmem:v48+s21+$0x0] =	vst.idx.msk $0xffff, v33  }
0x126: {  	v50 =	vadd.s32 v21, v35;
	v33 =	vld [tilespmem:s2+$0x40];
	_ =	sdelay $0x4  }
0x127: {  	[tilespmem:v50+s21+$0x0] =	vst.idx.msk $0xffff, v33  }
0x128: {  	v51 =	vadd.s32 v22, v35;
	v33 =	vld [tilespmem:s2+$0x50];
	_ =	sdelay $0x4  }
0x129: {  	[tilespmem:v51+s21+$0x0] =	vst.idx.msk $0xffff, v33  }
0x12a: {  	v52 =	vadd.s32 v23, v35;
	v33 =	vld [tilespmem:s2+$0x60];
	_ =	sdelay $0x4  }
0x12b: {  	[tilespmem:v52+s21+$0x0] =	vst.idx.msk $0xffff, v33  }
0x12c: {  	s8 =	sadd.s32 $0x6, s0;
	v53 =	vadd.s32 v24, v35;
	v33 =	vld [tilespmem:s2+$0x70]  }
0x12d: {  	v54 =	vmov s8  }
0x12e: {  	v35 =	vshrl.u32 v54, $0x3  }
0x12f: {  	v35 =	vshll.u32 v35, v1  }
0x130: {  	v35 =	vbroadcast v35, $0x0  }
0x131: {  	[tilespmem:v53+s21+$0x0] =	vst.idx.msk $0xffff, v33  }
0x132: {  	v55 =	vadd.s32 v25, v35;
	v33 =	vld [tilespmem:s2+$0x80];
	_ =	sdelay $0x4  }
0x133: {  	[tilespmem:v55+s21+$0x0] =	vst.idx.msk $0xffff, v33  }
0x134: {  	v56 =	vadd.s32 v26, v35;
	v33 =	vld [tilespmem:s2+$0x90];
	_ =	sdelay $0x4  }
0x135: {  	[tilespmem:v56+s21+$0x0] =	vst.idx.msk $0xffff, v33  }
0x136: {  	v57 =	vadd.s32 v27, v35;
	v33 =	vld [tilespmem:s2+$0xA0];
	_ =	sdelay $0x4  }
0x137: {  	[tilespmem:v57+s21+$0x0] =	vst.idx.msk $0xffff, v33  }
0x138: {  	s10 =	sadd.s32 $0x7, s0;
	v58 =	vadd.s32 v28, v35;
	v33 =	vld [tilespmem:s2+$0xB0]  }
0x139: {  	v59 =	vmov s10  }
0x13a: {  	v35 =	vshrl.u32 v59, $0x3  }
0x13b: {  	v35 =	vshll.u32 v35, v1  }
0x13c: {  	v35 =	vbroadcast v35, $0x0  }
0x13d: {  	[tilespmem:v58+s21+$0x0] =	vst.idx.msk $0xffff, v33  }
0x13e: {  	v60 =	vadd.s32 v29, v35;
	v33 =	vld [tilespmem:s2+$0xC0];
	_ =	sdelay $0x4  }
0x13f: {  	[tilespmem:v60+s21+$0x0] =	vst.idx.msk $0xffff, v33  }
0x140: {  	v61 =	vadd.s32 v30, v35;
	v33 =	vld [tilespmem:s2+$0xD0];
	_ =	sdelay $0x4  }
0x141: {  	[tilespmem:v61+s21+$0x0] =	vst.idx.msk $0xffff, v33  }
0x142: {  	v62 =	vadd.s32 v31, v35;
	v33 =	vld [tilespmem:s2+$0xE0];
	_ =	sdelay $0x4  }
0x143: {  	[tilespmem:v62+s21+$0x0] =	vst.idx.msk $0xffff, v33  }
0x144: {  	v63 =	vadd.s32 v32, v35;
	v33 =	vld [tilespmem:s2+$0xF0];
	_ =	sdelay $0x2  }
0x145: {  	s2 =	sshll.u32 s28, $0x12  }
0x146: {  	s30 =	sor.u32 s6, s2  }
0x147: {  	s5 =	simm.s32 $0x5900;
	s2 =	sadd.s32 s1, s30;
	[tilespmem:v63+s21+$0x0] =	vst.idx.msk $0xffff, v33  }
0x148: {  	[hbm4b:s2+s3] =	stream.linear.scatter [tilespmem:s5], [sflag:$0x3], $0x80, $0x38;
	[tilespmem:$0x9D00] =	vst v63  }
0x149: {  	s8 =	simm.s32 $0x5988;
	s10 =	sadd.s32 $0x10, s2  }
0x14a: {  	[hbm4b:s10+s3] =	stream.linear.scatter [tilespmem:s8], [sflag:$0x3], $0x80, $0x38;
	[tilespmem:$0x9D00] =	vst v63  }
0x14b: {  	s8 =	simm.s32 $0x5A10;
	s10 =	sadd.s32 $0x20, s2  }
0x14c: {  	[hbm4b:s10+s3] =	stream.linear.scatter [tilespmem:s8], [sflag:$0x3], $0x80, $0x38;
	[tilespmem:$0x9D00] =	vst v63  }
0x14d: {  	s8 =	simm.s32 $0x5A98;
	s10 =	sadd.s32 $0x30, s2  }
0x14e: {  	[hbm4b:s10+s3] =	stream.linear.scatter [tilespmem:s8], [sflag:$0x3], $0x80, $0x38;
	[tilespmem:$0x9D00] =	vst v63  }
0x14f: {  	s8 =	simm.s32 $0x5B20;
	s10 =	sadd.s32 $0x40, s2  }
0x150: {  	[hbm4b:s10+s3] =	stream.linear.scatter [tilespmem:s8], [sflag:$0x3], $0x80, $0x38;
	[tilespmem:$0x9D00] =	vst v63  }
0x151: {  	s31 =	simm.s32 $0x5CB8;
	s8 =	simm.s32 $0x5BA8;
	s10 =	sadd.s32 $0x50, s2  }
0x152: {  	[hbm4b:s10+s3] =	stream.linear.scatter [tilespmem:s8], [sflag:$0x3], $0x80, $0x38;
	[tilespmem:$0x9D00] =	vst v63  }
0x153: {  	s0 =	simm.s32 $0x440;
	s8 =	simm.s32 $0x5C30;
	s10 =	sadd.s32 $0x60, s2  }
0x154: {  	[hbm4b:s10+s3] =	stream.linear.scatter [tilespmem:s8], [sflag:$0x3], $0x80, $0x38;
	[tilespmem:$0x9D00] =	vst v63  }
0x155: {  	s5 =	simm.s32 $0x2200;
	s8 =	sadd.s32 $0x70, s2;
	s2 =	sadd.s32 $0x4000, s2  }
.LBB2_5:
0x156: {  	[hbm4b:s8+s3] =	stream.linear.scatter [tilespmem:s31], [sflag:$0x3], $0x80, $0x38;
	[tilespmem:$0x9D00] =	vst v63  }
0x157: {  	s8 =	smov.u32 s0;
	s0 =	smov.u32 s5  }
0x158: {  	s10 =	sadd.s32 $0x1100, s5;
	s0 =	sshra.s32 s0, $0x2;
	s31 =	sadd.s32 $0x5900, s8  }
0x159: {  	[hbm4b:s2+s3] =	stream.linear.scatter [tilespmem:s31], [sflag:$0x3], $0x80, $0x38;
	[tilespmem:$0x9D00] =	vst v63  }
0x15a: {  	p1 =	sne.s32 s5, $0x7700;
	s5 =	sadd.s32 $0x5988, s8;
	s31 =	sadd.s32 $0x10, s2  }
0x15b: {  	[hbm4b:s31+s3] =	stream.linear.scatter [tilespmem:s5], [sflag:$0x3], $0x80, $0x38;
	[tilespmem:$0x9D00] =	vst v63  }
0x15c: {  	s5 =	sadd.s32 $0x5A10, s8;
	s31 =	sadd.s32 $0x20, s2  }
0x15d: {  	[hbm4b:s31+s3] =	stream.linear.scatter [tilespmem:s5], [sflag:$0x3], $0x80, $0x38;
	[tilespmem:$0x9D00] =	vst v63  }
0x15e: {  	s5 =	sadd.s32 $0x5A98, s8;
	s31 =	sadd.s32 $0x30, s2  }
0x15f: {  	[hbm4b:s31+s3] =	stream.linear.scatter [tilespmem:s5], [sflag:$0x3], $0x80, $0x38;
	[tilespmem:$0x9D00] =	vst v63  }
0x160: {  	s5 =	sadd.s32 $0x5B20, s8;
	s31 =	sadd.s32 $0x40, s2  }
0x161: {  	[hbm4b:s31+s3] =	stream.linear.scatter [tilespmem:s5], [sflag:$0x3], $0x80, $0x38;
	[tilespmem:$0x9D00] =	vst v63  }
0x162: {  	s5 =	sadd.s32 $0x5BA8, s8;
	s31 =	sadd.s32 $0x50, s2  }
0x163: {  	[hbm4b:s31+s3] =	stream.linear.scatter [tilespmem:s5], [sflag:$0x3], $0x80, $0x38;
	[tilespmem:$0x9D00] =	vst v63  }
.Ltmp3:
0x164: {  	_ = 	snop;
	(pc) =	sbr.rel @p1 .LBB2_5-.Ltmp3, $4  }
0x165: {  	s5 =	sadd.s32 $0x5C30, s8;
	s31 =	sadd.s32 $0x60, s2  }
0x166: {  	[hbm4b:s31+s3] =	stream.linear.scatter [tilespmem:s5], [sflag:$0x3], $0x80, $0x38;
	[tilespmem:$0x9D00] =	vst v63  }
0x167: {  	s31 =	sadd.s32 $0x5CB8, s8  }
0x168: {  	s8 =	sadd.s32 $0x70, s2;
	s2 =	sadd.s32 $0x4000, s2;
	s5 =	smov.u32 s10  }
0x169: {  	[hbm4b:s8+s3] =	stream.linear.scatter [tilespmem:s31], [sflag:$0x3], $0x80, $0x38;
	[tilespmem:$0x9D00] =	vst v63  }
0x16a: {  	s5 =	sadd.s32 $0x5900, s0  }
0x16b: {  	[hbm4b:s2+s3] =	stream.linear.scatter [tilespmem:s5], [sflag:$0x3], $0x80, $0x38;
	[tilespmem:$0x9D00] =	vst v63  }
0x16c: {  	s10 =	sadd.s32 $0x5988, s0;
	s31 =	sadd.s32 $0x10, s2  }
0x16d: {  	[hbm4b:s31+s3] =	stream.linear.scatter [tilespmem:s10], [sflag:$0x3], $0x80, $0x38;
	[tilespmem:$0x9D00] =	vst v63  }
0x16e: {  	s10 =	sadd.s32 $0x5A10, s0;
	s31 =	sadd.s32 $0x20, s2  }
0x16f: {  	[hbm4b:s31+s3] =	stream.linear.scatter [tilespmem:s10], [sflag:$0x3], $0x80, $0x38;
	[tilespmem:$0x9D00] =	vst v63  }
0x170: {  	s10 =	sadd.s32 $0x5A98, s0;
	s31 =	sadd.s32 $0x30, s2  }
0x171: {  	[hbm4b:s31+s3] =	stream.linear.scatter [tilespmem:s10], [sflag:$0x3], $0x80, $0x38;
	[tilespmem:$0x9D00] =	vst v63  }
0x172: {  	s10 =	sadd.s32 $0x5B20, s0;
	s31 =	sadd.s32 $0x40, s2  }
0x173: {  	[hbm4b:s31+s3] =	stream.linear.scatter [tilespmem:s10], [sflag:$0x3], $0x80, $0x38;
	[tilespmem:$0x9D00] =	vst v63  }
0x174: {  	p1 =	sne.s32 s28, $0x18;
	s10 =	sadd.s32 $0x5BA8, s0;
	s31 =	sadd.s32 $0x50, s2  }
0x175: {  	[hbm4b:s31+s3] =	stream.linear.scatter [tilespmem:s10], [sflag:$0x3], $0x80, $0x38;
	[tilespmem:$0x9D00] =	vst v63  }
.Ltmp4:
0x176: {  	_ = 	snop;
	(pc) =	sbr.rel @p1 .LBB2_8-.Ltmp4, $4  }
0x177: {  	s10 =	sadd.s32 $0x5C30, s0;
	s31 =	sadd.s32 $0x60, s2  }
0x178: {  	[hbm4b:s31+s3] =	stream.linear.scatter [tilespmem:s10], [sflag:$0x3], $0x80, $0x38;
	[tilespmem:$0x9D00] =	vst v63  }
0x179: {  	s10 =	sadd.s32 $0x5CB8, s0;
	s31 =	sadd.s32 $0x70, s2  }
0x17a: {  	[hbm4b:s31+s3] =	stream.linear.scatter [tilespmem:s10], [sflag:$0x3], $0x80, $0x38;
	[tilespmem:$0x9D00] =	vst v63  }
.Ltmp5:
0x17b: {  	(pc) =	sbr.rel .LBB2_9-.Ltmp5, $4  }
0x17c: {  	_ = 	snop  }
0x17d: {  	_ =	swait.ge [sflag:s22], $0x2000  }
0x17e: {  	[sflag:s22] =	ssyncset.done $0x0  }
0x17f: {  	[sflag:s22] =	ssyncadd.s32 $0xFFFFE000  }
.LBB2_8:
0x180: {  	s0 =	sshrl.u32 s29, $0x2  }
.Ltmp6:
0x181: {  	s0 =	sadd.s32 $0x100, s0;
	(pc) =	sbr.rel @p0 .LBB2_10-.Ltmp6, $4  }
0x182: {  	[tilespmem:s18], [sflag:$0x1] =	stream.indirect.gather [hbm4b:s4+s15], $0x40, s0, s15, $0xb8;
	[tilespmem:$0x9D00] =	vst v63  }
0x183: {  	_ =	swait.ge [sflag:s22], $0x2000  }
0x184: {  	[sflag:s22] =	ssyncset.done $0x0  }
0x185: {  	[sflag:s22] =	ssyncadd.s32 $0xFFFFE000  }
.LBB2_9:
0x186: {  	_ =	swait.ge [sflag:s23], $0x2000  }
0x187: {  	[sflag:s23] =	ssyncset.done $0x0  }
0x188: {  	[sflag:s23] =	ssyncadd.s32 $0xFFFFE000  }
.LBB2_10:
0x189: {  	s0 =	simm.s32 $0x0  }
0x18a: {  	v33 =	vmov s0  }
0x18b: {  	v33 =	vshrl.u32 v33, $0x3  }
0x18c: {  	v33 =	vshll.u32 v33, v1  }
0x18d: {  	v33 =	vbroadcast v33, $0x0  }
0x18e: {  	s31 =	simm.s32 $0x3A00  }
0x18f: {  	v34 =	vld [tilespmem:s31+$0xFFFFFF00];
	v35 =	vadd.s32 v0, v33;
	_ =	sdelay $0x4  }
0x190: {  	[tilespmem:v35+s24+$0x0] =	vst.idx.msk $0xffff, v34  }
0x191: {  	v56 =	vadd.s32 v2, v33;
	v34 =	vld [tilespmem:s31+$0xFFFFFF10];
	_ =	sdelay $0x4  }
0x192: {  	[tilespmem:v56+s24+$0x0] =	vst.idx.msk $0xffff, v34  }
0x193: {  	v57 =	vadd.s32 v3, v33;
	v34 =	vld [tilespmem:s31+$0xFFFFFF20];
	_ =	sdelay $0x4  }
0x194: {  	[tilespmem:v57+s24+$0x0] =	vst.idx.msk $0xffff, v34  }
0x195: {  	s5 =	simm.s32 $0x1;
	v33 =	vadd.s32 v4, v33;
	v34 =	vld [tilespmem:s31+$0xFFFFFF30]  }
0x196: {  	v58 =	vmov s5  }
0x197: {  	v35 =	vshrl.u32 v58, $0x3  }
0x198: {  	v35 =	vshll.u32 v35, v1  }
0x199: {  	v35 =	vbroadcast v35, $0x0  }
0x19a: {  	[tilespmem:v33+s24+$0x0] =	vst.idx.msk $0xffff, v34  }
0x19b: {  	v59 =	vadd.s32 v5, v35;
	v33 =	vld [tilespmem:s31+$0xFFFFFF40];
	_ =	sdelay $0x4  }
0x19c: {  	[tilespmem:v59+s24+$0x0] =	vst.idx.msk $0xffff, v33  }
0x19d: {  	v60 =	vadd.s32 v6, v35;
	v33 =	vld [tilespmem:s31+$0xFFFFFF50];
	_ =	sdelay $0x4  }
0x19e: {  	[tilespmem:v60+s24+$0x0] =	vst.idx.msk $0xffff, v33  }
0x19f: {  	v61 =	vadd.s32 v7, v35;
	v33 =	vld [tilespmem:s31+$0xFFFFFF60];
	_ =	sdelay $0x4  }
0x1a0: {  	[tilespmem:v61+s24+$0x0] =	vst.idx.msk $0xffff, v33  }
0x1a1: {  	s8 =	simm.s32 $0x2;
	v62 =	vadd.s32 v8, v35;
	v33 =	vld [tilespmem:s31+$0xFFFFFF70]  }
0x1a2: {  	v63 =	vmov s8  }
0x1a3: {  	v35 =	vshrl.u32 v63, $0x3  }
0x1a4: {  	v35 =	vshll.u32 v35, v1  }
0x1a5: {  	v35 =	vbroadcast v35, $0x0  }
0x1a6: {  	[tilespmem:v62+s24+$0x0] =	vst.idx.msk $0xffff, v33  }
0x1a7: {  	v36 =	vadd.s32 v9, v35;
	v33 =	vld [tilespmem:s31+$0xFFFFFF80];
	_ =	sdelay $0x4  }
0x1a8: {  	[tilespmem:v36+s24+$0x0] =	vst.idx.msk $0xffff, v33  }
0x1a9: {  	v37 =	vadd.s32 v10, v35;
	v33 =	vld [tilespmem:s31+$0xFFFFFF90];
	_ =	sdelay $0x4  }
0x1aa: {  	[tilespmem:v37+s24+$0x0] =	vst.idx.msk $0xffff, v33  }
0x1ab: {  	v38 =	vadd.s32 v11, v35;
	v33 =	vld [tilespmem:s31+$0xFFFFFFA0];
	_ =	sdelay $0x4  }
0x1ac: {  	[tilespmem:v38+s24+$0x0] =	vst.idx.msk $0xffff, v33  }
0x1ad: {  	s10 =	simm.s32 $0x3;
	v39 =	vadd.s32 v12, v35;
	v33 =	vld [tilespmem:s31+$0xFFFFFFB0]  }
0x1ae: {  	v40 =	vmov s10  }
0x1af: {  	v35 =	vshrl.u32 v40, $0x3  }
0x1b0: {  	v35 =	vshll.u32 v35, v1  }
0x1b1: {  	v35 =	vbroadcast v35, $0x0  }
0x1b2: {  	[tilespmem:v39+s24+$0x0] =	vst.idx.msk $0xffff, v33  }
0x1b3: {  	v41 =	vadd.s32 v13, v35;
	v33 =	vld [tilespmem:s31+$0xFFFFFFC0];
	_ =	sdelay $0x4  }
0x1b4: {  	[tilespmem:v41+s24+$0x0] =	vst.idx.msk $0xffff, v33  }
0x1b5: {  	v42 =	vadd.s32 v14, v35;
	v33 =	vld [tilespmem:s31+$0xFFFFFFD0];
	_ =	sdelay $0x4  }
0x1b6: {  	[tilespmem:v42+s24+$0x0] =	vst.idx.msk $0xffff, v33  }
0x1b7: {  	v43 =	vadd.s32 v15, v35;
	v33 =	vld [tilespmem:s31+$0xFFFFFFE0];
	_ =	sdelay $0x4  }
0x1b8: {  	[tilespmem:v43+s24+$0x0] =	vst.idx.msk $0xffff, v33  }
0x1b9: {  	s2 =	simm.s32 $0x4;
	v44 =	vadd.s32 v16, v35;
	v33 =	vld [tilespmem:s31+$0xFFFFFFF0]  }
0x1ba: {  	v45 =	vmov s2  }
0x1bb: {  	v35 =	vshrl.u32 v45, $0x3  }
0x1bc: {  	v35 =	vshll.u32 v35, v1  }
0x1bd: {  	v35 =	vbroadcast v35, $0x0  }
0x1be: {  	[tilespmem:v44+s24+$0x0] =	vst.idx.msk $0xffff, v33  }
0x1bf: {  	v46 =	vadd.s32 v17, v35;
	v33 =	vld [tilespmem:s31+$0x0];
	_ =	sdelay $0x4  }
0x1c0: {  	[tilespmem:v46+s24+$0x0] =	vst.idx.msk $0xffff, v33  }
0x1c1: {  	v47 =	vadd.s32 v18, v35;
	v33 =	vld [tilespmem:s31+$0x10];
	_ =	sdelay $0x4  }
0x1c2: {  	[tilespmem:v47+s24+$0x0] =	vst.idx.msk $0xffff, v33  }
0x1c3: {  	v48 =	vadd.s32 v19, v35;
	v33 =	vld [tilespmem:s31+$0x20];
	_ =	sdelay $0x4  }
0x1c4: {  	[tilespmem:v48+s24+$0x0] =	vst.idx.msk $0xffff, v33  }
0x1c5: {  	s5 =	simm.s32 $0x5;
	v49 =	vadd.s32 v20, v35;
	v33 =	vld [tilespmem:s31+$0x30]  }
0x1c6: {  	v50 =	vmov s5  }
0x1c7: {  	v35 =	vshrl.u32 v50, $0x3  }
0x1c8: {  	v35 =	vshll.u32 v35, v1  }
0x1c9: {  	v35 =	vbroadcast v35, $0x0  }
0x1ca: {  	[tilespmem:v49+s24+$0x0] =	vst.idx.msk $0xffff, v33  }
0x1cb: {  	v51 =	vadd.s32 v21, v35;
	v33 =	vld [tilespmem:s31+$0x40];
	_ =	sdelay $0x4  }
0x1cc: {  	[tilespmem:v51+s24+$0x0] =	vst.idx.msk $0xffff, v33  }
0x1cd: {  	v52 =	vadd.s32 v22, v35;
	v33 =	vld [tilespmem:s31+$0x50];
	_ =	sdelay $0x4  }
0x1ce: {  	[tilespmem:v52+s24+$0x0] =	vst.idx.msk $0xffff, v33  }
0x1cf: {  	v53 =	vadd.s32 v23, v35;
	v33 =	vld [tilespmem:s31+$0x60];
	_ =	sdelay $0x4  }
0x1d0: {  	[tilespmem:v53+s24+$0x0] =	vst.idx.msk $0xffff, v33  }
0x1d1: {  	s8 =	simm.s32 $0x6;
	v54 =	vadd.s32 v24, v35;
	v33 =	vld [tilespmem:s31+$0x70]  }
0x1d2: {  	v55 =	vmov s8  }
0x1d3: {  	v35 =	vshrl.u32 v55, $0x3  }
0x1d4: {  	v35 =	vshll.u32 v35, v1  }
0x1d5: {  	v35 =	vbroadcast v35, $0x0  }
0x1d6: {  	[tilespmem:v54+s24+$0x0] =	vst.idx.msk $0xffff, v33  }
0x1d7: {  	v56 =	vadd.s32 v25, v35;
	v33 =	vld [tilespmem:s31+$0x80];
	_ =	sdelay $0x4  }
0x1d8: {  	[tilespmem:v56+s24+$0x0] =	vst.idx.msk $0xffff, v33  }
0x1d9: {  	v57 =	vadd.s32 v26, v35;
	v33 =	vld [tilespmem:s31+$0x90];
	_ =	sdelay $0x4  }
0x1da: {  	[tilespmem:v57+s24+$0x0] =	vst.idx.msk $0xffff, v33  }
0x1db: {  	v58 =	vadd.s32 v27, v35;
	v33 =	vld [tilespmem:s31+$0xA0];
	_ =	sdelay $0x4  }
0x1dc: {  	[tilespmem:v58+s24+$0x0] =	vst.idx.msk $0xffff, v33  }
0x1dd: {  	s10 =	simm.s32 $0x7;
	v59 =	vadd.s32 v28, v35;
	v33 =	vld [tilespmem:s31+$0xB0]  }
0x1de: {  	v60 =	vmov s10  }
0x1df: {  	v35 =	vshrl.u32 v60, $0x3  }
0x1e0: {  	v35 =	vshll.u32 v35, v1  }
0x1e1: {  	v35 =	vbroadcast v35, $0x0  }
0x1e2: {  	[tilespmem:v59+s24+$0x0] =	vst.idx.msk $0xffff, v33  }
0x1e3: {  	v61 =	vadd.s32 v29, v35;
	v33 =	vld [tilespmem:s31+$0xC0];
	_ =	sdelay $0x4  }
0x1e4: {  	[tilespmem:v61+s24+$0x0] =	vst.idx.msk $0xffff, v33  }
0x1e5: {  	v62 =	vadd.s32 v30, v35;
	v33 =	vld [tilespmem:s31+$0xD0];
	_ =	sdelay $0x4  }
0x1e6: {  	[tilespmem:v62+s24+$0x0] =	vst.idx.msk $0xffff, v33  }
0x1e7: {  	v63 =	vadd.s32 v31, v35;
	v33 =	vld [tilespmem:s31+$0xE0];
	_ =	sdelay $0x4  }
0x1e8: {  	[tilespmem:v63+s24+$0x0] =	vst.idx.msk $0xffff, v33  }
0x1e9: {  	s0 =	simm.s32 $0x8;
	v34 =	vadd.s32 v32, v35;
	v33 =	vld [tilespmem:s31+$0xF0]  }
0x1ea: {  	s2 =	simm.s32 $0x10;
	v35 =	vmov s0  }
.LBB2_11:
0x1eb: {  	p0 =	slt.u32 s2, $0x78;
	v35 =	vshrl.u32 v35, $0x3  }
0x1ec: {  	v35 =	vshll.u32 v35, v1  }
0x1ed: {  	v35 =	vbroadcast v35, $0x0  }
0x1ee: {  	s31 =	sadd.s32 $0x200, s31;
	[tilespmem:v34+s24+$0x0] =	vst.idx.msk $0xffff, v33  }
0x1ef: {  	v33 =	vld [tilespmem:s31+$0xFFFFFF00];
	v34 =	vadd.s32 v0, v35;
	_ =	sdelay $0x4  }
0x1f0: {  	[tilespmem:v34+s24+$0x0] =	vst.idx.msk $0xffff, v33  }
0x1f1: {  	v34 =	vadd.s32 v2, v35;
	v33 =	vld [tilespmem:s31+$0xFFFFFF10];
	_ =	sdelay $0x4  }
0x1f2: {  	[tilespmem:v34+s24+$0x0] =	vst.idx.msk $0xffff, v33  }
0x1f3: {  	v34 =	vadd.s32 v3, v35;
	v33 =	vld [tilespmem:s31+$0xFFFFFF20];
	_ =	sdelay $0x4  }
0x1f4: {  	[tilespmem:v34+s24+$0x0] =	vst.idx.msk $0xffff, v33  }
0x1f5: {  	s5 =	sadd.s32 $0x1, s0;
	v34 =	vadd.s32 v4, v35;
	v33 =	vld [tilespmem:s31+$0xFFFFFF30]  }
0x1f6: {  	v35 =	vmov s5  }
0x1f7: {  	v35 =	vshrl.u32 v35, $0x3  }
0x1f8: {  	v35 =	vshll.u32 v35, v1  }
0x1f9: {  	v35 =	vbroadcast v35, $0x0  }
0x1fa: {  	[tilespmem:v34+s24+$0x0] =	vst.idx.msk $0xffff, v33  }
0x1fb: {  	v34 =	vadd.s32 v5, v35;
	v33 =	vld [tilespmem:s31+$0xFFFFFF40];
	_ =	sdelay $0x4  }
0x1fc: {  	[tilespmem:v34+s24+$0x0] =	vst.idx.msk $0xffff, v33  }
0x1fd: {  	v34 =	vadd.s32 v6, v35;
	v33 =	vld [tilespmem:s31+$0xFFFFFF50];
	_ =	sdelay $0x4  }
0x1fe: {  	[tilespmem:v34+s24+$0x0] =	vst.idx.msk $0xffff, v33  }
0x1ff: {  	v34 =	vadd.s32 v7, v35;
	v33 =	vld [tilespmem:s31+$0xFFFFFF60];
	_ =	sdelay $0x4  }
0x200: {  	[tilespmem:v34+s24+$0x0] =	vst.idx.msk $0xffff, v33  }
0x201: {  	s5 =	sadd.s32 $0x2, s0;
	v34 =	vadd.s32 v8, v35;
	v33 =	vld [tilespmem:s31+$0xFFFFFF70]  }
0x202: {  	v35 =	vmov s5  }
0x203: {  	v35 =	vshrl.u32 v35, $0x3  }
0x204: {  	v35 =	vshll.u32 v35, v1  }
0x205: {  	v35 =	vbroadcast v35, $0x0  }
0x206: {  	[tilespmem:v34+s24+$0x0] =	vst.idx.msk $0xffff, v33  }
0x207: {  	v34 =	vadd.s32 v9, v35;
	v33 =	vld [tilespmem:s31+$0xFFFFFF80];
	_ =	sdelay $0x4  }
0x208: {  	[tilespmem:v34+s24+$0x0] =	vst.idx.msk $0xffff, v33  }
0x209: {  	v34 =	vadd.s32 v10, v35;
	v33 =	vld [tilespmem:s31+$0xFFFFFF90];
	_ =	sdelay $0x4  }
0x20a: {  	[tilespmem:v34+s24+$0x0] =	vst.idx.msk $0xffff, v33  }
0x20b: {  	v34 =	vadd.s32 v11, v35;
	v33 =	vld [tilespmem:s31+$0xFFFFFFA0];
	_ =	sdelay $0x4  }
0x20c: {  	[tilespmem:v34+s24+$0x0] =	vst.idx.msk $0xffff, v33  }
0x20d: {  	s5 =	sadd.s32 $0x3, s0;
	v34 =	vadd.s32 v12, v35;
	v33 =	vld [tilespmem:s31+$0xFFFFFFB0]  }
0x20e: {  	v35 =	vmov s5  }
0x20f: {  	v35 =	vshrl.u32 v35, $0x3  }
0x210: {  	v35 =	vshll.u32 v35, v1  }
0x211: {  	v35 =	vbroadcast v35, $0x0  }
0x212: {  	[tilespmem:v34+s24+$0x0] =	vst.idx.msk $0xffff, v33  }
0x213: {  	v34 =	vadd.s32 v13, v35;
	v33 =	vld [tilespmem:s31+$0xFFFFFFC0];
	_ =	sdelay $0x4  }
0x214: {  	[tilespmem:v34+s24+$0x0] =	vst.idx.msk $0xffff, v33  }
0x215: {  	v34 =	vadd.s32 v14, v35;
	v33 =	vld [tilespmem:s31+$0xFFFFFFD0];
	_ =	sdelay $0x4  }
0x216: {  	[tilespmem:v34+s24+$0x0] =	vst.idx.msk $0xffff, v33  }
0x217: {  	v34 =	vadd.s32 v15, v35;
	v33 =	vld [tilespmem:s31+$0xFFFFFFE0];
	_ =	sdelay $0x4  }
0x218: {  	[tilespmem:v34+s24+$0x0] =	vst.idx.msk $0xffff, v33  }
0x219: {  	s5 =	sadd.s32 $0x4, s0;
	v34 =	vadd.s32 v16, v35;
	v33 =	vld [tilespmem:s31+$0xFFFFFFF0]  }
0x21a: {  	v35 =	vmov s5  }
0x21b: {  	v35 =	vshrl.u32 v35, $0x3  }
0x21c: {  	v35 =	vshll.u32 v35, v1  }
0x21d: {  	v35 =	vbroadcast v35, $0x0  }
0x21e: {  	[tilespmem:v34+s24+$0x0] =	vst.idx.msk $0xffff, v33  }
0x21f: {  	v34 =	vadd.s32 v17, v35;
	v33 =	vld [tilespmem:s31+$0x0];
	_ =	sdelay $0x4  }
0x220: {  	[tilespmem:v34+s24+$0x0] =	vst.idx.msk $0xffff, v33  }
0x221: {  	v34 =	vadd.s32 v18, v35;
	v33 =	vld [tilespmem:s31+$0x10];
	_ =	sdelay $0x4  }
0x222: {  	[tilespmem:v34+s24+$0x0] =	vst.idx.msk $0xffff, v33  }
0x223: {  	v34 =	vadd.s32 v19, v35;
	v33 =	vld [tilespmem:s31+$0x20];
	_ =	sdelay $0x4  }
0x224: {  	[tilespmem:v34+s24+$0x0] =	vst.idx.msk $0xffff, v33  }
0x225: {  	s5 =	sadd.s32 $0x5, s0;
	v34 =	vadd.s32 v20, v35;
	v33 =	vld [tilespmem:s31+$0x30]  }
0x226: {  	v35 =	vmov s5  }
0x227: {  	v35 =	vshrl.u32 v35, $0x3  }
0x228: {  	v35 =	vshll.u32 v35, v1  }
0x229: {  	v35 =	vbroadcast v35, $0x0  }
0x22a: {  	[tilespmem:v34+s24+$0x0] =	vst.idx.msk $0xffff, v33  }
0x22b: {  	v34 =	vadd.s32 v21, v35;
	v33 =	vld [tilespmem:s31+$0x40];
	_ =	sdelay $0x4  }
0x22c: {  	[tilespmem:v34+s24+$0x0] =	vst.idx.msk $0xffff, v33  }
0x22d: {  	v34 =	vadd.s32 v22, v35;
	v33 =	vld [tilespmem:s31+$0x50];
	_ =	sdelay $0x4  }
0x22e: {  	[tilespmem:v34+s24+$0x0] =	vst.idx.msk $0xffff, v33  }
0x22f: {  	v34 =	vadd.s32 v23, v35;
	v33 =	vld [tilespmem:s31+$0x60];
	_ =	sdelay $0x4  }
0x230: {  	[tilespmem:v34+s24+$0x0] =	vst.idx.msk $0xffff, v33  }
0x231: {  	s5 =	sadd.s32 $0x6, s0;
	v34 =	vadd.s32 v24, v35;
	v33 =	vld [tilespmem:s31+$0x70]  }
0x232: {  	v35 =	vmov s5  }
0x233: {  	v35 =	vshrl.u32 v35, $0x3  }
0x234: {  	v35 =	vshll.u32 v35, v1  }
0x235: {  	v35 =	vbroadcast v35, $0x0  }
0x236: {  	[tilespmem:v34+s24+$0x0] =	vst.idx.msk $0xffff, v33  }
0x237: {  	v34 =	vadd.s32 v25, v35;
	v33 =	vld [tilespmem:s31+$0x80];
	_ =	sdelay $0x4  }
0x238: {  	[tilespmem:v34+s24+$0x0] =	vst.idx.msk $0xffff, v33  }
0x239: {  	v34 =	vadd.s32 v26, v35;
	v33 =	vld [tilespmem:s31+$0x90];
	_ =	sdelay $0x4  }
0x23a: {  	[tilespmem:v34+s24+$0x0] =	vst.idx.msk $0xffff, v33  }
0x23b: {  	v34 =	vadd.s32 v27, v35;
	v33 =	vld [tilespmem:s31+$0xA0];
	_ =	sdelay $0x4  }
0x23c: {  	[tilespmem:v34+s24+$0x0] =	vst.idx.msk $0xffff, v33  }
0x23d: {  	s5 =	sadd.s32 $0x7, s0;
	s0 =	smov.u32 s2;
	v34 =	vadd.s32 v28, v35;
	v33 =	vld [tilespmem:s31+$0xB0]  }
0x23e: {  	v35 =	vmov s5  }
0x23f: {  	v35 =	vshrl.u32 v35, $0x3  }
0x240: {  	v35 =	vshll.u32 v35, v1  }
0x241: {  	v35 =	vbroadcast v35, $0x0  }
0x242: {  	[tilespmem:v34+s24+$0x0] =	vst.idx.msk $0xffff, v33  }
0x243: {  	v34 =	vadd.s32 v29, v35;
	v33 =	vld [tilespmem:s31+$0xC0];
	_ =	sdelay $0x4  }
0x244: {  	[tilespmem:v34+s24+$0x0] =	vst.idx.msk $0xffff, v33  }
0x245: {  	v34 =	vadd.s32 v30, v35;
	v33 =	vld [tilespmem:s31+$0xD0];
	_ =	sdelay $0x4  }
0x246: {  	[tilespmem:v34+s24+$0x0] =	vst.idx.msk $0xffff, v33  }
0x247: {  	v34 =	vadd.s32 v31, v35;
	v33 =	vld [tilespmem:s31+$0xE0];
	_ =	sdelay $0x2  }
.Ltmp7:
0x248: {  	(pc) =	sbr.rel @p0 .LBB2_11-.Ltmp7, $4  }
0x249: {  	_ = 	snop  }
0x24a: {  	[tilespmem:v34+s24+$0x0] =	vst.idx.msk $0xffff, v33  }
0x24b: {  	v34 =	vadd.s32 v32, v35;
	v33 =	vld [tilespmem:s31+$0xF0]  }
0x24c: {  	s2 =	sadd.s32 $0x8, s2;
	v35 =	vmov s0  }
0x24d: {  	_ = 	snop  }
0x24e: {  	v35 =	vshrl.u32 v35, $0x3  }
0x24f: {  	v35 =	vshll.u32 v35, v1  }
0x250: {  	v35 =	vbroadcast v35, $0x0  }
0x251: {  	s2 =	sadd.s32 $0x200, s31;
	[tilespmem:v34+s24+$0x0] =	vst.idx.msk $0xffff, v33  }
0x252: {  	v33 =	vld [tilespmem:s2+$0xFFFFFF00];
	v53 =	vadd.s32 v0, v35;
	_ =	sdelay $0x4  }
0x253: {  	[tilespmem:v53+s24+$0x0] =	vst.idx.msk $0xffff, v33  }
0x254: {  	v54 =	vadd.s32 v2, v35;
	v33 =	vld [tilespmem:s2+$0xFFFFFF10];
	_ =	sdelay $0x4  }
0x255: {  	[tilespmem:v54+s24+$0x0] =	vst.idx.msk $0xffff, v33  }
0x256: {  	v55 =	vadd.s32 v3, v35;
	v33 =	vld [tilespmem:s2+$0xFFFFFF20];
	_ =	sdelay $0x4  }
0x257: {  	[tilespmem:v55+s24+$0x0] =	vst.idx.msk $0xffff, v33  }
0x258: {  	s5 =	sadd.s32 $0x1, s0;
	v56 =	vadd.s32 v4, v35;
	v33 =	vld [tilespmem:s2+$0xFFFFFF30]  }
0x259: {  	v57 =	vmov s5  }
0x25a: {  	v35 =	vshrl.u32 v57, $0x3  }
0x25b: {  	v35 =	vshll.u32 v35, v1  }
0x25c: {  	v35 =	vbroadcast v35, $0x0  }
0x25d: {  	[tilespmem:v56+s24+$0x0] =	vst.idx.msk $0xffff, v33  }
0x25e: {  	v58 =	vadd.s32 v5, v35;
	v33 =	vld [tilespmem:s2+$0xFFFFFF40];
	_ =	sdelay $0x4  }
0x25f: {  	[tilespmem:v58+s24+$0x0] =	vst.idx.msk $0xffff, v33  }
0x260: {  	v59 =	vadd.s32 v6, v35;
	v33 =	vld [tilespmem:s2+$0xFFFFFF50];
	_ =	sdelay $0x4  }
0x261: {  	[tilespmem:v59+s24+$0x0] =	vst.idx.msk $0xffff, v33  }
0x262: {  	v60 =	vadd.s32 v7, v35;
	v33 =	vld [tilespmem:s2+$0xFFFFFF60];
	_ =	sdelay $0x4  }
0x263: {  	[tilespmem:v60+s24+$0x0] =	vst.idx.msk $0xffff, v33  }
0x264: {  	s31 =	sadd.s32 $0x2, s0;
	v61 =	vadd.s32 v8, v35;
	v33 =	vld [tilespmem:s2+$0xFFFFFF70]  }
0x265: {  	v62 =	vmov s31  }
0x266: {  	v35 =	vshrl.u32 v62, $0x3  }
0x267: {  	v35 =	vshll.u32 v35, v1  }
0x268: {  	v35 =	vbroadcast v35, $0x0  }
0x269: {  	[tilespmem:v61+s24+$0x0] =	vst.idx.msk $0xffff, v33  }
0x26a: {  	v63 =	vadd.s32 v9, v35;
	v33 =	vld [tilespmem:s2+$0xFFFFFF80];
	_ =	sdelay $0x4  }
0x26b: {  	[tilespmem:v63+s24+$0x0] =	vst.idx.msk $0xffff, v33  }
0x26c: {  	v36 =	vadd.s32 v10, v35;
	v33 =	vld [tilespmem:s2+$0xFFFFFF90];
	_ =	sdelay $0x4  }
0x26d: {  	[tilespmem:v36+s24+$0x0] =	vst.idx.msk $0xffff, v33  }
0x26e: {  	v37 =	vadd.s32 v11, v35;
	v33 =	vld [tilespmem:s2+$0xFFFFFFA0];
	_ =	sdelay $0x4  }
0x26f: {  	[tilespmem:v37+s24+$0x0] =	vst.idx.msk $0xffff, v33  }
0x270: {  	s8 =	sadd.s32 $0x3, s0;
	v38 =	vadd.s32 v12, v35;
	v33 =	vld [tilespmem:s2+$0xFFFFFFB0]  }
0x271: {  	v39 =	vmov s8  }
0x272: {  	v35 =	vshrl.u32 v39, $0x3  }
0x273: {  	v35 =	vshll.u32 v35, v1  }
0x274: {  	v35 =	vbroadcast v35, $0x0  }
0x275: {  	[tilespmem:v38+s24+$0x0] =	vst.idx.msk $0xffff, v33  }
0x276: {  	v40 =	vadd.s32 v13, v35;
	v33 =	vld [tilespmem:s2+$0xFFFFFFC0];
	_ =	sdelay $0x4  }
0x277: {  	[tilespmem:v40+s24+$0x0] =	vst.idx.msk $0xffff, v33  }
0x278: {  	v41 =	vadd.s32 v14, v35;
	v33 =	vld [tilespmem:s2+$0xFFFFFFD0];
	_ =	sdelay $0x4  }
0x279: {  	[tilespmem:v41+s24+$0x0] =	vst.idx.msk $0xffff, v33  }
0x27a: {  	v42 =	vadd.s32 v15, v35;
	v33 =	vld [tilespmem:s2+$0xFFFFFFE0];
	_ =	sdelay $0x4  }
0x27b: {  	[tilespmem:v42+s24+$0x0] =	vst.idx.msk $0xffff, v33  }
0x27c: {  	s10 =	sadd.s32 $0x4, s0;
	v43 =	vadd.s32 v16, v35;
	v33 =	vld [tilespmem:s2+$0xFFFFFFF0]  }
0x27d: {  	v44 =	vmov s10  }
0x27e: {  	v35 =	vshrl.u32 v44, $0x3  }
0x27f: {  	v35 =	vshll.u32 v35, v1  }
0x280: {  	v35 =	vbroadcast v35, $0x0  }
0x281: {  	[tilespmem:v43+s24+$0x0] =	vst.idx.msk $0xffff, v33  }
0x282: {  	v45 =	vadd.s32 v17, v35;
	v33 =	vld [tilespmem:s2+$0x0];
	_ =	sdelay $0x4  }
0x283: {  	[tilespmem:v45+s24+$0x0] =	vst.idx.msk $0xffff, v33  }
0x284: {  	v46 =	vadd.s32 v18, v35;
	v33 =	vld [tilespmem:s2+$0x10];
	_ =	sdelay $0x4  }
0x285: {  	[tilespmem:v46+s24+$0x0] =	vst.idx.msk $0xffff, v33  }
0x286: {  	v47 =	vadd.s32 v19, v35;
	v33 =	vld [tilespmem:s2+$0x20];
	_ =	sdelay $0x4  }
0x287: {  	[tilespmem:v47+s24+$0x0] =	vst.idx.msk $0xffff, v33  }
0x288: {  	s31 =	sadd.s32 $0x5, s0;
	v48 =	vadd.s32 v20, v35;
	v33 =	vld [tilespmem:s2+$0x30]  }
0x289: {  	v49 =	vmov s31  }
0x28a: {  	v35 =	vshrl.u32 v49, $0x3  }
0x28b: {  	v35 =	vshll.u32 v35, v1  }
0x28c: {  	v35 =	vbroadcast v35, $0x0  }
0x28d: {  	[tilespmem:v48+s24+$0x0] =	vst.idx.msk $0xffff, v33  }
0x28e: {  	v50 =	vadd.s32 v21, v35;
	v33 =	vld [tilespmem:s2+$0x40];
	_ =	sdelay $0x4  }
0x28f: {  	[tilespmem:v50+s24+$0x0] =	vst.idx.msk $0xffff, v33  }
0x290: {  	v51 =	vadd.s32 v22, v35;
	v33 =	vld [tilespmem:s2+$0x50];
	_ =	sdelay $0x4  }
0x291: {  	[tilespmem:v51+s24+$0x0] =	vst.idx.msk $0xffff, v33  }
0x292: {  	v52 =	vadd.s32 v23, v35;
	v33 =	vld [tilespmem:s2+$0x60];
	_ =	sdelay $0x4  }
0x293: {  	[tilespmem:v52+s24+$0x0] =	vst.idx.msk $0xffff, v33  }
0x294: {  	s8 =	sadd.s32 $0x6, s0;
	v53 =	vadd.s32 v24, v35;
	v33 =	vld [tilespmem:s2+$0x70]  }
0x295: {  	v54 =	vmov s8  }
0x296: {  	v35 =	vshrl.u32 v54, $0x3  }
0x297: {  	v35 =	vshll.u32 v35, v1  }
0x298: {  	v35 =	vbroadcast v35, $0x0  }
0x299: {  	[tilespmem:v53+s24+$0x0] =	vst.idx.msk $0xffff, v33  }
0x29a: {  	v55 =	vadd.s32 v25, v35;
	v33 =	vld [tilespmem:s2+$0x80];
	_ =	sdelay $0x4  }
0x29b: {  	[tilespmem:v55+s24+$0x0] =	vst.idx.msk $0xffff, v33  }
0x29c: {  	v56 =	vadd.s32 v26, v35;
	v33 =	vld [tilespmem:s2+$0x90];
	_ =	sdelay $0x4  }
0x29d: {  	[tilespmem:v56+s24+$0x0] =	vst.idx.msk $0xffff, v33  }
0x29e: {  	v57 =	vadd.s32 v27, v35;
	v33 =	vld [tilespmem:s2+$0xA0];
	_ =	sdelay $0x4  }
0x29f: {  	[tilespmem:v57+s24+$0x0] =	vst.idx.msk $0xffff, v33  }
0x2a0: {  	s10 =	sadd.s32 $0x7, s0;
	v58 =	vadd.s32 v28, v35;
	v33 =	vld [tilespmem:s2+$0xB0]  }
0x2a1: {  	v59 =	vmov s10  }
0x2a2: {  	v35 =	vshrl.u32 v59, $0x3  }
0x2a3: {  	v35 =	vshll.u32 v35, v1  }
0x2a4: {  	v35 =	vbroadcast v35, $0x0  }
0x2a5: {  	[tilespmem:v58+s24+$0x0] =	vst.idx.msk $0xffff, v33  }
0x2a6: {  	v60 =	vadd.s32 v29, v35;
	v33 =	vld [tilespmem:s2+$0xC0];
	_ =	sdelay $0x4  }
0x2a7: {  	[tilespmem:v60+s24+$0x0] =	vst.idx.msk $0xffff, v33  }
0x2a8: {  	v61 =	vadd.s32 v30, v35;
	v33 =	vld [tilespmem:s2+$0xD0];
	_ =	sdelay $0x4  }
0x2a9: {  	[tilespmem:v61+s24+$0x0] =	vst.idx.msk $0xffff, v33  }
0x2aa: {  	v62 =	vadd.s32 v31, v35;
	v33 =	vld [tilespmem:s2+$0xE0];
	_ =	sdelay $0x4  }
0x2ab: {  	[tilespmem:v62+s24+$0x0] =	vst.idx.msk $0xffff, v33  }
0x2ac: {  	v63 =	vadd.s32 v32, v35;
	v33 =	vld [tilespmem:s2+$0xF0];
	_ =	sdelay $0x4  }
0x2ad: {  	s31 =	simm.s32 $0x7B00;
	s2 =	sadd.s32 s30, s7;
	[tilespmem:v63+s24+$0x0] =	vst.idx.msk $0xffff, v33  }
0x2ae: {  	[hbm4b:s2+s3] =	stream.linear.scatter [tilespmem:s31], [sflag:$0x4], $0x80, $0x38;
	[tilespmem:$0x9D00] =	vst v63  }
0x2af: {  	s5 =	simm.s32 $0x7B88;
	s8 =	sadd.s32 $0x10, s2  }
0x2b0: {  	[hbm4b:s8+s3] =	stream.linear.scatter [tilespmem:s5], [sflag:$0x4], $0x80, $0x38;
	[tilespmem:$0x9D00] =	vst v63  }
0x2b1: {  	s0 =	simm.s32 $0x440;
	s10 =	simm.s32 $0x7C10;
	s31 =	sadd.s32 $0x20, s2  }
0x2b2: {  	[hbm4b:s31+s3] =	stream.linear.scatter [tilespmem:s10], [sflag:$0x4], $0x80, $0x38;
	[tilespmem:$0x9D00] =	vst v63  }
0x2b3: {  	s30 =	simm.s32 $0x7EB8;
	s5 =	simm.s32 $0x7C98;
	s8 =	sadd.s32 $0x30, s2  }
0x2b4: {  	[hbm4b:s8+s3] =	stream.linear.scatter [tilespmem:s5], [sflag:$0x4], $0x80, $0x38;
	[tilespmem:$0x9D00] =	vst v63  }
0x2b5: {  	s10 =	simm.s32 $0x7D20;
	s31 =	sadd.s32 $0x40, s2;
	s5 =	simm.s32 $0x7DA8  }
0x2b6: {  	[hbm4b:s31+s3] =	stream.linear.scatter [tilespmem:s10], [sflag:$0x4], $0x80, $0x38;
	[tilespmem:$0x9D00] =	vst v63  }
0x2b7: {  	s8 =	sadd.s32 $0x50, s2;
	s10 =	simm.s32 $0x7E30;
	s31 =	sadd.s32 $0x60, s2  }
0x2b8: {  	[hbm4b:s8+s3] =	stream.linear.scatter [tilespmem:s5], [sflag:$0x4], $0x80, $0x38;
	[tilespmem:$0x9D00] =	vst v63  }
0x2b9: {  	s5 =	simm.s32 $0x2200;
	s8 =	sadd.s32 $0x70, s2;
	s2 =	sadd.s32 $0x4000, s2  }
0x2ba: {  	[hbm4b:s31+s3] =	stream.linear.scatter [tilespmem:s10], [sflag:$0x4], $0x80, $0x38;
	[tilespmem:$0x9D00] =	vst v63  }
.LBB2_13:
0x2bb: {  	[hbm4b:s8+s3] =	stream.linear.scatter [tilespmem:s30], [sflag:$0x4], $0x80, $0x38;
	[tilespmem:$0x9D00] =	vst v63  }
0x2bc: {  	s8 =	smov.u32 s0;
	s0 =	smov.u32 s5  }
0x2bd: {  	s10 =	sadd.s32 $0x1100, s5;
	s0 =	sshra.s32 s0, $0x2;
	s30 =	sadd.s32 $0x7B00, s8  }
0x2be: {  	[hbm4b:s2+s3] =	stream.linear.scatter [tilespmem:s30], [sflag:$0x4], $0x80, $0x38;
	[tilespmem:$0x9D00] =	vst v63  }
0x2bf: {  	p0 =	sne.s32 s5, $0x7700;
	s5 =	sadd.s32 $0x7B88, s8;
	s30 =	sadd.s32 $0x10, s2  }
0x2c0: {  	[hbm4b:s30+s3] =	stream.linear.scatter [tilespmem:s5], [sflag:$0x4], $0x80, $0x38;
	[tilespmem:$0x9D00] =	vst v63  }
0x2c1: {  	s5 =	sadd.s32 $0x7C10, s8;
	s30 =	sadd.s32 $0x20, s2  }
0x2c2: {  	[hbm4b:s30+s3] =	stream.linear.scatter [tilespmem:s5], [sflag:$0x4], $0x80, $0x38;
	[tilespmem:$0x9D00] =	vst v63  }
0x2c3: {  	s5 =	sadd.s32 $0x7C98, s8;
	s30 =	sadd.s32 $0x30, s2  }
0x2c4: {  	[hbm4b:s30+s3] =	stream.linear.scatter [tilespmem:s5], [sflag:$0x4], $0x80, $0x38;
	[tilespmem:$0x9D00] =	vst v63  }
0x2c5: {  	s5 =	sadd.s32 $0x7D20, s8;
	s30 =	sadd.s32 $0x40, s2  }
0x2c6: {  	[hbm4b:s30+s3] =	stream.linear.scatter [tilespmem:s5], [sflag:$0x4], $0x80, $0x38;
	[tilespmem:$0x9D00] =	vst v63  }
0x2c7: {  	s5 =	sadd.s32 $0x7DA8, s8;
	s30 =	sadd.s32 $0x50, s2  }
0x2c8: {  	[hbm4b:s30+s3] =	stream.linear.scatter [tilespmem:s5], [sflag:$0x4], $0x80, $0x38;
	[tilespmem:$0x9D00] =	vst v63  }
.Ltmp8:
0x2c9: {  	_ = 	snop;
	(pc) =	sbr.rel @p0 .LBB2_13-.Ltmp8, $4  }
0x2ca: {  	s5 =	sadd.s32 $0x7E30, s8;
	s30 =	sadd.s32 $0x60, s2  }
0x2cb: {  	[hbm4b:s30+s3] =	stream.linear.scatter [tilespmem:s5], [sflag:$0x4], $0x80, $0x38;
	[tilespmem:$0x9D00] =	vst v63  }
0x2cc: {  	s30 =	sadd.s32 $0x7EB8, s8  }
0x2cd: {  	s8 =	sadd.s32 $0x70, s2;
	s2 =	sadd.s32 $0x4000, s2;
	s5 =	smov.u32 s10  }
0x2ce: {  	[hbm4b:s8+s3] =	stream.linear.scatter [tilespmem:s30], [sflag:$0x4], $0x80, $0x38;
	[tilespmem:$0x9D00] =	vst v63  }
0x2cf: {  	s5 =	sadd.s32 $0x7B00, s0  }
0x2d0: {  	[hbm4b:s2+s3] =	stream.linear.scatter [tilespmem:s5], [sflag:$0x4], $0x80, $0x38;
	[tilespmem:$0x9D00] =	vst v63  }
0x2d1: {  	s30 =	sadd.s32 $0x7B88, s0;
	s31 =	sadd.s32 $0x10, s2  }
0x2d2: {  	[hbm4b:s31+s3] =	stream.linear.scatter [tilespmem:s30], [sflag:$0x4], $0x80, $0x38;
	[tilespmem:$0x9D00] =	vst v63  }
0x2d3: {  	s8 =	sadd.s32 $0x7C10, s0;
	s10 =	sadd.s32 $0x20, s2  }
0x2d4: {  	[hbm4b:s10+s3] =	stream.linear.scatter [tilespmem:s8], [sflag:$0x4], $0x80, $0x38;
	[tilespmem:$0x9D00] =	vst v63  }
0x2d5: {  	s30 =	sadd.s32 $0x7C98, s0;
	s31 =	sadd.s32 $0x30, s2  }
0x2d6: {  	[hbm4b:s31+s3] =	stream.linear.scatter [tilespmem:s30], [sflag:$0x4], $0x80, $0x38;
	[tilespmem:$0x9D00] =	vst v63  }
0x2d7: {  	s8 =	sadd.s32 $0x7D20, s0;
	s10 =	sadd.s32 $0x40, s2  }
0x2d8: {  	[hbm4b:s10+s3] =	stream.linear.scatter [tilespmem:s8], [sflag:$0x4], $0x80, $0x38;
	[tilespmem:$0x9D00] =	vst v63  }
0x2d9: {  	p0 =	seq.s32 s28, $0x18;
	s30 =	sadd.s32 $0x7DA8, s0;
	s31 =	sadd.s32 $0x50, s2  }
0x2da: {  	[hbm4b:s31+s3] =	stream.linear.scatter [tilespmem:s30], [sflag:$0x4], $0x80, $0x38;
	[tilespmem:$0x9D00] =	vst v63  }
.Ltmp9:
0x2db: {  	_ = 	snop;
	(pc) =	sbr.rel @p0 .LBB2_16-.Ltmp9, $4  }
0x2dc: {  	s8 =	sadd.s32 $0x7E30, s0;
	s10 =	sadd.s32 $0x60, s2  }
0x2dd: {  	[hbm4b:s10+s3] =	stream.linear.scatter [tilespmem:s8], [sflag:$0x4], $0x80, $0x38;
	[tilespmem:$0x9D00] =	vst v63  }
0x2de: {  	s30 =	sadd.s32 $0x7EB8, s0;
	s31 =	sadd.s32 $0x70, s2  }
0x2df: {  	[hbm4b:s31+s3] =	stream.linear.scatter [tilespmem:s30], [sflag:$0x4], $0x80, $0x38;
	[tilespmem:$0x9D00] =	vst v63  }
.Ltmp10:
0x2e0: {  	(pc) =	sbr.rel .LBB2_2-.Ltmp10, $4  }
0x2e1: {  	_ = 	snop  }
0x2e2: {  	s0 =	sshrl.u32 s29, $0x2  }
0x2e3: {  	s28 =	sadd.s32 $0x1, s28;
	s0 =	sadd.s32 $0x180, s0  }
0x2e4: {  	[tilespmem:s19], [sflag:$0x2] =	stream.indirect.gather [hbm4b:s4+s15], $0x40, s0, s15, $0xb8;
	[tilespmem:$0x9D00] =	vst v63  }
.LBB2_16:
0x2e5: {  	s28 =	simm.s32 $0x0;
	s0 =	rddreg [dreg:$0x4]  }
0x2e6: {  	[tilespmem:s28], [sflag:$0x5] =	stream.strided.gather [hbm4b:s0+s15], $0x1900, s16, s15, $0x38;
	[tilespmem:$0x9D00] =	vst v63  }
0x2e7: {  	_ =	swait.ge [sflag:s17], $0x1900  }
0x2e8: {  	[sflag:s17] =	ssyncset.done $0x0  }
0x2e9: {  	[sflag:s17] =	ssyncadd.s32 $0xFFFFE700  }
0x2ea: {  	[tilespmem:s18], [sflag:$0x1] =	stream.indirect.gather [hbm4b:s4+s15], $0x40, s28, s15, $0xb8;
	[tilespmem:$0x9D00] =	vst v63  }
0x2eb: {  	s29 =	simm.s32 $0x0  }
0x2ec: {  	[tilespmem:s19], [sflag:$0x2] =	stream.indirect.gather [hbm4b:s4+s15], $0x40, s15, s15, $0xb8;
	[tilespmem:$0x9D00] =	vst v63  }
.LBB2_17:
0x2ed: {  	_ =	swait.ge [sflag:s20], $0x2000  }
0x2ee: {  	v33 =	vmov s28;
	[sflag:s20] =	ssyncset.done $0x0  }
0x2ef: {  	v33 =	vshrl.u32 v33, $0x3;
	[sflag:s20] =	ssyncadd.s32 $0xFFFFE000  }
0x2f0: {  	v33 =	vshll.u32 v33, v1;
	_ =	swait.ge [sflag:s25], $0x2000  }
0x2f1: {  	v33 =	vbroadcast v33, $0x0;
	[sflag:s25] =	ssyncset.done $0x0  }
0x2f2: {  	s30 =	simm.s32 $0x1A00;
	[sflag:s25] =	ssyncadd.s32 $0xFFFFE000  }
0x2f3: {  	v35 =	vadd.s32 v0, v33;
	v34 =	vld [tilespmem:s30+$0xFFFFFF00];
	_ =	sdelay $0x4  }
0x2f4: {  	[tilespmem:v35+s21+$0x0] =	vst.idx.msk $0xffff, v34  }
0x2f5: {  	v56 =	vadd.s32 v2, v33;
	v34 =	vld [tilespmem:s30+$0xFFFFFF10];
	_ =	sdelay $0x4  }
0x2f6: {  	[tilespmem:v56+s21+$0x0] =	vst.idx.msk $0xffff, v34  }
0x2f7: {  	v57 =	vadd.s32 v3, v33;
	v34 =	vld [tilespmem:s30+$0xFFFFFF20];
	_ =	sdelay $0x4  }
0x2f8: {  	[tilespmem:v57+s21+$0x0] =	vst.idx.msk $0xffff, v34  }
0x2f9: {  	s0 =	simm.s32 $0x1;
	v33 =	vadd.s32 v4, v33;
	v34 =	vld [tilespmem:s30+$0xFFFFFF30]  }
0x2fa: {  	v58 =	vmov s0  }
0x2fb: {  	v35 =	vshrl.u32 v58, $0x3  }
0x2fc: {  	v35 =	vshll.u32 v35, v1  }
0x2fd: {  	v35 =	vbroadcast v35, $0x0  }
0x2fe: {  	[tilespmem:v33+s21+$0x0] =	vst.idx.msk $0xffff, v34  }
0x2ff: {  	v59 =	vadd.s32 v5, v35;
	v33 =	vld [tilespmem:s30+$0xFFFFFF40];
	_ =	sdelay $0x4  }
0x300: {  	[tilespmem:v59+s21+$0x0] =	vst.idx.msk $0xffff, v33  }
0x301: {  	v60 =	vadd.s32 v6, v35;
	v33 =	vld [tilespmem:s30+$0xFFFFFF50];
	_ =	sdelay $0x4  }
0x302: {  	[tilespmem:v60+s21+$0x0] =	vst.idx.msk $0xffff, v33  }
0x303: {  	v61 =	vadd.s32 v7, v35;
	v33 =	vld [tilespmem:s30+$0xFFFFFF60];
	_ =	sdelay $0x4  }
0x304: {  	[tilespmem:v61+s21+$0x0] =	vst.idx.msk $0xffff, v33  }
0x305: {  	s31 =	simm.s32 $0x2;
	v62 =	vadd.s32 v8, v35;
	v33 =	vld [tilespmem:s30+$0xFFFFFF70]  }
0x306: {  	v63 =	vmov s31  }
0x307: {  	v35 =	vshrl.u32 v63, $0x3  }
0x308: {  	v35 =	vshll.u32 v35, v1  }
0x309: {  	v35 =	vbroadcast v35, $0x0  }
0x30a: {  	[tilespmem:v62+s21+$0x0] =	vst.idx.msk $0xffff, v33  }
0x30b: {  	v36 =	vadd.s32 v9, v35;
	v33 =	vld [tilespmem:s30+$0xFFFFFF80];
	_ =	sdelay $0x4  }
0x30c: {  	[tilespmem:v36+s21+$0x0] =	vst.idx.msk $0xffff, v33  }
0x30d: {  	v37 =	vadd.s32 v10, v35;
	v33 =	vld [tilespmem:s30+$0xFFFFFF90];
	_ =	sdelay $0x4  }
0x30e: {  	[tilespmem:v37+s21+$0x0] =	vst.idx.msk $0xffff, v33  }
0x30f: {  	v38 =	vadd.s32 v11, v35;
	v33 =	vld [tilespmem:s30+$0xFFFFFFA0];
	_ =	sdelay $0x4  }
0x310: {  	[tilespmem:v38+s21+$0x0] =	vst.idx.msk $0xffff, v33  }
0x311: {  	s2 =	simm.s32 $0x3;
	v39 =	vadd.s32 v12, v35;
	v33 =	vld [tilespmem:s30+$0xFFFFFFB0]  }
0x312: {  	v40 =	vmov s2  }
0x313: {  	v35 =	vshrl.u32 v40, $0x3  }
0x314: {  	v35 =	vshll.u32 v35, v1  }
0x315: {  	v35 =	vbroadcast v35, $0x0  }
0x316: {  	[tilespmem:v39+s21+$0x0] =	vst.idx.msk $0xffff, v33  }
0x317: {  	v41 =	vadd.s32 v13, v35;
	v33 =	vld [tilespmem:s30+$0xFFFFFFC0];
	_ =	sdelay $0x4  }
0x318: {  	[tilespmem:v41+s21+$0x0] =	vst.idx.msk $0xffff, v33  }
0x319: {  	v42 =	vadd.s32 v14, v35;
	v33 =	vld [tilespmem:s30+$0xFFFFFFD0];
	_ =	sdelay $0x4  }
0x31a: {  	[tilespmem:v42+s21+$0x0] =	vst.idx.msk $0xffff, v33  }
0x31b: {  	v43 =	vadd.s32 v15, v35;
	v33 =	vld [tilespmem:s30+$0xFFFFFFE0];
	_ =	sdelay $0x4  }
0x31c: {  	[tilespmem:v43+s21+$0x0] =	vst.idx.msk $0xffff, v33  }
0x31d: {  	s5 =	simm.s32 $0x4;
	v44 =	vadd.s32 v16, v35;
	v33 =	vld [tilespmem:s30+$0xFFFFFFF0]  }
0x31e: {  	v45 =	vmov s5  }
0x31f: {  	v35 =	vshrl.u32 v45, $0x3  }
0x320: {  	v35 =	vshll.u32 v35, v1  }
0x321: {  	v35 =	vbroadcast v35, $0x0  }
0x322: {  	[tilespmem:v44+s21+$0x0] =	vst.idx.msk $0xffff, v33  }
0x323: {  	v46 =	vadd.s32 v17, v35;
	v33 =	vld [tilespmem:s30+$0x0];
	_ =	sdelay $0x4  }
0x324: {  	[tilespmem:v46+s21+$0x0] =	vst.idx.msk $0xffff, v33  }
0x325: {  	v47 =	vadd.s32 v18, v35;
	v33 =	vld [tilespmem:s30+$0x10];
	_ =	sdelay $0x4  }
0x326: {  	[tilespmem:v47+s21+$0x0] =	vst.idx.msk $0xffff, v33  }
0x327: {  	v48 =	vadd.s32 v19, v35;
	v33 =	vld [tilespmem:s30+$0x20];
	_ =	sdelay $0x4  }
0x328: {  	[tilespmem:v48+s21+$0x0] =	vst.idx.msk $0xffff, v33  }
0x329: {  	s8 =	simm.s32 $0x5;
	v49 =	vadd.s32 v20, v35;
	v33 =	vld [tilespmem:s30+$0x30]  }
0x32a: {  	v50 =	vmov s8  }
0x32b: {  	v35 =	vshrl.u32 v50, $0x3  }
0x32c: {  	v35 =	vshll.u32 v35, v1  }
0x32d: {  	v35 =	vbroadcast v35, $0x0  }
0x32e: {  	[tilespmem:v49+s21+$0x0] =	vst.idx.msk $0xffff, v33  }
0x32f: {  	v51 =	vadd.s32 v21, v35;
	v33 =	vld [tilespmem:s30+$0x40];
	_ =	sdelay $0x4  }
0x330: {  	[tilespmem:v51+s21+$0x0] =	vst.idx.msk $0xffff, v33  }
0x331: {  	v52 =	vadd.s32 v22, v35;
	v33 =	vld [tilespmem:s30+$0x50];
	_ =	sdelay $0x4  }
0x332: {  	[tilespmem:v52+s21+$0x0] =	vst.idx.msk $0xffff, v33  }
0x333: {  	v53 =	vadd.s32 v23, v35;
	v33 =	vld [tilespmem:s30+$0x60];
	_ =	sdelay $0x4  }
0x334: {  	[tilespmem:v53+s21+$0x0] =	vst.idx.msk $0xffff, v33  }
0x335: {  	s10 =	simm.s32 $0x6;
	v54 =	vadd.s32 v24, v35;
	v33 =	vld [tilespmem:s30+$0x70]  }
0x336: {  	v55 =	vmov s10  }
0x337: {  	v35 =	vshrl.u32 v55, $0x3  }
0x338: {  	v35 =	vshll.u32 v35, v1  }
0x339: {  	v35 =	vbroadcast v35, $0x0  }
0x33a: {  	[tilespmem:v54+s21+$0x0] =	vst.idx.msk $0xffff, v33  }
0x33b: {  	v56 =	vadd.s32 v25, v35;
	v33 =	vld [tilespmem:s30+$0x80];
	_ =	sdelay $0x4  }
0x33c: {  	[tilespmem:v56+s21+$0x0] =	vst.idx.msk $0xffff, v33  }
0x33d: {  	v57 =	vadd.s32 v26, v35;
	v33 =	vld [tilespmem:s30+$0x90];
	_ =	sdelay $0x4  }
0x33e: {  	[tilespmem:v57+s21+$0x0] =	vst.idx.msk $0xffff, v33  }
0x33f: {  	v58 =	vadd.s32 v27, v35;
	v33 =	vld [tilespmem:s30+$0xA0];
	_ =	sdelay $0x4  }
0x340: {  	[tilespmem:v58+s21+$0x0] =	vst.idx.msk $0xffff, v33  }
0x341: {  	s31 =	simm.s32 $0x7;
	v59 =	vadd.s32 v28, v35;
	v33 =	vld [tilespmem:s30+$0xB0]  }
0x342: {  	v60 =	vmov s31  }
0x343: {  	v35 =	vshrl.u32 v60, $0x3  }
0x344: {  	v35 =	vshll.u32 v35, v1  }
0x345: {  	v35 =	vbroadcast v35, $0x0  }
0x346: {  	[tilespmem:v59+s21+$0x0] =	vst.idx.msk $0xffff, v33  }
0x347: {  	v61 =	vadd.s32 v29, v35;
	v33 =	vld [tilespmem:s30+$0xC0];
	_ =	sdelay $0x4  }
0x348: {  	[tilespmem:v61+s21+$0x0] =	vst.idx.msk $0xffff, v33  }
0x349: {  	v62 =	vadd.s32 v30, v35;
	v33 =	vld [tilespmem:s30+$0xD0];
	_ =	sdelay $0x4  }
0x34a: {  	[tilespmem:v62+s21+$0x0] =	vst.idx.msk $0xffff, v33  }
0x34b: {  	v63 =	vadd.s32 v31, v35;
	v33 =	vld [tilespmem:s30+$0xE0];
	_ =	sdelay $0x4  }
0x34c: {  	[tilespmem:v63+s21+$0x0] =	vst.idx.msk $0xffff, v33  }
0x34d: {  	s0 =	simm.s32 $0x8;
	v34 =	vadd.s32 v32, v35;
	v33 =	vld [tilespmem:s30+$0xF0]  }
0x34e: {  	s2 =	simm.s32 $0x10;
	v35 =	vmov s0  }
.LBB2_18:
0x34f: {  	p0 =	slt.u32 s2, $0x78;
	v35 =	vshrl.u32 v35, $0x3  }
0x350: {  	v35 =	vshll.u32 v35, v1  }
0x351: {  	v35 =	vbroadcast v35, $0x0  }
0x352: {  	s30 =	sadd.s32 $0x200, s30;
	[tilespmem:v34+s21+$0x0] =	vst.idx.msk $0xffff, v33  }
0x353: {  	v33 =	vld [tilespmem:s30+$0xFFFFFF00];
	v34 =	vadd.s32 v0, v35;
	_ =	sdelay $0x4  }
0x354: {  	[tilespmem:v34+s21+$0x0] =	vst.idx.msk $0xffff, v33  }
0x355: {  	v34 =	vadd.s32 v2, v35;
	v33 =	vld [tilespmem:s30+$0xFFFFFF10];
	_ =	sdelay $0x4  }
0x356: {  	[tilespmem:v34+s21+$0x0] =	vst.idx.msk $0xffff, v33  }
0x357: {  	v34 =	vadd.s32 v3, v35;
	v33 =	vld [tilespmem:s30+$0xFFFFFF20];
	_ =	sdelay $0x4  }
0x358: {  	[tilespmem:v34+s21+$0x0] =	vst.idx.msk $0xffff, v33  }
0x359: {  	s5 =	sadd.s32 $0x1, s0;
	v34 =	vadd.s32 v4, v35;
	v33 =	vld [tilespmem:s30+$0xFFFFFF30]  }
0x35a: {  	v35 =	vmov s5  }
0x35b: {  	v35 =	vshrl.u32 v35, $0x3  }
0x35c: {  	v35 =	vshll.u32 v35, v1  }
0x35d: {  	v35 =	vbroadcast v35, $0x0  }
0x35e: {  	[tilespmem:v34+s21+$0x0] =	vst.idx.msk $0xffff, v33  }
0x35f: {  	v34 =	vadd.s32 v5, v35;
	v33 =	vld [tilespmem:s30+$0xFFFFFF40];
	_ =	sdelay $0x4  }
0x360: {  	[tilespmem:v34+s21+$0x0] =	vst.idx.msk $0xffff, v33  }
0x361: {  	v34 =	vadd.s32 v6, v35;
	v33 =	vld [tilespmem:s30+$0xFFFFFF50];
	_ =	sdelay $0x4  }
0x362: {  	[tilespmem:v34+s21+$0x0] =	vst.idx.msk $0xffff, v33  }
0x363: {  	v34 =	vadd.s32 v7, v35;
	v33 =	vld [tilespmem:s30+$0xFFFFFF60];
	_ =	sdelay $0x4  }
0x364: {  	[tilespmem:v34+s21+$0x0] =	vst.idx.msk $0xffff, v33  }
0x365: {  	s5 =	sadd.s32 $0x2, s0;
	v34 =	vadd.s32 v8, v35;
	v33 =	vld [tilespmem:s30+$0xFFFFFF70]  }
0x366: {  	v35 =	vmov s5  }
0x367: {  	v35 =	vshrl.u32 v35, $0x3  }
0x368: {  	v35 =	vshll.u32 v35, v1  }
0x369: {  	v35 =	vbroadcast v35, $0x0  }
0x36a: {  	[tilespmem:v34+s21+$0x0] =	vst.idx.msk $0xffff, v33  }
0x36b: {  	v34 =	vadd.s32 v9, v35;
	v33 =	vld [tilespmem:s30+$0xFFFFFF80];
	_ =	sdelay $0x4  }
0x36c: {  	[tilespmem:v34+s21+$0x0] =	vst.idx.msk $0xffff, v33  }
0x36d: {  	v34 =	vadd.s32 v10, v35;
	v33 =	vld [tilespmem:s30+$0xFFFFFF90];
	_ =	sdelay $0x4  }
0x36e: {  	[tilespmem:v34+s21+$0x0] =	vst.idx.msk $0xffff, v33  }
0x36f: {  	v34 =	vadd.s32 v11, v35;
	v33 =	vld [tilespmem:s30+$0xFFFFFFA0];
	_ =	sdelay $0x4  }
0x370: {  	[tilespmem:v34+s21+$0x0] =	vst.idx.msk $0xffff, v33  }
0x371: {  	s5 =	sadd.s32 $0x3, s0;
	v34 =	vadd.s32 v12, v35;
	v33 =	vld [tilespmem:s30+$0xFFFFFFB0]  }
0x372: {  	v35 =	vmov s5  }
0x373: {  	v35 =	vshrl.u32 v35, $0x3  }
0x374: {  	v35 =	vshll.u32 v35, v1  }
0x375: {  	v35 =	vbroadcast v35, $0x0  }
0x376: {  	[tilespmem:v34+s21+$0x0] =	vst.idx.msk $0xffff, v33  }
0x377: {  	v34 =	vadd.s32 v13, v35;
	v33 =	vld [tilespmem:s30+$0xFFFFFFC0];
	_ =	sdelay $0x4  }
0x378: {  	[tilespmem:v34+s21+$0x0] =	vst.idx.msk $0xffff, v33  }
0x379: {  	v34 =	vadd.s32 v14, v35;
	v33 =	vld [tilespmem:s30+$0xFFFFFFD0];
	_ =	sdelay $0x4  }
0x37a: {  	[tilespmem:v34+s21+$0x0] =	vst.idx.msk $0xffff, v33  }
0x37b: {  	v34 =	vadd.s32 v15, v35;
	v33 =	vld [tilespmem:s30+$0xFFFFFFE0];
	_ =	sdelay $0x4  }
0x37c: {  	[tilespmem:v34+s21+$0x0] =	vst.idx.msk $0xffff, v33  }
0x37d: {  	s5 =	sadd.s32 $0x4, s0;
	v34 =	vadd.s32 v16, v35;
	v33 =	vld [tilespmem:s30+$0xFFFFFFF0]  }
0x37e: {  	v35 =	vmov s5  }
0x37f: {  	v35 =	vshrl.u32 v35, $0x3  }
0x380: {  	v35 =	vshll.u32 v35, v1  }
0x381: {  	v35 =	vbroadcast v35, $0x0  }
0x382: {  	[tilespmem:v34+s21+$0x0] =	vst.idx.msk $0xffff, v33  }
0x383: {  	v34 =	vadd.s32 v17, v35;
	v33 =	vld [tilespmem:s30+$0x0];
	_ =	sdelay $0x4  }
0x384: {  	[tilespmem:v34+s21+$0x0] =	vst.idx.msk $0xffff, v33  }
0x385: {  	v34 =	vadd.s32 v18, v35;
	v33 =	vld [tilespmem:s30+$0x10];
	_ =	sdelay $0x4  }
0x386: {  	[tilespmem:v34+s21+$0x0] =	vst.idx.msk $0xffff, v33  }
0x387: {  	v34 =	vadd.s32 v19, v35;
	v33 =	vld [tilespmem:s30+$0x20];
	_ =	sdelay $0x4  }
0x388: {  	[tilespmem:v34+s21+$0x0] =	vst.idx.msk $0xffff, v33  }
0x389: {  	s5 =	sadd.s32 $0x5, s0;
	v34 =	vadd.s32 v20, v35;
	v33 =	vld [tilespmem:s30+$0x30]  }
0x38a: {  	v35 =	vmov s5  }
0x38b: {  	v35 =	vshrl.u32 v35, $0x3  }
0x38c: {  	v35 =	vshll.u32 v35, v1  }
0x38d: {  	v35 =	vbroadcast v35, $0x0  }
0x38e: {  	[tilespmem:v34+s21+$0x0] =	vst.idx.msk $0xffff, v33  }
0x38f: {  	v34 =	vadd.s32 v21, v35;
	v33 =	vld [tilespmem:s30+$0x40];
	_ =	sdelay $0x4  }
0x390: {  	[tilespmem:v34+s21+$0x0] =	vst.idx.msk $0xffff, v33  }
0x391: {  	v34 =	vadd.s32 v22, v35;
	v33 =	vld [tilespmem:s30+$0x50];
	_ =	sdelay $0x4  }
0x392: {  	[tilespmem:v34+s21+$0x0] =	vst.idx.msk $0xffff, v33  }
0x393: {  	v34 =	vadd.s32 v23, v35;
	v33 =	vld [tilespmem:s30+$0x60];
	_ =	sdelay $0x4  }
0x394: {  	[tilespmem:v34+s21+$0x0] =	vst.idx.msk $0xffff, v33  }
0x395: {  	s5 =	sadd.s32 $0x6, s0;
	v34 =	vadd.s32 v24, v35;
	v33 =	vld [tilespmem:s30+$0x70]  }
0x396: {  	v35 =	vmov s5  }
0x397: {  	v35 =	vshrl.u32 v35, $0x3  }
0x398: {  	v35 =	vshll.u32 v35, v1  }
0x399: {  	v35 =	vbroadcast v35, $0x0  }
0x39a: {  	[tilespmem:v34+s21+$0x0] =	vst.idx.msk $0xffff, v33  }
0x39b: {  	v34 =	vadd.s32 v25, v35;
	v33 =	vld [tilespmem:s30+$0x80];
	_ =	sdelay $0x4  }
0x39c: {  	[tilespmem:v34+s21+$0x0] =	vst.idx.msk $0xffff, v33  }
0x39d: {  	v34 =	vadd.s32 v26, v35;
	v33 =	vld [tilespmem:s30+$0x90];
	_ =	sdelay $0x4  }
0x39e: {  	[tilespmem:v34+s21+$0x0] =	vst.idx.msk $0xffff, v33  }
0x39f: {  	v34 =	vadd.s32 v27, v35;
	v33 =	vld [tilespmem:s30+$0xA0];
	_ =	sdelay $0x4  }
0x3a0: {  	[tilespmem:v34+s21+$0x0] =	vst.idx.msk $0xffff, v33  }
0x3a1: {  	s5 =	sadd.s32 $0x7, s0;
	s0 =	smov.u32 s2;
	v34 =	vadd.s32 v28, v35;
	v33 =	vld [tilespmem:s30+$0xB0]  }
0x3a2: {  	v35 =	vmov s5  }
0x3a3: {  	v35 =	vshrl.u32 v35, $0x3  }
0x3a4: {  	v35 =	vshll.u32 v35, v1  }
0x3a5: {  	v35 =	vbroadcast v35, $0x0  }
0x3a6: {  	[tilespmem:v34+s21+$0x0] =	vst.idx.msk $0xffff, v33  }
0x3a7: {  	v34 =	vadd.s32 v29, v35;
	v33 =	vld [tilespmem:s30+$0xC0];
	_ =	sdelay $0x4  }
0x3a8: {  	[tilespmem:v34+s21+$0x0] =	vst.idx.msk $0xffff, v33  }
0x3a9: {  	v34 =	vadd.s32 v30, v35;
	v33 =	vld [tilespmem:s30+$0xD0];
	_ =	sdelay $0x4  }
0x3aa: {  	[tilespmem:v34+s21+$0x0] =	vst.idx.msk $0xffff, v33  }
0x3ab: {  	v34 =	vadd.s32 v31, v35;
	v33 =	vld [tilespmem:s30+$0xE0];
	_ =	sdelay $0x2  }
.Ltmp11:
0x3ac: {  	(pc) =	sbr.rel @p0 .LBB2_18-.Ltmp11, $4  }
0x3ad: {  	_ = 	snop  }
0x3ae: {  	[tilespmem:v34+s21+$0x0] =	vst.idx.msk $0xffff, v33  }
0x3af: {  	v34 =	vadd.s32 v32, v35;
	v33 =	vld [tilespmem:s30+$0xF0]  }
0x3b0: {  	s2 =	sadd.s32 $0x8, s2;
	v35 =	vmov s0  }
0x3b1: {  	_ = 	snop  }
0x3b2: {  	v35 =	vshrl.u32 v35, $0x3  }
0x3b3: {  	v35 =	vshll.u32 v35, v1  }
0x3b4: {  	v35 =	vbroadcast v35, $0x0  }
0x3b5: {  	s2 =	sadd.s32 $0x200, s30;
	[tilespmem:v34+s21+$0x0] =	vst.idx.msk $0xffff, v33  }
0x3b6: {  	v33 =	vld [tilespmem:s2+$0xFFFFFF00];
	v53 =	vadd.s32 v0, v35;
	_ =	sdelay $0x4  }
0x3b7: {  	[tilespmem:v53+s21+$0x0] =	vst.idx.msk $0xffff, v33  }
0x3b8: {  	v54 =	vadd.s32 v2, v35;
	v33 =	vld [tilespmem:s2+$0xFFFFFF10];
	_ =	sdelay $0x4  }
0x3b9: {  	[tilespmem:v54+s21+$0x0] =	vst.idx.msk $0xffff, v33  }
0x3ba: {  	v55 =	vadd.s32 v3, v35;
	v33 =	vld [tilespmem:s2+$0xFFFFFF20];
	_ =	sdelay $0x4  }
0x3bb: {  	[tilespmem:v55+s21+$0x0] =	vst.idx.msk $0xffff, v33  }
0x3bc: {  	s5 =	sadd.s32 $0x1, s0;
	v56 =	vadd.s32 v4, v35;
	v33 =	vld [tilespmem:s2+$0xFFFFFF30]  }
0x3bd: {  	v57 =	vmov s5  }
0x3be: {  	v35 =	vshrl.u32 v57, $0x3  }
0x3bf: {  	v35 =	vshll.u32 v35, v1  }
0x3c0: {  	v35 =	vbroadcast v35, $0x0  }
0x3c1: {  	[tilespmem:v56+s21+$0x0] =	vst.idx.msk $0xffff, v33  }
0x3c2: {  	v58 =	vadd.s32 v5, v35;
	v33 =	vld [tilespmem:s2+$0xFFFFFF40];
	_ =	sdelay $0x4  }
0x3c3: {  	[tilespmem:v58+s21+$0x0] =	vst.idx.msk $0xffff, v33  }
0x3c4: {  	v59 =	vadd.s32 v6, v35;
	v33 =	vld [tilespmem:s2+$0xFFFFFF50];
	_ =	sdelay $0x4  }
0x3c5: {  	[tilespmem:v59+s21+$0x0] =	vst.idx.msk $0xffff, v33  }
0x3c6: {  	v60 =	vadd.s32 v7, v35;
	v33 =	vld [tilespmem:s2+$0xFFFFFF60];
	_ =	sdelay $0x4  }
0x3c7: {  	[tilespmem:v60+s21+$0x0] =	vst.idx.msk $0xffff, v33  }
0x3c8: {  	s8 =	sadd.s32 $0x2, s0;
	v61 =	vadd.s32 v8, v35;
	v33 =	vld [tilespmem:s2+$0xFFFFFF70]  }
0x3c9: {  	v62 =	vmov s8  }
0x3ca: {  	v35 =	vshrl.u32 v62, $0x3  }
0x3cb: {  	v35 =	vshll.u32 v35, v1  }
0x3cc: {  	v35 =	vbroadcast v35, $0x0  }
0x3cd: {  	[tilespmem:v61+s21+$0x0] =	vst.idx.msk $0xffff, v33  }
0x3ce: {  	v63 =	vadd.s32 v9, v35;
	v33 =	vld [tilespmem:s2+$0xFFFFFF80];
	_ =	sdelay $0x4  }
0x3cf: {  	[tilespmem:v63+s21+$0x0] =	vst.idx.msk $0xffff, v33  }
0x3d0: {  	v36 =	vadd.s32 v10, v35;
	v33 =	vld [tilespmem:s2+$0xFFFFFF90];
	_ =	sdelay $0x4  }
0x3d1: {  	[tilespmem:v36+s21+$0x0] =	vst.idx.msk $0xffff, v33  }
0x3d2: {  	v37 =	vadd.s32 v11, v35;
	v33 =	vld [tilespmem:s2+$0xFFFFFFA0];
	_ =	sdelay $0x4  }
0x3d3: {  	[tilespmem:v37+s21+$0x0] =	vst.idx.msk $0xffff, v33  }
0x3d4: {  	s10 =	sadd.s32 $0x3, s0;
	v38 =	vadd.s32 v12, v35;
	v33 =	vld [tilespmem:s2+$0xFFFFFFB0]  }
0x3d5: {  	v39 =	vmov s10  }
0x3d6: {  	v35 =	vshrl.u32 v39, $0x3  }
0x3d7: {  	v35 =	vshll.u32 v35, v1  }
0x3d8: {  	v35 =	vbroadcast v35, $0x0  }
0x3d9: {  	[tilespmem:v38+s21+$0x0] =	vst.idx.msk $0xffff, v33  }
0x3da: {  	v40 =	vadd.s32 v13, v35;
	v33 =	vld [tilespmem:s2+$0xFFFFFFC0];
	_ =	sdelay $0x4  }
0x3db: {  	[tilespmem:v40+s21+$0x0] =	vst.idx.msk $0xffff, v33  }
0x3dc: {  	v41 =	vadd.s32 v14, v35;
	v33 =	vld [tilespmem:s2+$0xFFFFFFD0];
	_ =	sdelay $0x4  }
0x3dd: {  	[tilespmem:v41+s21+$0x0] =	vst.idx.msk $0xffff, v33  }
0x3de: {  	v42 =	vadd.s32 v15, v35;
	v33 =	vld [tilespmem:s2+$0xFFFFFFE0];
	_ =	sdelay $0x4  }
0x3df: {  	[tilespmem:v42+s21+$0x0] =	vst.idx.msk $0xffff, v33  }
0x3e0: {  	s8 =	sadd.s32 $0x4, s0;
	v43 =	vadd.s32 v16, v35;
	v33 =	vld [tilespmem:s2+$0xFFFFFFF0]  }
0x3e1: {  	v44 =	vmov s8  }
0x3e2: {  	v35 =	vshrl.u32 v44, $0x3  }
0x3e3: {  	v35 =	vshll.u32 v35, v1  }
0x3e4: {  	v35 =	vbroadcast v35, $0x0  }
0x3e5: {  	[tilespmem:v43+s21+$0x0] =	vst.idx.msk $0xffff, v33  }
0x3e6: {  	v45 =	vadd.s32 v17, v35;
	v33 =	vld [tilespmem:s2+$0x0];
	_ =	sdelay $0x4  }
0x3e7: {  	[tilespmem:v45+s21+$0x0] =	vst.idx.msk $0xffff, v33  }
0x3e8: {  	v46 =	vadd.s32 v18, v35;
	v33 =	vld [tilespmem:s2+$0x10];
	_ =	sdelay $0x4  }
0x3e9: {  	[tilespmem:v46+s21+$0x0] =	vst.idx.msk $0xffff, v33  }
0x3ea: {  	v47 =	vadd.s32 v19, v35;
	v33 =	vld [tilespmem:s2+$0x20];
	_ =	sdelay $0x4  }
0x3eb: {  	[tilespmem:v47+s21+$0x0] =	vst.idx.msk $0xffff, v33  }
0x3ec: {  	s10 =	sadd.s32 $0x5, s0;
	v48 =	vadd.s32 v20, v35;
	v33 =	vld [tilespmem:s2+$0x30]  }
0x3ed: {  	v49 =	vmov s10  }
0x3ee: {  	v35 =	vshrl.u32 v49, $0x3  }
0x3ef: {  	v35 =	vshll.u32 v35, v1  }
0x3f0: {  	v35 =	vbroadcast v35, $0x0  }
0x3f1: {  	[tilespmem:v48+s21+$0x0] =	vst.idx.msk $0xffff, v33  }
0x3f2: {  	v50 =	vadd.s32 v21, v35;
	v33 =	vld [tilespmem:s2+$0x40];
	_ =	sdelay $0x4  }
0x3f3: {  	[tilespmem:v50+s21+$0x0] =	vst.idx.msk $0xffff, v33  }
0x3f4: {  	v51 =	vadd.s32 v22, v35;
	v33 =	vld [tilespmem:s2+$0x50];
	_ =	sdelay $0x4  }
0x3f5: {  	[tilespmem:v51+s21+$0x0] =	vst.idx.msk $0xffff, v33  }
0x3f6: {  	v52 =	vadd.s32 v23, v35;
	v33 =	vld [tilespmem:s2+$0x60];
	_ =	sdelay $0x4  }
0x3f7: {  	[tilespmem:v52+s21+$0x0] =	vst.idx.msk $0xffff, v33  }
0x3f8: {  	s8 =	sadd.s32 $0x6, s0;
	v53 =	vadd.s32 v24, v35;
	v33 =	vld [tilespmem:s2+$0x70]  }
0x3f9: {  	v54 =	vmov s8  }
0x3fa: {  	v35 =	vshrl.u32 v54, $0x3  }
0x3fb: {  	v35 =	vshll.u32 v35, v1  }
0x3fc: {  	v35 =	vbroadcast v35, $0x0  }
0x3fd: {  	[tilespmem:v53+s21+$0x0] =	vst.idx.msk $0xffff, v33  }
0x3fe: {  	v55 =	vadd.s32 v25, v35;
	v33 =	vld [tilespmem:s2+$0x80];
	_ =	sdelay $0x4  }
0x3ff: {  	[tilespmem:v55+s21+$0x0] =	vst.idx.msk $0xffff, v33  }
0x400: {  	v56 =	vadd.s32 v26, v35;
	v33 =	vld [tilespmem:s2+$0x90];
	_ =	sdelay $0x4  }
0x401: {  	[tilespmem:v56+s21+$0x0] =	vst.idx.msk $0xffff, v33  }
0x402: {  	v57 =	vadd.s32 v27, v35;
	v33 =	vld [tilespmem:s2+$0xA0];
	_ =	sdelay $0x4  }
0x403: {  	[tilespmem:v57+s21+$0x0] =	vst.idx.msk $0xffff, v33  }
0x404: {  	s10 =	sadd.s32 $0x7, s0;
	v58 =	vadd.s32 v28, v35;
	v33 =	vld [tilespmem:s2+$0xB0]  }
0x405: {  	v59 =	vmov s10  }
0x406: {  	v35 =	vshrl.u32 v59, $0x3  }
0x407: {  	v35 =	vshll.u32 v35, v1  }
0x408: {  	v35 =	vbroadcast v35, $0x0  }
0x409: {  	[tilespmem:v58+s21+$0x0] =	vst.idx.msk $0xffff, v33  }
0x40a: {  	v60 =	vadd.s32 v29, v35;
	v33 =	vld [tilespmem:s2+$0xC0];
	_ =	sdelay $0x4  }
0x40b: {  	[tilespmem:v60+s21+$0x0] =	vst.idx.msk $0xffff, v33  }
0x40c: {  	v61 =	vadd.s32 v30, v35;
	v33 =	vld [tilespmem:s2+$0xD0];
	_ =	sdelay $0x4  }
0x40d: {  	[tilespmem:v61+s21+$0x0] =	vst.idx.msk $0xffff, v33  }
0x40e: {  	v62 =	vadd.s32 v31, v35;
	v33 =	vld [tilespmem:s2+$0xE0];
	_ =	sdelay $0x4  }
0x40f: {  	[tilespmem:v62+s21+$0x0] =	vst.idx.msk $0xffff, v33  }
0x410: {  	v63 =	vadd.s32 v32, v35;
	v33 =	vld [tilespmem:s2+$0xF0];
	_ =	sdelay $0x2  }
0x411: {  	s2 =	sshll.u32 s29, $0x12  }
0x412: {  	s31 =	sor.u32 s9, s2  }
0x413: {  	s5 =	simm.s32 $0x5900;
	s2 =	sadd.s32 s1, s31;
	[tilespmem:v63+s21+$0x0] =	vst.idx.msk $0xffff, v33  }
0x414: {  	[hbm4b:s2+s3] =	stream.linear.scatter [tilespmem:s5], [sflag:$0x3], $0x80, $0x38;
	[tilespmem:$0x9D00] =	vst v63  }
0x415: {  	s8 =	simm.s32 $0x5988;
	s10 =	sadd.s32 $0x10, s2  }
0x416: {  	[hbm4b:s10+s3] =	stream.linear.scatter [tilespmem:s8], [sflag:$0x3], $0x80, $0x38;
	[tilespmem:$0x9D00] =	vst v63  }
0x417: {  	s8 =	simm.s32 $0x5A10;
	s10 =	sadd.s32 $0x20, s2  }
0x418: {  	[hbm4b:s10+s3] =	stream.linear.scatter [tilespmem:s8], [sflag:$0x3], $0x80, $0x38;
	[tilespmem:$0x9D00] =	vst v63  }
0x419: {  	s8 =	simm.s32 $0x5A98;
	s10 =	sadd.s32 $0x30, s2  }
0x41a: {  	[hbm4b:s10+s3] =	stream.linear.scatter [tilespmem:s8], [sflag:$0x3], $0x80, $0x38;
	[tilespmem:$0x9D00] =	vst v63  }
0x41b: {  	s8 =	simm.s32 $0x5B20;
	s10 =	sadd.s32 $0x40, s2  }
0x41c: {  	[hbm4b:s10+s3] =	stream.linear.scatter [tilespmem:s8], [sflag:$0x3], $0x80, $0x38;
	[tilespmem:$0x9D00] =	vst v63  }
0x41d: {  	s30 =	simm.s32 $0x5CB8;
	s8 =	simm.s32 $0x5BA8;
	s10 =	sadd.s32 $0x50, s2  }
0x41e: {  	[hbm4b:s10+s3] =	stream.linear.scatter [tilespmem:s8], [sflag:$0x3], $0x80, $0x38;
	[tilespmem:$0x9D00] =	vst v63  }
0x41f: {  	s0 =	simm.s32 $0x440;
	s8 =	simm.s32 $0x5C30;
	s10 =	sadd.s32 $0x60, s2  }
0x420: {  	[hbm4b:s10+s3] =	stream.linear.scatter [tilespmem:s8], [sflag:$0x3], $0x80, $0x38;
	[tilespmem:$0x9D00] =	vst v63  }
0x421: {  	s5 =	simm.s32 $0x2200;
	s8 =	sadd.s32 $0x70, s2;
	s2 =	sadd.s32 $0x4000, s2  }
.LBB2_20:
0x422: {  	[hbm4b:s8+s3] =	stream.linear.scatter [tilespmem:s30], [sflag:$0x3], $0x80, $0x38;
	[tilespmem:$0x9D00] =	vst v63  }
0x423: {  	s8 =	smov.u32 s0;
	s0 =	smov.u32 s5  }
0x424: {  	s10 =	sadd.s32 $0x1100, s5;
	s0 =	sshra.s32 s0, $0x2;
	s30 =	sadd.s32 $0x5900, s8  }
0x425: {  	[hbm4b:s2+s3] =	stream.linear.scatter [tilespmem:s30], [sflag:$0x3], $0x80, $0x38;
	[tilespmem:$0x9D00] =	vst v63  }
0x426: {  	p0 =	sne.s32 s5, $0x7700;
	s5 =	sadd.s32 $0x5988, s8;
	s30 =	sadd.s32 $0x10, s2  }
0x427: {  	[hbm4b:s30+s3] =	stream.linear.scatter [tilespmem:s5], [sflag:$0x3], $0x80, $0x38;
	[tilespmem:$0x9D00] =	vst v63  }
0x428: {  	s5 =	sadd.s32 $0x5A10, s8;
	s30 =	sadd.s32 $0x20, s2  }
0x429: {  	[hbm4b:s30+s3] =	stream.linear.scatter [tilespmem:s5], [sflag:$0x3], $0x80, $0x38;
	[tilespmem:$0x9D00] =	vst v63  }
0x42a: {  	s5 =	sadd.s32 $0x5A98, s8;
	s30 =	sadd.s32 $0x30, s2  }
0x42b: {  	[hbm4b:s30+s3] =	stream.linear.scatter [tilespmem:s5], [sflag:$0x3], $0x80, $0x38;
	[tilespmem:$0x9D00] =	vst v63  }
0x42c: {  	s5 =	sadd.s32 $0x5B20, s8;
	s30 =	sadd.s32 $0x40, s2  }
0x42d: {  	[hbm4b:s30+s3] =	stream.linear.scatter [tilespmem:s5], [sflag:$0x3], $0x80, $0x38;
	[tilespmem:$0x9D00] =	vst v63  }
0x42e: {  	s5 =	sadd.s32 $0x5BA8, s8;
	s30 =	sadd.s32 $0x50, s2  }
0x42f: {  	[hbm4b:s30+s3] =	stream.linear.scatter [tilespmem:s5], [sflag:$0x3], $0x80, $0x38;
	[tilespmem:$0x9D00] =	vst v63  }
.Ltmp12:
0x430: {  	_ = 	snop;
	(pc) =	sbr.rel @p0 .LBB2_20-.Ltmp12, $4  }
0x431: {  	s5 =	sadd.s32 $0x5C30, s8;
	s30 =	sadd.s32 $0x60, s2  }
0x432: {  	[hbm4b:s30+s3] =	stream.linear.scatter [tilespmem:s5], [sflag:$0x3], $0x80, $0x38;
	[tilespmem:$0x9D00] =	vst v63  }
0x433: {  	s30 =	sadd.s32 $0x5CB8, s8  }
0x434: {  	s8 =	sadd.s32 $0x70, s2;
	s2 =	sadd.s32 $0x4000, s2;
	s5 =	smov.u32 s10  }
0x435: {  	[hbm4b:s8+s3] =	stream.linear.scatter [tilespmem:s30], [sflag:$0x3], $0x80, $0x38;
	[tilespmem:$0x9D00] =	vst v63  }
0x436: {  	s5 =	sadd.s32 $0x5900, s0  }
0x437: {  	[hbm4b:s2+s3] =	stream.linear.scatter [tilespmem:s5], [sflag:$0x3], $0x80, $0x38;
	[tilespmem:$0x9D00] =	vst v63  }
0x438: {  	s8 =	sadd.s32 $0x5988, s0;
	s10 =	sadd.s32 $0x10, s2  }
0x439: {  	[hbm4b:s10+s3] =	stream.linear.scatter [tilespmem:s8], [sflag:$0x3], $0x80, $0x38;
	[tilespmem:$0x9D00] =	vst v63  }
0x43a: {  	s8 =	sadd.s32 $0x5A10, s0;
	s10 =	sadd.s32 $0x20, s2  }
0x43b: {  	[hbm4b:s10+s3] =	stream.linear.scatter [tilespmem:s8], [sflag:$0x3], $0x80, $0x38;
	[tilespmem:$0x9D00] =	vst v63  }
0x43c: {  	s8 =	sadd.s32 $0x5A98, s0;
	s10 =	sadd.s32 $0x30, s2  }
0x43d: {  	[hbm4b:s10+s3] =	stream.linear.scatter [tilespmem:s8], [sflag:$0x3], $0x80, $0x38;
	[tilespmem:$0x9D00] =	vst v63  }
0x43e: {  	s8 =	sadd.s32 $0x5B20, s0;
	s10 =	sadd.s32 $0x40, s2  }
0x43f: {  	[hbm4b:s10+s3] =	stream.linear.scatter [tilespmem:s8], [sflag:$0x3], $0x80, $0x38;
	[tilespmem:$0x9D00] =	vst v63  }
0x440: {  	s30 =	sshll.u32 s29, $0xA;
	s8 =	sadd.s32 $0x5BA8, s0;
	s10 =	sadd.s32 $0x50, s2  }
0x441: {  	[hbm4b:s10+s3] =	stream.linear.scatter [tilespmem:s8], [sflag:$0x3], $0x80, $0x38;
	[tilespmem:$0x9D00] =	vst v63  }
0x442: {  	p0 =	seq.s32 s29, $0x18;
	s8 =	sadd.s32 $0x5C30, s0;
	s10 =	sadd.s32 $0x60, s2  }
0x443: {  	[hbm4b:s10+s3] =	stream.linear.scatter [tilespmem:s8], [sflag:$0x3], $0x80, $0x38;
	[tilespmem:$0x9D00] =	vst v63  }
0x444: {  	s5 =	sadd.s32 $0x70, s2;
	s10 =	sadd.s32 $0x5CB8, s0;
	s0 =	sshrl.u32 @!p0 s30, $0x2  }
0x445: {  	[hbm4b:s5+s3] =	stream.linear.scatter [tilespmem:s10], [sflag:$0x3], $0x80, $0x38;
	[tilespmem:$0x9D00] =	vst v63  }
0x446: {  	s2 =	simm.s32 @!p0 $0x80;
	s0 =	sadd.s32 @!p0 $0x100, s0;
	s5 =	simm.s32 @!p0 $0x1900  }
0x447: {  	[tilespmem:s5], [sflag:$0x1] =	stream.indirect.gather @!p0 [hbm4b:s4+s2], $0x40, s0, s2, $0xb8;
	[tilespmem:$0x9D00] =	vst v63  }
0x448: {  	s8 =	simm.s32 $0x0;
	_ =	swait.ge [sflag:s22], $0x2000  }
0x449: {  	v33 =	vmov s8;
	[sflag:s22] =	ssyncset.done $0x0  }
0x44a: {  	v33 =	vshrl.u32 v33, $0x3;
	[sflag:s22] =	ssyncadd.s32 $0xFFFFE000  }
0x44b: {  	v33 =	vshll.u32 v33, v1;
	_ =	swait.ge [sflag:s23], $0x2000  }
0x44c: {  	v33 =	vbroadcast v33, $0x0;
	[sflag:s23] =	ssyncset.done $0x0  }
0x44d: {  	s0 =	simm.s32 $0x3A00;
	[sflag:s23] =	ssyncadd.s32 $0xFFFFE000  }
0x44e: {  	v35 =	vadd.s32 v0, v33;
	v34 =	vld [tilespmem:s0+$0xFFFFFF00];
	_ =	sdelay $0x4  }
0x44f: {  	[tilespmem:v35+s24+$0x0] =	vst.idx.msk $0xffff, v34  }
0x450: {  	v56 =	vadd.s32 v2, v33;
	v34 =	vld [tilespmem:s0+$0xFFFFFF10];
	_ =	sdelay $0x4  }
0x451: {  	[tilespmem:v56+s24+$0x0] =	vst.idx.msk $0xffff, v34  }
0x452: {  	v57 =	vadd.s32 v3, v33;
	v34 =	vld [tilespmem:s0+$0xFFFFFF20];
	_ =	sdelay $0x4  }
0x453: {  	[tilespmem:v57+s24+$0x0] =	vst.idx.msk $0xffff, v34  }
0x454: {  	s10 =	simm.s32 $0x1;
	v33 =	vadd.s32 v4, v33;
	v34 =	vld [tilespmem:s0+$0xFFFFFF30]  }
0x455: {  	v58 =	vmov s10  }
0x456: {  	v35 =	vshrl.u32 v58, $0x3  }
0x457: {  	v35 =	vshll.u32 v35, v1  }
0x458: {  	v35 =	vbroadcast v35, $0x0  }
0x459: {  	[tilespmem:v33+s24+$0x0] =	vst.idx.msk $0xffff, v34  }
0x45a: {  	v59 =	vadd.s32 v5, v35;
	v33 =	vld [tilespmem:s0+$0xFFFFFF40];
	_ =	sdelay $0x4  }
0x45b: {  	[tilespmem:v59+s24+$0x0] =	vst.idx.msk $0xffff, v33  }
0x45c: {  	v60 =	vadd.s32 v6, v35;
	v33 =	vld [tilespmem:s0+$0xFFFFFF50];
	_ =	sdelay $0x4  }
0x45d: {  	[tilespmem:v60+s24+$0x0] =	vst.idx.msk $0xffff, v33  }
0x45e: {  	v61 =	vadd.s32 v7, v35;
	v33 =	vld [tilespmem:s0+$0xFFFFFF60];
	_ =	sdelay $0x4  }
0x45f: {  	[tilespmem:v61+s24+$0x0] =	vst.idx.msk $0xffff, v33  }
0x460: {  	s5 =	simm.s32 $0x2;
	v62 =	vadd.s32 v8, v35;
	v33 =	vld [tilespmem:s0+$0xFFFFFF70]  }
0x461: {  	v63 =	vmov s5  }
0x462: {  	v35 =	vshrl.u32 v63, $0x3  }
0x463: {  	v35 =	vshll.u32 v35, v1  }
0x464: {  	v35 =	vbroadcast v35, $0x0  }
0x465: {  	[tilespmem:v62+s24+$0x0] =	vst.idx.msk $0xffff, v33  }
0x466: {  	v36 =	vadd.s32 v9, v35;
	v33 =	vld [tilespmem:s0+$0xFFFFFF80];
	_ =	sdelay $0x4  }
0x467: {  	[tilespmem:v36+s24+$0x0] =	vst.idx.msk $0xffff, v33  }
0x468: {  	v37 =	vadd.s32 v10, v35;
	v33 =	vld [tilespmem:s0+$0xFFFFFF90];
	_ =	sdelay $0x4  }
0x469: {  	[tilespmem:v37+s24+$0x0] =	vst.idx.msk $0xffff, v33  }
0x46a: {  	v38 =	vadd.s32 v11, v35;
	v33 =	vld [tilespmem:s0+$0xFFFFFFA0];
	_ =	sdelay $0x4  }
0x46b: {  	[tilespmem:v38+s24+$0x0] =	vst.idx.msk $0xffff, v33  }
0x46c: {  	s8 =	simm.s32 $0x3;
	v39 =	vadd.s32 v12, v35;
	v33 =	vld [tilespmem:s0+$0xFFFFFFB0]  }
0x46d: {  	v40 =	vmov s8  }
0x46e: {  	v35 =	vshrl.u32 v40, $0x3  }
0x46f: {  	v35 =	vshll.u32 v35, v1  }
0x470: {  	v35 =	vbroadcast v35, $0x0  }
0x471: {  	[tilespmem:v39+s24+$0x0] =	vst.idx.msk $0xffff, v33  }
0x472: {  	v41 =	vadd.s32 v13, v35;
	v33 =	vld [tilespmem:s0+$0xFFFFFFC0];
	_ =	sdelay $0x4  }
0x473: {  	[tilespmem:v41+s24+$0x0] =	vst.idx.msk $0xffff, v33  }
0x474: {  	v42 =	vadd.s32 v14, v35;
	v33 =	vld [tilespmem:s0+$0xFFFFFFD0];
	_ =	sdelay $0x4  }
0x475: {  	[tilespmem:v42+s24+$0x0] =	vst.idx.msk $0xffff, v33  }
0x476: {  	v43 =	vadd.s32 v15, v35;
	v33 =	vld [tilespmem:s0+$0xFFFFFFE0];
	_ =	sdelay $0x4  }
0x477: {  	[tilespmem:v43+s24+$0x0] =	vst.idx.msk $0xffff, v33  }
0x478: {  	s10 =	simm.s32 $0x4;
	v44 =	vadd.s32 v16, v35;
	v33 =	vld [tilespmem:s0+$0xFFFFFFF0]  }
0x479: {  	v45 =	vmov s10  }
0x47a: {  	v35 =	vshrl.u32 v45, $0x3  }
0x47b: {  	v35 =	vshll.u32 v35, v1  }
0x47c: {  	v35 =	vbroadcast v35, $0x0  }
0x47d: {  	[tilespmem:v44+s24+$0x0] =	vst.idx.msk $0xffff, v33  }
0x47e: {  	v46 =	vadd.s32 v17, v35;
	v33 =	vld [tilespmem:s0+$0x0];
	_ =	sdelay $0x4  }
0x47f: {  	[tilespmem:v46+s24+$0x0] =	vst.idx.msk $0xffff, v33  }
0x480: {  	v47 =	vadd.s32 v18, v35;
	v33 =	vld [tilespmem:s0+$0x10];
	_ =	sdelay $0x4  }
0x481: {  	[tilespmem:v47+s24+$0x0] =	vst.idx.msk $0xffff, v33  }
0x482: {  	v48 =	vadd.s32 v19, v35;
	v33 =	vld [tilespmem:s0+$0x20];
	_ =	sdelay $0x4  }
0x483: {  	[tilespmem:v48+s24+$0x0] =	vst.idx.msk $0xffff, v33  }
0x484: {  	s5 =	simm.s32 $0x5;
	v49 =	vadd.s32 v20, v35;
	v33 =	vld [tilespmem:s0+$0x30]  }
0x485: {  	v50 =	vmov s5  }
0x486: {  	v35 =	vshrl.u32 v50, $0x3  }
0x487: {  	v35 =	vshll.u32 v35, v1  }
0x488: {  	v35 =	vbroadcast v35, $0x0  }
0x489: {  	[tilespmem:v49+s24+$0x0] =	vst.idx.msk $0xffff, v33  }
0x48a: {  	v51 =	vadd.s32 v21, v35;
	v33 =	vld [tilespmem:s0+$0x40];
	_ =	sdelay $0x4  }
0x48b: {  	[tilespmem:v51+s24+$0x0] =	vst.idx.msk $0xffff, v33  }
0x48c: {  	v52 =	vadd.s32 v22, v35;
	v33 =	vld [tilespmem:s0+$0x50];
	_ =	sdelay $0x4  }
0x48d: {  	[tilespmem:v52+s24+$0x0] =	vst.idx.msk $0xffff, v33  }
0x48e: {  	v53 =	vadd.s32 v23, v35;
	v33 =	vld [tilespmem:s0+$0x60];
	_ =	sdelay $0x4  }
0x48f: {  	[tilespmem:v53+s24+$0x0] =	vst.idx.msk $0xffff, v33  }
0x490: {  	s8 =	simm.s32 $0x6;
	v54 =	vadd.s32 v24, v35;
	v33 =	vld [tilespmem:s0+$0x70]  }
0x491: {  	v55 =	vmov s8  }
0x492: {  	v35 =	vshrl.u32 v55, $0x3  }
0x493: {  	v35 =	vshll.u32 v35, v1  }
0x494: {  	v35 =	vbroadcast v35, $0x0  }
0x495: {  	[tilespmem:v54+s24+$0x0] =	vst.idx.msk $0xffff, v33  }
0x496: {  	v56 =	vadd.s32 v25, v35;
	v33 =	vld [tilespmem:s0+$0x80];
	_ =	sdelay $0x4  }
0x497: {  	[tilespmem:v56+s24+$0x0] =	vst.idx.msk $0xffff, v33  }
0x498: {  	v57 =	vadd.s32 v26, v35;
	v33 =	vld [tilespmem:s0+$0x90];
	_ =	sdelay $0x4  }
0x499: {  	[tilespmem:v57+s24+$0x0] =	vst.idx.msk $0xffff, v33  }
0x49a: {  	v58 =	vadd.s32 v27, v35;
	v33 =	vld [tilespmem:s0+$0xA0];
	_ =	sdelay $0x4  }
0x49b: {  	[tilespmem:v58+s24+$0x0] =	vst.idx.msk $0xffff, v33  }
0x49c: {  	s10 =	simm.s32 $0x7;
	v59 =	vadd.s32 v28, v35;
	v33 =	vld [tilespmem:s0+$0xB0]  }
0x49d: {  	v60 =	vmov s10  }
0x49e: {  	v35 =	vshrl.u32 v60, $0x3  }
0x49f: {  	v35 =	vshll.u32 v35, v1  }
0x4a0: {  	v35 =	vbroadcast v35, $0x0  }
0x4a1: {  	[tilespmem:v59+s24+$0x0] =	vst.idx.msk $0xffff, v33  }
0x4a2: {  	v61 =	vadd.s32 v29, v35;
	v33 =	vld [tilespmem:s0+$0xC0];
	_ =	sdelay $0x4  }
0x4a3: {  	[tilespmem:v61+s24+$0x0] =	vst.idx.msk $0xffff, v33  }
0x4a4: {  	v62 =	vadd.s32 v30, v35;
	v33 =	vld [tilespmem:s0+$0xD0];
	_ =	sdelay $0x4  }
0x4a5: {  	[tilespmem:v62+s24+$0x0] =	vst.idx.msk $0xffff, v33  }
0x4a6: {  	v63 =	vadd.s32 v31, v35;
	v33 =	vld [tilespmem:s0+$0xE0];
	_ =	sdelay $0x4  }
0x4a7: {  	[tilespmem:v63+s24+$0x0] =	vst.idx.msk $0xffff, v33  }
0x4a8: {  	s2 =	simm.s32 $0x8;
	v34 =	vadd.s32 v32, v35;
	v33 =	vld [tilespmem:s0+$0xF0]  }
0x4a9: {  	s5 =	simm.s32 $0x10;
	v35 =	vmov s2  }
.LBB2_22:
0x4aa: {  	p1 =	slt.u32 s5, $0x78;
	v35 =	vshrl.u32 v35, $0x3  }
0x4ab: {  	v35 =	vshll.u32 v35, v1  }
0x4ac: {  	v35 =	vbroadcast v35, $0x0  }
0x4ad: {  	s0 =	sadd.s32 $0x200, s0;
	[tilespmem:v34+s24+$0x0] =	vst.idx.msk $0xffff, v33  }
0x4ae: {  	v33 =	vld [tilespmem:s0+$0xFFFFFF00];
	v34 =	vadd.s32 v0, v35;
	_ =	sdelay $0x4  }
0x4af: {  	[tilespmem:v34+s24+$0x0] =	vst.idx.msk $0xffff, v33  }
0x4b0: {  	v34 =	vadd.s32 v2, v35;
	v33 =	vld [tilespmem:s0+$0xFFFFFF10];
	_ =	sdelay $0x4  }
0x4b1: {  	[tilespmem:v34+s24+$0x0] =	vst.idx.msk $0xffff, v33  }
0x4b2: {  	v34 =	vadd.s32 v3, v35;
	v33 =	vld [tilespmem:s0+$0xFFFFFF20];
	_ =	sdelay $0x4  }
0x4b3: {  	[tilespmem:v34+s24+$0x0] =	vst.idx.msk $0xffff, v33  }
0x4b4: {  	s8 =	sadd.s32 $0x1, s2;
	v34 =	vadd.s32 v4, v35;
	v33 =	vld [tilespmem:s0+$0xFFFFFF30]  }
0x4b5: {  	v35 =	vmov s8  }
0x4b6: {  	v35 =	vshrl.u32 v35, $0x3  }
0x4b7: {  	v35 =	vshll.u32 v35, v1  }
0x4b8: {  	v35 =	vbroadcast v35, $0x0  }
0x4b9: {  	[tilespmem:v34+s24+$0x0] =	vst.idx.msk $0xffff, v33  }
0x4ba: {  	v34 =	vadd.s32 v5, v35;
	v33 =	vld [tilespmem:s0+$0xFFFFFF40];
	_ =	sdelay $0x4  }
0x4bb: {  	[tilespmem:v34+s24+$0x0] =	vst.idx.msk $0xffff, v33  }
0x4bc: {  	v34 =	vadd.s32 v6, v35;
	v33 =	vld [tilespmem:s0+$0xFFFFFF50];
	_ =	sdelay $0x4  }
0x4bd: {  	[tilespmem:v34+s24+$0x0] =	vst.idx.msk $0xffff, v33  }
0x4be: {  	v34 =	vadd.s32 v7, v35;
	v33 =	vld [tilespmem:s0+$0xFFFFFF60];
	_ =	sdelay $0x4  }
0x4bf: {  	[tilespmem:v34+s24+$0x0] =	vst.idx.msk $0xffff, v33  }
0x4c0: {  	s8 =	sadd.s32 $0x2, s2;
	v34 =	vadd.s32 v8, v35;
	v33 =	vld [tilespmem:s0+$0xFFFFFF70]  }
0x4c1: {  	v35 =	vmov s8  }
0x4c2: {  	v35 =	vshrl.u32 v35, $0x3  }
0x4c3: {  	v35 =	vshll.u32 v35, v1  }
0x4c4: {  	v35 =	vbroadcast v35, $0x0  }
0x4c5: {  	[tilespmem:v34+s24+$0x0] =	vst.idx.msk $0xffff, v33  }
0x4c6: {  	v34 =	vadd.s32 v9, v35;
	v33 =	vld [tilespmem:s0+$0xFFFFFF80];
	_ =	sdelay $0x4  }
0x4c7: {  	[tilespmem:v34+s24+$0x0] =	vst.idx.msk $0xffff, v33  }
0x4c8: {  	v34 =	vadd.s32 v10, v35;
	v33 =	vld [tilespmem:s0+$0xFFFFFF90];
	_ =	sdelay $0x4  }
0x4c9: {  	[tilespmem:v34+s24+$0x0] =	vst.idx.msk $0xffff, v33  }
0x4ca: {  	v34 =	vadd.s32 v11, v35;
	v33 =	vld [tilespmem:s0+$0xFFFFFFA0];
	_ =	sdelay $0x4  }
0x4cb: {  	[tilespmem:v34+s24+$0x0] =	vst.idx.msk $0xffff, v33  }
0x4cc: {  	s8 =	sadd.s32 $0x3, s2;
	v34 =	vadd.s32 v12, v35;
	v33 =	vld [tilespmem:s0+$0xFFFFFFB0]  }
0x4cd: {  	v35 =	vmov s8  }
0x4ce: {  	v35 =	vshrl.u32 v35, $0x3  }
0x4cf: {  	v35 =	vshll.u32 v35, v1  }
0x4d0: {  	v35 =	vbroadcast v35, $0x0  }
0x4d1: {  	[tilespmem:v34+s24+$0x0] =	vst.idx.msk $0xffff, v33  }
0x4d2: {  	v34 =	vadd.s32 v13, v35;
	v33 =	vld [tilespmem:s0+$0xFFFFFFC0];
	_ =	sdelay $0x4  }
0x4d3: {  	[tilespmem:v34+s24+$0x0] =	vst.idx.msk $0xffff, v33  }
0x4d4: {  	v34 =	vadd.s32 v14, v35;
	v33 =	vld [tilespmem:s0+$0xFFFFFFD0];
	_ =	sdelay $0x4  }
0x4d5: {  	[tilespmem:v34+s24+$0x0] =	vst.idx.msk $0xffff, v33  }
0x4d6: {  	v34 =	vadd.s32 v15, v35;
	v33 =	vld [tilespmem:s0+$0xFFFFFFE0];
	_ =	sdelay $0x4  }
0x4d7: {  	[tilespmem:v34+s24+$0x0] =	vst.idx.msk $0xffff, v33  }
0x4d8: {  	s8 =	sadd.s32 $0x4, s2;
	v34 =	vadd.s32 v16, v35;
	v33 =	vld [tilespmem:s0+$0xFFFFFFF0]  }
0x4d9: {  	v35 =	vmov s8  }
0x4da: {  	v35 =	vshrl.u32 v35, $0x3  }
0x4db: {  	v35 =	vshll.u32 v35, v1  }
0x4dc: {  	v35 =	vbroadcast v35, $0x0  }
0x4dd: {  	[tilespmem:v34+s24+$0x0] =	vst.idx.msk $0xffff, v33  }
0x4de: {  	v34 =	vadd.s32 v17, v35;
	v33 =	vld [tilespmem:s0+$0x0];
	_ =	sdelay $0x4  }
0x4df: {  	[tilespmem:v34+s24+$0x0] =	vst.idx.msk $0xffff, v33  }
0x4e0: {  	v34 =	vadd.s32 v18, v35;
	v33 =	vld [tilespmem:s0+$0x10];
	_ =	sdelay $0x4  }
0x4e1: {  	[tilespmem:v34+s24+$0x0] =	vst.idx.msk $0xffff, v33  }
0x4e2: {  	v34 =	vadd.s32 v19, v35;
	v33 =	vld [tilespmem:s0+$0x20];
	_ =	sdelay $0x4  }
0x4e3: {  	[tilespmem:v34+s24+$0x0] =	vst.idx.msk $0xffff, v33  }
0x4e4: {  	s8 =	sadd.s32 $0x5, s2;
	v34 =	vadd.s32 v20, v35;
	v33 =	vld [tilespmem:s0+$0x30]  }
0x4e5: {  	v35 =	vmov s8  }
0x4e6: {  	v35 =	vshrl.u32 v35, $0x3  }
0x4e7: {  	v35 =	vshll.u32 v35, v1  }
0x4e8: {  	v35 =	vbroadcast v35, $0x0  }
0x4e9: {  	[tilespmem:v34+s24+$0x0] =	vst.idx.msk $0xffff, v33  }
0x4ea: {  	v34 =	vadd.s32 v21, v35;
	v33 =	vld [tilespmem:s0+$0x40];
	_ =	sdelay $0x4  }
0x4eb: {  	[tilespmem:v34+s24+$0x0] =	vst.idx.msk $0xffff, v33  }
0x4ec: {  	v34 =	vadd.s32 v22, v35;
	v33 =	vld [tilespmem:s0+$0x50];
	_ =	sdelay $0x4  }
0x4ed: {  	[tilespmem:v34+s24+$0x0] =	vst.idx.msk $0xffff, v33  }
0x4ee: {  	v34 =	vadd.s32 v23, v35;
	v33 =	vld [tilespmem:s0+$0x60];
	_ =	sdelay $0x4  }
0x4ef: {  	[tilespmem:v34+s24+$0x0] =	vst.idx.msk $0xffff, v33  }
0x4f0: {  	s8 =	sadd.s32 $0x6, s2;
	v34 =	vadd.s32 v24, v35;
	v33 =	vld [tilespmem:s0+$0x70]  }
0x4f1: {  	v35 =	vmov s8  }
0x4f2: {  	v35 =	vshrl.u32 v35, $0x3  }
0x4f3: {  	v35 =	vshll.u32 v35, v1  }
0x4f4: {  	v35 =	vbroadcast v35, $0x0  }
0x4f5: {  	[tilespmem:v34+s24+$0x0] =	vst.idx.msk $0xffff, v33  }
0x4f6: {  	v34 =	vadd.s32 v25, v35;
	v33 =	vld [tilespmem:s0+$0x80];
	_ =	sdelay $0x4  }
0x4f7: {  	[tilespmem:v34+s24+$0x0] =	vst.idx.msk $0xffff, v33  }
0x4f8: {  	v34 =	vadd.s32 v26, v35;
	v33 =	vld [tilespmem:s0+$0x90];
	_ =	sdelay $0x4  }
0x4f9: {  	[tilespmem:v34+s24+$0x0] =	vst.idx.msk $0xffff, v33  }
0x4fa: {  	v34 =	vadd.s32 v27, v35;
	v33 =	vld [tilespmem:s0+$0xA0];
	_ =	sdelay $0x4  }
0x4fb: {  	[tilespmem:v34+s24+$0x0] =	vst.idx.msk $0xffff, v33  }
0x4fc: {  	s8 =	sadd.s32 $0x7, s2;
	s2 =	smov.u32 s5;
	v34 =	vadd.s32 v28, v35;
	v33 =	vld [tilespmem:s0+$0xB0]  }
0x4fd: {  	v35 =	vmov s8  }
0x4fe: {  	v35 =	vshrl.u32 v35, $0x3  }
0x4ff: {  	v35 =	vshll.u32 v35, v1  }
0x500: {  	v35 =	vbroadcast v35, $0x0  }
0x501: {  	[tilespmem:v34+s24+$0x0] =	vst.idx.msk $0xffff, v33  }
0x502: {  	v34 =	vadd.s32 v29, v35;
	v33 =	vld [tilespmem:s0+$0xC0];
	_ =	sdelay $0x4  }
0x503: {  	[tilespmem:v34+s24+$0x0] =	vst.idx.msk $0xffff, v33  }
0x504: {  	v34 =	vadd.s32 v30, v35;
	v33 =	vld [tilespmem:s0+$0xD0];
	_ =	sdelay $0x4  }
0x505: {  	[tilespmem:v34+s24+$0x0] =	vst.idx.msk $0xffff, v33  }
0x506: {  	v34 =	vadd.s32 v31, v35;
	v33 =	vld [tilespmem:s0+$0xE0];
	_ =	sdelay $0x2  }
.Ltmp13:
0x507: {  	(pc) =	sbr.rel @p1 .LBB2_22-.Ltmp13, $4  }
0x508: {  	_ = 	snop  }
0x509: {  	[tilespmem:v34+s24+$0x0] =	vst.idx.msk $0xffff, v33  }
0x50a: {  	v34 =	vadd.s32 v32, v35;
	v33 =	vld [tilespmem:s0+$0xF0]  }
0x50b: {  	s5 =	sadd.s32 $0x8, s5;
	v35 =	vmov s2  }
0x50c: {  	_ = 	snop  }
0x50d: {  	v35 =	vshrl.u32 v35, $0x3  }
0x50e: {  	v35 =	vshll.u32 v35, v1  }
0x50f: {  	v35 =	vbroadcast v35, $0x0  }
0x510: {  	s0 =	sadd.s32 $0x200, s0;
	[tilespmem:v34+s24+$0x0] =	vst.idx.msk $0xffff, v33  }
0x511: {  	v33 =	vld [tilespmem:s0+$0xFFFFFF00];
	v53 =	vadd.s32 v0, v35;
	_ =	sdelay $0x4  }
0x512: {  	[tilespmem:v53+s24+$0x0] =	vst.idx.msk $0xffff, v33  }
0x513: {  	v54 =	vadd.s32 v2, v35;
	v33 =	vld [tilespmem:s0+$0xFFFFFF10];
	_ =	sdelay $0x4  }
0x514: {  	[tilespmem:v54+s24+$0x0] =	vst.idx.msk $0xffff, v33  }
0x515: {  	v55 =	vadd.s32 v3, v35;
	v33 =	vld [tilespmem:s0+$0xFFFFFF20];
	_ =	sdelay $0x4  }
0x516: {  	[tilespmem:v55+s24+$0x0] =	vst.idx.msk $0xffff, v33  }
0x517: {  	s5 =	sadd.s32 $0x1, s2;
	v56 =	vadd.s32 v4, v35;
	v33 =	vld [tilespmem:s0+$0xFFFFFF30]  }
0x518: {  	v57 =	vmov s5  }
0x519: {  	v35 =	vshrl.u32 v57, $0x3  }
0x51a: {  	v35 =	vshll.u32 v35, v1  }
0x51b: {  	v35 =	vbroadcast v35, $0x0  }
0x51c: {  	[tilespmem:v56+s24+$0x0] =	vst.idx.msk $0xffff, v33  }
0x51d: {  	v58 =	vadd.s32 v5, v35;
	v33 =	vld [tilespmem:s0+$0xFFFFFF40];
	_ =	sdelay $0x4  }
0x51e: {  	[tilespmem:v58+s24+$0x0] =	vst.idx.msk $0xffff, v33  }
0x51f: {  	v59 =	vadd.s32 v6, v35;
	v33 =	vld [tilespmem:s0+$0xFFFFFF50];
	_ =	sdelay $0x4  }
0x520: {  	[tilespmem:v59+s24+$0x0] =	vst.idx.msk $0xffff, v33  }
0x521: {  	v60 =	vadd.s32 v7, v35;
	v33 =	vld [tilespmem:s0+$0xFFFFFF60];
	_ =	sdelay $0x4  }
0x522: {  	[tilespmem:v60+s24+$0x0] =	vst.idx.msk $0xffff, v33  }
0x523: {  	s8 =	sadd.s32 $0x2, s2;
	v61 =	vadd.s32 v8, v35;
	v33 =	vld [tilespmem:s0+$0xFFFFFF70]  }
0x524: {  	v62 =	vmov s8  }
0x525: {  	v35 =	vshrl.u32 v62, $0x3  }
0x526: {  	v35 =	vshll.u32 v35, v1  }
0x527: {  	v35 =	vbroadcast v35, $0x0  }
0x528: {  	[tilespmem:v61+s24+$0x0] =	vst.idx.msk $0xffff, v33  }
0x529: {  	v63 =	vadd.s32 v9, v35;
	v33 =	vld [tilespmem:s0+$0xFFFFFF80];
	_ =	sdelay $0x4  }
0x52a: {  	[tilespmem:v63+s24+$0x0] =	vst.idx.msk $0xffff, v33  }
0x52b: {  	v36 =	vadd.s32 v10, v35;
	v33 =	vld [tilespmem:s0+$0xFFFFFF90];
	_ =	sdelay $0x4  }
0x52c: {  	[tilespmem:v36+s24+$0x0] =	vst.idx.msk $0xffff, v33  }
0x52d: {  	v37 =	vadd.s32 v11, v35;
	v33 =	vld [tilespmem:s0+$0xFFFFFFA0];
	_ =	sdelay $0x4  }
0x52e: {  	[tilespmem:v37+s24+$0x0] =	vst.idx.msk $0xffff, v33  }
0x52f: {  	s10 =	sadd.s32 $0x3, s2;
	v38 =	vadd.s32 v12, v35;
	v33 =	vld [tilespmem:s0+$0xFFFFFFB0]  }
0x530: {  	v39 =	vmov s10  }
0x531: {  	v35 =	vshrl.u32 v39, $0x3  }
0x532: {  	v35 =	vshll.u32 v35, v1  }
0x533: {  	v35 =	vbroadcast v35, $0x0  }
0x534: {  	[tilespmem:v38+s24+$0x0] =	vst.idx.msk $0xffff, v33  }
0x535: {  	v40 =	vadd.s32 v13, v35;
	v33 =	vld [tilespmem:s0+$0xFFFFFFC0];
	_ =	sdelay $0x4  }
0x536: {  	[tilespmem:v40+s24+$0x0] =	vst.idx.msk $0xffff, v33  }
0x537: {  	v41 =	vadd.s32 v14, v35;
	v33 =	vld [tilespmem:s0+$0xFFFFFFD0];
	_ =	sdelay $0x4  }
0x538: {  	[tilespmem:v41+s24+$0x0] =	vst.idx.msk $0xffff, v33  }
0x539: {  	v42 =	vadd.s32 v15, v35;
	v33 =	vld [tilespmem:s0+$0xFFFFFFE0];
	_ =	sdelay $0x4  }
0x53a: {  	[tilespmem:v42+s24+$0x0] =	vst.idx.msk $0xffff, v33  }
0x53b: {  	s8 =	sadd.s32 $0x4, s2;
	v43 =	vadd.s32 v16, v35;
	v33 =	vld [tilespmem:s0+$0xFFFFFFF0]  }
0x53c: {  	v44 =	vmov s8  }
0x53d: {  	v35 =	vshrl.u32 v44, $0x3  }
0x53e: {  	v35 =	vshll.u32 v35, v1  }
0x53f: {  	v35 =	vbroadcast v35, $0x0  }
0x540: {  	[tilespmem:v43+s24+$0x0] =	vst.idx.msk $0xffff, v33  }
0x541: {  	v45 =	vadd.s32 v17, v35;
	v33 =	vld [tilespmem:s0+$0x0];
	_ =	sdelay $0x4  }
0x542: {  	[tilespmem:v45+s24+$0x0] =	vst.idx.msk $0xffff, v33  }
0x543: {  	v46 =	vadd.s32 v18, v35;
	v33 =	vld [tilespmem:s0+$0x10];
	_ =	sdelay $0x4  }
0x544: {  	[tilespmem:v46+s24+$0x0] =	vst.idx.msk $0xffff, v33  }
0x545: {  	v47 =	vadd.s32 v19, v35;
	v33 =	vld [tilespmem:s0+$0x20];
	_ =	sdelay $0x4  }
0x546: {  	[tilespmem:v47+s24+$0x0] =	vst.idx.msk $0xffff, v33  }
0x547: {  	s10 =	sadd.s32 $0x5, s2;
	v48 =	vadd.s32 v20, v35;
	v33 =	vld [tilespmem:s0+$0x30]  }
0x548: {  	v49 =	vmov s10  }
0x549: {  	v35 =	vshrl.u32 v49, $0x3  }
0x54a: {  	v35 =	vshll.u32 v35, v1  }
0x54b: {  	v35 =	vbroadcast v35, $0x0  }
0x54c: {  	[tilespmem:v48+s24+$0x0] =	vst.idx.msk $0xffff, v33  }
0x54d: {  	v50 =	vadd.s32 v21, v35;
	v33 =	vld [tilespmem:s0+$0x40];
	_ =	sdelay $0x4  }
0x54e: {  	[tilespmem:v50+s24+$0x0] =	vst.idx.msk $0xffff, v33  }
0x54f: {  	v51 =	vadd.s32 v22, v35;
	v33 =	vld [tilespmem:s0+$0x50];
	_ =	sdelay $0x4  }
0x550: {  	[tilespmem:v51+s24+$0x0] =	vst.idx.msk $0xffff, v33  }
0x551: {  	v52 =	vadd.s32 v23, v35;
	v33 =	vld [tilespmem:s0+$0x60];
	_ =	sdelay $0x4  }
0x552: {  	[tilespmem:v52+s24+$0x0] =	vst.idx.msk $0xffff, v33  }
0x553: {  	s8 =	sadd.s32 $0x6, s2;
	v53 =	vadd.s32 v24, v35;
	v33 =	vld [tilespmem:s0+$0x70]  }
0x554: {  	v54 =	vmov s8  }
0x555: {  	v35 =	vshrl.u32 v54, $0x3  }
0x556: {  	v35 =	vshll.u32 v35, v1  }
0x557: {  	v35 =	vbroadcast v35, $0x0  }
0x558: {  	[tilespmem:v53+s24+$0x0] =	vst.idx.msk $0xffff, v33  }
0x559: {  	v55 =	vadd.s32 v25, v35;
	v33 =	vld [tilespmem:s0+$0x80];
	_ =	sdelay $0x4  }
0x55a: {  	[tilespmem:v55+s24+$0x0] =	vst.idx.msk $0xffff, v33  }
0x55b: {  	v56 =	vadd.s32 v26, v35;
	v33 =	vld [tilespmem:s0+$0x90];
	_ =	sdelay $0x4  }
0x55c: {  	[tilespmem:v56+s24+$0x0] =	vst.idx.msk $0xffff, v33  }
0x55d: {  	v57 =	vadd.s32 v27, v35;
	v33 =	vld [tilespmem:s0+$0xA0];
	_ =	sdelay $0x4  }
0x55e: {  	[tilespmem:v57+s24+$0x0] =	vst.idx.msk $0xffff, v33  }
0x55f: {  	s10 =	sadd.s32 $0x7, s2;
	v58 =	vadd.s32 v28, v35;
	v33 =	vld [tilespmem:s0+$0xB0]  }
0x560: {  	v59 =	vmov s10  }
0x561: {  	v35 =	vshrl.u32 v59, $0x3  }
0x562: {  	v35 =	vshll.u32 v35, v1  }
0x563: {  	v35 =	vbroadcast v35, $0x0  }
0x564: {  	[tilespmem:v58+s24+$0x0] =	vst.idx.msk $0xffff, v33  }
0x565: {  	v60 =	vadd.s32 v29, v35;
	v33 =	vld [tilespmem:s0+$0xC0];
	_ =	sdelay $0x4  }
0x566: {  	[tilespmem:v60+s24+$0x0] =	vst.idx.msk $0xffff, v33  }
0x567: {  	v61 =	vadd.s32 v30, v35;
	v33 =	vld [tilespmem:s0+$0xD0];
	_ =	sdelay $0x4  }
0x568: {  	[tilespmem:v61+s24+$0x0] =	vst.idx.msk $0xffff, v33  }
0x569: {  	v62 =	vadd.s32 v31, v35;
	v33 =	vld [tilespmem:s0+$0xE0];
	_ =	sdelay $0x4  }
0x56a: {  	[tilespmem:v62+s24+$0x0] =	vst.idx.msk $0xffff, v33  }
0x56b: {  	v63 =	vadd.s32 v32, v35;
	v33 =	vld [tilespmem:s0+$0xF0];
	_ =	sdelay $0x3  }
0x56c: {  	s2 =	sor.u32 $0x20000, s31  }
0x56d: {  	s5 =	simm.s32 $0x7B00;
	s2 =	sadd.s32 s1, s2;
	[tilespmem:v63+s24+$0x0] =	vst.idx.msk $0xffff, v33  }
0x56e: {  	[hbm4b:s2+s3] =	stream.linear.scatter [tilespmem:s5], [sflag:$0x4], $0x80, $0x38;
	[tilespmem:$0x9D00] =	vst v63  }
0x56f: {  	s8 =	simm.s32 $0x7B88;
	s10 =	sadd.s32 $0x10, s2  }
0x570: {  	[hbm4b:s10+s3] =	stream.linear.scatter [tilespmem:s8], [sflag:$0x4], $0x80, $0x38;
	[tilespmem:$0x9D00] =	vst v63  }
0x571: {  	s8 =	simm.s32 $0x7C10;
	s10 =	sadd.s32 $0x20, s2  }
0x572: {  	[hbm4b:s10+s3] =	stream.linear.scatter [tilespmem:s8], [sflag:$0x4], $0x80, $0x38;
	[tilespmem:$0x9D00] =	vst v63  }
0x573: {  	s8 =	simm.s32 $0x7C98;
	s10 =	sadd.s32 $0x30, s2  }
0x574: {  	[hbm4b:s10+s3] =	stream.linear.scatter [tilespmem:s8], [sflag:$0x4], $0x80, $0x38;
	[tilespmem:$0x9D00] =	vst v63  }
0x575: {  	s8 =	simm.s32 $0x7D20;
	s10 =	sadd.s32 $0x40, s2  }
0x576: {  	[hbm4b:s10+s3] =	stream.linear.scatter [tilespmem:s8], [sflag:$0x4], $0x80, $0x38;
	[tilespmem:$0x9D00] =	vst v63  }
0x577: {  	s31 =	simm.s32 $0x7EB8;
	s8 =	simm.s32 $0x7DA8;
	s10 =	sadd.s32 $0x50, s2  }
0x578: {  	[hbm4b:s10+s3] =	stream.linear.scatter [tilespmem:s8], [sflag:$0x4], $0x80, $0x38;
	[tilespmem:$0x9D00] =	vst v63  }
0x579: {  	s0 =	simm.s32 $0x440;
	s8 =	simm.s32 $0x7E30;
	s10 =	sadd.s32 $0x60, s2  }
0x57a: {  	[hbm4b:s10+s3] =	stream.linear.scatter [tilespmem:s8], [sflag:$0x4], $0x80, $0x38;
	[tilespmem:$0x9D00] =	vst v63  }
0x57b: {  	s5 =	simm.s32 $0x2200;
	s8 =	sadd.s32 $0x70, s2;
	s2 =	sadd.s32 $0x4000, s2  }
.LBB2_24:
0x57c: {  	[hbm4b:s8+s3] =	stream.linear.scatter [tilespmem:s31], [sflag:$0x4], $0x80, $0x38;
	[tilespmem:$0x9D00] =	vst v63  }
0x57d: {  	s8 =	smov.u32 s0;
	s0 =	smov.u32 s5  }
0x57e: {  	s10 =	sadd.s32 $0x1100, s5;
	s0 =	sshra.s32 s0, $0x2;
	s31 =	sadd.s32 $0x7B00, s8  }
0x57f: {  	[hbm4b:s2+s3] =	stream.linear.scatter [tilespmem:s31], [sflag:$0x4], $0x80, $0x38;
	[tilespmem:$0x9D00] =	vst v63  }
0x580: {  	p1 =	sne.s32 s5, $0x7700;
	s5 =	sadd.s32 $0x7B88, s8;
	s31 =	sadd.s32 $0x10, s2  }
0x581: {  	[hbm4b:s31+s3] =	stream.linear.scatter [tilespmem:s5], [sflag:$0x4], $0x80, $0x38;
	[tilespmem:$0x9D00] =	vst v63  }
0x582: {  	s5 =	sadd.s32 $0x7C10, s8;
	s31 =	sadd.s32 $0x20, s2  }
0x583: {  	[hbm4b:s31+s3] =	stream.linear.scatter [tilespmem:s5], [sflag:$0x4], $0x80, $0x38;
	[tilespmem:$0x9D00] =	vst v63  }
0x584: {  	s5 =	sadd.s32 $0x7C98, s8;
	s31 =	sadd.s32 $0x30, s2  }
0x585: {  	[hbm4b:s31+s3] =	stream.linear.scatter [tilespmem:s5], [sflag:$0x4], $0x80, $0x38;
	[tilespmem:$0x9D00] =	vst v63  }
0x586: {  	s5 =	sadd.s32 $0x7D20, s8;
	s31 =	sadd.s32 $0x40, s2  }
0x587: {  	[hbm4b:s31+s3] =	stream.linear.scatter [tilespmem:s5], [sflag:$0x4], $0x80, $0x38;
	[tilespmem:$0x9D00] =	vst v63  }
0x588: {  	s5 =	sadd.s32 $0x7DA8, s8;
	s31 =	sadd.s32 $0x50, s2  }
0x589: {  	[hbm4b:s31+s3] =	stream.linear.scatter [tilespmem:s5], [sflag:$0x4], $0x80, $0x38;
	[tilespmem:$0x9D00] =	vst v63  }
.Ltmp14:
0x58a: {  	_ = 	snop;
	(pc) =	sbr.rel @p1 .LBB2_24-.Ltmp14, $4  }
0x58b: {  	s5 =	sadd.s32 $0x7E30, s8;
	s31 =	sadd.s32 $0x60, s2  }
0x58c: {  	[hbm4b:s31+s3] =	stream.linear.scatter [tilespmem:s5], [sflag:$0x4], $0x80, $0x38;
	[tilespmem:$0x9D00] =	vst v63  }
0x58d: {  	s31 =	sadd.s32 $0x7EB8, s8  }
0x58e: {  	s8 =	sadd.s32 $0x70, s2;
	s2 =	sadd.s32 $0x4000, s2;
	s5 =	smov.u32 s10  }
0x58f: {  	[hbm4b:s8+s3] =	stream.linear.scatter [tilespmem:s31], [sflag:$0x4], $0x80, $0x38;
	[tilespmem:$0x9D00] =	vst v63  }
0x590: {  	s5 =	sadd.s32 $0x7B00, s0  }
0x591: {  	[hbm4b:s2+s3] =	stream.linear.scatter [tilespmem:s5], [sflag:$0x4], $0x80, $0x38;
	[tilespmem:$0x9D00] =	vst v63  }
0x592: {  	s10 =	sadd.s32 $0x7B88, s0;
	s31 =	sadd.s32 $0x10, s2  }
0x593: {  	[hbm4b:s31+s3] =	stream.linear.scatter [tilespmem:s10], [sflag:$0x4], $0x80, $0x38;
	[tilespmem:$0x9D00] =	vst v63  }
0x594: {  	s10 =	sadd.s32 $0x7C10, s0;
	s31 =	sadd.s32 $0x20, s2  }
0x595: {  	[hbm4b:s31+s3] =	stream.linear.scatter [tilespmem:s10], [sflag:$0x4], $0x80, $0x38;
	[tilespmem:$0x9D00] =	vst v63  }
0x596: {  	s10 =	sadd.s32 $0x7C98, s0;
	s31 =	sadd.s32 $0x30, s2  }
0x597: {  	[hbm4b:s31+s3] =	stream.linear.scatter [tilespmem:s10], [sflag:$0x4], $0x80, $0x38;
	[tilespmem:$0x9D00] =	vst v63  }
0x598: {  	s10 =	sadd.s32 $0x7D20, s0;
	s31 =	sadd.s32 $0x40, s2  }
0x599: {  	[hbm4b:s31+s3] =	stream.linear.scatter [tilespmem:s10], [sflag:$0x4], $0x80, $0x38;
	[tilespmem:$0x9D00] =	vst v63  }
0x59a: {  	s10 =	sadd.s32 $0x7DA8, s0;
	s31 =	sadd.s32 $0x50, s2  }
0x59b: {  	[hbm4b:s31+s3] =	stream.linear.scatter [tilespmem:s10], [sflag:$0x4], $0x80, $0x38;
	[tilespmem:$0x9D00] =	vst v63  }
.Ltmp15:
0x59c: {  	_ = 	snop;
	(pc) =	sbr.rel @p0 .LBB2_27-.Ltmp15, $4  }
0x59d: {  	s10 =	sadd.s32 $0x7E30, s0;
	s31 =	sadd.s32 $0x60, s2  }
0x59e: {  	[hbm4b:s31+s3] =	stream.linear.scatter [tilespmem:s10], [sflag:$0x4], $0x80, $0x38;
	[tilespmem:$0x9D00] =	vst v63  }
0x59f: {  	s10 =	sadd.s32 $0x7EB8, s0;
	s31 =	sadd.s32 $0x70, s2  }
0x5a0: {  	[hbm4b:s31+s3] =	stream.linear.scatter [tilespmem:s10], [sflag:$0x4], $0x80, $0x38;
	[tilespmem:$0x9D00] =	vst v63  }
.Ltmp16:
0x5a1: {  	(pc) =	sbr.rel .LBB2_17-.Ltmp16, $4  }
0x5a2: {  	_ = 	snop  }
0x5a3: {  	s0 =	sshrl.u32 s30, $0x2  }
0x5a4: {  	s29 =	sadd.s32 $0x1, s29;
	s0 =	sadd.s32 $0x180, s0  }
0x5a5: {  	[tilespmem:s19], [sflag:$0x2] =	stream.indirect.gather [hbm4b:s4+s15], $0x40, s0, s15, $0xb8;
	[tilespmem:$0x9D00] =	vst v63  }
.LBB2_27:
0x5a6: {  	s28 =	simm.s32 $0x0;
	s0 =	rddreg [dreg:$0x5]  }
0x5a7: {  	[tilespmem:s28], [sflag:$0x5] =	stream.strided.gather [hbm4b:s0+s15], $0x1900, s16, s15, $0x38;
	[tilespmem:$0x9D00] =	vst v63  }
0x5a8: {  	_ =	swait.ge [sflag:s17], $0x1900  }
0x5a9: {  	[sflag:s17] =	ssyncset.done $0x0  }
0x5aa: {  	[sflag:s17] =	ssyncadd.s32 $0xFFFFE700  }
0x5ab: {  	[tilespmem:s18], [sflag:$0x1] =	stream.indirect.gather [hbm4b:s4+s15], $0x40, s28, s15, $0xb8;
	[tilespmem:$0x9D00] =	vst v63  }
0x5ac: {  	s29 =	simm.s32 $0x0  }
0x5ad: {  	[tilespmem:s19], [sflag:$0x2] =	stream.indirect.gather [hbm4b:s4+s15], $0x40, s15, s15, $0xb8;
	[tilespmem:$0x9D00] =	vst v63  }
.LBB2_28:
0x5ae: {  	_ =	swait.ge [sflag:s20], $0x2000  }
0x5af: {  	v33 =	vmov s28;
	[sflag:s20] =	ssyncset.done $0x0  }
0x5b0: {  	v33 =	vshrl.u32 v33, $0x3;
	[sflag:s20] =	ssyncadd.s32 $0xFFFFE000  }
0x5b1: {  	v33 =	vshll.u32 v33, v1;
	_ =	swait.ge [sflag:s25], $0x2000  }
0x5b2: {  	v33 =	vbroadcast v33, $0x0;
	[sflag:s25] =	ssyncset.done $0x0  }
0x5b3: {  	s0 =	simm.s32 $0x1A00;
	[sflag:s25] =	ssyncadd.s32 $0xFFFFE000  }
0x5b4: {  	v35 =	vadd.s32 v0, v33;
	v34 =	vld [tilespmem:s0+$0xFFFFFF00];
	_ =	sdelay $0x4  }
0x5b5: {  	[tilespmem:v35+s21+$0x0] =	vst.idx.msk $0xffff, v34  }
0x5b6: {  	v56 =	vadd.s32 v2, v33;
	v34 =	vld [tilespmem:s0+$0xFFFFFF10];
	_ =	sdelay $0x4  }
0x5b7: {  	[tilespmem:v56+s21+$0x0] =	vst.idx.msk $0xffff, v34  }
0x5b8: {  	v57 =	vadd.s32 v3, v33;
	v34 =	vld [tilespmem:s0+$0xFFFFFF20];
	_ =	sdelay $0x4  }
0x5b9: {  	[tilespmem:v57+s21+$0x0] =	vst.idx.msk $0xffff, v34  }
0x5ba: {  	s2 =	simm.s32 $0x1;
	v33 =	vadd.s32 v4, v33;
	v34 =	vld [tilespmem:s0+$0xFFFFFF30]  }
0x5bb: {  	v58 =	vmov s2  }
0x5bc: {  	v35 =	vshrl.u32 v58, $0x3  }
0x5bd: {  	v35 =	vshll.u32 v35, v1  }
0x5be: {  	v35 =	vbroadcast v35, $0x0  }
0x5bf: {  	[tilespmem:v33+s21+$0x0] =	vst.idx.msk $0xffff, v34  }
0x5c0: {  	v59 =	vadd.s32 v5, v35;
	v33 =	vld [tilespmem:s0+$0xFFFFFF40];
	_ =	sdelay $0x4  }
0x5c1: {  	[tilespmem:v59+s21+$0x0] =	vst.idx.msk $0xffff, v33  }
0x5c2: {  	v60 =	vadd.s32 v6, v35;
	v33 =	vld [tilespmem:s0+$0xFFFFFF50];
	_ =	sdelay $0x4  }
0x5c3: {  	[tilespmem:v60+s21+$0x0] =	vst.idx.msk $0xffff, v33  }
0x5c4: {  	v61 =	vadd.s32 v7, v35;
	v33 =	vld [tilespmem:s0+$0xFFFFFF60];
	_ =	sdelay $0x4  }
0x5c5: {  	[tilespmem:v61+s21+$0x0] =	vst.idx.msk $0xffff, v33  }
0x5c6: {  	s31 =	simm.s32 $0x2;
	v62 =	vadd.s32 v8, v35;
	v33 =	vld [tilespmem:s0+$0xFFFFFF70]  }
0x5c7: {  	v63 =	vmov s31  }
0x5c8: {  	v35 =	vshrl.u32 v63, $0x3  }
0x5c9: {  	v35 =	vshll.u32 v35, v1  }
0x5ca: {  	v35 =	vbroadcast v35, $0x0  }
0x5cb: {  	[tilespmem:v62+s21+$0x0] =	vst.idx.msk $0xffff, v33  }
0x5cc: {  	v36 =	vadd.s32 v9, v35;
	v33 =	vld [tilespmem:s0+$0xFFFFFF80];
	_ =	sdelay $0x4  }
0x5cd: {  	[tilespmem:v36+s21+$0x0] =	vst.idx.msk $0xffff, v33  }
0x5ce: {  	v37 =	vadd.s32 v10, v35;
	v33 =	vld [tilespmem:s0+$0xFFFFFF90];
	_ =	sdelay $0x4  }
0x5cf: {  	[tilespmem:v37+s21+$0x0] =	vst.idx.msk $0xffff, v33  }
0x5d0: {  	v38 =	vadd.s32 v11, v35;
	v33 =	vld [tilespmem:s0+$0xFFFFFFA0];
	_ =	sdelay $0x4  }
0x5d1: {  	[tilespmem:v38+s21+$0x0] =	vst.idx.msk $0xffff, v33  }
0x5d2: {  	s5 =	simm.s32 $0x3;
	v39 =	vadd.s32 v12, v35;
	v33 =	vld [tilespmem:s0+$0xFFFFFFB0]  }
0x5d3: {  	v40 =	vmov s5  }
0x5d4: {  	v35 =	vshrl.u32 v40, $0x3  }
0x5d5: {  	v35 =	vshll.u32 v35, v1  }
0x5d6: {  	v35 =	vbroadcast v35, $0x0  }
0x5d7: {  	[tilespmem:v39+s21+$0x0] =	vst.idx.msk $0xffff, v33  }
0x5d8: {  	v41 =	vadd.s32 v13, v35;
	v33 =	vld [tilespmem:s0+$0xFFFFFFC0];
	_ =	sdelay $0x4  }
0x5d9: {  	[tilespmem:v41+s21+$0x0] =	vst.idx.msk $0xffff, v33  }
0x5da: {  	v42 =	vadd.s32 v14, v35;
	v33 =	vld [tilespmem:s0+$0xFFFFFFD0];
	_ =	sdelay $0x4  }
0x5db: {  	[tilespmem:v42+s21+$0x0] =	vst.idx.msk $0xffff, v33  }
0x5dc: {  	v43 =	vadd.s32 v15, v35;
	v33 =	vld [tilespmem:s0+$0xFFFFFFE0];
	_ =	sdelay $0x4  }
0x5dd: {  	[tilespmem:v43+s21+$0x0] =	vst.idx.msk $0xffff, v33  }
0x5de: {  	s8 =	simm.s32 $0x4;
	v44 =	vadd.s32 v16, v35;
	v33 =	vld [tilespmem:s0+$0xFFFFFFF0]  }
0x5df: {  	v45 =	vmov s8  }
0x5e0: {  	v35 =	vshrl.u32 v45, $0x3  }
0x5e1: {  	v35 =	vshll.u32 v35, v1  }
0x5e2: {  	v35 =	vbroadcast v35, $0x0  }
0x5e3: {  	[tilespmem:v44+s21+$0x0] =	vst.idx.msk $0xffff, v33  }
0x5e4: {  	v46 =	vadd.s32 v17, v35;
	v33 =	vld [tilespmem:s0+$0x0];
	_ =	sdelay $0x4  }
0x5e5: {  	[tilespmem:v46+s21+$0x0] =	vst.idx.msk $0xffff, v33  }
0x5e6: {  	v47 =	vadd.s32 v18, v35;
	v33 =	vld [tilespmem:s0+$0x10];
	_ =	sdelay $0x4  }
0x5e7: {  	[tilespmem:v47+s21+$0x0] =	vst.idx.msk $0xffff, v33  }
0x5e8: {  	v48 =	vadd.s32 v19, v35;
	v33 =	vld [tilespmem:s0+$0x20];
	_ =	sdelay $0x4  }
0x5e9: {  	[tilespmem:v48+s21+$0x0] =	vst.idx.msk $0xffff, v33  }
0x5ea: {  	s10 =	simm.s32 $0x5;
	v49 =	vadd.s32 v20, v35;
	v33 =	vld [tilespmem:s0+$0x30]  }
0x5eb: {  	v50 =	vmov s10  }
0x5ec: {  	v35 =	vshrl.u32 v50, $0x3  }
0x5ed: {  	v35 =	vshll.u32 v35, v1  }
0x5ee: {  	v35 =	vbroadcast v35, $0x0  }
0x5ef: {  	[tilespmem:v49+s21+$0x0] =	vst.idx.msk $0xffff, v33  }
0x5f0: {  	v51 =	vadd.s32 v21, v35;
	v33 =	vld [tilespmem:s0+$0x40];
	_ =	sdelay $0x4  }
0x5f1: {  	[tilespmem:v51+s21+$0x0] =	vst.idx.msk $0xffff, v33  }
0x5f2: {  	v52 =	vadd.s32 v22, v35;
	v33 =	vld [tilespmem:s0+$0x50];
	_ =	sdelay $0x4  }
0x5f3: {  	[tilespmem:v52+s21+$0x0] =	vst.idx.msk $0xffff, v33  }
0x5f4: {  	v53 =	vadd.s32 v23, v35;
	v33 =	vld [tilespmem:s0+$0x60];
	_ =	sdelay $0x4  }
0x5f5: {  	[tilespmem:v53+s21+$0x0] =	vst.idx.msk $0xffff, v33  }
0x5f6: {  	s30 =	simm.s32 $0x6;
	v54 =	vadd.s32 v24, v35;
	v33 =	vld [tilespmem:s0+$0x70]  }
0x5f7: {  	v55 =	vmov s30  }
0x5f8: {  	v35 =	vshrl.u32 v55, $0x3  }
0x5f9: {  	v35 =	vshll.u32 v35, v1  }
0x5fa: {  	v35 =	vbroadcast v35, $0x0  }
0x5fb: {  	[tilespmem:v54+s21+$0x0] =	vst.idx.msk $0xffff, v33  }
0x5fc: {  	v56 =	vadd.s32 v25, v35;
	v33 =	vld [tilespmem:s0+$0x80];
	_ =	sdelay $0x4  }
0x5fd: {  	[tilespmem:v56+s21+$0x0] =	vst.idx.msk $0xffff, v33  }
0x5fe: {  	v57 =	vadd.s32 v26, v35;
	v33 =	vld [tilespmem:s0+$0x90];
	_ =	sdelay $0x4  }
0x5ff: {  	[tilespmem:v57+s21+$0x0] =	vst.idx.msk $0xffff, v33  }
0x600: {  	v58 =	vadd.s32 v27, v35;
	v33 =	vld [tilespmem:s0+$0xA0];
	_ =	sdelay $0x4  }
0x601: {  	[tilespmem:v58+s21+$0x0] =	vst.idx.msk $0xffff, v33  }
0x602: {  	s31 =	simm.s32 $0x7;
	v59 =	vadd.s32 v28, v35;
	v33 =	vld [tilespmem:s0+$0xB0]  }
0x603: {  	v60 =	vmov s31  }
0x604: {  	v35 =	vshrl.u32 v60, $0x3  }
0x605: {  	v35 =	vshll.u32 v35, v1  }
0x606: {  	v35 =	vbroadcast v35, $0x0  }
0x607: {  	[tilespmem:v59+s21+$0x0] =	vst.idx.msk $0xffff, v33  }
0x608: {  	v61 =	vadd.s32 v29, v35;
	v33 =	vld [tilespmem:s0+$0xC0];
	_ =	sdelay $0x4  }
0x609: {  	[tilespmem:v61+s21+$0x0] =	vst.idx.msk $0xffff, v33  }
0x60a: {  	v62 =	vadd.s32 v30, v35;
	v33 =	vld [tilespmem:s0+$0xD0];
	_ =	sdelay $0x4  }
0x60b: {  	[tilespmem:v62+s21+$0x0] =	vst.idx.msk $0xffff, v33  }
0x60c: {  	v63 =	vadd.s32 v31, v35;
	v33 =	vld [tilespmem:s0+$0xE0];
	_ =	sdelay $0x4  }
0x60d: {  	[tilespmem:v63+s21+$0x0] =	vst.idx.msk $0xffff, v33  }
0x60e: {  	s2 =	simm.s32 $0x8;
	v34 =	vadd.s32 v32, v35;
	v33 =	vld [tilespmem:s0+$0xF0]  }
0x60f: {  	s5 =	simm.s32 $0x10;
	v35 =	vmov s2  }
.LBB2_29:
0x610: {  	p0 =	slt.u32 s5, $0x78;
	v35 =	vshrl.u32 v35, $0x3  }
0x611: {  	v35 =	vshll.u32 v35, v1  }
0x612: {  	v35 =	vbroadcast v35, $0x0  }
0x613: {  	s0 =	sadd.s32 $0x200, s0;
	[tilespmem:v34+s21+$0x0] =	vst.idx.msk $0xffff, v33  }
0x614: {  	v33 =	vld [tilespmem:s0+$0xFFFFFF00];
	v34 =	vadd.s32 v0, v35;
	_ =	sdelay $0x4  }
0x615: {  	[tilespmem:v34+s21+$0x0] =	vst.idx.msk $0xffff, v33  }
0x616: {  	v34 =	vadd.s32 v2, v35;
	v33 =	vld [tilespmem:s0+$0xFFFFFF10];
	_ =	sdelay $0x4  }
0x617: {  	[tilespmem:v34+s21+$0x0] =	vst.idx.msk $0xffff, v33  }
0x618: {  	v34 =	vadd.s32 v3, v35;
	v33 =	vld [tilespmem:s0+$0xFFFFFF20];
	_ =	sdelay $0x4  }
0x619: {  	[tilespmem:v34+s21+$0x0] =	vst.idx.msk $0xffff, v33  }
0x61a: {  	s8 =	sadd.s32 $0x1, s2;
	v34 =	vadd.s32 v4, v35;
	v33 =	vld [tilespmem:s0+$0xFFFFFF30]  }
0x61b: {  	v35 =	vmov s8  }
0x61c: {  	v35 =	vshrl.u32 v35, $0x3  }
0x61d: {  	v35 =	vshll.u32 v35, v1  }
0x61e: {  	v35 =	vbroadcast v35, $0x0  }
0x61f: {  	[tilespmem:v34+s21+$0x0] =	vst.idx.msk $0xffff, v33  }
0x620: {  	v34 =	vadd.s32 v5, v35;
	v33 =	vld [tilespmem:s0+$0xFFFFFF40];
	_ =	sdelay $0x4  }
0x621: {  	[tilespmem:v34+s21+$0x0] =	vst.idx.msk $0xffff, v33  }
0x622: {  	v34 =	vadd.s32 v6, v35;
	v33 =	vld [tilespmem:s0+$0xFFFFFF50];
	_ =	sdelay $0x4  }
0x623: {  	[tilespmem:v34+s21+$0x0] =	vst.idx.msk $0xffff, v33  }
0x624: {  	v34 =	vadd.s32 v7, v35;
	v33 =	vld [tilespmem:s0+$0xFFFFFF60];
	_ =	sdelay $0x4  }
0x625: {  	[tilespmem:v34+s21+$0x0] =	vst.idx.msk $0xffff, v33  }
0x626: {  	s8 =	sadd.s32 $0x2, s2;
	v34 =	vadd.s32 v8, v35;
	v33 =	vld [tilespmem:s0+$0xFFFFFF70]  }
0x627: {  	v35 =	vmov s8  }
0x628: {  	v35 =	vshrl.u32 v35, $0x3  }
0x629: {  	v35 =	vshll.u32 v35, v1  }
0x62a: {  	v35 =	vbroadcast v35, $0x0  }
0x62b: {  	[tilespmem:v34+s21+$0x0] =	vst.idx.msk $0xffff, v33  }
0x62c: {  	v34 =	vadd.s32 v9, v35;
	v33 =	vld [tilespmem:s0+$0xFFFFFF80];
	_ =	sdelay $0x4  }
0x62d: {  	[tilespmem:v34+s21+$0x0] =	vst.idx.msk $0xffff, v33  }
0x62e: {  	v34 =	vadd.s32 v10, v35;
	v33 =	vld [tilespmem:s0+$0xFFFFFF90];
	_ =	sdelay $0x4  }
0x62f: {  	[tilespmem:v34+s21+$0x0] =	vst.idx.msk $0xffff, v33  }
0x630: {  	v34 =	vadd.s32 v11, v35;
	v33 =	vld [tilespmem:s0+$0xFFFFFFA0];
	_ =	sdelay $0x4  }
0x631: {  	[tilespmem:v34+s21+$0x0] =	vst.idx.msk $0xffff, v33  }
0x632: {  	s8 =	sadd.s32 $0x3, s2;
	v34 =	vadd.s32 v12, v35;
	v33 =	vld [tilespmem:s0+$0xFFFFFFB0]  }
0x633: {  	v35 =	vmov s8  }
0x634: {  	v35 =	vshrl.u32 v35, $0x3  }
0x635: {  	v35 =	vshll.u32 v35, v1  }
0x636: {  	v35 =	vbroadcast v35, $0x0  }
0x637: {  	[tilespmem:v34+s21+$0x0] =	vst.idx.msk $0xffff, v33  }
0x638: {  	v34 =	vadd.s32 v13, v35;
	v33 =	vld [tilespmem:s0+$0xFFFFFFC0];
	_ =	sdelay $0x4  }
0x639: {  	[tilespmem:v34+s21+$0x0] =	vst.idx.msk $0xffff, v33  }
0x63a: {  	v34 =	vadd.s32 v14, v35;
	v33 =	vld [tilespmem:s0+$0xFFFFFFD0];
	_ =	sdelay $0x4  }
0x63b: {  	[tilespmem:v34+s21+$0x0] =	vst.idx.msk $0xffff, v33  }
0x63c: {  	v34 =	vadd.s32 v15, v35;
	v33 =	vld [tilespmem:s0+$0xFFFFFFE0];
	_ =	sdelay $0x4  }
0x63d: {  	[tilespmem:v34+s21+$0x0] =	vst.idx.msk $0xffff, v33  }
0x63e: {  	s8 =	sadd.s32 $0x4, s2;
	v34 =	vadd.s32 v16, v35;
	v33 =	vld [tilespmem:s0+$0xFFFFFFF0]  }
0x63f: {  	v35 =	vmov s8  }
0x640: {  	v35 =	vshrl.u32 v35, $0x3  }
0x641: {  	v35 =	vshll.u32 v35, v1  }
0x642: {  	v35 =	vbroadcast v35, $0x0  }
0x643: {  	[tilespmem:v34+s21+$0x0] =	vst.idx.msk $0xffff, v33  }
0x644: {  	v34 =	vadd.s32 v17, v35;
	v33 =	vld [tilespmem:s0+$0x0];
	_ =	sdelay $0x4  }
0x645: {  	[tilespmem:v34+s21+$0x0] =	vst.idx.msk $0xffff, v33  }
0x646: {  	v34 =	vadd.s32 v18, v35;
	v33 =	vld [tilespmem:s0+$0x10];
	_ =	sdelay $0x4  }
0x647: {  	[tilespmem:v34+s21+$0x0] =	vst.idx.msk $0xffff, v33  }
0x648: {  	v34 =	vadd.s32 v19, v35;
	v33 =	vld [tilespmem:s0+$0x20];
	_ =	sdelay $0x4  }
0x649: {  	[tilespmem:v34+s21+$0x0] =	vst.idx.msk $0xffff, v33  }
0x64a: {  	s8 =	sadd.s32 $0x5, s2;
	v34 =	vadd.s32 v20, v35;
	v33 =	vld [tilespmem:s0+$0x30]  }
0x64b: {  	v35 =	vmov s8  }
0x64c: {  	v35 =	vshrl.u32 v35, $0x3  }
0x64d: {  	v35 =	vshll.u32 v35, v1  }
0x64e: {  	v35 =	vbroadcast v35, $0x0  }
0x64f: {  	[tilespmem:v34+s21+$0x0] =	vst.idx.msk $0xffff, v33  }
0x650: {  	v34 =	vadd.s32 v21, v35;
	v33 =	vld [tilespmem:s0+$0x40];
	_ =	sdelay $0x4  }
0x651: {  	[tilespmem:v34+s21+$0x0] =	vst.idx.msk $0xffff, v33  }
0x652: {  	v34 =	vadd.s32 v22, v35;
	v33 =	vld [tilespmem:s0+$0x50];
	_ =	sdelay $0x4  }
0x653: {  	[tilespmem:v34+s21+$0x0] =	vst.idx.msk $0xffff, v33  }
0x654: {  	v34 =	vadd.s32 v23, v35;
	v33 =	vld [tilespmem:s0+$0x60];
	_ =	sdelay $0x4  }
0x655: {  	[tilespmem:v34+s21+$0x0] =	vst.idx.msk $0xffff, v33  }
0x656: {  	s8 =	sadd.s32 $0x6, s2;
	v34 =	vadd.s32 v24, v35;
	v33 =	vld [tilespmem:s0+$0x70]  }
0x657: {  	v35 =	vmov s8  }
0x658: {  	v35 =	vshrl.u32 v35, $0x3  }
0x659: {  	v35 =	vshll.u32 v35, v1  }
0x65a: {  	v35 =	vbroadcast v35, $0x0  }
0x65b: {  	[tilespmem:v34+s21+$0x0] =	vst.idx.msk $0xffff, v33  }
0x65c: {  	v34 =	vadd.s32 v25, v35;
	v33 =	vld [tilespmem:s0+$0x80];
	_ =	sdelay $0x4  }
0x65d: {  	[tilespmem:v34+s21+$0x0] =	vst.idx.msk $0xffff, v33  }
0x65e: {  	v34 =	vadd.s32 v26, v35;
	v33 =	vld [tilespmem:s0+$0x90];
	_ =	sdelay $0x4  }
0x65f: {  	[tilespmem:v34+s21+$0x0] =	vst.idx.msk $0xffff, v33  }
0x660: {  	v34 =	vadd.s32 v27, v35;
	v33 =	vld [tilespmem:s0+$0xA0];
	_ =	sdelay $0x4  }
0x661: {  	[tilespmem:v34+s21+$0x0] =	vst.idx.msk $0xffff, v33  }
0x662: {  	s8 =	sadd.s32 $0x7, s2;
	s2 =	smov.u32 s5;
	v34 =	vadd.s32 v28, v35;
	v33 =	vld [tilespmem:s0+$0xB0]  }
0x663: {  	v35 =	vmov s8  }
0x664: {  	v35 =	vshrl.u32 v35, $0x3  }
0x665: {  	v35 =	vshll.u32 v35, v1  }
0x666: {  	v35 =	vbroadcast v35, $0x0  }
0x667: {  	[tilespmem:v34+s21+$0x0] =	vst.idx.msk $0xffff, v33  }
0x668: {  	v34 =	vadd.s32 v29, v35;
	v33 =	vld [tilespmem:s0+$0xC0];
	_ =	sdelay $0x4  }
0x669: {  	[tilespmem:v34+s21+$0x0] =	vst.idx.msk $0xffff, v33  }
0x66a: {  	v34 =	vadd.s32 v30, v35;
	v33 =	vld [tilespmem:s0+$0xD0];
	_ =	sdelay $0x4  }
0x66b: {  	[tilespmem:v34+s21+$0x0] =	vst.idx.msk $0xffff, v33  }
0x66c: {  	v34 =	vadd.s32 v31, v35;
	v33 =	vld [tilespmem:s0+$0xE0];
	_ =	sdelay $0x2  }
.Ltmp17:
0x66d: {  	(pc) =	sbr.rel @p0 .LBB2_29-.Ltmp17, $4  }
0x66e: {  	_ = 	snop  }
0x66f: {  	[tilespmem:v34+s21+$0x0] =	vst.idx.msk $0xffff, v33  }
0x670: {  	v34 =	vadd.s32 v32, v35;
	v33 =	vld [tilespmem:s0+$0xF0]  }
0x671: {  	s5 =	sadd.s32 $0x8, s5;
	v35 =	vmov s2  }
0x672: {  	_ = 	snop  }
0x673: {  	v35 =	vshrl.u32 v35, $0x3  }
0x674: {  	v35 =	vshll.u32 v35, v1  }
0x675: {  	v35 =	vbroadcast v35, $0x0  }
0x676: {  	s0 =	sadd.s32 $0x200, s0;
	[tilespmem:v34+s21+$0x0] =	vst.idx.msk $0xffff, v33  }
0x677: {  	v33 =	vld [tilespmem:s0+$0xFFFFFF00];
	v53 =	vadd.s32 v0, v35;
	_ =	sdelay $0x4  }
0x678: {  	[tilespmem:v53+s21+$0x0] =	vst.idx.msk $0xffff, v33  }
0x679: {  	v54 =	vadd.s32 v2, v35;
	v33 =	vld [tilespmem:s0+$0xFFFFFF10];
	_ =	sdelay $0x4  }
0x67a: {  	[tilespmem:v54+s21+$0x0] =	vst.idx.msk $0xffff, v33  }
0x67b: {  	v55 =	vadd.s32 v3, v35;
	v33 =	vld [tilespmem:s0+$0xFFFFFF20];
	_ =	sdelay $0x4  }
0x67c: {  	[tilespmem:v55+s21+$0x0] =	vst.idx.msk $0xffff, v33  }
0x67d: {  	s5 =	sadd.s32 $0x1, s2;
	v56 =	vadd.s32 v4, v35;
	v33 =	vld [tilespmem:s0+$0xFFFFFF30]  }
0x67e: {  	v57 =	vmov s5  }
0x67f: {  	v35 =	vshrl.u32 v57, $0x3  }
0x680: {  	v35 =	vshll.u32 v35, v1  }
0x681: {  	v35 =	vbroadcast v35, $0x0  }
0x682: {  	[tilespmem:v56+s21+$0x0] =	vst.idx.msk $0xffff, v33  }
0x683: {  	v58 =	vadd.s32 v5, v35;
	v33 =	vld [tilespmem:s0+$0xFFFFFF40];
	_ =	sdelay $0x4  }
0x684: {  	[tilespmem:v58+s21+$0x0] =	vst.idx.msk $0xffff, v33  }
0x685: {  	v59 =	vadd.s32 v6, v35;
	v33 =	vld [tilespmem:s0+$0xFFFFFF50];
	_ =	sdelay $0x4  }
0x686: {  	[tilespmem:v59+s21+$0x0] =	vst.idx.msk $0xffff, v33  }
0x687: {  	v60 =	vadd.s32 v7, v35;
	v33 =	vld [tilespmem:s0+$0xFFFFFF60];
	_ =	sdelay $0x4  }
0x688: {  	[tilespmem:v60+s21+$0x0] =	vst.idx.msk $0xffff, v33  }
0x689: {  	s8 =	sadd.s32 $0x2, s2;
	v61 =	vadd.s32 v8, v35;
	v33 =	vld [tilespmem:s0+$0xFFFFFF70]  }
0x68a: {  	v62 =	vmov s8  }
0x68b: {  	v35 =	vshrl.u32 v62, $0x3  }
0x68c: {  	v35 =	vshll.u32 v35, v1  }
0x68d: {  	v35 =	vbroadcast v35, $0x0  }
0x68e: {  	[tilespmem:v61+s21+$0x0] =	vst.idx.msk $0xffff, v33  }
0x68f: {  	v63 =	vadd.s32 v9, v35;
	v33 =	vld [tilespmem:s0+$0xFFFFFF80];
	_ =	sdelay $0x4  }
0x690: {  	[tilespmem:v63+s21+$0x0] =	vst.idx.msk $0xffff, v33  }
0x691: {  	v36 =	vadd.s32 v10, v35;
	v33 =	vld [tilespmem:s0+$0xFFFFFF90];
	_ =	sdelay $0x4  }
0x692: {  	[tilespmem:v36+s21+$0x0] =	vst.idx.msk $0xffff, v33  }
0x693: {  	v37 =	vadd.s32 v11, v35;
	v33 =	vld [tilespmem:s0+$0xFFFFFFA0];
	_ =	sdelay $0x4  }
0x694: {  	[tilespmem:v37+s21+$0x0] =	vst.idx.msk $0xffff, v33  }
0x695: {  	s10 =	sadd.s32 $0x3, s2;
	v38 =	vadd.s32 v12, v35;
	v33 =	vld [tilespmem:s0+$0xFFFFFFB0]  }
0x696: {  	v39 =	vmov s10  }
0x697: {  	v35 =	vshrl.u32 v39, $0x3  }
0x698: {  	v35 =	vshll.u32 v35, v1  }
0x699: {  	v35 =	vbroadcast v35, $0x0  }
0x69a: {  	[tilespmem:v38+s21+$0x0] =	vst.idx.msk $0xffff, v33  }
0x69b: {  	v40 =	vadd.s32 v13, v35;
	v33 =	vld [tilespmem:s0+$0xFFFFFFC0];
	_ =	sdelay $0x4  }
0x69c: {  	[tilespmem:v40+s21+$0x0] =	vst.idx.msk $0xffff, v33  }
0x69d: {  	v41 =	vadd.s32 v14, v35;
	v33 =	vld [tilespmem:s0+$0xFFFFFFD0];
	_ =	sdelay $0x4  }
0x69e: {  	[tilespmem:v41+s21+$0x0] =	vst.idx.msk $0xffff, v33  }
0x69f: {  	v42 =	vadd.s32 v15, v35;
	v33 =	vld [tilespmem:s0+$0xFFFFFFE0];
	_ =	sdelay $0x4  }
0x6a0: {  	[tilespmem:v42+s21+$0x0] =	vst.idx.msk $0xffff, v33  }
0x6a1: {  	s8 =	sadd.s32 $0x4, s2;
	v43 =	vadd.s32 v16, v35;
	v33 =	vld [tilespmem:s0+$0xFFFFFFF0]  }
0x6a2: {  	v44 =	vmov s8  }
0x6a3: {  	v35 =	vshrl.u32 v44, $0x3  }
0x6a4: {  	v35 =	vshll.u32 v35, v1  }
0x6a5: {  	v35 =	vbroadcast v35, $0x0  }
0x6a6: {  	[tilespmem:v43+s21+$0x0] =	vst.idx.msk $0xffff, v33  }
0x6a7: {  	v45 =	vadd.s32 v17, v35;
	v33 =	vld [tilespmem:s0+$0x0];
	_ =	sdelay $0x4  }
0x6a8: {  	[tilespmem:v45+s21+$0x0] =	vst.idx.msk $0xffff, v33  }
0x6a9: {  	v46 =	vadd.s32 v18, v35;
	v33 =	vld [tilespmem:s0+$0x10];
	_ =	sdelay $0x4  }
0x6aa: {  	[tilespmem:v46+s21+$0x0] =	vst.idx.msk $0xffff, v33  }
0x6ab: {  	v47 =	vadd.s32 v19, v35;
	v33 =	vld [tilespmem:s0+$0x20];
	_ =	sdelay $0x4  }
0x6ac: {  	[tilespmem:v47+s21+$0x0] =	vst.idx.msk $0xffff, v33  }
0x6ad: {  	s10 =	sadd.s32 $0x5, s2;
	v48 =	vadd.s32 v20, v35;
	v33 =	vld [tilespmem:s0+$0x30]  }
0x6ae: {  	v49 =	vmov s10  }
0x6af: {  	v35 =	vshrl.u32 v49, $0x3  }
0x6b0: {  	v35 =	vshll.u32 v35, v1  }
0x6b1: {  	v35 =	vbroadcast v35, $0x0  }
0x6b2: {  	[tilespmem:v48+s21+$0x0] =	vst.idx.msk $0xffff, v33  }
0x6b3: {  	v50 =	vadd.s32 v21, v35;
	v33 =	vld [tilespmem:s0+$0x40];
	_ =	sdelay $0x4  }
0x6b4: {  	[tilespmem:v50+s21+$0x0] =	vst.idx.msk $0xffff, v33  }
0x6b5: {  	v51 =	vadd.s32 v22, v35;
	v33 =	vld [tilespmem:s0+$0x50];
	_ =	sdelay $0x4  }
0x6b6: {  	[tilespmem:v51+s21+$0x0] =	vst.idx.msk $0xffff, v33  }
0x6b7: {  	v52 =	vadd.s32 v23, v35;
	v33 =	vld [tilespmem:s0+$0x60];
	_ =	sdelay $0x4  }
0x6b8: {  	[tilespmem:v52+s21+$0x0] =	vst.idx.msk $0xffff, v33  }
0x6b9: {  	s8 =	sadd.s32 $0x6, s2;
	v53 =	vadd.s32 v24, v35;
	v33 =	vld [tilespmem:s0+$0x70]  }
0x6ba: {  	v54 =	vmov s8  }
0x6bb: {  	v35 =	vshrl.u32 v54, $0x3  }
0x6bc: {  	v35 =	vshll.u32 v35, v1  }
0x6bd: {  	v35 =	vbroadcast v35, $0x0  }
0x6be: {  	[tilespmem:v53+s21+$0x0] =	vst.idx.msk $0xffff, v33  }
0x6bf: {  	v55 =	vadd.s32 v25, v35;
	v33 =	vld [tilespmem:s0+$0x80];
	_ =	sdelay $0x4  }
0x6c0: {  	[tilespmem:v55+s21+$0x0] =	vst.idx.msk $0xffff, v33  }
0x6c1: {  	v56 =	vadd.s32 v26, v35;
	v33 =	vld [tilespmem:s0+$0x90];
	_ =	sdelay $0x4  }
0x6c2: {  	[tilespmem:v56+s21+$0x0] =	vst.idx.msk $0xffff, v33  }
0x6c3: {  	v57 =	vadd.s32 v27, v35;
	v33 =	vld [tilespmem:s0+$0xA0];
	_ =	sdelay $0x4  }
0x6c4: {  	[tilespmem:v57+s21+$0x0] =	vst.idx.msk $0xffff, v33  }
0x6c5: {  	s10 =	sadd.s32 $0x7, s2;
	v58 =	vadd.s32 v28, v35;
	v33 =	vld [tilespmem:s0+$0xB0]  }
0x6c6: {  	v59 =	vmov s10  }
0x6c7: {  	v35 =	vshrl.u32 v59, $0x3  }
0x6c8: {  	v35 =	vshll.u32 v35, v1  }
0x6c9: {  	v35 =	vbroadcast v35, $0x0  }
0x6ca: {  	[tilespmem:v58+s21+$0x0] =	vst.idx.msk $0xffff, v33  }
0x6cb: {  	v60 =	vadd.s32 v29, v35;
	v33 =	vld [tilespmem:s0+$0xC0];
	_ =	sdelay $0x4  }
0x6cc: {  	[tilespmem:v60+s21+$0x0] =	vst.idx.msk $0xffff, v33  }
0x6cd: {  	v61 =	vadd.s32 v30, v35;
	v33 =	vld [tilespmem:s0+$0xD0];
	_ =	sdelay $0x4  }
0x6ce: {  	[tilespmem:v61+s21+$0x0] =	vst.idx.msk $0xffff, v33  }
0x6cf: {  	v62 =	vadd.s32 v31, v35;
	v33 =	vld [tilespmem:s0+$0xE0];
	_ =	sdelay $0x4  }
0x6d0: {  	[tilespmem:v62+s21+$0x0] =	vst.idx.msk $0xffff, v33  }
0x6d1: {  	v63 =	vadd.s32 v32, v35;
	v33 =	vld [tilespmem:s0+$0xF0];
	_ =	sdelay $0x2  }
0x6d2: {  	s2 =	sshll.u32 s29, $0x12  }
0x6d3: {  	s31 =	sor.u32 s11, s2  }
0x6d4: {  	s5 =	simm.s32 $0x5900;
	s2 =	sadd.s32 s1, s31;
	[tilespmem:v63+s21+$0x0] =	vst.idx.msk $0xffff, v33  }
0x6d5: {  	[hbm4b:s2+s3] =	stream.linear.scatter [tilespmem:s5], [sflag:$0x3], $0x80, $0x38;
	[tilespmem:$0x9D00] =	vst v63  }
0x6d6: {  	s8 =	simm.s32 $0x5988;
	s10 =	sadd.s32 $0x10, s2  }
0x6d7: {  	[hbm4b:s10+s3] =	stream.linear.scatter [tilespmem:s8], [sflag:$0x3], $0x80, $0x38;
	[tilespmem:$0x9D00] =	vst v63  }
0x6d8: {  	s8 =	simm.s32 $0x5A10;
	s10 =	sadd.s32 $0x20, s2  }
0x6d9: {  	[hbm4b:s10+s3] =	stream.linear.scatter [tilespmem:s8], [sflag:$0x3], $0x80, $0x38;
	[tilespmem:$0x9D00] =	vst v63  }
0x6da: {  	s8 =	simm.s32 $0x5A98;
	s10 =	sadd.s32 $0x30, s2  }
0x6db: {  	[hbm4b:s10+s3] =	stream.linear.scatter [tilespmem:s8], [sflag:$0x3], $0x80, $0x38;
	[tilespmem:$0x9D00] =	vst v63  }
0x6dc: {  	s8 =	simm.s32 $0x5B20;
	s10 =	sadd.s32 $0x40, s2  }
0x6dd: {  	[hbm4b:s10+s3] =	stream.linear.scatter [tilespmem:s8], [sflag:$0x3], $0x80, $0x38;
	[tilespmem:$0x9D00] =	vst v63  }
0x6de: {  	s30 =	simm.s32 $0x5CB8;
	s8 =	simm.s32 $0x5BA8;
	s10 =	sadd.s32 $0x50, s2  }
0x6df: {  	[hbm4b:s10+s3] =	stream.linear.scatter [tilespmem:s8], [sflag:$0x3], $0x80, $0x38;
	[tilespmem:$0x9D00] =	vst v63  }
0x6e0: {  	s0 =	simm.s32 $0x440;
	s8 =	simm.s32 $0x5C30;
	s10 =	sadd.s32 $0x60, s2  }
0x6e1: {  	[hbm4b:s10+s3] =	stream.linear.scatter [tilespmem:s8], [sflag:$0x3], $0x80, $0x38;
	[tilespmem:$0x9D00] =	vst v63  }
0x6e2: {  	s5 =	simm.s32 $0x2200;
	s8 =	sadd.s32 $0x70, s2;
	s2 =	sadd.s32 $0x4000, s2  }
.LBB2_31:
0x6e3: {  	[hbm4b:s8+s3] =	stream.linear.scatter [tilespmem:s30], [sflag:$0x3], $0x80, $0x38;
	[tilespmem:$0x9D00] =	vst v63  }
0x6e4: {  	s8 =	smov.u32 s0;
	s0 =	smov.u32 s5  }
0x6e5: {  	s10 =	sadd.s32 $0x1100, s5;
	s0 =	sshra.s32 s0, $0x2;
	s30 =	sadd.s32 $0x5900, s8  }
0x6e6: {  	[hbm4b:s2+s3] =	stream.linear.scatter [tilespmem:s30], [sflag:$0x3], $0x80, $0x38;
	[tilespmem:$0x9D00] =	vst v63  }
0x6e7: {  	p0 =	sne.s32 s5, $0x7700;
	s5 =	sadd.s32 $0x5988, s8;
	s30 =	sadd.s32 $0x10, s2  }
0x6e8: {  	[hbm4b:s30+s3] =	stream.linear.scatter [tilespmem:s5], [sflag:$0x3], $0x80, $0x38;
	[tilespmem:$0x9D00] =	vst v63  }
0x6e9: {  	s5 =	sadd.s32 $0x5A10, s8;
	s30 =	sadd.s32 $0x20, s2  }
0x6ea: {  	[hbm4b:s30+s3] =	stream.linear.scatter [tilespmem:s5], [sflag:$0x3], $0x80, $0x38;
	[tilespmem:$0x9D00] =	vst v63  }
0x6eb: {  	s5 =	sadd.s32 $0x5A98, s8;
	s30 =	sadd.s32 $0x30, s2  }
0x6ec: {  	[hbm4b:s30+s3] =	stream.linear.scatter [tilespmem:s5], [sflag:$0x3], $0x80, $0x38;
	[tilespmem:$0x9D00] =	vst v63  }
0x6ed: {  	s5 =	sadd.s32 $0x5B20, s8;
	s30 =	sadd.s32 $0x40, s2  }
0x6ee: {  	[hbm4b:s30+s3] =	stream.linear.scatter [tilespmem:s5], [sflag:$0x3], $0x80, $0x38;
	[tilespmem:$0x9D00] =	vst v63  }
0x6ef: {  	s5 =	sadd.s32 $0x5BA8, s8;
	s30 =	sadd.s32 $0x50, s2  }
0x6f0: {  	[hbm4b:s30+s3] =	stream.linear.scatter [tilespmem:s5], [sflag:$0x3], $0x80, $0x38;
	[tilespmem:$0x9D00] =	vst v63  }
.Ltmp18:
0x6f1: {  	_ = 	snop;
	(pc) =	sbr.rel @p0 .LBB2_31-.Ltmp18, $4  }
0x6f2: {  	s5 =	sadd.s32 $0x5C30, s8;
	s30 =	sadd.s32 $0x60, s2  }
0x6f3: {  	[hbm4b:s30+s3] =	stream.linear.scatter [tilespmem:s5], [sflag:$0x3], $0x80, $0x38;
	[tilespmem:$0x9D00] =	vst v63  }
0x6f4: {  	s30 =	sadd.s32 $0x5CB8, s8  }
0x6f5: {  	s8 =	sadd.s32 $0x70, s2;
	s2 =	sadd.s32 $0x4000, s2;
	s5 =	smov.u32 s10  }
0x6f6: {  	[hbm4b:s8+s3] =	stream.linear.scatter [tilespmem:s30], [sflag:$0x3], $0x80, $0x38;
	[tilespmem:$0x9D00] =	vst v63  }
0x6f7: {  	s5 =	sadd.s32 $0x5900, s0  }
0x6f8: {  	[hbm4b:s2+s3] =	stream.linear.scatter [tilespmem:s5], [sflag:$0x3], $0x80, $0x38;
	[tilespmem:$0x9D00] =	vst v63  }
0x6f9: {  	s8 =	sadd.s32 $0x5988, s0;
	s10 =	sadd.s32 $0x10, s2  }
0x6fa: {  	[hbm4b:s10+s3] =	stream.linear.scatter [tilespmem:s8], [sflag:$0x3], $0x80, $0x38;
	[tilespmem:$0x9D00] =	vst v63  }
0x6fb: {  	s8 =	sadd.s32 $0x5A10, s0;
	s10 =	sadd.s32 $0x20, s2  }
0x6fc: {  	[hbm4b:s10+s3] =	stream.linear.scatter [tilespmem:s8], [sflag:$0x3], $0x80, $0x38;
	[tilespmem:$0x9D00] =	vst v63  }
0x6fd: {  	s8 =	sadd.s32 $0x5A98, s0;
	s10 =	sadd.s32 $0x30, s2  }
0x6fe: {  	[hbm4b:s10+s3] =	stream.linear.scatter [tilespmem:s8], [sflag:$0x3], $0x80, $0x38;
	[tilespmem:$0x9D00] =	vst v63  }
0x6ff: {  	s8 =	sadd.s32 $0x5B20, s0;
	s10 =	sadd.s32 $0x40, s2  }
0x700: {  	[hbm4b:s10+s3] =	stream.linear.scatter [tilespmem:s8], [sflag:$0x3], $0x80, $0x38;
	[tilespmem:$0x9D00] =	vst v63  }
0x701: {  	s30 =	sshll.u32 s29, $0xA;
	s8 =	sadd.s32 $0x5BA8, s0;
	s10 =	sadd.s32 $0x50, s2  }
0x702: {  	[hbm4b:s10+s3] =	stream.linear.scatter [tilespmem:s8], [sflag:$0x3], $0x80, $0x38;
	[tilespmem:$0x9D00] =	vst v63  }
0x703: {  	p0 =	seq.s32 s29, $0x18;
	s8 =	sadd.s32 $0x5C30, s0;
	s10 =	sadd.s32 $0x60, s2  }
0x704: {  	[hbm4b:s10+s3] =	stream.linear.scatter [tilespmem:s8], [sflag:$0x3], $0x80, $0x38;
	[tilespmem:$0x9D00] =	vst v63  }
0x705: {  	s5 =	sadd.s32 $0x70, s2;
	s10 =	sadd.s32 $0x5CB8, s0;
	s0 =	sshrl.u32 @!p0 s30, $0x2  }
0x706: {  	[hbm4b:s5+s3] =	stream.linear.scatter [tilespmem:s10], [sflag:$0x3], $0x80, $0x38;
	[tilespmem:$0x9D00] =	vst v63  }
0x707: {  	s2 =	simm.s32 @!p0 $0x80;
	s0 =	sadd.s32 @!p0 $0x100, s0;
	s5 =	simm.s32 @!p0 $0x1900  }
0x708: {  	[tilespmem:s5], [sflag:$0x1] =	stream.indirect.gather @!p0 [hbm4b:s4+s2], $0x40, s0, s2, $0xb8;
	[tilespmem:$0x9D00] =	vst v63  }
0x709: {  	s8 =	simm.s32 $0x0;
	_ =	swait.ge [sflag:s22], $0x2000  }
0x70a: {  	v33 =	vmov s8;
	[sflag:s22] =	ssyncset.done $0x0  }
0x70b: {  	v33 =	vshrl.u32 v33, $0x3;
	[sflag:s22] =	ssyncadd.s32 $0xFFFFE000  }
0x70c: {  	v33 =	vshll.u32 v33, v1;
	_ =	swait.ge [sflag:s23], $0x2000  }
0x70d: {  	v33 =	vbroadcast v33, $0x0;
	[sflag:s23] =	ssyncset.done $0x0  }
0x70e: {  	s0 =	simm.s32 $0x3A00;
	[sflag:s23] =	ssyncadd.s32 $0xFFFFE000  }
0x70f: {  	v35 =	vadd.s32 v0, v33;
	v34 =	vld [tilespmem:s0+$0xFFFFFF00];
	_ =	sdelay $0x4  }
0x710: {  	[tilespmem:v35+s24+$0x0] =	vst.idx.msk $0xffff, v34  }
0x711: {  	v56 =	vadd.s32 v2, v33;
	v34 =	vld [tilespmem:s0+$0xFFFFFF10];
	_ =	sdelay $0x4  }
0x712: {  	[tilespmem:v56+s24+$0x0] =	vst.idx.msk $0xffff, v34  }
0x713: {  	v57 =	vadd.s32 v3, v33;
	v34 =	vld [tilespmem:s0+$0xFFFFFF20];
	_ =	sdelay $0x4  }
0x714: {  	[tilespmem:v57+s24+$0x0] =	vst.idx.msk $0xffff, v34  }
0x715: {  	s10 =	simm.s32 $0x1;
	v33 =	vadd.s32 v4, v33;
	v34 =	vld [tilespmem:s0+$0xFFFFFF30]  }
0x716: {  	v58 =	vmov s10  }
0x717: {  	v35 =	vshrl.u32 v58, $0x3  }
0x718: {  	v35 =	vshll.u32 v35, v1  }
0x719: {  	v35 =	vbroadcast v35, $0x0  }
0x71a: {  	[tilespmem:v33+s24+$0x0] =	vst.idx.msk $0xffff, v34  }
0x71b: {  	v59 =	vadd.s32 v5, v35;
	v33 =	vld [tilespmem:s0+$0xFFFFFF40];
	_ =	sdelay $0x4  }
0x71c: {  	[tilespmem:v59+s24+$0x0] =	vst.idx.msk $0xffff, v33  }
0x71d: {  	v60 =	vadd.s32 v6, v35;
	v33 =	vld [tilespmem:s0+$0xFFFFFF50];
	_ =	sdelay $0x4  }
0x71e: {  	[tilespmem:v60+s24+$0x0] =	vst.idx.msk $0xffff, v33  }
0x71f: {  	v61 =	vadd.s32 v7, v35;
	v33 =	vld [tilespmem:s0+$0xFFFFFF60];
	_ =	sdelay $0x4  }
0x720: {  	[tilespmem:v61+s24+$0x0] =	vst.idx.msk $0xffff, v33  }
0x721: {  	s5 =	simm.s32 $0x2;
	v62 =	vadd.s32 v8, v35;
	v33 =	vld [tilespmem:s0+$0xFFFFFF70]  }
0x722: {  	v63 =	vmov s5  }
0x723: {  	v35 =	vshrl.u32 v63, $0x3  }
0x724: {  	v35 =	vshll.u32 v35, v1  }
0x725: {  	v35 =	vbroadcast v35, $0x0  }
0x726: {  	[tilespmem:v62+s24+$0x0] =	vst.idx.msk $0xffff, v33  }
0x727: {  	v36 =	vadd.s32 v9, v35;
	v33 =	vld [tilespmem:s0+$0xFFFFFF80];
	_ =	sdelay $0x4  }
0x728: {  	[tilespmem:v36+s24+$0x0] =	vst.idx.msk $0xffff, v33  }
0x729: {  	v37 =	vadd.s32 v10, v35;
	v33 =	vld [tilespmem:s0+$0xFFFFFF90];
	_ =	sdelay $0x4  }
0x72a: {  	[tilespmem:v37+s24+$0x0] =	vst.idx.msk $0xffff, v33  }
0x72b: {  	v38 =	vadd.s32 v11, v35;
	v33 =	vld [tilespmem:s0+$0xFFFFFFA0];
	_ =	sdelay $0x4  }
0x72c: {  	[tilespmem:v38+s24+$0x0] =	vst.idx.msk $0xffff, v33  }
0x72d: {  	s8 =	simm.s32 $0x3;
	v39 =	vadd.s32 v12, v35;
	v33 =	vld [tilespmem:s0+$0xFFFFFFB0]  }
0x72e: {  	v40 =	vmov s8  }
0x72f: {  	v35 =	vshrl.u32 v40, $0x3  }
0x730: {  	v35 =	vshll.u32 v35, v1  }
0x731: {  	v35 =	vbroadcast v35, $0x0  }
0x732: {  	[tilespmem:v39+s24+$0x0] =	vst.idx.msk $0xffff, v33  }
0x733: {  	v41 =	vadd.s32 v13, v35;
	v33 =	vld [tilespmem:s0+$0xFFFFFFC0];
	_ =	sdelay $0x4  }
0x734: {  	[tilespmem:v41+s24+$0x0] =	vst.idx.msk $0xffff, v33  }
0x735: {  	v42 =	vadd.s32 v14, v35;
	v33 =	vld [tilespmem:s0+$0xFFFFFFD0];
	_ =	sdelay $0x4  }
0x736: {  	[tilespmem:v42+s24+$0x0] =	vst.idx.msk $0xffff, v33  }
0x737: {  	v43 =	vadd.s32 v15, v35;
	v33 =	vld [tilespmem:s0+$0xFFFFFFE0];
	_ =	sdelay $0x4  }
0x738: {  	[tilespmem:v43+s24+$0x0] =	vst.idx.msk $0xffff, v33  }
0x739: {  	s10 =	simm.s32 $0x4;
	v44 =	vadd.s32 v16, v35;
	v33 =	vld [tilespmem:s0+$0xFFFFFFF0]  }
0x73a: {  	v45 =	vmov s10  }
0x73b: {  	v35 =	vshrl.u32 v45, $0x3  }
0x73c: {  	v35 =	vshll.u32 v35, v1  }
0x73d: {  	v35 =	vbroadcast v35, $0x0  }
0x73e: {  	[tilespmem:v44+s24+$0x0] =	vst.idx.msk $0xffff, v33  }
0x73f: {  	v46 =	vadd.s32 v17, v35;
	v33 =	vld [tilespmem:s0+$0x0];
	_ =	sdelay $0x4  }
0x740: {  	[tilespmem:v46+s24+$0x0] =	vst.idx.msk $0xffff, v33  }
0x741: {  	v47 =	vadd.s32 v18, v35;
	v33 =	vld [tilespmem:s0+$0x10];
	_ =	sdelay $0x4  }
0x742: {  	[tilespmem:v47+s24+$0x0] =	vst.idx.msk $0xffff, v33  }
0x743: {  	v48 =	vadd.s32 v19, v35;
	v33 =	vld [tilespmem:s0+$0x20];
	_ =	sdelay $0x4  }
0x744: {  	[tilespmem:v48+s24+$0x0] =	vst.idx.msk $0xffff, v33  }
0x745: {  	s5 =	simm.s32 $0x5;
	v49 =	vadd.s32 v20, v35;
	v33 =	vld [tilespmem:s0+$0x30]  }
0x746: {  	v50 =	vmov s5  }
0x747: {  	v35 =	vshrl.u32 v50, $0x3  }
0x748: {  	v35 =	vshll.u32 v35, v1  }
0x749: {  	v35 =	vbroadcast v35, $0x0  }
0x74a: {  	[tilespmem:v49+s24+$0x0] =	vst.idx.msk $0xffff, v33  }
0x74b: {  	v51 =	vadd.s32 v21, v35;
	v33 =	vld [tilespmem:s0+$0x40];
	_ =	sdelay $0x4  }
0x74c: {  	[tilespmem:v51+s24+$0x0] =	vst.idx.msk $0xffff, v33  }
0x74d: {  	v52 =	vadd.s32 v22, v35;
	v33 =	vld [tilespmem:s0+$0x50];
	_ =	sdelay $0x4  }
0x74e: {  	[tilespmem:v52+s24+$0x0] =	vst.idx.msk $0xffff, v33  }
0x74f: {  	v53 =	vadd.s32 v23, v35;
	v33 =	vld [tilespmem:s0+$0x60];
	_ =	sdelay $0x4  }
0x750: {  	[tilespmem:v53+s24+$0x0] =	vst.idx.msk $0xffff, v33  }
0x751: {  	s8 =	simm.s32 $0x6;
	v54 =	vadd.s32 v24, v35;
	v33 =	vld [tilespmem:s0+$0x70]  }
0x752: {  	v55 =	vmov s8  }
0x753: {  	v35 =	vshrl.u32 v55, $0x3  }
0x754: {  	v35 =	vshll.u32 v35, v1  }
0x755: {  	v35 =	vbroadcast v35, $0x0  }
0x756: {  	[tilespmem:v54+s24+$0x0] =	vst.idx.msk $0xffff, v33  }
0x757: {  	v56 =	vadd.s32 v25, v35;
	v33 =	vld [tilespmem:s0+$0x80];
	_ =	sdelay $0x4  }
0x758: {  	[tilespmem:v56+s24+$0x0] =	vst.idx.msk $0xffff, v33  }
0x759: {  	v57 =	vadd.s32 v26, v35;
	v33 =	vld [tilespmem:s0+$0x90];
	_ =	sdelay $0x4  }
0x75a: {  	[tilespmem:v57+s24+$0x0] =	vst.idx.msk $0xffff, v33  }
0x75b: {  	v58 =	vadd.s32 v27, v35;
	v33 =	vld [tilespmem:s0+$0xA0];
	_ =	sdelay $0x4  }
0x75c: {  	[tilespmem:v58+s24+$0x0] =	vst.idx.msk $0xffff, v33  }
0x75d: {  	s10 =	simm.s32 $0x7;
	v59 =	vadd.s32 v28, v35;
	v33 =	vld [tilespmem:s0+$0xB0]  }
0x75e: {  	v60 =	vmov s10  }
0x75f: {  	v35 =	vshrl.u32 v60, $0x3  }
0x760: {  	v35 =	vshll.u32 v35, v1  }
0x761: {  	v35 =	vbroadcast v35, $0x0  }
0x762: {  	[tilespmem:v59+s24+$0x0] =	vst.idx.msk $0xffff, v33  }
0x763: {  	v61 =	vadd.s32 v29, v35;
	v33 =	vld [tilespmem:s0+$0xC0];
	_ =	sdelay $0x4  }
0x764: {  	[tilespmem:v61+s24+$0x0] =	vst.idx.msk $0xffff, v33  }
0x765: {  	v62 =	vadd.s32 v30, v35;
	v33 =	vld [tilespmem:s0+$0xD0];
	_ =	sdelay $0x4  }
0x766: {  	[tilespmem:v62+s24+$0x0] =	vst.idx.msk $0xffff, v33  }
0x767: {  	v63 =	vadd.s32 v31, v35;
	v33 =	vld [tilespmem:s0+$0xE0];
	_ =	sdelay $0x4  }
0x768: {  	[tilespmem:v63+s24+$0x0] =	vst.idx.msk $0xffff, v33  }
0x769: {  	s2 =	simm.s32 $0x8;
	v34 =	vadd.s32 v32, v35;
	v33 =	vld [tilespmem:s0+$0xF0]  }
0x76a: {  	s5 =	simm.s32 $0x10;
	v35 =	vmov s2  }
.LBB2_33:
0x76b: {  	p1 =	slt.u32 s5, $0x78;
	v35 =	vshrl.u32 v35, $0x3  }
0x76c: {  	v35 =	vshll.u32 v35, v1  }
0x76d: {  	v35 =	vbroadcast v35, $0x0  }
0x76e: {  	s0 =	sadd.s32 $0x200, s0;
	[tilespmem:v34+s24+$0x0] =	vst.idx.msk $0xffff, v33  }
0x76f: {  	v33 =	vld [tilespmem:s0+$0xFFFFFF00];
	v34 =	vadd.s32 v0, v35;
	_ =	sdelay $0x4  }
0x770: {  	[tilespmem:v34+s24+$0x0] =	vst.idx.msk $0xffff, v33  }
0x771: {  	v34 =	vadd.s32 v2, v35;
	v33 =	vld [tilespmem:s0+$0xFFFFFF10];
	_ =	sdelay $0x4  }
0x772: {  	[tilespmem:v34+s24+$0x0] =	vst.idx.msk $0xffff, v33  }
0x773: {  	v34 =	vadd.s32 v3, v35;
	v33 =	vld [tilespmem:s0+$0xFFFFFF20];
	_ =	sdelay $0x4  }
0x774: {  	[tilespmem:v34+s24+$0x0] =	vst.idx.msk $0xffff, v33  }
0x775: {  	s8 =	sadd.s32 $0x1, s2;
	v34 =	vadd.s32 v4, v35;
	v33 =	vld [tilespmem:s0+$0xFFFFFF30]  }
0x776: {  	v35 =	vmov s8  }
0x777: {  	v35 =	vshrl.u32 v35, $0x3  }
0x778: {  	v35 =	vshll.u32 v35, v1  }
0x779: {  	v35 =	vbroadcast v35, $0x0  }
0x77a: {  	[tilespmem:v34+s24+$0x0] =	vst.idx.msk $0xffff, v33  }
0x77b: {  	v34 =	vadd.s32 v5, v35;
	v33 =	vld [tilespmem:s0+$0xFFFFFF40];
	_ =	sdelay $0x4  }
0x77c: {  	[tilespmem:v34+s24+$0x0] =	vst.idx.msk $0xffff, v33  }
0x77d: {  	v34 =	vadd.s32 v6, v35;
	v33 =	vld [tilespmem:s0+$0xFFFFFF50];
	_ =	sdelay $0x4  }
0x77e: {  	[tilespmem:v34+s24+$0x0] =	vst.idx.msk $0xffff, v33  }
0x77f: {  	v34 =	vadd.s32 v7, v35;
	v33 =	vld [tilespmem:s0+$0xFFFFFF60];
	_ =	sdelay $0x4  }
0x780: {  	[tilespmem:v34+s24+$0x0] =	vst.idx.msk $0xffff, v33  }
0x781: {  	s8 =	sadd.s32 $0x2, s2;
	v34 =	vadd.s32 v8, v35;
	v33 =	vld [tilespmem:s0+$0xFFFFFF70]  }
0x782: {  	v35 =	vmov s8  }
0x783: {  	v35 =	vshrl.u32 v35, $0x3  }
0x784: {  	v35 =	vshll.u32 v35, v1  }
0x785: {  	v35 =	vbroadcast v35, $0x0  }
0x786: {  	[tilespmem:v34+s24+$0x0] =	vst.idx.msk $0xffff, v33  }
0x787: {  	v34 =	vadd.s32 v9, v35;
	v33 =	vld [tilespmem:s0+$0xFFFFFF80];
	_ =	sdelay $0x4  }
0x788: {  	[tilespmem:v34+s24+$0x0] =	vst.idx.msk $0xffff, v33  }
0x789: {  	v34 =	vadd.s32 v10, v35;
	v33 =	vld [tilespmem:s0+$0xFFFFFF90];
	_ =	sdelay $0x4  }
0x78a: {  	[tilespmem:v34+s24+$0x0] =	vst.idx.msk $0xffff, v33  }
0x78b: {  	v34 =	vadd.s32 v11, v35;
	v33 =	vld [tilespmem:s0+$0xFFFFFFA0];
	_ =	sdelay $0x4  }
0x78c: {  	[tilespmem:v34+s24+$0x0] =	vst.idx.msk $0xffff, v33  }
0x78d: {  	s8 =	sadd.s32 $0x3, s2;
	v34 =	vadd.s32 v12, v35;
	v33 =	vld [tilespmem:s0+$0xFFFFFFB0]  }
0x78e: {  	v35 =	vmov s8  }
0x78f: {  	v35 =	vshrl.u32 v35, $0x3  }
0x790: {  	v35 =	vshll.u32 v35, v1  }
0x791: {  	v35 =	vbroadcast v35, $0x0  }
0x792: {  	[tilespmem:v34+s24+$0x0] =	vst.idx.msk $0xffff, v33  }
0x793: {  	v34 =	vadd.s32 v13, v35;
	v33 =	vld [tilespmem:s0+$0xFFFFFFC0];
	_ =	sdelay $0x4  }
0x794: {  	[tilespmem:v34+s24+$0x0] =	vst.idx.msk $0xffff, v33  }
0x795: {  	v34 =	vadd.s32 v14, v35;
	v33 =	vld [tilespmem:s0+$0xFFFFFFD0];
	_ =	sdelay $0x4  }
0x796: {  	[tilespmem:v34+s24+$0x0] =	vst.idx.msk $0xffff, v33  }
0x797: {  	v34 =	vadd.s32 v15, v35;
	v33 =	vld [tilespmem:s0+$0xFFFFFFE0];
	_ =	sdelay $0x4  }
0x798: {  	[tilespmem:v34+s24+$0x0] =	vst.idx.msk $0xffff, v33  }
0x799: {  	s8 =	sadd.s32 $0x4, s2;
	v34 =	vadd.s32 v16, v35;
	v33 =	vld [tilespmem:s0+$0xFFFFFFF0]  }
0x79a: {  	v35 =	vmov s8  }
0x79b: {  	v35 =	vshrl.u32 v35, $0x3  }
0x79c: {  	v35 =	vshll.u32 v35, v1  }
0x79d: {  	v35 =	vbroadcast v35, $0x0  }
0x79e: {  	[tilespmem:v34+s24+$0x0] =	vst.idx.msk $0xffff, v33  }
0x79f: {  	v34 =	vadd.s32 v17, v35;
	v33 =	vld [tilespmem:s0+$0x0];
	_ =	sdelay $0x4  }
0x7a0: {  	[tilespmem:v34+s24+$0x0] =	vst.idx.msk $0xffff, v33  }
0x7a1: {  	v34 =	vadd.s32 v18, v35;
	v33 =	vld [tilespmem:s0+$0x10];
	_ =	sdelay $0x4  }
0x7a2: {  	[tilespmem:v34+s24+$0x0] =	vst.idx.msk $0xffff, v33  }
0x7a3: {  	v34 =	vadd.s32 v19, v35;
	v33 =	vld [tilespmem:s0+$0x20];
	_ =	sdelay $0x4  }
0x7a4: {  	[tilespmem:v34+s24+$0x0] =	vst.idx.msk $0xffff, v33  }
0x7a5: {  	s8 =	sadd.s32 $0x5, s2;
	v34 =	vadd.s32 v20, v35;
	v33 =	vld [tilespmem:s0+$0x30]  }
0x7a6: {  	v35 =	vmov s8  }
0x7a7: {  	v35 =	vshrl.u32 v35, $0x3  }
0x7a8: {  	v35 =	vshll.u32 v35, v1  }
0x7a9: {  	v35 =	vbroadcast v35, $0x0  }
0x7aa: {  	[tilespmem:v34+s24+$0x0] =	vst.idx.msk $0xffff, v33  }
0x7ab: {  	v34 =	vadd.s32 v21, v35;
	v33 =	vld [tilespmem:s0+$0x40];
	_ =	sdelay $0x4  }
0x7ac: {  	[tilespmem:v34+s24+$0x0] =	vst.idx.msk $0xffff, v33  }
0x7ad: {  	v34 =	vadd.s32 v22, v35;
	v33 =	vld [tilespmem:s0+$0x50];
	_ =	sdelay $0x4  }
0x7ae: {  	[tilespmem:v34+s24+$0x0] =	vst.idx.msk $0xffff, v33  }
0x7af: {  	v34 =	vadd.s32 v23, v35;
	v33 =	vld [tilespmem:s0+$0x60];
	_ =	sdelay $0x4  }
0x7b0: {  	[tilespmem:v34+s24+$0x0] =	vst.idx.msk $0xffff, v33  }
0x7b1: {  	s8 =	sadd.s32 $0x6, s2;
	v34 =	vadd.s32 v24, v35;
	v33 =	vld [tilespmem:s0+$0x70]  }
0x7b2: {  	v35 =	vmov s8  }
0x7b3: {  	v35 =	vshrl.u32 v35, $0x3  }
0x7b4: {  	v35 =	vshll.u32 v35, v1  }
0x7b5: {  	v35 =	vbroadcast v35, $0x0  }
0x7b6: {  	[tilespmem:v34+s24+$0x0] =	vst.idx.msk $0xffff, v33  }
0x7b7: {  	v34 =	vadd.s32 v25, v35;
	v33 =	vld [tilespmem:s0+$0x80];
	_ =	sdelay $0x4  }
0x7b8: {  	[tilespmem:v34+s24+$0x0] =	vst.idx.msk $0xffff, v33  }
0x7b9: {  	v34 =	vadd.s32 v26, v35;
	v33 =	vld [tilespmem:s0+$0x90];
	_ =	sdelay $0x4  }
0x7ba: {  	[tilespmem:v34+s24+$0x0] =	vst.idx.msk $0xffff, v33  }
0x7bb: {  	v34 =	vadd.s32 v27, v35;
	v33 =	vld [tilespmem:s0+$0xA0];
	_ =	sdelay $0x4  }
0x7bc: {  	[tilespmem:v34+s24+$0x0] =	vst.idx.msk $0xffff, v33  }
0x7bd: {  	s8 =	sadd.s32 $0x7, s2;
	s2 =	smov.u32 s5;
	v34 =	vadd.s32 v28, v35;
	v33 =	vld [tilespmem:s0+$0xB0]  }
0x7be: {  	v35 =	vmov s8  }
0x7bf: {  	v35 =	vshrl.u32 v35, $0x3  }
0x7c0: {  	v35 =	vshll.u32 v35, v1  }
0x7c1: {  	v35 =	vbroadcast v35, $0x0  }
0x7c2: {  	[tilespmem:v34+s24+$0x0] =	vst.idx.msk $0xffff, v33  }
0x7c3: {  	v34 =	vadd.s32 v29, v35;
	v33 =	vld [tilespmem:s0+$0xC0];
	_ =	sdelay $0x4  }
0x7c4: {  	[tilespmem:v34+s24+$0x0] =	vst.idx.msk $0xffff, v33  }
0x7c5: {  	v34 =	vadd.s32 v30, v35;
	v33 =	vld [tilespmem:s0+$0xD0];
	_ =	sdelay $0x4  }
0x7c6: {  	[tilespmem:v34+s24+$0x0] =	vst.idx.msk $0xffff, v33  }
0x7c7: {  	v34 =	vadd.s32 v31, v35;
	v33 =	vld [tilespmem:s0+$0xE0];
	_ =	sdelay $0x2  }
.Ltmp19:
0x7c8: {  	(pc) =	sbr.rel @p1 .LBB2_33-.Ltmp19, $4  }
0x7c9: {  	_ = 	snop  }
0x7ca: {  	[tilespmem:v34+s24+$0x0] =	vst.idx.msk $0xffff, v33  }
0x7cb: {  	v34 =	vadd.s32 v32, v35;
	v33 =	vld [tilespmem:s0+$0xF0]  }
0x7cc: {  	s5 =	sadd.s32 $0x8, s5;
	v35 =	vmov s2  }
0x7cd: {  	_ = 	snop  }
0x7ce: {  	v35 =	vshrl.u32 v35, $0x3  }
0x7cf: {  	v35 =	vshll.u32 v35, v1  }
0x7d0: {  	v35 =	vbroadcast v35, $0x0  }
0x7d1: {  	s0 =	sadd.s32 $0x200, s0;
	[tilespmem:v34+s24+$0x0] =	vst.idx.msk $0xffff, v33  }
0x7d2: {  	v33 =	vld [tilespmem:s0+$0xFFFFFF00];
	v53 =	vadd.s32 v0, v35;
	_ =	sdelay $0x4  }
0x7d3: {  	[tilespmem:v53+s24+$0x0] =	vst.idx.msk $0xffff, v33  }
0x7d4: {  	v54 =	vadd.s32 v2, v35;
	v33 =	vld [tilespmem:s0+$0xFFFFFF10];
	_ =	sdelay $0x4  }
0x7d5: {  	[tilespmem:v54+s24+$0x0] =	vst.idx.msk $0xffff, v33  }
0x7d6: {  	v55 =	vadd.s32 v3, v35;
	v33 =	vld [tilespmem:s0+$0xFFFFFF20];
	_ =	sdelay $0x4  }
0x7d7: {  	[tilespmem:v55+s24+$0x0] =	vst.idx.msk $0xffff, v33  }
0x7d8: {  	s5 =	sadd.s32 $0x1, s2;
	v56 =	vadd.s32 v4, v35;
	v33 =	vld [tilespmem:s0+$0xFFFFFF30]  }
0x7d9: {  	v57 =	vmov s5  }
0x7da: {  	v35 =	vshrl.u32 v57, $0x3  }
0x7db: {  	v35 =	vshll.u32 v35, v1  }
0x7dc: {  	v35 =	vbroadcast v35, $0x0  }
0x7dd: {  	[tilespmem:v56+s24+$0x0] =	vst.idx.msk $0xffff, v33  }
0x7de: {  	v58 =	vadd.s32 v5, v35;
	v33 =	vld [tilespmem:s0+$0xFFFFFF40];
	_ =	sdelay $0x4  }
0x7df: {  	[tilespmem:v58+s24+$0x0] =	vst.idx.msk $0xffff, v33  }
0x7e0: {  	v59 =	vadd.s32 v6, v35;
	v33 =	vld [tilespmem:s0+$0xFFFFFF50];
	_ =	sdelay $0x4  }
0x7e1: {  	[tilespmem:v59+s24+$0x0] =	vst.idx.msk $0xffff, v33  }
0x7e2: {  	v60 =	vadd.s32 v7, v35;
	v33 =	vld [tilespmem:s0+$0xFFFFFF60];
	_ =	sdelay $0x4  }
0x7e3: {  	[tilespmem:v60+s24+$0x0] =	vst.idx.msk $0xffff, v33  }
0x7e4: {  	s8 =	sadd.s32 $0x2, s2;
	v61 =	vadd.s32 v8, v35;
	v33 =	vld [tilespmem:s0+$0xFFFFFF70]  }
0x7e5: {  	v62 =	vmov s8  }
0x7e6: {  	v35 =	vshrl.u32 v62, $0x3  }
0x7e7: {  	v35 =	vshll.u32 v35, v1  }
0x7e8: {  	v35 =	vbroadcast v35, $0x0  }
0x7e9: {  	[tilespmem:v61+s24+$0x0] =	vst.idx.msk $0xffff, v33  }
0x7ea: {  	v63 =	vadd.s32 v9, v35;
	v33 =	vld [tilespmem:s0+$0xFFFFFF80];
	_ =	sdelay $0x4  }
0x7eb: {  	[tilespmem:v63+s24+$0x0] =	vst.idx.msk $0xffff, v33  }
0x7ec: {  	v36 =	vadd.s32 v10, v35;
	v33 =	vld [tilespmem:s0+$0xFFFFFF90];
	_ =	sdelay $0x4  }
0x7ed: {  	[tilespmem:v36+s24+$0x0] =	vst.idx.msk $0xffff, v33  }
0x7ee: {  	v37 =	vadd.s32 v11, v35;
	v33 =	vld [tilespmem:s0+$0xFFFFFFA0];
	_ =	sdelay $0x4  }
0x7ef: {  	[tilespmem:v37+s24+$0x0] =	vst.idx.msk $0xffff, v33  }
0x7f0: {  	s10 =	sadd.s32 $0x3, s2;
	v38 =	vadd.s32 v12, v35;
	v33 =	vld [tilespmem:s0+$0xFFFFFFB0]  }
0x7f1: {  	v39 =	vmov s10  }
0x7f2: {  	v35 =	vshrl.u32 v39, $0x3  }
0x7f3: {  	v35 =	vshll.u32 v35, v1  }
0x7f4: {  	v35 =	vbroadcast v35, $0x0  }
0x7f5: {  	[tilespmem:v38+s24+$0x0] =	vst.idx.msk $0xffff, v33  }
0x7f6: {  	v40 =	vadd.s32 v13, v35;
	v33 =	vld [tilespmem:s0+$0xFFFFFFC0];
	_ =	sdelay $0x4  }
0x7f7: {  	[tilespmem:v40+s24+$0x0] =	vst.idx.msk $0xffff, v33  }
0x7f8: {  	v41 =	vadd.s32 v14, v35;
	v33 =	vld [tilespmem:s0+$0xFFFFFFD0];
	_ =	sdelay $0x4  }
0x7f9: {  	[tilespmem:v41+s24+$0x0] =	vst.idx.msk $0xffff, v33  }
0x7fa: {  	v42 =	vadd.s32 v15, v35;
	v33 =	vld [tilespmem:s0+$0xFFFFFFE0];
	_ =	sdelay $0x4  }
0x7fb: {  	[tilespmem:v42+s24+$0x0] =	vst.idx.msk $0xffff, v33  }
0x7fc: {  	s8 =	sadd.s32 $0x4, s2;
	v43 =	vadd.s32 v16, v35;
	v33 =	vld [tilespmem:s0+$0xFFFFFFF0]  }
0x7fd: {  	v44 =	vmov s8  }
0x7fe: {  	v35 =	vshrl.u32 v44, $0x3  }
0x7ff: {  	v35 =	vshll.u32 v35, v1  }
0x800: {  	v35 =	vbroadcast v35, $0x0  }
0x801: {  	[tilespmem:v43+s24+$0x0] =	vst.idx.msk $0xffff, v33  }
0x802: {  	v45 =	vadd.s32 v17, v35;
	v33 =	vld [tilespmem:s0+$0x0];
	_ =	sdelay $0x4  }
0x803: {  	[tilespmem:v45+s24+$0x0] =	vst.idx.msk $0xffff, v33  }
0x804: {  	v46 =	vadd.s32 v18, v35;
	v33 =	vld [tilespmem:s0+$0x10];
	_ =	sdelay $0x4  }
0x805: {  	[tilespmem:v46+s24+$0x0] =	vst.idx.msk $0xffff, v33  }
0x806: {  	v47 =	vadd.s32 v19, v35;
	v33 =	vld [tilespmem:s0+$0x20];
	_ =	sdelay $0x4  }
0x807: {  	[tilespmem:v47+s24+$0x0] =	vst.idx.msk $0xffff, v33  }
0x808: {  	s10 =	sadd.s32 $0x5, s2;
	v48 =	vadd.s32 v20, v35;
	v33 =	vld [tilespmem:s0+$0x30]  }
0x809: {  	v49 =	vmov s10  }
0x80a: {  	v35 =	vshrl.u32 v49, $0x3  }
0x80b: {  	v35 =	vshll.u32 v35, v1  }
0x80c: {  	v35 =	vbroadcast v35, $0x0  }
0x80d: {  	[tilespmem:v48+s24+$0x0] =	vst.idx.msk $0xffff, v33  }
0x80e: {  	v50 =	vadd.s32 v21, v35;
	v33 =	vld [tilespmem:s0+$0x40];
	_ =	sdelay $0x4  }
0x80f: {  	[tilespmem:v50+s24+$0x0] =	vst.idx.msk $0xffff, v33  }
0x810: {  	v51 =	vadd.s32 v22, v35;
	v33 =	vld [tilespmem:s0+$0x50];
	_ =	sdelay $0x4  }
0x811: {  	[tilespmem:v51+s24+$0x0] =	vst.idx.msk $0xffff, v33  }
0x812: {  	v52 =	vadd.s32 v23, v35;
	v33 =	vld [tilespmem:s0+$0x60];
	_ =	sdelay $0x4  }
0x813: {  	[tilespmem:v52+s24+$0x0] =	vst.idx.msk $0xffff, v33  }
0x814: {  	s8 =	sadd.s32 $0x6, s2;
	v53 =	vadd.s32 v24, v35;
	v33 =	vld [tilespmem:s0+$0x70]  }
0x815: {  	v54 =	vmov s8  }
0x816: {  	v35 =	vshrl.u32 v54, $0x3  }
0x817: {  	v35 =	vshll.u32 v35, v1  }
0x818: {  	v35 =	vbroadcast v35, $0x0  }
0x819: {  	[tilespmem:v53+s24+$0x0] =	vst.idx.msk $0xffff, v33  }
0x81a: {  	v55 =	vadd.s32 v25, v35;
	v33 =	vld [tilespmem:s0+$0x80];
	_ =	sdelay $0x4  }
0x81b: {  	[tilespmem:v55+s24+$0x0] =	vst.idx.msk $0xffff, v33  }
0x81c: {  	v56 =	vadd.s32 v26, v35;
	v33 =	vld [tilespmem:s0+$0x90];
	_ =	sdelay $0x4  }
0x81d: {  	[tilespmem:v56+s24+$0x0] =	vst.idx.msk $0xffff, v33  }
0x81e: {  	v57 =	vadd.s32 v27, v35;
	v33 =	vld [tilespmem:s0+$0xA0];
	_ =	sdelay $0x4  }
0x81f: {  	[tilespmem:v57+s24+$0x0] =	vst.idx.msk $0xffff, v33  }
0x820: {  	s10 =	sadd.s32 $0x7, s2;
	v58 =	vadd.s32 v28, v35;
	v33 =	vld [tilespmem:s0+$0xB0]  }
0x821: {  	v59 =	vmov s10  }
0x822: {  	v35 =	vshrl.u32 v59, $0x3  }
0x823: {  	v35 =	vshll.u32 v35, v1  }
0x824: {  	v35 =	vbroadcast v35, $0x0  }
0x825: {  	[tilespmem:v58+s24+$0x0] =	vst.idx.msk $0xffff, v33  }
0x826: {  	v60 =	vadd.s32 v29, v35;
	v33 =	vld [tilespmem:s0+$0xC0];
	_ =	sdelay $0x4  }
0x827: {  	[tilespmem:v60+s24+$0x0] =	vst.idx.msk $0xffff, v33  }
0x828: {  	v61 =	vadd.s32 v30, v35;
	v33 =	vld [tilespmem:s0+$0xD0];
	_ =	sdelay $0x4  }
0x829: {  	[tilespmem:v61+s24+$0x0] =	vst.idx.msk $0xffff, v33  }
0x82a: {  	v62 =	vadd.s32 v31, v35;
	v33 =	vld [tilespmem:s0+$0xE0];
	_ =	sdelay $0x4  }
0x82b: {  	[tilespmem:v62+s24+$0x0] =	vst.idx.msk $0xffff, v33  }
0x82c: {  	v63 =	vadd.s32 v32, v35;
	v33 =	vld [tilespmem:s0+$0xF0];
	_ =	sdelay $0x3  }
0x82d: {  	s2 =	sor.u32 $0x20000, s31  }
0x82e: {  	s5 =	simm.s32 $0x7B00;
	s2 =	sadd.s32 s1, s2;
	[tilespmem:v63+s24+$0x0] =	vst.idx.msk $0xffff, v33  }
0x82f: {  	[hbm4b:s2+s3] =	stream.linear.scatter [tilespmem:s5], [sflag:$0x4], $0x80, $0x38;
	[tilespmem:$0x9D00] =	vst v63  }
0x830: {  	s8 =	simm.s32 $0x7B88;
	s10 =	sadd.s32 $0x10, s2  }
0x831: {  	[hbm4b:s10+s3] =	stream.linear.scatter [tilespmem:s8], [sflag:$0x4], $0x80, $0x38;
	[tilespmem:$0x9D00] =	vst v63  }
0x832: {  	s8 =	simm.s32 $0x7C10;
	s10 =	sadd.s32 $0x20, s2  }
0x833: {  	[hbm4b:s10+s3] =	stream.linear.scatter [tilespmem:s8], [sflag:$0x4], $0x80, $0x38;
	[tilespmem:$0x9D00] =	vst v63  }
0x834: {  	s8 =	simm.s32 $0x7C98;
	s10 =	sadd.s32 $0x30, s2  }
0x835: {  	[hbm4b:s10+s3] =	stream.linear.scatter [tilespmem:s8], [sflag:$0x4], $0x80, $0x38;
	[tilespmem:$0x9D00] =	vst v63  }
0x836: {  	s8 =	simm.s32 $0x7D20;
	s10 =	sadd.s32 $0x40, s2  }
0x837: {  	[hbm4b:s10+s3] =	stream.linear.scatter [tilespmem:s8], [sflag:$0x4], $0x80, $0x38;
	[tilespmem:$0x9D00] =	vst v63  }
0x838: {  	s31 =	simm.s32 $0x7EB8;
	s8 =	simm.s32 $0x7DA8;
	s10 =	sadd.s32 $0x50, s2  }
0x839: {  	[hbm4b:s10+s3] =	stream.linear.scatter [tilespmem:s8], [sflag:$0x4], $0x80, $0x38;
	[tilespmem:$0x9D00] =	vst v63  }
0x83a: {  	s0 =	simm.s32 $0x440;
	s8 =	simm.s32 $0x7E30;
	s10 =	sadd.s32 $0x60, s2  }
0x83b: {  	[hbm4b:s10+s3] =	stream.linear.scatter [tilespmem:s8], [sflag:$0x4], $0x80, $0x38;
	[tilespmem:$0x9D00] =	vst v63  }
0x83c: {  	s5 =	simm.s32 $0x2200;
	s8 =	sadd.s32 $0x70, s2;
	s2 =	sadd.s32 $0x4000, s2  }
.LBB2_35:
0x83d: {  	[hbm4b:s8+s3] =	stream.linear.scatter [tilespmem:s31], [sflag:$0x4], $0x80, $0x38;
	[tilespmem:$0x9D00] =	vst v63  }
0x83e: {  	s8 =	smov.u32 s0;
	s0 =	smov.u32 s5  }
0x83f: {  	s10 =	sadd.s32 $0x1100, s5;
	s0 =	sshra.s32 s0, $0x2;
	s31 =	sadd.s32 $0x7B00, s8  }
0x840: {  	[hbm4b:s2+s3] =	stream.linear.scatter [tilespmem:s31], [sflag:$0x4], $0x80, $0x38;
	[tilespmem:$0x9D00] =	vst v63  }
0x841: {  	p1 =	sne.s32 s5, $0x7700;
	s5 =	sadd.s32 $0x7B88, s8;
	s31 =	sadd.s32 $0x10, s2  }
0x842: {  	[hbm4b:s31+s3] =	stream.linear.scatter [tilespmem:s5], [sflag:$0x4], $0x80, $0x38;
	[tilespmem:$0x9D00] =	vst v63  }
0x843: {  	s5 =	sadd.s32 $0x7C10, s8;
	s31 =	sadd.s32 $0x20, s2  }
0x844: {  	[hbm4b:s31+s3] =	stream.linear.scatter [tilespmem:s5], [sflag:$0x4], $0x80, $0x38;
	[tilespmem:$0x9D00] =	vst v63  }
0x845: {  	s5 =	sadd.s32 $0x7C98, s8;
	s31 =	sadd.s32 $0x30, s2  }
0x846: {  	[hbm4b:s31+s3] =	stream.linear.scatter [tilespmem:s5], [sflag:$0x4], $0x80, $0x38;
	[tilespmem:$0x9D00] =	vst v63  }
0x847: {  	s5 =	sadd.s32 $0x7D20, s8;
	s31 =	sadd.s32 $0x40, s2  }
0x848: {  	[hbm4b:s31+s3] =	stream.linear.scatter [tilespmem:s5], [sflag:$0x4], $0x80, $0x38;
	[tilespmem:$0x9D00] =	vst v63  }
0x849: {  	s5 =	sadd.s32 $0x7DA8, s8;
	s31 =	sadd.s32 $0x50, s2  }
0x84a: {  	[hbm4b:s31+s3] =	stream.linear.scatter [tilespmem:s5], [sflag:$0x4], $0x80, $0x38;
	[tilespmem:$0x9D00] =	vst v63  }
.Ltmp20:
0x84b: {  	_ = 	snop;
	(pc) =	sbr.rel @p1 .LBB2_35-.Ltmp20, $4  }
0x84c: {  	s5 =	sadd.s32 $0x7E30, s8;
	s31 =	sadd.s32 $0x60, s2  }
0x84d: {  	[hbm4b:s31+s3] =	stream.linear.scatter [tilespmem:s5], [sflag:$0x4], $0x80, $0x38;
	[tilespmem:$0x9D00] =	vst v63  }
0x84e: {  	s31 =	sadd.s32 $0x7EB8, s8  }
0x84f: {  	s8 =	sadd.s32 $0x70, s2;
	s2 =	sadd.s32 $0x4000, s2;
	s5 =	smov.u32 s10  }
0x850: {  	[hbm4b:s8+s3] =	stream.linear.scatter [tilespmem:s31], [sflag:$0x4], $0x80, $0x38;
	[tilespmem:$0x9D00] =	vst v63  }
0x851: {  	s5 =	sadd.s32 $0x7B00, s0  }
0x852: {  	[hbm4b:s2+s3] =	stream.linear.scatter [tilespmem:s5], [sflag:$0x4], $0x80, $0x38;
	[tilespmem:$0x9D00] =	vst v63  }
0x853: {  	s10 =	sadd.s32 $0x7B88, s0;
	s31 =	sadd.s32 $0x10, s2  }
0x854: {  	[hbm4b:s31+s3] =	stream.linear.scatter [tilespmem:s10], [sflag:$0x4], $0x80, $0x38;
	[tilespmem:$0x9D00] =	vst v63  }
0x855: {  	s10 =	sadd.s32 $0x7C10, s0;
	s31 =	sadd.s32 $0x20, s2  }
0x856: {  	[hbm4b:s31+s3] =	stream.linear.scatter [tilespmem:s10], [sflag:$0x4], $0x80, $0x38;
	[tilespmem:$0x9D00] =	vst v63  }
0x857: {  	s10 =	sadd.s32 $0x7C98, s0;
	s31 =	sadd.s32 $0x30, s2  }
0x858: {  	[hbm4b:s31+s3] =	stream.linear.scatter [tilespmem:s10], [sflag:$0x4], $0x80, $0x38;
	[tilespmem:$0x9D00] =	vst v63  }
0x859: {  	s10 =	sadd.s32 $0x7D20, s0;
	s31 =	sadd.s32 $0x40, s2  }
0x85a: {  	[hbm4b:s31+s3] =	stream.linear.scatter [tilespmem:s10], [sflag:$0x4], $0x80, $0x38;
	[tilespmem:$0x9D00] =	vst v63  }
0x85b: {  	s10 =	sadd.s32 $0x7DA8, s0;
	s31 =	sadd.s32 $0x50, s2  }
0x85c: {  	[hbm4b:s31+s3] =	stream.linear.scatter [tilespmem:s10], [sflag:$0x4], $0x80, $0x38;
	[tilespmem:$0x9D00] =	vst v63  }
.Ltmp21:
0x85d: {  	_ = 	snop;
	(pc) =	sbr.rel @p0 .LBB2_38-.Ltmp21, $4  }
0x85e: {  	s10 =	sadd.s32 $0x7E30, s0;
	s31 =	sadd.s32 $0x60, s2  }
0x85f: {  	[hbm4b:s31+s3] =	stream.linear.scatter [tilespmem:s10], [sflag:$0x4], $0x80, $0x38;
	[tilespmem:$0x9D00] =	vst v63  }
0x860: {  	s10 =	sadd.s32 $0x7EB8, s0;
	s31 =	sadd.s32 $0x70, s2  }
0x861: {  	[hbm4b:s31+s3] =	stream.linear.scatter [tilespmem:s10], [sflag:$0x4], $0x80, $0x38;
	[tilespmem:$0x9D00] =	vst v63  }
.Ltmp22:
0x862: {  	(pc) =	sbr.rel .LBB2_28-.Ltmp22, $4  }
0x863: {  	_ = 	snop  }
0x864: {  	s0 =	sshrl.u32 s30, $0x2  }
0x865: {  	s29 =	sadd.s32 $0x1, s29;
	s0 =	sadd.s32 $0x180, s0  }
0x866: {  	[tilespmem:s19], [sflag:$0x2] =	stream.indirect.gather [hbm4b:s4+s15], $0x40, s0, s15, $0xb8;
	[tilespmem:$0x9D00] =	vst v63  }
.LBB2_38:
0x867: {  	s28 =	simm.s32 $0x0  }
0x868: {  	[tilespmem:s28], [sflag:$0x5] =	stream.strided.gather [hbm4b:s12+s15], $0x1900, s16, s15, $0x38;
	[tilespmem:$0x9D00] =	vst v63  }
0x869: {  	_ =	swait.ge [sflag:s17], $0x1900  }
0x86a: {  	[sflag:s17] =	ssyncset.done $0x0  }
0x86b: {  	[sflag:s17] =	ssyncadd.s32 $0xFFFFE700  }
0x86c: {  	[tilespmem:s18], [sflag:$0x1] =	stream.indirect.gather [hbm4b:s4+s15], $0x40, s28, s15, $0xb8;
	[tilespmem:$0x9D00] =	vst v63  }
0x86d: {  	s29 =	simm.s32 $0x0  }
0x86e: {  	[tilespmem:s19], [sflag:$0x2] =	stream.indirect.gather [hbm4b:s4+s15], $0x40, s15, s15, $0xb8;
	[tilespmem:$0x9D00] =	vst v63  }
.LBB2_39:
0x86f: {  	_ =	swait.ge [sflag:s20], $0x2000  }
0x870: {  	v33 =	vmov s28;
	[sflag:s20] =	ssyncset.done $0x0  }
0x871: {  	v33 =	vshrl.u32 v33, $0x3;
	[sflag:s20] =	ssyncadd.s32 $0xFFFFE000  }
0x872: {  	v33 =	vshll.u32 v33, v1;
	_ =	swait.ge [sflag:s25], $0x2000  }
0x873: {  	v33 =	vbroadcast v33, $0x0;
	[sflag:s25] =	ssyncset.done $0x0  }
0x874: {  	s0 =	simm.s32 $0x1A00;
	[sflag:s25] =	ssyncadd.s32 $0xFFFFE000  }
0x875: {  	v35 =	vadd.s32 v0, v33;
	v34 =	vld [tilespmem:s0+$0xFFFFFF00];
	_ =	sdelay $0x4  }
0x876: {  	[tilespmem:v35+s21+$0x0] =	vst.idx.msk $0xffff, v34  }
0x877: {  	v56 =	vadd.s32 v2, v33;
	v34 =	vld [tilespmem:s0+$0xFFFFFF10];
	_ =	sdelay $0x4  }
0x878: {  	[tilespmem:v56+s21+$0x0] =	vst.idx.msk $0xffff, v34  }
0x879: {  	v57 =	vadd.s32 v3, v33;
	v34 =	vld [tilespmem:s0+$0xFFFFFF20];
	_ =	sdelay $0x4  }
0x87a: {  	[tilespmem:v57+s21+$0x0] =	vst.idx.msk $0xffff, v34  }
0x87b: {  	s2 =	simm.s32 $0x1;
	v33 =	vadd.s32 v4, v33;
	v34 =	vld [tilespmem:s0+$0xFFFFFF30]  }
0x87c: {  	v58 =	vmov s2  }
0x87d: {  	v35 =	vshrl.u32 v58, $0x3  }
0x87e: {  	v35 =	vshll.u32 v35, v1  }
0x87f: {  	v35 =	vbroadcast v35, $0x0  }
0x880: {  	[tilespmem:v33+s21+$0x0] =	vst.idx.msk $0xffff, v34  }
0x881: {  	v59 =	vadd.s32 v5, v35;
	v33 =	vld [tilespmem:s0+$0xFFFFFF40];
	_ =	sdelay $0x4  }
0x882: {  	[tilespmem:v59+s21+$0x0] =	vst.idx.msk $0xffff, v33  }
0x883: {  	v60 =	vadd.s32 v6, v35;
	v33 =	vld [tilespmem:s0+$0xFFFFFF50];
	_ =	sdelay $0x4  }
0x884: {  	[tilespmem:v60+s21+$0x0] =	vst.idx.msk $0xffff, v33  }
0x885: {  	v61 =	vadd.s32 v7, v35;
	v33 =	vld [tilespmem:s0+$0xFFFFFF60];
	_ =	sdelay $0x4  }
0x886: {  	[tilespmem:v61+s21+$0x0] =	vst.idx.msk $0xffff, v33  }
0x887: {  	s31 =	simm.s32 $0x2;
	v62 =	vadd.s32 v8, v35;
	v33 =	vld [tilespmem:s0+$0xFFFFFF70]  }
0x888: {  	v63 =	vmov s31  }
0x889: {  	v35 =	vshrl.u32 v63, $0x3  }
0x88a: {  	v35 =	vshll.u32 v35, v1  }
0x88b: {  	v35 =	vbroadcast v35, $0x0  }
0x88c: {  	[tilespmem:v62+s21+$0x0] =	vst.idx.msk $0xffff, v33  }
0x88d: {  	v36 =	vadd.s32 v9, v35;
	v33 =	vld [tilespmem:s0+$0xFFFFFF80];
	_ =	sdelay $0x4  }
0x88e: {  	[tilespmem:v36+s21+$0x0] =	vst.idx.msk $0xffff, v33  }
0x88f: {  	v37 =	vadd.s32 v10, v35;
	v33 =	vld [tilespmem:s0+$0xFFFFFF90];
	_ =	sdelay $0x4  }
0x890: {  	[tilespmem:v37+s21+$0x0] =	vst.idx.msk $0xffff, v33  }
0x891: {  	v38 =	vadd.s32 v11, v35;
	v33 =	vld [tilespmem:s0+$0xFFFFFFA0];
	_ =	sdelay $0x4  }
0x892: {  	[tilespmem:v38+s21+$0x0] =	vst.idx.msk $0xffff, v33  }
0x893: {  	s5 =	simm.s32 $0x3;
	v39 =	vadd.s32 v12, v35;
	v33 =	vld [tilespmem:s0+$0xFFFFFFB0]  }
0x894: {  	v40 =	vmov s5  }
0x895: {  	v35 =	vshrl.u32 v40, $0x3  }
0x896: {  	v35 =	vshll.u32 v35, v1  }
0x897: {  	v35 =	vbroadcast v35, $0x0  }
0x898: {  	[tilespmem:v39+s21+$0x0] =	vst.idx.msk $0xffff, v33  }
0x899: {  	v41 =	vadd.s32 v13, v35;
	v33 =	vld [tilespmem:s0+$0xFFFFFFC0];
	_ =	sdelay $0x4  }
0x89a: {  	[tilespmem:v41+s21+$0x0] =	vst.idx.msk $0xffff, v33  }
0x89b: {  	v42 =	vadd.s32 v14, v35;
	v33 =	vld [tilespmem:s0+$0xFFFFFFD0];
	_ =	sdelay $0x4  }
0x89c: {  	[tilespmem:v42+s21+$0x0] =	vst.idx.msk $0xffff, v33  }
0x89d: {  	v43 =	vadd.s32 v15, v35;
	v33 =	vld [tilespmem:s0+$0xFFFFFFE0];
	_ =	sdelay $0x4  }
0x89e: {  	[tilespmem:v43+s21+$0x0] =	vst.idx.msk $0xffff, v33  }
0x89f: {  	s8 =	simm.s32 $0x4;
	v44 =	vadd.s32 v16, v35;
	v33 =	vld [tilespmem:s0+$0xFFFFFFF0]  }
0x8a0: {  	v45 =	vmov s8  }
0x8a1: {  	v35 =	vshrl.u32 v45, $0x3  }
0x8a2: {  	v35 =	vshll.u32 v35, v1  }
0x8a3: {  	v35 =	vbroadcast v35, $0x0  }
0x8a4: {  	[tilespmem:v44+s21+$0x0] =	vst.idx.msk $0xffff, v33  }
0x8a5: {  	v46 =	vadd.s32 v17, v35;
	v33 =	vld [tilespmem:s0+$0x0];
	_ =	sdelay $0x4  }
0x8a6: {  	[tilespmem:v46+s21+$0x0] =	vst.idx.msk $0xffff, v33  }
0x8a7: {  	v47 =	vadd.s32 v18, v35;
	v33 =	vld [tilespmem:s0+$0x10];
	_ =	sdelay $0x4  }
0x8a8: {  	[tilespmem:v47+s21+$0x0] =	vst.idx.msk $0xffff, v33  }
0x8a9: {  	v48 =	vadd.s32 v19, v35;
	v33 =	vld [tilespmem:s0+$0x20];
	_ =	sdelay $0x4  }
0x8aa: {  	[tilespmem:v48+s21+$0x0] =	vst.idx.msk $0xffff, v33  }
0x8ab: {  	s10 =	simm.s32 $0x5;
	v49 =	vadd.s32 v20, v35;
	v33 =	vld [tilespmem:s0+$0x30]  }
0x8ac: {  	v50 =	vmov s10  }
0x8ad: {  	v35 =	vshrl.u32 v50, $0x3  }
0x8ae: {  	v35 =	vshll.u32 v35, v1  }
0x8af: {  	v35 =	vbroadcast v35, $0x0  }
0x8b0: {  	[tilespmem:v49+s21+$0x0] =	vst.idx.msk $0xffff, v33  }
0x8b1: {  	v51 =	vadd.s32 v21, v35;
	v33 =	vld [tilespmem:s0+$0x40];
	_ =	sdelay $0x4  }
0x8b2: {  	[tilespmem:v51+s21+$0x0] =	vst.idx.msk $0xffff, v33  }
0x8b3: {  	v52 =	vadd.s32 v22, v35;
	v33 =	vld [tilespmem:s0+$0x50];
	_ =	sdelay $0x4  }
0x8b4: {  	[tilespmem:v52+s21+$0x0] =	vst.idx.msk $0xffff, v33  }
0x8b5: {  	v53 =	vadd.s32 v23, v35;
	v33 =	vld [tilespmem:s0+$0x60];
	_ =	sdelay $0x4  }
0x8b6: {  	[tilespmem:v53+s21+$0x0] =	vst.idx.msk $0xffff, v33  }
0x8b7: {  	s30 =	simm.s32 $0x6;
	v54 =	vadd.s32 v24, v35;
	v33 =	vld [tilespmem:s0+$0x70]  }
0x8b8: {  	v55 =	vmov s30  }
0x8b9: {  	v35 =	vshrl.u32 v55, $0x3  }
0x8ba: {  	v35 =	vshll.u32 v35, v1  }
0x8bb: {  	v35 =	vbroadcast v35, $0x0  }
0x8bc: {  	[tilespmem:v54+s21+$0x0] =	vst.idx.msk $0xffff, v33  }
0x8bd: {  	v56 =	vadd.s32 v25, v35;
	v33 =	vld [tilespmem:s0+$0x80];
	_ =	sdelay $0x4  }
0x8be: {  	[tilespmem:v56+s21+$0x0] =	vst.idx.msk $0xffff, v33  }
0x8bf: {  	v57 =	vadd.s32 v26, v35;
	v33 =	vld [tilespmem:s0+$0x90];
	_ =	sdelay $0x4  }
0x8c0: {  	[tilespmem:v57+s21+$0x0] =	vst.idx.msk $0xffff, v33  }
0x8c1: {  	v58 =	vadd.s32 v27, v35;
	v33 =	vld [tilespmem:s0+$0xA0];
	_ =	sdelay $0x4  }
0x8c2: {  	[tilespmem:v58+s21+$0x0] =	vst.idx.msk $0xffff, v33  }
0x8c3: {  	s31 =	simm.s32 $0x7;
	v59 =	vadd.s32 v28, v35;
	v33 =	vld [tilespmem:s0+$0xB0]  }
0x8c4: {  	v60 =	vmov s31  }
0x8c5: {  	v35 =	vshrl.u32 v60, $0x3  }
0x8c6: {  	v35 =	vshll.u32 v35, v1  }
0x8c7: {  	v35 =	vbroadcast v35, $0x0  }
0x8c8: {  	[tilespmem:v59+s21+$0x0] =	vst.idx.msk $0xffff, v33  }
0x8c9: {  	v61 =	vadd.s32 v29, v35;
	v33 =	vld [tilespmem:s0+$0xC0];
	_ =	sdelay $0x4  }
0x8ca: {  	[tilespmem:v61+s21+$0x0] =	vst.idx.msk $0xffff, v33  }
0x8cb: {  	v62 =	vadd.s32 v30, v35;
	v33 =	vld [tilespmem:s0+$0xD0];
	_ =	sdelay $0x4  }
0x8cc: {  	[tilespmem:v62+s21+$0x0] =	vst.idx.msk $0xffff, v33  }
0x8cd: {  	v63 =	vadd.s32 v31, v35;
	v33 =	vld [tilespmem:s0+$0xE0];
	_ =	sdelay $0x4  }
0x8ce: {  	[tilespmem:v63+s21+$0x0] =	vst.idx.msk $0xffff, v33  }
0x8cf: {  	s2 =	simm.s32 $0x8;
	v34 =	vadd.s32 v32, v35;
	v33 =	vld [tilespmem:s0+$0xF0]  }
0x8d0: {  	s5 =	simm.s32 $0x10;
	v35 =	vmov s2  }
.LBB2_40:
0x8d1: {  	p0 =	slt.u32 s5, $0x78;
	v35 =	vshrl.u32 v35, $0x3  }
0x8d2: {  	v35 =	vshll.u32 v35, v1  }
0x8d3: {  	v35 =	vbroadcast v35, $0x0  }
0x8d4: {  	s0 =	sadd.s32 $0x200, s0;
	[tilespmem:v34+s21+$0x0] =	vst.idx.msk $0xffff, v33  }
0x8d5: {  	v33 =	vld [tilespmem:s0+$0xFFFFFF00];
	v34 =	vadd.s32 v0, v35;
	_ =	sdelay $0x4  }
0x8d6: {  	[tilespmem:v34+s21+$0x0] =	vst.idx.msk $0xffff, v33  }
0x8d7: {  	v34 =	vadd.s32 v2, v35;
	v33 =	vld [tilespmem:s0+$0xFFFFFF10];
	_ =	sdelay $0x4  }
0x8d8: {  	[tilespmem:v34+s21+$0x0] =	vst.idx.msk $0xffff, v33  }
0x8d9: {  	v34 =	vadd.s32 v3, v35;
	v33 =	vld [tilespmem:s0+$0xFFFFFF20];
	_ =	sdelay $0x4  }
0x8da: {  	[tilespmem:v34+s21+$0x0] =	vst.idx.msk $0xffff, v33  }
0x8db: {  	s8 =	sadd.s32 $0x1, s2;
	v34 =	vadd.s32 v4, v35;
	v33 =	vld [tilespmem:s0+$0xFFFFFF30]  }
0x8dc: {  	v35 =	vmov s8  }
0x8dd: {  	v35 =	vshrl.u32 v35, $0x3  }
0x8de: {  	v35 =	vshll.u32 v35, v1  }
0x8df: {  	v35 =	vbroadcast v35, $0x0  }
0x8e0: {  	[tilespmem:v34+s21+$0x0] =	vst.idx.msk $0xffff, v33  }
0x8e1: {  	v34 =	vadd.s32 v5, v35;
	v33 =	vld [tilespmem:s0+$0xFFFFFF40];
	_ =	sdelay $0x4  }
0x8e2: {  	[tilespmem:v34+s21+$0x0] =	vst.idx.msk $0xffff, v33  }
0x8e3: {  	v34 =	vadd.s32 v6, v35;
	v33 =	vld [tilespmem:s0+$0xFFFFFF50];
	_ =	sdelay $0x4  }
0x8e4: {  	[tilespmem:v34+s21+$0x0] =	vst.idx.msk $0xffff, v33  }
0x8e5: {  	v34 =	vadd.s32 v7, v35;
	v33 =	vld [tilespmem:s0+$0xFFFFFF60];
	_ =	sdelay $0x4  }
0x8e6: {  	[tilespmem:v34+s21+$0x0] =	vst.idx.msk $0xffff, v33  }
0x8e7: {  	s8 =	sadd.s32 $0x2, s2;
	v34 =	vadd.s32 v8, v35;
	v33 =	vld [tilespmem:s0+$0xFFFFFF70]  }
0x8e8: {  	v35 =	vmov s8  }
0x8e9: {  	v35 =	vshrl.u32 v35, $0x3  }
0x8ea: {  	v35 =	vshll.u32 v35, v1  }
0x8eb: {  	v35 =	vbroadcast v35, $0x0  }
0x8ec: {  	[tilespmem:v34+s21+$0x0] =	vst.idx.msk $0xffff, v33  }
0x8ed: {  	v34 =	vadd.s32 v9, v35;
	v33 =	vld [tilespmem:s0+$0xFFFFFF80];
	_ =	sdelay $0x4  }
0x8ee: {  	[tilespmem:v34+s21+$0x0] =	vst.idx.msk $0xffff, v33  }
0x8ef: {  	v34 =	vadd.s32 v10, v35;
	v33 =	vld [tilespmem:s0+$0xFFFFFF90];
	_ =	sdelay $0x4  }
0x8f0: {  	[tilespmem:v34+s21+$0x0] =	vst.idx.msk $0xffff, v33  }
0x8f1: {  	v34 =	vadd.s32 v11, v35;
	v33 =	vld [tilespmem:s0+$0xFFFFFFA0];
	_ =	sdelay $0x4  }
0x8f2: {  	[tilespmem:v34+s21+$0x0] =	vst.idx.msk $0xffff, v33  }
0x8f3: {  	s8 =	sadd.s32 $0x3, s2;
	v34 =	vadd.s32 v12, v35;
	v33 =	vld [tilespmem:s0+$0xFFFFFFB0]  }
0x8f4: {  	v35 =	vmov s8  }
0x8f5: {  	v35 =	vshrl.u32 v35, $0x3  }
0x8f6: {  	v35 =	vshll.u32 v35, v1  }
0x8f7: {  	v35 =	vbroadcast v35, $0x0  }
0x8f8: {  	[tilespmem:v34+s21+$0x0] =	vst.idx.msk $0xffff, v33  }
0x8f9: {  	v34 =	vadd.s32 v13, v35;
	v33 =	vld [tilespmem:s0+$0xFFFFFFC0];
	_ =	sdelay $0x4  }
0x8fa: {  	[tilespmem:v34+s21+$0x0] =	vst.idx.msk $0xffff, v33  }
0x8fb: {  	v34 =	vadd.s32 v14, v35;
	v33 =	vld [tilespmem:s0+$0xFFFFFFD0];
	_ =	sdelay $0x4  }
0x8fc: {  	[tilespmem:v34+s21+$0x0] =	vst.idx.msk $0xffff, v33  }
0x8fd: {  	v34 =	vadd.s32 v15, v35;
	v33 =	vld [tilespmem:s0+$0xFFFFFFE0];
	_ =	sdelay $0x4  }
0x8fe: {  	[tilespmem:v34+s21+$0x0] =	vst.idx.msk $0xffff, v33  }
0x8ff: {  	s8 =	sadd.s32 $0x4, s2;
	v34 =	vadd.s32 v16, v35;
	v33 =	vld [tilespmem:s0+$0xFFFFFFF0]  }
0x900: {  	v35 =	vmov s8  }
0x901: {  	v35 =	vshrl.u32 v35, $0x3  }
0x902: {  	v35 =	vshll.u32 v35, v1  }
0x903: {  	v35 =	vbroadcast v35, $0x0  }
0x904: {  	[tilespmem:v34+s21+$0x0] =	vst.idx.msk $0xffff, v33  }
0x905: {  	v34 =	vadd.s32 v17, v35;
	v33 =	vld [tilespmem:s0+$0x0];
	_ =	sdelay $0x4  }
0x906: {  	[tilespmem:v34+s21+$0x0] =	vst.idx.msk $0xffff, v33  }
0x907: {  	v34 =	vadd.s32 v18, v35;
	v33 =	vld [tilespmem:s0+$0x10];
	_ =	sdelay $0x4  }
0x908: {  	[tilespmem:v34+s21+$0x0] =	vst.idx.msk $0xffff, v33  }
0x909: {  	v34 =	vadd.s32 v19, v35;
	v33 =	vld [tilespmem:s0+$0x20];
	_ =	sdelay $0x4  }
0x90a: {  	[tilespmem:v34+s21+$0x0] =	vst.idx.msk $0xffff, v33  }
0x90b: {  	s8 =	sadd.s32 $0x5, s2;
	v34 =	vadd.s32 v20, v35;
	v33 =	vld [tilespmem:s0+$0x30]  }
0x90c: {  	v35 =	vmov s8  }
0x90d: {  	v35 =	vshrl.u32 v35, $0x3  }
0x90e: {  	v35 =	vshll.u32 v35, v1  }
0x90f: {  	v35 =	vbroadcast v35, $0x0  }
0x910: {  	[tilespmem:v34+s21+$0x0] =	vst.idx.msk $0xffff, v33  }
0x911: {  	v34 =	vadd.s32 v21, v35;
	v33 =	vld [tilespmem:s0+$0x40];
	_ =	sdelay $0x4  }
0x912: {  	[tilespmem:v34+s21+$0x0] =	vst.idx.msk $0xffff, v33  }
0x913: {  	v34 =	vadd.s32 v22, v35;
	v33 =	vld [tilespmem:s0+$0x50];
	_ =	sdelay $0x4  }
0x914: {  	[tilespmem:v34+s21+$0x0] =	vst.idx.msk $0xffff, v33  }
0x915: {  	v34 =	vadd.s32 v23, v35;
	v33 =	vld [tilespmem:s0+$0x60];
	_ =	sdelay $0x4  }
0x916: {  	[tilespmem:v34+s21+$0x0] =	vst.idx.msk $0xffff, v33  }
0x917: {  	s8 =	sadd.s32 $0x6, s2;
	v34 =	vadd.s32 v24, v35;
	v33 =	vld [tilespmem:s0+$0x70]  }
0x918: {  	v35 =	vmov s8  }
0x919: {  	v35 =	vshrl.u32 v35, $0x3  }
0x91a: {  	v35 =	vshll.u32 v35, v1  }
0x91b: {  	v35 =	vbroadcast v35, $0x0  }
0x91c: {  	[tilespmem:v34+s21+$0x0] =	vst.idx.msk $0xffff, v33  }
0x91d: {  	v34 =	vadd.s32 v25, v35;
	v33 =	vld [tilespmem:s0+$0x80];
	_ =	sdelay $0x4  }
0x91e: {  	[tilespmem:v34+s21+$0x0] =	vst.idx.msk $0xffff, v33  }
0x91f: {  	v34 =	vadd.s32 v26, v35;
	v33 =	vld [tilespmem:s0+$0x90];
	_ =	sdelay $0x4  }
0x920: {  	[tilespmem:v34+s21+$0x0] =	vst.idx.msk $0xffff, v33  }
0x921: {  	v34 =	vadd.s32 v27, v35;
	v33 =	vld [tilespmem:s0+$0xA0];
	_ =	sdelay $0x4  }
0x922: {  	[tilespmem:v34+s21+$0x0] =	vst.idx.msk $0xffff, v33  }
0x923: {  	s8 =	sadd.s32 $0x7, s2;
	s2 =	smov.u32 s5;
	v34 =	vadd.s32 v28, v35;
	v33 =	vld [tilespmem:s0+$0xB0]  }
0x924: {  	v35 =	vmov s8  }
0x925: {  	v35 =	vshrl.u32 v35, $0x3  }
0x926: {  	v35 =	vshll.u32 v35, v1  }
0x927: {  	v35 =	vbroadcast v35, $0x0  }
0x928: {  	[tilespmem:v34+s21+$0x0] =	vst.idx.msk $0xffff, v33  }
0x929: {  	v34 =	vadd.s32 v29, v35;
	v33 =	vld [tilespmem:s0+$0xC0];
	_ =	sdelay $0x4  }
0x92a: {  	[tilespmem:v34+s21+$0x0] =	vst.idx.msk $0xffff, v33  }
0x92b: {  	v34 =	vadd.s32 v30, v35;
	v33 =	vld [tilespmem:s0+$0xD0];
	_ =	sdelay $0x4  }
0x92c: {  	[tilespmem:v34+s21+$0x0] =	vst.idx.msk $0xffff, v33  }
0x92d: {  	v34 =	vadd.s32 v31, v35;
	v33 =	vld [tilespmem:s0+$0xE0];
	_ =	sdelay $0x2  }
.Ltmp23:
0x92e: {  	(pc) =	sbr.rel @p0 .LBB2_40-.Ltmp23, $4  }
0x92f: {  	_ = 	snop  }
0x930: {  	[tilespmem:v34+s21+$0x0] =	vst.idx.msk $0xffff, v33  }
0x931: {  	v34 =	vadd.s32 v32, v35;
	v33 =	vld [tilespmem:s0+$0xF0]  }
0x932: {  	s5 =	sadd.s32 $0x8, s5;
	v35 =	vmov s2  }
0x933: {  	_ = 	snop  }
0x934: {  	v35 =	vshrl.u32 v35, $0x3  }
0x935: {  	v35 =	vshll.u32 v35, v1  }
0x936: {  	v35 =	vbroadcast v35, $0x0  }
0x937: {  	s0 =	sadd.s32 $0x200, s0;
	[tilespmem:v34+s21+$0x0] =	vst.idx.msk $0xffff, v33  }
0x938: {  	v33 =	vld [tilespmem:s0+$0xFFFFFF00];
	v53 =	vadd.s32 v0, v35;
	_ =	sdelay $0x4  }
0x939: {  	[tilespmem:v53+s21+$0x0] =	vst.idx.msk $0xffff, v33  }
0x93a: {  	v54 =	vadd.s32 v2, v35;
	v33 =	vld [tilespmem:s0+$0xFFFFFF10];
	_ =	sdelay $0x4  }
0x93b: {  	[tilespmem:v54+s21+$0x0] =	vst.idx.msk $0xffff, v33  }
0x93c: {  	v55 =	vadd.s32 v3, v35;
	v33 =	vld [tilespmem:s0+$0xFFFFFF20];
	_ =	sdelay $0x4  }
0x93d: {  	[tilespmem:v55+s21+$0x0] =	vst.idx.msk $0xffff, v33  }
0x93e: {  	s5 =	sadd.s32 $0x1, s2;
	v56 =	vadd.s32 v4, v35;
	v33 =	vld [tilespmem:s0+$0xFFFFFF30]  }
0x93f: {  	v57 =	vmov s5  }
0x940: {  	v35 =	vshrl.u32 v57, $0x3  }
0x941: {  	v35 =	vshll.u32 v35, v1  }
0x942: {  	v35 =	vbroadcast v35, $0x0  }
0x943: {  	[tilespmem:v56+s21+$0x0] =	vst.idx.msk $0xffff, v33  }
0x944: {  	v58 =	vadd.s32 v5, v35;
	v33 =	vld [tilespmem:s0+$0xFFFFFF40];
	_ =	sdelay $0x4  }
0x945: {  	[tilespmem:v58+s21+$0x0] =	vst.idx.msk $0xffff, v33  }
0x946: {  	v59 =	vadd.s32 v6, v35;
	v33 =	vld [tilespmem:s0+$0xFFFFFF50];
	_ =	sdelay $0x4  }
0x947: {  	[tilespmem:v59+s21+$0x0] =	vst.idx.msk $0xffff, v33  }
0x948: {  	v60 =	vadd.s32 v7, v35;
	v33 =	vld [tilespmem:s0+$0xFFFFFF60];
	_ =	sdelay $0x4  }
0x949: {  	[tilespmem:v60+s21+$0x0] =	vst.idx.msk $0xffff, v33  }
0x94a: {  	s8 =	sadd.s32 $0x2, s2;
	v61 =	vadd.s32 v8, v35;
	v33 =	vld [tilespmem:s0+$0xFFFFFF70]  }
0x94b: {  	v62 =	vmov s8  }
0x94c: {  	v35 =	vshrl.u32 v62, $0x3  }
0x94d: {  	v35 =	vshll.u32 v35, v1  }
0x94e: {  	v35 =	vbroadcast v35, $0x0  }
0x94f: {  	[tilespmem:v61+s21+$0x0] =	vst.idx.msk $0xffff, v33  }
0x950: {  	v63 =	vadd.s32 v9, v35;
	v33 =	vld [tilespmem:s0+$0xFFFFFF80];
	_ =	sdelay $0x4  }
0x951: {  	[tilespmem:v63+s21+$0x0] =	vst.idx.msk $0xffff, v33  }
0x952: {  	v36 =	vadd.s32 v10, v35;
	v33 =	vld [tilespmem:s0+$0xFFFFFF90];
	_ =	sdelay $0x4  }
0x953: {  	[tilespmem:v36+s21+$0x0] =	vst.idx.msk $0xffff, v33  }
0x954: {  	v37 =	vadd.s32 v11, v35;
	v33 =	vld [tilespmem:s0+$0xFFFFFFA0];
	_ =	sdelay $0x4  }
0x955: {  	[tilespmem:v37+s21+$0x0] =	vst.idx.msk $0xffff, v33  }
0x956: {  	s10 =	sadd.s32 $0x3, s2;
	v38 =	vadd.s32 v12, v35;
	v33 =	vld [tilespmem:s0+$0xFFFFFFB0]  }
0x957: {  	v39 =	vmov s10  }
0x958: {  	v35 =	vshrl.u32 v39, $0x3  }
0x959: {  	v35 =	vshll.u32 v35, v1  }
0x95a: {  	v35 =	vbroadcast v35, $0x0  }
0x95b: {  	[tilespmem:v38+s21+$0x0] =	vst.idx.msk $0xffff, v33  }
0x95c: {  	v40 =	vadd.s32 v13, v35;
	v33 =	vld [tilespmem:s0+$0xFFFFFFC0];
	_ =	sdelay $0x4  }
0x95d: {  	[tilespmem:v40+s21+$0x0] =	vst.idx.msk $0xffff, v33  }
0x95e: {  	v41 =	vadd.s32 v14, v35;
	v33 =	vld [tilespmem:s0+$0xFFFFFFD0];
	_ =	sdelay $0x4  }
0x95f: {  	[tilespmem:v41+s21+$0x0] =	vst.idx.msk $0xffff, v33  }
0x960: {  	v42 =	vadd.s32 v15, v35;
	v33 =	vld [tilespmem:s0+$0xFFFFFFE0];
	_ =	sdelay $0x4  }
0x961: {  	[tilespmem:v42+s21+$0x0] =	vst.idx.msk $0xffff, v33  }
0x962: {  	s8 =	sadd.s32 $0x4, s2;
	v43 =	vadd.s32 v16, v35;
	v33 =	vld [tilespmem:s0+$0xFFFFFFF0]  }
0x963: {  	v44 =	vmov s8  }
0x964: {  	v35 =	vshrl.u32 v44, $0x3  }
0x965: {  	v35 =	vshll.u32 v35, v1  }
0x966: {  	v35 =	vbroadcast v35, $0x0  }
0x967: {  	[tilespmem:v43+s21+$0x0] =	vst.idx.msk $0xffff, v33  }
0x968: {  	v45 =	vadd.s32 v17, v35;
	v33 =	vld [tilespmem:s0+$0x0];
	_ =	sdelay $0x4  }
0x969: {  	[tilespmem:v45+s21+$0x0] =	vst.idx.msk $0xffff, v33  }
0x96a: {  	v46 =	vadd.s32 v18, v35;
	v33 =	vld [tilespmem:s0+$0x10];
	_ =	sdelay $0x4  }
0x96b: {  	[tilespmem:v46+s21+$0x0] =	vst.idx.msk $0xffff, v33  }
0x96c: {  	v47 =	vadd.s32 v19, v35;
	v33 =	vld [tilespmem:s0+$0x20];
	_ =	sdelay $0x4  }
0x96d: {  	[tilespmem:v47+s21+$0x0] =	vst.idx.msk $0xffff, v33  }
0x96e: {  	s10 =	sadd.s32 $0x5, s2;
	v48 =	vadd.s32 v20, v35;
	v33 =	vld [tilespmem:s0+$0x30]  }
0x96f: {  	v49 =	vmov s10  }
0x970: {  	v35 =	vshrl.u32 v49, $0x3  }
0x971: {  	v35 =	vshll.u32 v35, v1  }
0x972: {  	v35 =	vbroadcast v35, $0x0  }
0x973: {  	[tilespmem:v48+s21+$0x0] =	vst.idx.msk $0xffff, v33  }
0x974: {  	v50 =	vadd.s32 v21, v35;
	v33 =	vld [tilespmem:s0+$0x40];
	_ =	sdelay $0x4  }
0x975: {  	[tilespmem:v50+s21+$0x0] =	vst.idx.msk $0xffff, v33  }
0x976: {  	v51 =	vadd.s32 v22, v35;
	v33 =	vld [tilespmem:s0+$0x50];
	_ =	sdelay $0x4  }
0x977: {  	[tilespmem:v51+s21+$0x0] =	vst.idx.msk $0xffff, v33  }
0x978: {  	v52 =	vadd.s32 v23, v35;
	v33 =	vld [tilespmem:s0+$0x60];
	_ =	sdelay $0x4  }
0x979: {  	[tilespmem:v52+s21+$0x0] =	vst.idx.msk $0xffff, v33  }
0x97a: {  	s8 =	sadd.s32 $0x6, s2;
	v53 =	vadd.s32 v24, v35;
	v33 =	vld [tilespmem:s0+$0x70]  }
0x97b: {  	v54 =	vmov s8  }
0x97c: {  	v35 =	vshrl.u32 v54, $0x3  }
0x97d: {  	v35 =	vshll.u32 v35, v1  }
0x97e: {  	v35 =	vbroadcast v35, $0x0  }
0x97f: {  	[tilespmem:v53+s21+$0x0] =	vst.idx.msk $0xffff, v33  }
0x980: {  	v55 =	vadd.s32 v25, v35;
	v33 =	vld [tilespmem:s0+$0x80];
	_ =	sdelay $0x4  }
0x981: {  	[tilespmem:v55+s21+$0x0] =	vst.idx.msk $0xffff, v33  }
0x982: {  	v56 =	vadd.s32 v26, v35;
	v33 =	vld [tilespmem:s0+$0x90];
	_ =	sdelay $0x4  }
0x983: {  	[tilespmem:v56+s21+$0x0] =	vst.idx.msk $0xffff, v33  }
0x984: {  	v57 =	vadd.s32 v27, v35;
	v33 =	vld [tilespmem:s0+$0xA0];
	_ =	sdelay $0x4  }
0x985: {  	[tilespmem:v57+s21+$0x0] =	vst.idx.msk $0xffff, v33  }
0x986: {  	s10 =	sadd.s32 $0x7, s2;
	v58 =	vadd.s32 v28, v35;
	v33 =	vld [tilespmem:s0+$0xB0]  }
0x987: {  	v59 =	vmov s10  }
0x988: {  	v35 =	vshrl.u32 v59, $0x3  }
0x989: {  	v35 =	vshll.u32 v35, v1  }
0x98a: {  	v35 =	vbroadcast v35, $0x0  }
0x98b: {  	[tilespmem:v58+s21+$0x0] =	vst.idx.msk $0xffff, v33  }
0x98c: {  	v60 =	vadd.s32 v29, v35;
	v33 =	vld [tilespmem:s0+$0xC0];
	_ =	sdelay $0x4  }
0x98d: {  	[tilespmem:v60+s21+$0x0] =	vst.idx.msk $0xffff, v33  }
0x98e: {  	v61 =	vadd.s32 v30, v35;
	v33 =	vld [tilespmem:s0+$0xD0];
	_ =	sdelay $0x4  }
0x98f: {  	[tilespmem:v61+s21+$0x0] =	vst.idx.msk $0xffff, v33  }
0x990: {  	v62 =	vadd.s32 v31, v35;
	v33 =	vld [tilespmem:s0+$0xE0];
	_ =	sdelay $0x4  }
0x991: {  	[tilespmem:v62+s21+$0x0] =	vst.idx.msk $0xffff, v33  }
0x992: {  	v63 =	vadd.s32 v32, v35;
	v33 =	vld [tilespmem:s0+$0xF0];
	_ =	sdelay $0x2  }
0x993: {  	s2 =	sshll.u32 s29, $0x12  }
0x994: {  	s31 =	sor.u32 s13, s2  }
0x995: {  	s5 =	simm.s32 $0x5900;
	s2 =	sadd.s32 s1, s31;
	[tilespmem:v63+s21+$0x0] =	vst.idx.msk $0xffff, v33  }
0x996: {  	[hbm4b:s2+s3] =	stream.linear.scatter [tilespmem:s5], [sflag:$0x3], $0x80, $0x38;
	[tilespmem:$0x9D00] =	vst v63  }
0x997: {  	s8 =	simm.s32 $0x5988;
	s10 =	sadd.s32 $0x10, s2  }
0x998: {  	[hbm4b:s10+s3] =	stream.linear.scatter [tilespmem:s8], [sflag:$0x3], $0x80, $0x38;
	[tilespmem:$0x9D00] =	vst v63  }
0x999: {  	s8 =	simm.s32 $0x5A10;
	s10 =	sadd.s32 $0x20, s2  }
0x99a: {  	[hbm4b:s10+s3] =	stream.linear.scatter [tilespmem:s8], [sflag:$0x3], $0x80, $0x38;
	[tilespmem:$0x9D00] =	vst v63  }
0x99b: {  	s8 =	simm.s32 $0x5A98;
	s10 =	sadd.s32 $0x30, s2  }
0x99c: {  	[hbm4b:s10+s3] =	stream.linear.scatter [tilespmem:s8], [sflag:$0x3], $0x80, $0x38;
	[tilespmem:$0x9D00] =	vst v63  }
0x99d: {  	s8 =	simm.s32 $0x5B20;
	s10 =	sadd.s32 $0x40, s2  }
0x99e: {  	[hbm4b:s10+s3] =	stream.linear.scatter [tilespmem:s8], [sflag:$0x3], $0x80, $0x38;
	[tilespmem:$0x9D00] =	vst v63  }
0x99f: {  	s30 =	simm.s32 $0x5CB8;
	s8 =	simm.s32 $0x5BA8;
	s10 =	sadd.s32 $0x50, s2  }
0x9a0: {  	[hbm4b:s10+s3] =	stream.linear.scatter [tilespmem:s8], [sflag:$0x3], $0x80, $0x38;
	[tilespmem:$0x9D00] =	vst v63  }
0x9a1: {  	s0 =	simm.s32 $0x440;
	s8 =	simm.s32 $0x5C30;
	s10 =	sadd.s32 $0x60, s2  }
0x9a2: {  	[hbm4b:s10+s3] =	stream.linear.scatter [tilespmem:s8], [sflag:$0x3], $0x80, $0x38;
	[tilespmem:$0x9D00] =	vst v63  }
0x9a3: {  	s5 =	simm.s32 $0x2200;
	s8 =	sadd.s32 $0x70, s2;
	s2 =	sadd.s32 $0x4000, s2  }
.LBB2_42:
0x9a4: {  	[hbm4b:s8+s3] =	stream.linear.scatter [tilespmem:s30], [sflag:$0x3], $0x80, $0x38;
	[tilespmem:$0x9D00] =	vst v63  }
0x9a5: {  	s8 =	smov.u32 s0;
	s0 =	smov.u32 s5  }
0x9a6: {  	s10 =	sadd.s32 $0x1100, s5;
	s0 =	sshra.s32 s0, $0x2;
	s30 =	sadd.s32 $0x5900, s8  }
0x9a7: {  	[hbm4b:s2+s3] =	stream.linear.scatter [tilespmem:s30], [sflag:$0x3], $0x80, $0x38;
	[tilespmem:$0x9D00] =	vst v63  }
0x9a8: {  	p0 =	sne.s32 s5, $0x7700;
	s5 =	sadd.s32 $0x5988, s8;
	s30 =	sadd.s32 $0x10, s2  }
0x9a9: {  	[hbm4b:s30+s3] =	stream.linear.scatter [tilespmem:s5], [sflag:$0x3], $0x80, $0x38;
	[tilespmem:$0x9D00] =	vst v63  }
0x9aa: {  	s5 =	sadd.s32 $0x5A10, s8;
	s30 =	sadd.s32 $0x20, s2  }
0x9ab: {  	[hbm4b:s30+s3] =	stream.linear.scatter [tilespmem:s5], [sflag:$0x3], $0x80, $0x38;
	[tilespmem:$0x9D00] =	vst v63  }
0x9ac: {  	s5 =	sadd.s32 $0x5A98, s8;
	s30 =	sadd.s32 $0x30, s2  }
0x9ad: {  	[hbm4b:s30+s3] =	stream.linear.scatter [tilespmem:s5], [sflag:$0x3], $0x80, $0x38;
	[tilespmem:$0x9D00] =	vst v63  }
0x9ae: {  	s5 =	sadd.s32 $0x5B20, s8;
	s30 =	sadd.s32 $0x40, s2  }
0x9af: {  	[hbm4b:s30+s3] =	stream.linear.scatter [tilespmem:s5], [sflag:$0x3], $0x80, $0x38;
	[tilespmem:$0x9D00] =	vst v63  }
0x9b0: {  	s5 =	sadd.s32 $0x5BA8, s8;
	s30 =	sadd.s32 $0x50, s2  }
0x9b1: {  	[hbm4b:s30+s3] =	stream.linear.scatter [tilespmem:s5], [sflag:$0x3], $0x80, $0x38;
	[tilespmem:$0x9D00] =	vst v63  }
.Ltmp24:
0x9b2: {  	_ = 	snop;
	(pc) =	sbr.rel @p0 .LBB2_42-.Ltmp24, $4  }
0x9b3: {  	s5 =	sadd.s32 $0x5C30, s8;
	s30 =	sadd.s32 $0x60, s2  }
0x9b4: {  	[hbm4b:s30+s3] =	stream.linear.scatter [tilespmem:s5], [sflag:$0x3], $0x80, $0x38;
	[tilespmem:$0x9D00] =	vst v63  }
0x9b5: {  	s30 =	sadd.s32 $0x5CB8, s8  }
0x9b6: {  	s8 =	sadd.s32 $0x70, s2;
	s2 =	sadd.s32 $0x4000, s2;
	s5 =	smov.u32 s10  }
0x9b7: {  	[hbm4b:s8+s3] =	stream.linear.scatter [tilespmem:s30], [sflag:$0x3], $0x80, $0x38;
	[tilespmem:$0x9D00] =	vst v63  }
0x9b8: {  	s5 =	sadd.s32 $0x5900, s0  }
0x9b9: {  	[hbm4b:s2+s3] =	stream.linear.scatter [tilespmem:s5], [sflag:$0x3], $0x80, $0x38;
	[tilespmem:$0x9D00] =	vst v63  }
0x9ba: {  	s8 =	sadd.s32 $0x5988, s0;
	s10 =	sadd.s32 $0x10, s2  }
0x9bb: {  	[hbm4b:s10+s3] =	stream.linear.scatter [tilespmem:s8], [sflag:$0x3], $0x80, $0x38;
	[tilespmem:$0x9D00] =	vst v63  }
0x9bc: {  	s8 =	sadd.s32 $0x5A10, s0;
	s10 =	sadd.s32 $0x20, s2  }
0x9bd: {  	[hbm4b:s10+s3] =	stream.linear.scatter [tilespmem:s8], [sflag:$0x3], $0x80, $0x38;
	[tilespmem:$0x9D00] =	vst v63  }
0x9be: {  	s8 =	sadd.s32 $0x5A98, s0;
	s10 =	sadd.s32 $0x30, s2  }
0x9bf: {  	[hbm4b:s10+s3] =	stream.linear.scatter [tilespmem:s8], [sflag:$0x3], $0x80, $0x38;
	[tilespmem:$0x9D00] =	vst v63  }
0x9c0: {  	s8 =	sadd.s32 $0x5B20, s0;
	s10 =	sadd.s32 $0x40, s2  }
0x9c1: {  	[hbm4b:s10+s3] =	stream.linear.scatter [tilespmem:s8], [sflag:$0x3], $0x80, $0x38;
	[tilespmem:$0x9D00] =	vst v63  }
0x9c2: {  	s30 =	sshll.u32 s29, $0xA;
	s8 =	sadd.s32 $0x5BA8, s0;
	s10 =	sadd.s32 $0x50, s2  }
0x9c3: {  	[hbm4b:s10+s3] =	stream.linear.scatter [tilespmem:s8], [sflag:$0x3], $0x80, $0x38;
	[tilespmem:$0x9D00] =	vst v63  }
0x9c4: {  	p0 =	seq.s32 s29, $0x18;
	s8 =	sadd.s32 $0x5C30, s0;
	s10 =	sadd.s32 $0x60, s2  }
0x9c5: {  	[hbm4b:s10+s3] =	stream.linear.scatter [tilespmem:s8], [sflag:$0x3], $0x80, $0x38;
	[tilespmem:$0x9D00] =	vst v63  }
0x9c6: {  	s5 =	sadd.s32 $0x70, s2;
	s10 =	sadd.s32 $0x5CB8, s0;
	s0 =	sshrl.u32 @!p0 s30, $0x2  }
0x9c7: {  	[hbm4b:s5+s3] =	stream.linear.scatter [tilespmem:s10], [sflag:$0x3], $0x80, $0x38;
	[tilespmem:$0x9D00] =	vst v63  }
0x9c8: {  	s2 =	simm.s32 @!p0 $0x80;
	s0 =	sadd.s32 @!p0 $0x100, s0;
	s5 =	simm.s32 @!p0 $0x1900  }
0x9c9: {  	[tilespmem:s5], [sflag:$0x1] =	stream.indirect.gather @!p0 [hbm4b:s4+s2], $0x40, s0, s2, $0xb8;
	[tilespmem:$0x9D00] =	vst v63  }
0x9ca: {  	s8 =	simm.s32 $0x0;
	_ =	swait.ge [sflag:s22], $0x2000  }
0x9cb: {  	v33 =	vmov s8;
	[sflag:s22] =	ssyncset.done $0x0  }
0x9cc: {  	v33 =	vshrl.u32 v33, $0x3;
	[sflag:s22] =	ssyncadd.s32 $0xFFFFE000  }
0x9cd: {  	v33 =	vshll.u32 v33, v1;
	_ =	swait.ge [sflag:s23], $0x2000  }
0x9ce: {  	v33 =	vbroadcast v33, $0x0;
	[sflag:s23] =	ssyncset.done $0x0  }
0x9cf: {  	s0 =	simm.s32 $0x3A00;
	[sflag:s23] =	ssyncadd.s32 $0xFFFFE000  }
0x9d0: {  	v35 =	vadd.s32 v0, v33;
	v34 =	vld [tilespmem:s0+$0xFFFFFF00];
	_ =	sdelay $0x4  }
0x9d1: {  	[tilespmem:v35+s24+$0x0] =	vst.idx.msk $0xffff, v34  }
0x9d2: {  	v56 =	vadd.s32 v2, v33;
	v34 =	vld [tilespmem:s0+$0xFFFFFF10];
	_ =	sdelay $0x4  }
0x9d3: {  	[tilespmem:v56+s24+$0x0] =	vst.idx.msk $0xffff, v34  }
0x9d4: {  	v57 =	vadd.s32 v3, v33;
	v34 =	vld [tilespmem:s0+$0xFFFFFF20];
	_ =	sdelay $0x4  }
0x9d5: {  	[tilespmem:v57+s24+$0x0] =	vst.idx.msk $0xffff, v34  }
0x9d6: {  	s10 =	simm.s32 $0x1;
	v33 =	vadd.s32 v4, v33;
	v34 =	vld [tilespmem:s0+$0xFFFFFF30]  }
0x9d7: {  	v58 =	vmov s10  }
0x9d8: {  	v35 =	vshrl.u32 v58, $0x3  }
0x9d9: {  	v35 =	vshll.u32 v35, v1  }
0x9da: {  	v35 =	vbroadcast v35, $0x0  }
0x9db: {  	[tilespmem:v33+s24+$0x0] =	vst.idx.msk $0xffff, v34  }
0x9dc: {  	v59 =	vadd.s32 v5, v35;
	v33 =	vld [tilespmem:s0+$0xFFFFFF40];
	_ =	sdelay $0x4  }
0x9dd: {  	[tilespmem:v59+s24+$0x0] =	vst.idx.msk $0xffff, v33  }
0x9de: {  	v60 =	vadd.s32 v6, v35;
	v33 =	vld [tilespmem:s0+$0xFFFFFF50];
	_ =	sdelay $0x4  }
0x9df: {  	[tilespmem:v60+s24+$0x0] =	vst.idx.msk $0xffff, v33  }
0x9e0: {  	v61 =	vadd.s32 v7, v35;
	v33 =	vld [tilespmem:s0+$0xFFFFFF60];
	_ =	sdelay $0x4  }
0x9e1: {  	[tilespmem:v61+s24+$0x0] =	vst.idx.msk $0xffff, v33  }
0x9e2: {  	s5 =	simm.s32 $0x2;
	v62 =	vadd.s32 v8, v35;
	v33 =	vld [tilespmem:s0+$0xFFFFFF70]  }
0x9e3: {  	v63 =	vmov s5  }
0x9e4: {  	v35 =	vshrl.u32 v63, $0x3  }
0x9e5: {  	v35 =	vshll.u32 v35, v1  }
0x9e6: {  	v35 =	vbroadcast v35, $0x0  }
0x9e7: {  	[tilespmem:v62+s24+$0x0] =	vst.idx.msk $0xffff, v33  }
0x9e8: {  	v36 =	vadd.s32 v9, v35;
	v33 =	vld [tilespmem:s0+$0xFFFFFF80];
	_ =	sdelay $0x4  }
0x9e9: {  	[tilespmem:v36+s24+$0x0] =	vst.idx.msk $0xffff, v33  }
0x9ea: {  	v37 =	vadd.s32 v10, v35;
	v33 =	vld [tilespmem:s0+$0xFFFFFF90];
	_ =	sdelay $0x4  }
0x9eb: {  	[tilespmem:v37+s24+$0x0] =	vst.idx.msk $0xffff, v33  }
0x9ec: {  	v38 =	vadd.s32 v11, v35;
	v33 =	vld [tilespmem:s0+$0xFFFFFFA0];
	_ =	sdelay $0x4  }
0x9ed: {  	[tilespmem:v38+s24+$0x0] =	vst.idx.msk $0xffff, v33  }
0x9ee: {  	s8 =	simm.s32 $0x3;
	v39 =	vadd.s32 v12, v35;
	v33 =	vld [tilespmem:s0+$0xFFFFFFB0]  }
0x9ef: {  	v40 =	vmov s8  }
0x9f0: {  	v35 =	vshrl.u32 v40, $0x3  }
0x9f1: {  	v35 =	vshll.u32 v35, v1  }
0x9f2: {  	v35 =	vbroadcast v35, $0x0  }
0x9f3: {  	[tilespmem:v39+s24+$0x0] =	vst.idx.msk $0xffff, v33  }
0x9f4: {  	v41 =	vadd.s32 v13, v35;
	v33 =	vld [tilespmem:s0+$0xFFFFFFC0];
	_ =	sdelay $0x4  }
0x9f5: {  	[tilespmem:v41+s24+$0x0] =	vst.idx.msk $0xffff, v33  }
0x9f6: {  	v42 =	vadd.s32 v14, v35;
	v33 =	vld [tilespmem:s0+$0xFFFFFFD0];
	_ =	sdelay $0x4  }
0x9f7: {  	[tilespmem:v42+s24+$0x0] =	vst.idx.msk $0xffff, v33  }
0x9f8: {  	v43 =	vadd.s32 v15, v35;
	v33 =	vld [tilespmem:s0+$0xFFFFFFE0];
	_ =	sdelay $0x4  }
0x9f9: {  	[tilespmem:v43+s24+$0x0] =	vst.idx.msk $0xffff, v33  }
0x9fa: {  	s10 =	simm.s32 $0x4;
	v44 =	vadd.s32 v16, v35;
	v33 =	vld [tilespmem:s0+$0xFFFFFFF0]  }
0x9fb: {  	v45 =	vmov s10  }
0x9fc: {  	v35 =	vshrl.u32 v45, $0x3  }
0x9fd: {  	v35 =	vshll.u32 v35, v1  }
0x9fe: {  	v35 =	vbroadcast v35, $0x0  }
0x9ff: {  	[tilespmem:v44+s24+$0x0] =	vst.idx.msk $0xffff, v33  }
0xa00: {  	v46 =	vadd.s32 v17, v35;
	v33 =	vld [tilespmem:s0+$0x0];
	_ =	sdelay $0x4  }
0xa01: {  	[tilespmem:v46+s24+$0x0] =	vst.idx.msk $0xffff, v33  }
0xa02: {  	v47 =	vadd.s32 v18, v35;
	v33 =	vld [tilespmem:s0+$0x10];
	_ =	sdelay $0x4  }
0xa03: {  	[tilespmem:v47+s24+$0x0] =	vst.idx.msk $0xffff, v33  }
0xa04: {  	v48 =	vadd.s32 v19, v35;
	v33 =	vld [tilespmem:s0+$0x20];
	_ =	sdelay $0x4  }
0xa05: {  	[tilespmem:v48+s24+$0x0] =	vst.idx.msk $0xffff, v33  }
0xa06: {  	s5 =	simm.s32 $0x5;
	v49 =	vadd.s32 v20, v35;
	v33 =	vld [tilespmem:s0+$0x30]  }
0xa07: {  	v50 =	vmov s5  }
0xa08: {  	v35 =	vshrl.u32 v50, $0x3  }
0xa09: {  	v35 =	vshll.u32 v35, v1  }
0xa0a: {  	v35 =	vbroadcast v35, $0x0  }
0xa0b: {  	[tilespmem:v49+s24+$0x0] =	vst.idx.msk $0xffff, v33  }
0xa0c: {  	v51 =	vadd.s32 v21, v35;
	v33 =	vld [tilespmem:s0+$0x40];
	_ =	sdelay $0x4  }
0xa0d: {  	[tilespmem:v51+s24+$0x0] =	vst.idx.msk $0xffff, v33  }
0xa0e: {  	v52 =	vadd.s32 v22, v35;
	v33 =	vld [tilespmem:s0+$0x50];
	_ =	sdelay $0x4  }
0xa0f: {  	[tilespmem:v52+s24+$0x0] =	vst.idx.msk $0xffff, v33  }
0xa10: {  	v53 =	vadd.s32 v23, v35;
	v33 =	vld [tilespmem:s0+$0x60];
	_ =	sdelay $0x4  }
0xa11: {  	[tilespmem:v53+s24+$0x0] =	vst.idx.msk $0xffff, v33  }
0xa12: {  	s8 =	simm.s32 $0x6;
	v54 =	vadd.s32 v24, v35;
	v33 =	vld [tilespmem:s0+$0x70]  }
0xa13: {  	v55 =	vmov s8  }
0xa14: {  	v35 =	vshrl.u32 v55, $0x3  }
0xa15: {  	v35 =	vshll.u32 v35, v1  }
0xa16: {  	v35 =	vbroadcast v35, $0x0  }
0xa17: {  	[tilespmem:v54+s24+$0x0] =	vst.idx.msk $0xffff, v33  }
0xa18: {  	v56 =	vadd.s32 v25, v35;
	v33 =	vld [tilespmem:s0+$0x80];
	_ =	sdelay $0x4  }
0xa19: {  	[tilespmem:v56+s24+$0x0] =	vst.idx.msk $0xffff, v33  }
0xa1a: {  	v57 =	vadd.s32 v26, v35;
	v33 =	vld [tilespmem:s0+$0x90];
	_ =	sdelay $0x4  }
0xa1b: {  	[tilespmem:v57+s24+$0x0] =	vst.idx.msk $0xffff, v33  }
0xa1c: {  	v58 =	vadd.s32 v27, v35;
	v33 =	vld [tilespmem:s0+$0xA0];
	_ =	sdelay $0x4  }
0xa1d: {  	[tilespmem:v58+s24+$0x0] =	vst.idx.msk $0xffff, v33  }
0xa1e: {  	s10 =	simm.s32 $0x7;
	v59 =	vadd.s32 v28, v35;
	v33 =	vld [tilespmem:s0+$0xB0]  }
0xa1f: {  	v60 =	vmov s10  }
0xa20: {  	v35 =	vshrl.u32 v60, $0x3  }
0xa21: {  	v35 =	vshll.u32 v35, v1  }
0xa22: {  	v35 =	vbroadcast v35, $0x0  }
0xa23: {  	[tilespmem:v59+s24+$0x0] =	vst.idx.msk $0xffff, v33  }
0xa24: {  	v61 =	vadd.s32 v29, v35;
	v33 =	vld [tilespmem:s0+$0xC0];
	_ =	sdelay $0x4  }
0xa25: {  	[tilespmem:v61+s24+$0x0] =	vst.idx.msk $0xffff, v33  }
0xa26: {  	v62 =	vadd.s32 v30, v35;
	v33 =	vld [tilespmem:s0+$0xD0];
	_ =	sdelay $0x4  }
0xa27: {  	[tilespmem:v62+s24+$0x0] =	vst.idx.msk $0xffff, v33  }
0xa28: {  	v63 =	vadd.s32 v31, v35;
	v33 =	vld [tilespmem:s0+$0xE0];
	_ =	sdelay $0x4  }
0xa29: {  	[tilespmem:v63+s24+$0x0] =	vst.idx.msk $0xffff, v33  }
0xa2a: {  	s2 =	simm.s32 $0x8;
	v34 =	vadd.s32 v32, v35;
	v33 =	vld [tilespmem:s0+$0xF0]  }
0xa2b: {  	s5 =	simm.s32 $0x10;
	v35 =	vmov s2  }
.LBB2_44:
0xa2c: {  	p1 =	slt.u32 s5, $0x78;
	v35 =	vshrl.u32 v35, $0x3  }
0xa2d: {  	v35 =	vshll.u32 v35, v1  }
0xa2e: {  	v35 =	vbroadcast v35, $0x0  }
0xa2f: {  	s0 =	sadd.s32 $0x200, s0;
	[tilespmem:v34+s24+$0x0] =	vst.idx.msk $0xffff, v33  }
0xa30: {  	v33 =	vld [tilespmem:s0+$0xFFFFFF00];
	v34 =	vadd.s32 v0, v35;
	_ =	sdelay $0x4  }
0xa31: {  	[tilespmem:v34+s24+$0x0] =	vst.idx.msk $0xffff, v33  }
0xa32: {  	v34 =	vadd.s32 v2, v35;
	v33 =	vld [tilespmem:s0+$0xFFFFFF10];
	_ =	sdelay $0x4  }
0xa33: {  	[tilespmem:v34+s24+$0x0] =	vst.idx.msk $0xffff, v33  }
0xa34: {  	v34 =	vadd.s32 v3, v35;
	v33 =	vld [tilespmem:s0+$0xFFFFFF20];
	_ =	sdelay $0x4  }
0xa35: {  	[tilespmem:v34+s24+$0x0] =	vst.idx.msk $0xffff, v33  }
0xa36: {  	s8 =	sadd.s32 $0x1, s2;
	v34 =	vadd.s32 v4, v35;
	v33 =	vld [tilespmem:s0+$0xFFFFFF30]  }
0xa37: {  	v35 =	vmov s8  }
0xa38: {  	v35 =	vshrl.u32 v35, $0x3  }
0xa39: {  	v35 =	vshll.u32 v35, v1  }
0xa3a: {  	v35 =	vbroadcast v35, $0x0  }
0xa3b: {  	[tilespmem:v34+s24+$0x0] =	vst.idx.msk $0xffff, v33  }
0xa3c: {  	v34 =	vadd.s32 v5, v35;
	v33 =	vld [tilespmem:s0+$0xFFFFFF40];
	_ =	sdelay $0x4  }
0xa3d: {  	[tilespmem:v34+s24+$0x0] =	vst.idx.msk $0xffff, v33  }
0xa3e: {  	v34 =	vadd.s32 v6, v35;
	v33 =	vld [tilespmem:s0+$0xFFFFFF50];
	_ =	sdelay $0x4  }
0xa3f: {  	[tilespmem:v34+s24+$0x0] =	vst.idx.msk $0xffff, v33  }
0xa40: {  	v34 =	vadd.s32 v7, v35;
	v33 =	vld [tilespmem:s0+$0xFFFFFF60];
	_ =	sdelay $0x4  }
0xa41: {  	[tilespmem:v34+s24+$0x0] =	vst.idx.msk $0xffff, v33  }
0xa42: {  	s8 =	sadd.s32 $0x2, s2;
	v34 =	vadd.s32 v8, v35;
	v33 =	vld [tilespmem:s0+$0xFFFFFF70]  }
0xa43: {  	v35 =	vmov s8  }
0xa44: {  	v35 =	vshrl.u32 v35, $0x3  }
0xa45: {  	v35 =	vshll.u32 v35, v1  }
0xa46: {  	v35 =	vbroadcast v35, $0x0  }
0xa47: {  	[tilespmem:v34+s24+$0x0] =	vst.idx.msk $0xffff, v33  }
0xa48: {  	v34 =	vadd.s32 v9, v35;
	v33 =	vld [tilespmem:s0+$0xFFFFFF80];
	_ =	sdelay $0x4  }
0xa49: {  	[tilespmem:v34+s24+$0x0] =	vst.idx.msk $0xffff, v33  }
0xa4a: {  	v34 =	vadd.s32 v10, v35;
	v33 =	vld [tilespmem:s0+$0xFFFFFF90];
	_ =	sdelay $0x4  }
0xa4b: {  	[tilespmem:v34+s24+$0x0] =	vst.idx.msk $0xffff, v33  }
0xa4c: {  	v34 =	vadd.s32 v11, v35;
	v33 =	vld [tilespmem:s0+$0xFFFFFFA0];
	_ =	sdelay $0x4  }
0xa4d: {  	[tilespmem:v34+s24+$0x0] =	vst.idx.msk $0xffff, v33  }
0xa4e: {  	s8 =	sadd.s32 $0x3, s2;
	v34 =	vadd.s32 v12, v35;
	v33 =	vld [tilespmem:s0+$0xFFFFFFB0]  }
0xa4f: {  	v35 =	vmov s8  }
0xa50: {  	v35 =	vshrl.u32 v35, $0x3  }
0xa51: {  	v35 =	vshll.u32 v35, v1  }
0xa52: {  	v35 =	vbroadcast v35, $0x0  }
0xa53: {  	[tilespmem:v34+s24+$0x0] =	vst.idx.msk $0xffff, v33  }
0xa54: {  	v34 =	vadd.s32 v13, v35;
	v33 =	vld [tilespmem:s0+$0xFFFFFFC0];
	_ =	sdelay $0x4  }
0xa55: {  	[tilespmem:v34+s24+$0x0] =	vst.idx.msk $0xffff, v33  }
0xa56: {  	v34 =	vadd.s32 v14, v35;
	v33 =	vld [tilespmem:s0+$0xFFFFFFD0];
	_ =	sdelay $0x4  }
0xa57: {  	[tilespmem:v34+s24+$0x0] =	vst.idx.msk $0xffff, v33  }
0xa58: {  	v34 =	vadd.s32 v15, v35;
	v33 =	vld [tilespmem:s0+$0xFFFFFFE0];
	_ =	sdelay $0x4  }
0xa59: {  	[tilespmem:v34+s24+$0x0] =	vst.idx.msk $0xffff, v33  }
0xa5a: {  	s8 =	sadd.s32 $0x4, s2;
	v34 =	vadd.s32 v16, v35;
	v33 =	vld [tilespmem:s0+$0xFFFFFFF0]  }
0xa5b: {  	v35 =	vmov s8  }
0xa5c: {  	v35 =	vshrl.u32 v35, $0x3  }
0xa5d: {  	v35 =	vshll.u32 v35, v1  }
0xa5e: {  	v35 =	vbroadcast v35, $0x0  }
0xa5f: {  	[tilespmem:v34+s24+$0x0] =	vst.idx.msk $0xffff, v33  }
0xa60: {  	v34 =	vadd.s32 v17, v35;
	v33 =	vld [tilespmem:s0+$0x0];
	_ =	sdelay $0x4  }
0xa61: {  	[tilespmem:v34+s24+$0x0] =	vst.idx.msk $0xffff, v33  }
0xa62: {  	v34 =	vadd.s32 v18, v35;
	v33 =	vld [tilespmem:s0+$0x10];
	_ =	sdelay $0x4  }
0xa63: {  	[tilespmem:v34+s24+$0x0] =	vst.idx.msk $0xffff, v33  }
0xa64: {  	v34 =	vadd.s32 v19, v35;
	v33 =	vld [tilespmem:s0+$0x20];
	_ =	sdelay $0x4  }
0xa65: {  	[tilespmem:v34+s24+$0x0] =	vst.idx.msk $0xffff, v33  }
0xa66: {  	s8 =	sadd.s32 $0x5, s2;
	v34 =	vadd.s32 v20, v35;
	v33 =	vld [tilespmem:s0+$0x30]  }
0xa67: {  	v35 =	vmov s8  }
0xa68: {  	v35 =	vshrl.u32 v35, $0x3  }
0xa69: {  	v35 =	vshll.u32 v35, v1  }
0xa6a: {  	v35 =	vbroadcast v35, $0x0  }
0xa6b: {  	[tilespmem:v34+s24+$0x0] =	vst.idx.msk $0xffff, v33  }
0xa6c: {  	v34 =	vadd.s32 v21, v35;
	v33 =	vld [tilespmem:s0+$0x40];
	_ =	sdelay $0x4  }
0xa6d: {  	[tilespmem:v34+s24+$0x0] =	vst.idx.msk $0xffff, v33  }
0xa6e: {  	v34 =	vadd.s32 v22, v35;
	v33 =	vld [tilespmem:s0+$0x50];
	_ =	sdelay $0x4  }
0xa6f: {  	[tilespmem:v34+s24+$0x0] =	vst.idx.msk $0xffff, v33  }
0xa70: {  	v34 =	vadd.s32 v23, v35;
	v33 =	vld [tilespmem:s0+$0x60];
	_ =	sdelay $0x4  }
0xa71: {  	[tilespmem:v34+s24+$0x0] =	vst.idx.msk $0xffff, v33  }
0xa72: {  	s8 =	sadd.s32 $0x6, s2;
	v34 =	vadd.s32 v24, v35;
	v33 =	vld [tilespmem:s0+$0x70]  }
0xa73: {  	v35 =	vmov s8  }
0xa74: {  	v35 =	vshrl.u32 v35, $0x3  }
0xa75: {  	v35 =	vshll.u32 v35, v1  }
0xa76: {  	v35 =	vbroadcast v35, $0x0  }
0xa77: {  	[tilespmem:v34+s24+$0x0] =	vst.idx.msk $0xffff, v33  }
0xa78: {  	v34 =	vadd.s32 v25, v35;
	v33 =	vld [tilespmem:s0+$0x80];
	_ =	sdelay $0x4  }
0xa79: {  	[tilespmem:v34+s24+$0x0] =	vst.idx.msk $0xffff, v33  }
0xa7a: {  	v34 =	vadd.s32 v26, v35;
	v33 =	vld [tilespmem:s0+$0x90];
	_ =	sdelay $0x4  }
0xa7b: {  	[tilespmem:v34+s24+$0x0] =	vst.idx.msk $0xffff, v33  }
0xa7c: {  	v34 =	vadd.s32 v27, v35;
	v33 =	vld [tilespmem:s0+$0xA0];
	_ =	sdelay $0x4  }
0xa7d: {  	[tilespmem:v34+s24+$0x0] =	vst.idx.msk $0xffff, v33  }
0xa7e: {  	s8 =	sadd.s32 $0x7, s2;
	s2 =	smov.u32 s5;
	v34 =	vadd.s32 v28, v35;
	v33 =	vld [tilespmem:s0+$0xB0]  }
0xa7f: {  	v35 =	vmov s8  }
0xa80: {  	v35 =	vshrl.u32 v35, $0x3  }
0xa81: {  	v35 =	vshll.u32 v35, v1  }
0xa82: {  	v35 =	vbroadcast v35, $0x0  }
0xa83: {  	[tilespmem:v34+s24+$0x0] =	vst.idx.msk $0xffff, v33  }
0xa84: {  	v34 =	vadd.s32 v29, v35;
	v33 =	vld [tilespmem:s0+$0xC0];
	_ =	sdelay $0x4  }
0xa85: {  	[tilespmem:v34+s24+$0x0] =	vst.idx.msk $0xffff, v33  }
0xa86: {  	v34 =	vadd.s32 v30, v35;
	v33 =	vld [tilespmem:s0+$0xD0];
	_ =	sdelay $0x4  }
0xa87: {  	[tilespmem:v34+s24+$0x0] =	vst.idx.msk $0xffff, v33  }
0xa88: {  	v34 =	vadd.s32 v31, v35;
	v33 =	vld [tilespmem:s0+$0xE0];
	_ =	sdelay $0x2  }
.Ltmp25:
0xa89: {  	(pc) =	sbr.rel @p1 .LBB2_44-.Ltmp25, $4  }
0xa8a: {  	_ = 	snop  }
0xa8b: {  	[tilespmem:v34+s24+$0x0] =	vst.idx.msk $0xffff, v33  }
0xa8c: {  	v34 =	vadd.s32 v32, v35;
	v33 =	vld [tilespmem:s0+$0xF0]  }
0xa8d: {  	s5 =	sadd.s32 $0x8, s5;
	v35 =	vmov s2  }
0xa8e: {  	_ = 	snop  }
0xa8f: {  	v35 =	vshrl.u32 v35, $0x3  }
0xa90: {  	v35 =	vshll.u32 v35, v1  }
0xa91: {  	v35 =	vbroadcast v35, $0x0  }
0xa92: {  	s0 =	sadd.s32 $0x200, s0;
	[tilespmem:v34+s24+$0x0] =	vst.idx.msk $0xffff, v33  }
0xa93: {  	v33 =	vld [tilespmem:s0+$0xFFFFFF00];
	v53 =	vadd.s32 v0, v35;
	_ =	sdelay $0x4  }
0xa94: {  	[tilespmem:v53+s24+$0x0] =	vst.idx.msk $0xffff, v33  }
0xa95: {  	v54 =	vadd.s32 v2, v35;
	v33 =	vld [tilespmem:s0+$0xFFFFFF10];
	_ =	sdelay $0x4  }
0xa96: {  	[tilespmem:v54+s24+$0x0] =	vst.idx.msk $0xffff, v33  }
0xa97: {  	v55 =	vadd.s32 v3, v35;
	v33 =	vld [tilespmem:s0+$0xFFFFFF20];
	_ =	sdelay $0x4  }
0xa98: {  	[tilespmem:v55+s24+$0x0] =	vst.idx.msk $0xffff, v33  }
0xa99: {  	s5 =	sadd.s32 $0x1, s2;
	v56 =	vadd.s32 v4, v35;
	v33 =	vld [tilespmem:s0+$0xFFFFFF30]  }
0xa9a: {  	v57 =	vmov s5  }
0xa9b: {  	v35 =	vshrl.u32 v57, $0x3  }
0xa9c: {  	v35 =	vshll.u32 v35, v1  }
0xa9d: {  	v35 =	vbroadcast v35, $0x0  }
0xa9e: {  	[tilespmem:v56+s24+$0x0] =	vst.idx.msk $0xffff, v33  }
0xa9f: {  	v58 =	vadd.s32 v5, v35;
	v33 =	vld [tilespmem:s0+$0xFFFFFF40];
	_ =	sdelay $0x4  }
0xaa0: {  	[tilespmem:v58+s24+$0x0] =	vst.idx.msk $0xffff, v33  }
0xaa1: {  	v59 =	vadd.s32 v6, v35;
	v33 =	vld [tilespmem:s0+$0xFFFFFF50];
	_ =	sdelay $0x4  }
0xaa2: {  	[tilespmem:v59+s24+$0x0] =	vst.idx.msk $0xffff, v33  }
0xaa3: {  	v60 =	vadd.s32 v7, v35;
	v33 =	vld [tilespmem:s0+$0xFFFFFF60];
	_ =	sdelay $0x4  }
0xaa4: {  	[tilespmem:v60+s24+$0x0] =	vst.idx.msk $0xffff, v33  }
0xaa5: {  	s8 =	sadd.s32 $0x2, s2;
	v61 =	vadd.s32 v8, v35;
	v33 =	vld [tilespmem:s0+$0xFFFFFF70]  }
0xaa6: {  	v62 =	vmov s8  }
0xaa7: {  	v35 =	vshrl.u32 v62, $0x3  }
0xaa8: {  	v35 =	vshll.u32 v35, v1  }
0xaa9: {  	v35 =	vbroadcast v35, $0x0  }
0xaaa: {  	[tilespmem:v61+s24+$0x0] =	vst.idx.msk $0xffff, v33  }
0xaab: {  	v63 =	vadd.s32 v9, v35;
	v33 =	vld [tilespmem:s0+$0xFFFFFF80];
	_ =	sdelay $0x4  }
0xaac: {  	[tilespmem:v63+s24+$0x0] =	vst.idx.msk $0xffff, v33  }
0xaad: {  	v36 =	vadd.s32 v10, v35;
	v33 =	vld [tilespmem:s0+$0xFFFFFF90];
	_ =	sdelay $0x4  }
0xaae: {  	[tilespmem:v36+s24+$0x0] =	vst.idx.msk $0xffff, v33  }
0xaaf: {  	v37 =	vadd.s32 v11, v35;
	v33 =	vld [tilespmem:s0+$0xFFFFFFA0];
	_ =	sdelay $0x4  }
0xab0: {  	[tilespmem:v37+s24+$0x0] =	vst.idx.msk $0xffff, v33  }
0xab1: {  	s10 =	sadd.s32 $0x3, s2;
	v38 =	vadd.s32 v12, v35;
	v33 =	vld [tilespmem:s0+$0xFFFFFFB0]  }
0xab2: {  	v39 =	vmov s10  }
0xab3: {  	v35 =	vshrl.u32 v39, $0x3  }
0xab4: {  	v35 =	vshll.u32 v35, v1  }
0xab5: {  	v35 =	vbroadcast v35, $0x0  }
0xab6: {  	[tilespmem:v38+s24+$0x0] =	vst.idx.msk $0xffff, v33  }
0xab7: {  	v40 =	vadd.s32 v13, v35;
	v33 =	vld [tilespmem:s0+$0xFFFFFFC0];
	_ =	sdelay $0x4  }
0xab8: {  	[tilespmem:v40+s24+$0x0] =	vst.idx.msk $0xffff, v33  }
0xab9: {  	v41 =	vadd.s32 v14, v35;
	v33 =	vld [tilespmem:s0+$0xFFFFFFD0];
	_ =	sdelay $0x4  }
0xaba: {  	[tilespmem:v41+s24+$0x0] =	vst.idx.msk $0xffff, v33  }
0xabb: {  	v42 =	vadd.s32 v15, v35;
	v33 =	vld [tilespmem:s0+$0xFFFFFFE0];
	_ =	sdelay $0x4  }
0xabc: {  	[tilespmem:v42+s24+$0x0] =	vst.idx.msk $0xffff, v33  }
0xabd: {  	s8 =	sadd.s32 $0x4, s2;
	v43 =	vadd.s32 v16, v35;
	v33 =	vld [tilespmem:s0+$0xFFFFFFF0]  }
0xabe: {  	v44 =	vmov s8  }
0xabf: {  	v35 =	vshrl.u32 v44, $0x3  }
0xac0: {  	v35 =	vshll.u32 v35, v1  }
0xac1: {  	v35 =	vbroadcast v35, $0x0  }
0xac2: {  	[tilespmem:v43+s24+$0x0] =	vst.idx.msk $0xffff, v33  }
0xac3: {  	v45 =	vadd.s32 v17, v35;
	v33 =	vld [tilespmem:s0+$0x0];
	_ =	sdelay $0x4  }
0xac4: {  	[tilespmem:v45+s24+$0x0] =	vst.idx.msk $0xffff, v33  }
0xac5: {  	v46 =	vadd.s32 v18, v35;
	v33 =	vld [tilespmem:s0+$0x10];
	_ =	sdelay $0x4  }
0xac6: {  	[tilespmem:v46+s24+$0x0] =	vst.idx.msk $0xffff, v33  }
0xac7: {  	v47 =	vadd.s32 v19, v35;
	v33 =	vld [tilespmem:s0+$0x20];
	_ =	sdelay $0x4  }
0xac8: {  	[tilespmem:v47+s24+$0x0] =	vst.idx.msk $0xffff, v33  }
0xac9: {  	s10 =	sadd.s32 $0x5, s2;
	v48 =	vadd.s32 v20, v35;
	v33 =	vld [tilespmem:s0+$0x30]  }
0xaca: {  	v49 =	vmov s10  }
0xacb: {  	v35 =	vshrl.u32 v49, $0x3  }
0xacc: {  	v35 =	vshll.u32 v35, v1  }
0xacd: {  	v35 =	vbroadcast v35, $0x0  }
0xace: {  	[tilespmem:v48+s24+$0x0] =	vst.idx.msk $0xffff, v33  }
0xacf: {  	v50 =	vadd.s32 v21, v35;
	v33 =	vld [tilespmem:s0+$0x40];
	_ =	sdelay $0x4  }
0xad0: {  	[tilespmem:v50+s24+$0x0] =	vst.idx.msk $0xffff, v33  }
0xad1: {  	v51 =	vadd.s32 v22, v35;
	v33 =	vld [tilespmem:s0+$0x50];
	_ =	sdelay $0x4  }
0xad2: {  	[tilespmem:v51+s24+$0x0] =	vst.idx.msk $0xffff, v33  }
0xad3: {  	v52 =	vadd.s32 v23, v35;
	v33 =	vld [tilespmem:s0+$0x60];
	_ =	sdelay $0x4  }
0xad4: {  	[tilespmem:v52+s24+$0x0] =	vst.idx.msk $0xffff, v33  }
0xad5: {  	s8 =	sadd.s32 $0x6, s2;
	v53 =	vadd.s32 v24, v35;
	v33 =	vld [tilespmem:s0+$0x70]  }
0xad6: {  	v54 =	vmov s8  }
0xad7: {  	v35 =	vshrl.u32 v54, $0x3  }
0xad8: {  	v35 =	vshll.u32 v35, v1  }
0xad9: {  	v35 =	vbroadcast v35, $0x0  }
0xada: {  	[tilespmem:v53+s24+$0x0] =	vst.idx.msk $0xffff, v33  }
0xadb: {  	v55 =	vadd.s32 v25, v35;
	v33 =	vld [tilespmem:s0+$0x80];
	_ =	sdelay $0x4  }
0xadc: {  	[tilespmem:v55+s24+$0x0] =	vst.idx.msk $0xffff, v33  }
0xadd: {  	v56 =	vadd.s32 v26, v35;
	v33 =	vld [tilespmem:s0+$0x90];
	_ =	sdelay $0x4  }
0xade: {  	[tilespmem:v56+s24+$0x0] =	vst.idx.msk $0xffff, v33  }
0xadf: {  	v57 =	vadd.s32 v27, v35;
	v33 =	vld [tilespmem:s0+$0xA0];
	_ =	sdelay $0x4  }
0xae0: {  	[tilespmem:v57+s24+$0x0] =	vst.idx.msk $0xffff, v33  }
0xae1: {  	s10 =	sadd.s32 $0x7, s2;
	v58 =	vadd.s32 v28, v35;
	v33 =	vld [tilespmem:s0+$0xB0]  }
0xae2: {  	v59 =	vmov s10  }
0xae3: {  	v35 =	vshrl.u32 v59, $0x3  }
0xae4: {  	v35 =	vshll.u32 v35, v1  }
0xae5: {  	v35 =	vbroadcast v35, $0x0  }
0xae6: {  	[tilespmem:v58+s24+$0x0] =	vst.idx.msk $0xffff, v33  }
0xae7: {  	v60 =	vadd.s32 v29, v35;
	v33 =	vld [tilespmem:s0+$0xC0];
	_ =	sdelay $0x4  }
0xae8: {  	[tilespmem:v60+s24+$0x0] =	vst.idx.msk $0xffff, v33  }
0xae9: {  	v61 =	vadd.s32 v30, v35;
	v33 =	vld [tilespmem:s0+$0xD0];
	_ =	sdelay $0x4  }
0xaea: {  	[tilespmem:v61+s24+$0x0] =	vst.idx.msk $0xffff, v33  }
0xaeb: {  	v62 =	vadd.s32 v31, v35;
	v33 =	vld [tilespmem:s0+$0xE0];
	_ =	sdelay $0x4  }
0xaec: {  	[tilespmem:v62+s24+$0x0] =	vst.idx.msk $0xffff, v33  }
0xaed: {  	v63 =	vadd.s32 v32, v35;
	v33 =	vld [tilespmem:s0+$0xF0];
	_ =	sdelay $0x3  }
0xaee: {  	s2 =	sor.u32 $0x20000, s31  }
0xaef: {  	s5 =	simm.s32 $0x7B00;
	s2 =	sadd.s32 s1, s2;
	[tilespmem:v63+s24+$0x0] =	vst.idx.msk $0xffff, v33  }
0xaf0: {  	[hbm4b:s2+s3] =	stream.linear.scatter [tilespmem:s5], [sflag:$0x4], $0x80, $0x38;
	[tilespmem:$0x9D00] =	vst v63  }
0xaf1: {  	s8 =	simm.s32 $0x7B88;
	s10 =	sadd.s32 $0x10, s2  }
0xaf2: {  	[hbm4b:s10+s3] =	stream.linear.scatter [tilespmem:s8], [sflag:$0x4], $0x80, $0x38;
	[tilespmem:$0x9D00] =	vst v63  }
0xaf3: {  	s8 =	simm.s32 $0x7C10;
	s10 =	sadd.s32 $0x20, s2  }
0xaf4: {  	[hbm4b:s10+s3] =	stream.linear.scatter [tilespmem:s8], [sflag:$0x4], $0x80, $0x38;
	[tilespmem:$0x9D00] =	vst v63  }
0xaf5: {  	s8 =	simm.s32 $0x7C98;
	s10 =	sadd.s32 $0x30, s2  }
0xaf6: {  	[hbm4b:s10+s3] =	stream.linear.scatter [tilespmem:s8], [sflag:$0x4], $0x80, $0x38;
	[tilespmem:$0x9D00] =	vst v63  }
0xaf7: {  	s8 =	simm.s32 $0x7D20;
	s10 =	sadd.s32 $0x40, s2  }
0xaf8: {  	[hbm4b:s10+s3] =	stream.linear.scatter [tilespmem:s8], [sflag:$0x4], $0x80, $0x38;
	[tilespmem:$0x9D00] =	vst v63  }
0xaf9: {  	s31 =	simm.s32 $0x7EB8;
	s8 =	simm.s32 $0x7DA8;
	s10 =	sadd.s32 $0x50, s2  }
0xafa: {  	[hbm4b:s10+s3] =	stream.linear.scatter [tilespmem:s8], [sflag:$0x4], $0x80, $0x38;
	[tilespmem:$0x9D00] =	vst v63  }
0xafb: {  	s0 =	simm.s32 $0x440;
	s8 =	simm.s32 $0x7E30;
	s10 =	sadd.s32 $0x60, s2  }
0xafc: {  	[hbm4b:s10+s3] =	stream.linear.scatter [tilespmem:s8], [sflag:$0x4], $0x80, $0x38;
	[tilespmem:$0x9D00] =	vst v63  }
0xafd: {  	s5 =	simm.s32 $0x2200;
	s8 =	sadd.s32 $0x70, s2;
	s2 =	sadd.s32 $0x4000, s2  }
.LBB2_46:
0xafe: {  	[hbm4b:s8+s3] =	stream.linear.scatter [tilespmem:s31], [sflag:$0x4], $0x80, $0x38;
	[tilespmem:$0x9D00] =	vst v63  }
0xaff: {  	s8 =	smov.u32 s0;
	s0 =	smov.u32 s5  }
0xb00: {  	s10 =	sadd.s32 $0x1100, s5;
	s0 =	sshra.s32 s0, $0x2;
	s31 =	sadd.s32 $0x7B00, s8  }
0xb01: {  	[hbm4b:s2+s3] =	stream.linear.scatter [tilespmem:s31], [sflag:$0x4], $0x80, $0x38;
	[tilespmem:$0x9D00] =	vst v63  }
0xb02: {  	p1 =	sne.s32 s5, $0x7700;
	s5 =	sadd.s32 $0x7B88, s8;
	s31 =	sadd.s32 $0x10, s2  }
0xb03: {  	[hbm4b:s31+s3] =	stream.linear.scatter [tilespmem:s5], [sflag:$0x4], $0x80, $0x38;
	[tilespmem:$0x9D00] =	vst v63  }
0xb04: {  	s5 =	sadd.s32 $0x7C10, s8;
	s31 =	sadd.s32 $0x20, s2  }
0xb05: {  	[hbm4b:s31+s3] =	stream.linear.scatter [tilespmem:s5], [sflag:$0x4], $0x80, $0x38;
	[tilespmem:$0x9D00] =	vst v63  }
0xb06: {  	s5 =	sadd.s32 $0x7C98, s8;
	s31 =	sadd.s32 $0x30, s2  }
0xb07: {  	[hbm4b:s31+s3] =	stream.linear.scatter [tilespmem:s5], [sflag:$0x4], $0x80, $0x38;
	[tilespmem:$0x9D00] =	vst v63  }
0xb08: {  	s5 =	sadd.s32 $0x7D20, s8;
	s31 =	sadd.s32 $0x40, s2  }
0xb09: {  	[hbm4b:s31+s3] =	stream.linear.scatter [tilespmem:s5], [sflag:$0x4], $0x80, $0x38;
	[tilespmem:$0x9D00] =	vst v63  }
0xb0a: {  	s5 =	sadd.s32 $0x7DA8, s8;
	s31 =	sadd.s32 $0x50, s2  }
0xb0b: {  	[hbm4b:s31+s3] =	stream.linear.scatter [tilespmem:s5], [sflag:$0x4], $0x80, $0x38;
	[tilespmem:$0x9D00] =	vst v63  }
.Ltmp26:
0xb0c: {  	_ = 	snop;
	(pc) =	sbr.rel @p1 .LBB2_46-.Ltmp26, $4  }
0xb0d: {  	s5 =	sadd.s32 $0x7E30, s8;
	s31 =	sadd.s32 $0x60, s2  }
0xb0e: {  	[hbm4b:s31+s3] =	stream.linear.scatter [tilespmem:s5], [sflag:$0x4], $0x80, $0x38;
	[tilespmem:$0x9D00] =	vst v63  }
0xb0f: {  	s31 =	sadd.s32 $0x7EB8, s8  }
0xb10: {  	s8 =	sadd.s32 $0x70, s2;
	s2 =	sadd.s32 $0x4000, s2;
	s5 =	smov.u32 s10  }
0xb11: {  	[hbm4b:s8+s3] =	stream.linear.scatter [tilespmem:s31], [sflag:$0x4], $0x80, $0x38;
	[tilespmem:$0x9D00] =	vst v63  }
0xb12: {  	s5 =	sadd.s32 $0x7B00, s0  }
0xb13: {  	[hbm4b:s2+s3] =	stream.linear.scatter [tilespmem:s5], [sflag:$0x4], $0x80, $0x38;
	[tilespmem:$0x9D00] =	vst v63  }
0xb14: {  	s10 =	sadd.s32 $0x7B88, s0;
	s31 =	sadd.s32 $0x10, s2  }
0xb15: {  	[hbm4b:s31+s3] =	stream.linear.scatter [tilespmem:s10], [sflag:$0x4], $0x80, $0x38;
	[tilespmem:$0x9D00] =	vst v63  }
0xb16: {  	s10 =	sadd.s32 $0x7C10, s0;
	s31 =	sadd.s32 $0x20, s2  }
0xb17: {  	[hbm4b:s31+s3] =	stream.linear.scatter [tilespmem:s10], [sflag:$0x4], $0x80, $0x38;
	[tilespmem:$0x9D00] =	vst v63  }
0xb18: {  	s10 =	sadd.s32 $0x7C98, s0;
	s31 =	sadd.s32 $0x30, s2  }
0xb19: {  	[hbm4b:s31+s3] =	stream.linear.scatter [tilespmem:s10], [sflag:$0x4], $0x80, $0x38;
	[tilespmem:$0x9D00] =	vst v63  }
0xb1a: {  	s10 =	sadd.s32 $0x7D20, s0;
	s31 =	sadd.s32 $0x40, s2  }
0xb1b: {  	[hbm4b:s31+s3] =	stream.linear.scatter [tilespmem:s10], [sflag:$0x4], $0x80, $0x38;
	[tilespmem:$0x9D00] =	vst v63  }
0xb1c: {  	s10 =	sadd.s32 $0x7DA8, s0;
	s31 =	sadd.s32 $0x50, s2  }
0xb1d: {  	[hbm4b:s31+s3] =	stream.linear.scatter [tilespmem:s10], [sflag:$0x4], $0x80, $0x38;
	[tilespmem:$0x9D00] =	vst v63  }
.Ltmp27:
0xb1e: {  	_ = 	snop;
	(pc) =	sbr.rel @p0 .LBB2_49-.Ltmp27, $4  }
0xb1f: {  	s10 =	sadd.s32 $0x7E30, s0;
	s31 =	sadd.s32 $0x60, s2  }
0xb20: {  	[hbm4b:s31+s3] =	stream.linear.scatter [tilespmem:s10], [sflag:$0x4], $0x80, $0x38;
	[tilespmem:$0x9D00] =	vst v63  }
0xb21: {  	s10 =	sadd.s32 $0x7EB8, s0;
	s31 =	sadd.s32 $0x70, s2  }
0xb22: {  	[hbm4b:s31+s3] =	stream.linear.scatter [tilespmem:s10], [sflag:$0x4], $0x80, $0x38;
	[tilespmem:$0x9D00] =	vst v63  }
.Ltmp28:
0xb23: {  	(pc) =	sbr.rel .LBB2_39-.Ltmp28, $4  }
0xb24: {  	_ = 	snop  }
0xb25: {  	s0 =	sshrl.u32 s30, $0x2  }
0xb26: {  	s29 =	sadd.s32 $0x1, s29;
	s0 =	sadd.s32 $0x180, s0  }
0xb27: {  	[tilespmem:s19], [sflag:$0x2] =	stream.indirect.gather [hbm4b:s4+s15], $0x40, s0, s15, $0xb8;
	[tilespmem:$0x9D00] =	vst v63  }
.LBB2_50:
0xb28: {  	_ =	sfence.sel $0x180000  }
0xb29: {  	[bflag:$0x0] =	sbarrier.arrive $0xFFFF  }
0xb2a: {  	_ =	strace $0x90000047  }
0xb2b: {  	s0 =	stileid.u32;
	[bflag:$0x2] =	sbarrier.arrive $0xFFFF  }
0xb2c: {  	p0 =	sne.s32 s0, $0x0;
	s0 =	rddreg [dreg:$0x2]  }
0xb2d: {  	s0 =	sadd.s32 @!p0 $0x100000, s0  }
0xb2e: {  	[sflag:s0] =	ssyncadd.tile.s32 @!p0 $0x1;
	_ =	shalt  }
.Lfunc_end2:
_tile_overlayer_lowered:
.L_overlay_start_2:
0xb2f: {  	(tag) =	ssettag $0x2  }
0xb30: {  	s0 =	rddreg [dreg:$0x0];
	s2 =	stileid.u32  }
0xb31: {  	s1 =	rddreg [dreg:$0x1];
	p0 =	sne.s32 s2, $0x0  }
0xb32: {  	s3 =	rddreg [dreg:$0x2];
	[bflag:$0x3] =	sbarrier.arrive $0xFFFF;
	s2 =	simm.s32 @!p0 $0x1C05  }
0xb33: {  	[timem:s3], [sflag:s2] =	dma.local @!p0 [hbm:s0], s1  }
0xb34: {  	s0 =	simm.s32 @!p0 $0x5  }
0xb35: {  	_ =	swait.ge @!p0 [sflag:s0], s1  }
0xb36: {  	s1 =	ssub.s32 @!p0 $0x0, s1;
	[sflag:s0] =	ssyncset.done @!p0 $0x0  }
0xb37: {  	[sflag:s0] =	ssyncadd.s32 @!p0 s1  }
0xb38: {  	[bflag:$0x3] =	sbarrier.arrive $0xFFFF  }
0xb39: {  	_ =	shalt  }

</sc_bundles>
